<compile_context>
chip_gen: v7x
topology: tpu7x:2x2x1
jax: 0.10.2.dev20260603
libtpu: 0.0.44.dev20260713+nightly
codegen_flags: <defaults>
</compile_context>

<pallas_src>
import functools

import jax
import jax.numpy as jnp
from jax import lax
from jax.experimental import pallas as pl
from jax.experimental.pallas import tpu as pltpu
from jax.experimental.pallas import tpu_sc as plsc

NC = 2
NS = 16
NW = NC * NS
LANES = 16
CB = 4
OUTP = 32


def _lane_shuffle(v, idx):
  dnums = lax.GatherDimensionNumbers(
      offset_dims=(), collapsed_slice_dims=(0,), start_index_map=(0,))
  return lax.gather(v, idx[:, None], dnums, slice_sizes=(1,),
                    mode=lax.GatherScatterMode.PROMISE_IN_BOUNDS)


def _cbow_body(num_chunks, L, K, D,
               ctx_hbm, tgt_hbm, emb_hbm, tgtw_hbm, out_hbm,
               idxc_a, idxt_a, rows_ca, rows_ta, pooled_a, scores_a,
               sem_ca, sem_ta, sem_ia,
               idxc_b, idxt_b, rows_cb, rows_tb, pooled_b, scores_b,
               sem_cb, sem_tb, sem_ib,
               e0_buf, tscr):
  nd = D // LANES
  wid = lax.axis_index("s") * NC + lax.axis_index("c")
  base = wid * (num_chunks * CB)
  iota = lax.iota(jnp.int32, LANES)

  pltpu.sync_copy(emb_hbm.at[pl.ds(0, 1)], e0_buf)
  for r in range(OUTP):
    tscr[r] = jnp.zeros((LANES,), jnp.float32)

  def stage(chunk, idxc, idxt, half, sem_i):
    row0 = base + chunk * CB
    pltpu.async_copy(ctx_hbm.at[pl.ds(row0, CB)],
                     idxc.at[pl.ds(half * CB, CB)], sem_i)
    pltpu.async_copy(tgt_hbm.at[pl.ds(row0, CB)],
                     idxt.at[pl.ds(half * CB, CB)], sem_i)

  def drain_idx(idxc, idxt, half, sem_i):
    pltpu.make_async_copy(ctx_hbm.at[pl.ds(base, CB)],
                          idxc.at[pl.ds(half * CB, CB)], sem_i).wait()
    pltpu.make_async_copy(tgt_hbm.at[pl.ds(base, CB)],
                          idxt.at[pl.ds(half * CB, CB)], sem_i).wait()

  def fire(idxc, idxt, half, rows_c, rows_t, sem_c, sem_t):
    for j in range(CB):
      pltpu.async_copy(emb_hbm.at[idxc.at[half * CB + j]],
                       rows_c.at[pl.ds(j * L, L)], sem_c)
      pltpu.async_copy(tgtw_hbm.at[idxt.at[half * CB + j]],
                       rows_t.at[pl.ds(j * K, K)], sem_t)

  def drain(idxc, idxt, half, rows_c, rows_t, sem_c, sem_t):
    for j in range(CB):
      pltpu.make_async_copy(emb_hbm.at[idxc.at[half * CB + j]],
                            rows_c.at[pl.ds(j * L, L)], sem_c).wait()
      pltpu.make_async_copy(tgtw_hbm.at[idxt.at[half * CB + j]],
                            rows_t.at[pl.ds(j * K, K)], sem_t).wait()

  def compute(chunk, idxc, half, rows_c, rows_t, pooled, scores):
    def pool_b(b, carry2):
      rowvec = jnp.full((LANES,), half * CB + b, jnp.int32)
      bvec = jnp.full((LANES,), b, jnp.int32)
      zc = jnp.zeros((LANES,), jnp.float32)
      one = jnp.float32(1.0)
      zero = jnp.float32(0.0)
      for g in range(L // LANES):
        v = plsc.load_gather(idxc, [rowvec, iota + g * LANES])
        zc = zc + jnp.where(v == 0, one, zero)
      rem = L % LANES
      if rem:
        v = plsc.load_gather(idxc, [rowvec, iota + (L - LANES)])
        zc = zc + jnp.where((v == 0) & (iota >= LANES - rem), one, zero)
      nz = zc
      for sh in (8, 4, 2, 1):
        nz = nz + _lane_shuffle(nz, iota ^ sh)

      def l_body(l, acc):
        r0 = jnp.full((LANES,), b * L + 2 * l, jnp.int32)
        r1 = r0 + 1
        return tuple(
            acc[cc]
            + plsc.load_gather(rows_c, [r0, iota + cc * LANES])
            + plsc.load_gather(rows_c, [r1, iota + cc * LANES])
            for cc in range(nd))
      acc = lax.fori_loop(0, L // 2, l_body,
                          tuple(jnp.zeros((LANES,), jnp.float32)
                                for _ in range(nd)))
      scale = jnp.float32(1.0 / L)
      for cc in range(nd):
        e0 = e0_buf[0, pl.ds(cc * LANES, LANES)]
        plsc.store_scatter(pooled, [bvec, iota + cc * LANES],
                           (acc[cc] - nz * e0) * scale)
      return carry2

    lax.fori_loop(0, CB, pool_b, 0)

    def score_b(b, carry2):
      bvec = jnp.full((LANES,), b, jnp.int32)
      p = [plsc.load_gather(pooled, [bvec, iota + cc * LANES])
           for cc in range(nd)]
      for k in range(K):
        rvec = jnp.full((LANES,), b * K + k, jnp.int32)
        acc = plsc.load_gather(rows_t, [rvec, iota]) * p[0]
        for cc in range(1, nd):
          acc = acc + plsc.load_gather(
              rows_t, [rvec, iota + cc * LANES]) * p[cc]
        tscr[k] = acc
      for g in range(OUTP // LANES):
        ridx = iota + (g * LANES)
        s = plsc.load_gather(tscr, [ridx, jnp.zeros((LANES,), jnp.int32)])
        for cc in range(1, LANES):
          s = s + plsc.load_gather(
              tscr, [ridx, jnp.full((LANES,), cc, jnp.int32)])
        plsc.store_scatter(scores, [bvec, iota + g * LANES], s)
      return carry2

    lax.fori_loop(0, CB, score_b, 0)
    pltpu.sync_copy(scores, out_hbm.at[pl.ds(base + chunk * CB, CB)])

  zero = jnp.int32(0)
  stage(zero, idxc_a, idxt_a, zero, sem_ia)
  drain_idx(idxc_a, idxt_a, zero, sem_ia)
  fire(idxc_a, idxt_a, zero, rows_ca, rows_ta, sem_ca, sem_ta)
  stage(jnp.int32(1), idxc_b, idxt_b, zero, sem_ib)

  last = jnp.int32(num_chunks - 1)

  def pair(i, carry):
    ca = 2 * i
    cb = 2 * i + 1
    h = i & 1
    hn = 1 - h
    drain_idx(idxc_b, idxt_b, h, sem_ib)
    fire(idxc_b, idxt_b, h, rows_cb, rows_tb, sem_cb, sem_tb)
    stage(jnp.minimum(ca + 2, last), idxc_a, idxt_a, hn, sem_ia)
    drain(idxc_a, idxt_a, h, rows_ca, rows_ta, sem_ca, sem_ta)
    compute(ca, idxc_a, h, rows_ca, rows_ta, pooled_a, scores_a)
    drain_idx(idxc_a, idxt_a, hn, sem_ia)
    fire(idxc_a, idxt_a, hn, rows_ca, rows_ta, sem_ca, sem_ta)
    stage(jnp.minimum(cb + 2, last), idxc_b, idxt_b, hn, sem_ib)
    drain(idxc_b, idxt_b, h, rows_cb, rows_tb, sem_cb, sem_tb)
    compute(cb, idxc_b, h, rows_cb, rows_tb, pooled_b, scores_b)
    return carry

  lax.fori_loop(0, num_chunks // 2, pair, 0)
  hlast = jnp.int32((num_chunks // 2) & 1)
  drain(idxc_a, idxt_a, hlast, rows_ca, rows_ta, sem_ca, sem_ta)
  drain_idx(idxc_b, idxt_b, hlast, sem_ib)


def kernel(context, target, emb_weight, tgt_weight):
  B, L = context.shape
  _, K = target.shape
  V, D = emb_weight.shape
  assert B % (NW * CB * 2) == 0
  num_chunks = B // (NW * CB)

  body = functools.partial(_cbow_body, num_chunks, L, K, D)
  mesh = plsc.VectorSubcoreMesh(core_axis_name="c", subcore_axis_name="s")

  def set_scratch():
    return [
        pltpu.VMEM((2 * CB, L), jnp.int32),
        pltpu.VMEM((2 * CB, K), jnp.int32),
        pltpu.VMEM((CB * L, D), jnp.float32),
        pltpu.VMEM((CB * K, D), jnp.float32),
        pltpu.VMEM((CB, D), jnp.float32),
        pltpu.VMEM((CB, OUTP), jnp.float32),
        pltpu.SemaphoreType.DMA,
        pltpu.SemaphoreType.DMA,
        pltpu.SemaphoreType.DMA,
    ]

  run = pl.kernel(
      body,
      out_type=jax.ShapeDtypeStruct((B, OUTP), jnp.float32),
      mesh=mesh,
      compiler_params=pltpu.CompilerParams(needs_layout_passes=False),
      scratch_types=set_scratch() + set_scratch() + [
          pltpu.VMEM((1, D), jnp.float32),
          pltpu.VMEM((OUTP, LANES), jnp.float32),
      ],
  )
  out = run(context.astype(jnp.int32), target.astype(jnp.int32),
            emb_weight, tgt_weight)
  return out[:, :K]

# --- scband reference (transcript-rebuilt; emitter-appended) ---
"""Pipeline reference for scband-cbow-87033217287007 (READ-ONLY COPY).

The authoritative reference and input builder live on the scoring server;
editing this copy changes nothing except your own understanding.
"""

import jax, jax.numpy as jnp
import numpy as np

VOCAB = 100000
EMBED_DIM = 128
PAD_IDX = 0
B = 16384
CTX_LEN = 50
N_TGT = 20


def setup_inputs(seed: int = 0) -> dict:
    key = jax.random.key(seed)
    k1, k2, k3, k4 = jax.random.split(key, 4)
    context = jax.random.randint(k1, (B, CTX_LEN), 0, VOCAB, dtype=jnp.int64 if jax.config.jax_enable_x64 else jnp.int32)
    target = jax.random.randint(k2, (B, N_TGT), 0, VOCAB, dtype=jnp.int64 if jax.config.jax_enable_x64 else jnp.int32)
    # nn.Embedding weights: .data.uniform_(-0.5, 0.5) overwrites the whole table
    # (including the padding row), so no explicit zeroing of pad row.
    emb_weight = jax.random.uniform(k3, (VOCAB, EMBED_DIM), dtype=jnp.float32, minval=-0.5, maxval=0.5)
    tgt_weight = jax.random.uniform(k4, (VOCAB, EMBED_DIM), dtype=jnp.float32, minval=-0.5, maxval=0.5)
    return {"context": context, "target": target, "emb_weight": emb_weight, "tgt_weight": tgt_weight}


def reference(context, target, emb_weight, tgt_weight):
    # mask = (context != 0).float().unsqueeze(-1)
    mask = (context != 0).astype(jnp.float32)[..., None]           # [B, L, 1]
    # emb_context = self.embeddings(context) * mask
    emb_context = jnp.take(emb_weight, context, axis=0) * mask     # [B, L, D]
    # emb_context = emb_context.mean(dim=1)
    emb_context = emb_context.mean(axis=1)                          # [B, D]
    # emb_target = self.target_embeddings(target)
    emb_target = jnp.take(tgt_weight, target, axis=0)               # [B, K, D]
    # scores = torch.bmm(emb_target, emb_context.unsqueeze(2)).squeeze()
    scores = jnp.einsum('bkd,bd->bk', emb_target, emb_context)      # [B, K]
    return scores

if __name__ == "__main__":
    import jax
    _d = setup_inputs()
    print(jax.jit(kernel)(*tuple(_d.values())))

</pallas_src>

<mosaic_0001>
#map = affine_map<(d0, d1) -> (0, 0)>
module attributes {stable_mosaic.version = 14 : i64} {
  func.func @_cbow_body(%arg0: i32, %arg1: i32, %arg2: memref<16384x50xi32, #tpu.memory_space<hbm>>, %arg3: memref<16384x20xi32, #tpu.memory_space<hbm>>, %arg4: memref<100000x128xf32, #tpu.memory_space<hbm>>, %arg5: memref<100000x128xf32, #tpu.memory_space<hbm>>, %arg6: memref<16384x32xf32, #tpu.memory_space<hbm>>, %arg7: memref<8x50xi32, #tpu.memory_space<vmem>>, %arg8: memref<8x20xi32, #tpu.memory_space<vmem>>, %arg9: memref<200x128xf32, #tpu.memory_space<vmem>>, %arg10: memref<80x128xf32, #tpu.memory_space<vmem>>, %arg11: memref<4x128xf32, #tpu.memory_space<vmem>>, %arg12: memref<4x32xf32, #tpu.memory_space<vmem>>, %arg13: memref<!tpu.dma_semaphore, #tpu.memory_space<semaphore_mem>>, %arg14: memref<!tpu.dma_semaphore, #tpu.memory_space<semaphore_mem>>, %arg15: memref<!tpu.dma_semaphore, #tpu.memory_space<semaphore_mem>>, %arg16: memref<8x50xi32, #tpu.memory_space<vmem>>, %arg17: memref<8x20xi32, #tpu.memory_space<vmem>>, %arg18: memref<200x128xf32, #tpu.memory_space<vmem>>, %arg19: memref<80x128xf32, #tpu.memory_space<vmem>>, %arg20: memref<4x128xf32, #tpu.memory_space<vmem>>, %arg21: memref<4x32xf32, #tpu.memory_space<vmem>>, %arg22: memref<!tpu.dma_semaphore, #tpu.memory_space<semaphore_mem>>, %arg23: memref<!tpu.dma_semaphore, #tpu.memory_space<semaphore_mem>>, %arg24: memref<!tpu.dma_semaphore, #tpu.memory_space<semaphore_mem>>, %arg25: memref<1x128xf32, #tpu.memory_space<vmem>>, %arg26: memref<32x16xf32, #tpu.memory_space<vmem>>) attributes {dimension_semantics = [#tpu.dimension_semantics<core_parallel>, #tpu.dimension_semantics<subcore_parallel>], iteration_bounds = array<i64: 2, 16>, scalar_prefetch = 0 : i64, scratch_operands = 20 : i64, tpu.core_type = #tpu.core_type<sc_vector_subcore>, window_params = [{transform_indices = #map}, {transform_indices = #map}, {transform_indices = #map}, {transform_indices = #map}, {transform_indices = #map}]} {
    %mul3A = arith.constant 2 : i32
    %mul3A_0 = arith.muli %arg1, %mul3A : i32
    %add3A = arith.addi %mul3A_0, %arg0 : i32
    %mul3A_1 = arith.constant 512 : i32
    %mul3A_2 = arith.muli %add3A, %mul3A_1 : i32
    %iota3A = tpu.iota {dimensions = array<i32: 0>} : vector<16xi32>
    "tpu.region"() ({
      %run_scoped3A = tpu.sem_alloc : memref<!tpu.dma_semaphore, #tpu.memory_space<semaphore_mem>>
      %dma_start3A_517 = arith.constant 0 : i32
      %dma_start3A_518 = arith.constant 0 : i32
      %dma_start3A_519 = tpu.memref_slice %arg4[%dma_start3A_517, %dma_start3A_518] : memref<100000x128xf32, #tpu.memory_space<hbm>> -> memref<1x128xf32, #tpu.memory_space<hbm>>
      %dma_start3A_520 = arith.constant 0 : i32
      %dma_start3A_521 = arith.constant 0 : i32
      %dma_start3A_522 = tpu.memref_slice %arg4[%dma_start3A_520, %dma_start3A_521] : memref<100000x128xf32, #tpu.memory_space<hbm>> -> memref<1x128xf32, #tpu.memory_space<hbm>>
      tpu.enqueue_dma source(%dma_start3A_522 : memref<1x128xf32, #tpu.memory_space<hbm>>) target(%arg25 : memref<1x128xf32, #tpu.memory_space<vmem>>) target_semaphore(%run_scoped3A : memref<!tpu.dma_semaphore, #tpu.memory_space<semaphore_mem>>)
      %dma_wait3A_523 = arith.constant 0 : i32
      %dma_wait3A_524 = arith.constant 0 : i32
      %dma_wait3A_525 = tpu.memref_slice %arg4[%dma_wait3A_523, %dma_wait3A_524] : memref<100000x128xf32, #tpu.memory_space<hbm>> -> memref<1x128xf32, #tpu.memory_space<hbm>>
      %dma_wait3A_526 = arith.constant 0 : i32
      %dma_wait3A_527 = arith.constant 0 : i32
      %dma_wait3A_528 = tpu.memref_slice %arg4[%dma_wait3A_526, %dma_wait3A_527] : memref<100000x128xf32, #tpu.memory_space<hbm>> -> memref<1x128xf32, #tpu.memory_space<hbm>>
      tpu.wait_dma2 semaphore(%run_scoped3A : memref<!tpu.dma_semaphore, #tpu.memory_space<semaphore_mem>>) src(%dma_wait3A_528 : memref<1x128xf32, #tpu.memory_space<hbm>>) dst(%arg25 : memref<1x128xf32, #tpu.memory_space<vmem>>)
      tpu.yield
    }) : () -> ()
    %broadcast_in_dim3A = arith.constant 0.000000e+00 : f32
    %broadcast_in_dim3A_3 = vector.broadcast %broadcast_in_dim3A : f32 to vector<16xf32>
    %swap3A = arith.constant 0 : i32
    %swap3A_4 = arith.index_cast %swap3A : i32 to index
    %swap3A_5 = arith.constant 0 : index
    %swap3A_6 = tpu.vector_load %arg26[%swap3A_4, %swap3A_5] {strides = array<i32>} : memref<32x16xf32, #tpu.memory_space<vmem>>, vector<16xf32>,
    tpu.vector_store %arg26[%swap3A_4, %swap3A_5], %broadcast_in_dim3A_3 {strides = array<i32>} : memref<32x16xf32, #tpu.memory_space<vmem>>, vector<16xf32>,
    %broadcast_in_dim3A_7 = arith.constant 0.000000e+00 : f32
    %broadcast_in_dim3A_8 = vector.broadcast %broadcast_in_dim3A_7 : f32 to vector<16xf32>
    %swap3A_9 = arith.constant 1 : i32
    %swap3A_10 = arith.index_cast %swap3A_9 : i32 to index
    %swap3A_11 = arith.constant 0 : index
    %swap3A_12 = tpu.vector_load %arg26[%swap3A_10, %swap3A_11] {strides = array<i32>} : memref<32x16xf32, #tpu.memory_space<vmem>>, vector<16xf32>,
    tpu.vector_store %arg26[%swap3A_10, %swap3A_11], %broadcast_in_dim3A_8 {strides = array<i32>} : memref<32x16xf32, #tpu.memory_space<vmem>>, vector<16xf32>,
    %broadcast_in_dim3A_13 = arith.constant 0.000000e+00 : f32
    %broadcast_in_dim3A_14 = vector.broadcast %broadcast_in_dim3A_13 : f32 to vector<16xf32>
    %swap3A_15 = arith.constant 2 : i32
    %swap3A_16 = arith.index_cast %swap3A_15 : i32 to index
    %swap3A_17 = arith.constant 0 : index
    %swap3A_18 = tpu.vector_load %arg26[%swap3A_16, %swap3A_17] {strides = array<i32>} : memref<32x16xf32, #tpu.memory_space<vmem>>, vector<16xf32>,
    tpu.vector_store %arg26[%swap3A_16, %swap3A_17], %broadcast_in_dim3A_14 {strides = array<i32>} : memref<32x16xf32, #tpu.memory_space<vmem>>, vector<16xf32>,
    %broadcast_in_dim3A_19 = arith.constant 0.000000e+00 : f32
    %broadcast_in_dim3A_20 = vector.broadcast %broadcast_in_dim3A_19 : f32 to vector<16xf32>
    %swap3A_21 = arith.constant 3 : i32
    %swap3A_22 = arith.index_cast %swap3A_21 : i32 to index
    %swap3A_23 = arith.constant 0 : index
    %swap3A_24 = tpu.vector_load %arg26[%swap3A_22, %swap3A_23] {strides = array<i32>} : memref<32x16xf32, #tpu.memory_space<vmem>>, vector<16xf32>,
    tpu.vector_store %arg26[%swap3A_22, %swap3A_23], %broadcast_in_dim3A_20 {strides = array<i32>} : memref<32x16xf32, #tpu.memory_space<vmem>>, vector<16xf32>,
    %broadcast_in_dim3A_25 = arith.constant 0.000000e+00 : f32
    %broadcast_in_dim3A_26 = vector.broadcast %broadcast_in_dim3A_25 : f32 to vector<16xf32>
    %swap3A_27 = arith.constant 4 : i32
    %swap3A_28 = arith.index_cast %swap3A_27 : i32 to index
    %swap3A_29 = arith.constant 0 : index
    %swap3A_30 = tpu.vector_load %arg26[%swap3A_28, %swap3A_29] {strides = array<i32>} : memref<32x16xf32, #tpu.memory_space<vmem>>, vector<16xf32>,
    tpu.vector_store %arg26[%swap3A_28, %swap3A_29], %broadcast_in_dim3A_26 {strides = array<i32>} : memref<32x16xf32, #tpu.memory_space<vmem>>, vector<16xf32>,
    %broadcast_in_dim3A_31 = arith.constant 0.000000e+00 : f32
    %broadcast_in_dim3A_32 = vector.broadcast %broadcast_in_dim3A_31 : f32 to vector<16xf32>
    %swap3A_33 = arith.constant 5 : i32
    %swap3A_34 = arith.index_cast %swap3A_33 : i32 to index
    %swap3A_35 = arith.constant 0 : index
    %swap3A_36 = tpu.vector_load %arg26[%swap3A_34, %swap3A_35] {strides = array<i32>} : memref<32x16xf32, #tpu.memory_space<vmem>>, vector<16xf32>,
    tpu.vector_store %arg26[%swap3A_34, %swap3A_35], %broadcast_in_dim3A_32 {strides = array<i32>} : memref<32x16xf32, #tpu.memory_space<vmem>>, vector<16xf32>,
    %broadcast_in_dim3A_37 = arith.constant 0.000000e+00 : f32
    %broadcast_in_dim3A_38 = vector.broadcast %broadcast_in_dim3A_37 : f32 to vector<16xf32>
    %swap3A_39 = arith.constant 6 : i32
    %swap3A_40 = arith.index_cast %swap3A_39 : i32 to index
    %swap3A_41 = arith.constant 0 : index
    %swap3A_42 = tpu.vector_load %arg26[%swap3A_40, %swap3A_41] {strides = array<i32>} : memref<32x16xf32, #tpu.memory_space<vmem>>, vector<16xf32>,
    tpu.vector_store %arg26[%swap3A_40, %swap3A_41], %broadcast_in_dim3A_38 {strides = array<i32>} : memref<32x16xf32, #tpu.memory_space<vmem>>, vector<16xf32>,
    %broadcast_in_dim3A_43 = arith.constant 0.000000e+00 : f32
    %broadcast_in_dim3A_44 = vector.broadcast %broadcast_in_dim3A_43 : f32 to vector<16xf32>
    %swap3A_45 = arith.constant 7 : i32
    %swap3A_46 = arith.index_cast %swap3A_45 : i32 to index
    %swap3A_47 = arith.constant 0 : index
    %swap3A_48 = tpu.vector_load %arg26[%swap3A_46, %swap3A_47] {strides = array<i32>} : memref<32x16xf32, #tpu.memory_space<vmem>>, vector<16xf32>,
    tpu.vector_store %arg26[%swap3A_46, %swap3A_47], %broadcast_in_dim3A_44 {strides = array<i32>} : memref<32x16xf32, #tpu.memory_space<vmem>>, vector<16xf32>,
    %broadcast_in_dim3A_49 = arith.constant 0.000000e+00 : f32
    %broadcast_in_dim3A_50 = vector.broadcast %broadcast_in_dim3A_49 : f32 to vector<16xf32>
    %swap3A_51 = arith.constant 8 : i32
    %swap3A_52 = arith.index_cast %swap3A_51 : i32 to index
    %swap3A_53 = arith.constant 0 : index
    %swap3A_54 = tpu.vector_load %arg26[%swap3A_52, %swap3A_53] {strides = array<i32>} : memref<32x16xf32, #tpu.memory_space<vmem>>, vector<16xf32>,
    tpu.vector_store %arg26[%swap3A_52, %swap3A_53], %broadcast_in_dim3A_50 {strides = array<i32>} : memref<32x16xf32, #tpu.memory_space<vmem>>, vector<16xf32>,
    %broadcast_in_dim3A_55 = arith.constant 0.000000e+00 : f32
    %broadcast_in_dim3A_56 = vector.broadcast %broadcast_in_dim3A_55 : f32 to vector<16xf32>
    %swap3A_57 = arith.constant 9 : i32
    %swap3A_58 = arith.index_cast %swap3A_57 : i32 to index
    %swap3A_59 = arith.constant 0 : index
    %swap3A_60 = tpu.vector_load %arg26[%swap3A_58, %swap3A_59] {strides = array<i32>} : memref<32x16xf32, #tpu.memory_space<vmem>>, vector<16xf32>,
    tpu.vector_store %arg26[%swap3A_58, %swap3A_59], %broadcast_in_dim3A_56 {strides = array<i32>} : memref<32x16xf32, #tpu.memory_space<vmem>>, vector<16xf32>,
    %broadcast_in_dim3A_61 = arith.constant 0.000000e+00 : f32
    %broadcast_in_dim3A_62 = vector.broadcast %broadcast_in_dim3A_61 : f32 to vector<16xf32>
    %swap3A_63 = arith.constant 10 : i32
    %swap3A_64 = arith.index_cast %swap3A_63 : i32 to index
    %swap3A_65 = arith.constant 0 : index
    %swap3A_66 = tpu.vector_load %arg26[%swap3A_64, %swap3A_65] {strides = array<i32>} : memref<32x16xf32, #tpu.memory_space<vmem>>, vector<16xf32>,
    tpu.vector_store %arg26[%swap3A_64, %swap3A_65], %broadcast_in_dim3A_62 {strides = array<i32>} : memref<32x16xf32, #tpu.memory_space<vmem>>, vector<16xf32>,
    %broadcast_in_dim3A_67 = arith.constant 0.000000e+00 : f32
    %broadcast_in_dim3A_68 = vector.broadcast %broadcast_in_dim3A_67 : f32 to vector<16xf32>
    %swap3A_69 = arith.constant 11 : i32
    %swap3A_70 = arith.index_cast %swap3A_69 : i32 to index
    %swap3A_71 = arith.constant 0 : index
    %swap3A_72 = tpu.vector_load %arg26[%swap3A_70, %swap3A_71] {strides = array<i32>} : memref<32x16xf32, #tpu.memory_space<vmem>>, vector<16xf32>,
    tpu.vector_store %arg26[%swap3A_70, %swap3A_71], %broadcast_in_dim3A_68 {strides = array<i32>} : memref<32x16xf32, #tpu.memory_space<vmem>>, vector<16xf32>,
    %broadcast_in_dim3A_73 = arith.constant 0.000000e+00 : f32
    %broadcast_in_dim3A_74 = vector.broadcast %broadcast_in_dim3A_73 : f32 to vector<16xf32>
    %swap3A_75 = arith.constant 12 : i32
    %swap3A_76 = arith.index_cast %swap3A_75 : i32 to index
    %swap3A_77 = arith.constant 0 : index
    %swap3A_78 = tpu.vector_load %arg26[%swap3A_76, %swap3A_77] {strides = array<i32>} : memref<32x16xf32, #tpu.memory_space<vmem>>, vector<16xf32>,
    tpu.vector_store %arg26[%swap3A_76, %swap3A_77], %broadcast_in_dim3A_74 {strides = array<i32>} : memref<32x16xf32, #tpu.memory_space<vmem>>, vector<16xf32>,
    %broadcast_in_dim3A_79 = arith.constant 0.000000e+00 : f32
    %broadcast_in_dim3A_80 = vector.broadcast %broadcast_in_dim3A_79 : f32 to vector<16xf32>
    %swap3A_81 = arith.constant 13 : i32
    %swap3A_82 = arith.index_cast %swap3A_81 : i32 to index
    %swap3A_83 = arith.constant 0 : index
    %swap3A_84 = tpu.vector_load %arg26[%swap3A_82, %swap3A_83] {strides = array<i32>} : memref<32x16xf32, #tpu.memory_space<vmem>>, vector<16xf32>,
    tpu.vector_store %arg26[%swap3A_82, %swap3A_83], %broadcast_in_dim3A_80 {strides = array<i32>} : memref<32x16xf32, #tpu.memory_space<vmem>>, vector<16xf32>,
    %broadcast_in_dim3A_85 = arith.constant 0.000000e+00 : f32
    %broadcast_in_dim3A_86 = vector.broadcast %broadcast_in_dim3A_85 : f32 to vector<16xf32>
    %swap3A_87 = arith.constant 14 : i32
    %swap3A_88 = arith.index_cast %swap3A_87 : i32 to index
    %swap3A_89 = arith.constant 0 : index
    %swap3A_90 = tpu.vector_load %arg26[%swap3A_88, %swap3A_89] {strides = array<i32>} : memref<32x16xf32, #tpu.memory_space<vmem>>, vector<16xf32>,
    tpu.vector_store %arg26[%swap3A_88, %swap3A_89], %broadcast_in_dim3A_86 {strides = array<i32>} : memref<32x16xf32, #tpu.memory_space<vmem>>, vector<16xf32>,
    %broadcast_in_dim3A_91 = arith.constant 0.000000e+00 : f32
    %broadcast_in_dim3A_92 = vector.broadcast %broadcast_in_dim3A_91 : f32 to vector<16xf32>
    %swap3A_93 = arith.constant 15 : i32
    %swap3A_94 = arith.index_cast %swap3A_93 : i32 to index
    %swap3A_95 = arith.constant 0 : index
    %swap3A_96 = tpu.vector_load %arg26[%swap3A_94, %swap3A_95] {strides = array<i32>} : memref<32x16xf32, #tpu.memory_space<vmem>>, vector<16xf32>,
    tpu.vector_store %arg26[%swap3A_94, %swap3A_95], %broadcast_in_dim3A_92 {strides = array<i32>} : memref<32x16xf32, #tpu.memory_space<vmem>>, vector<16xf32>,
    %broadcast_in_dim3A_97 = arith.constant 0.000000e+00 : f32
    %broadcast_in_dim3A_98 = vector.broadcast %broadcast_in_dim3A_97 : f32 to vector<16xf32>
    %swap3A_99 = arith.constant 16 : i32
    %swap3A_100 = arith.index_cast %swap3A_99 : i32 to index
    %swap3A_101 = arith.constant 0 : index
    %swap3A_102 = tpu.vector_load %arg26[%swap3A_100, %swap3A_101] {strides = array<i32>} : memref<32x16xf32, #tpu.memory_space<vmem>>, vector<16xf32>,
    tpu.vector_store %arg26[%swap3A_100, %swap3A_101], %broadcast_in_dim3A_98 {strides = array<i32>} : memref<32x16xf32, #tpu.memory_space<vmem>>, vector<16xf32>,
    %broadcast_in_dim3A_103 = arith.constant 0.000000e+00 : f32
    %broadcast_in_dim3A_104 = vector.broadcast %broadcast_in_dim3A_103 : f32 to vector<16xf32>
    %swap3A_105 = arith.constant 17 : i32
    %swap3A_106 = arith.index_cast %swap3A_105 : i32 to index
    %swap3A_107 = arith.constant 0 : index
    %swap3A_108 = tpu.vector_load %arg26[%swap3A_106, %swap3A_107] {strides = array<i32>} : memref<32x16xf32, #tpu.memory_space<vmem>>, vector<16xf32>,
    tpu.vector_store %arg26[%swap3A_106, %swap3A_107], %broadcast_in_dim3A_104 {strides = array<i32>} : memref<32x16xf32, #tpu.memory_space<vmem>>, vector<16xf32>,
    %broadcast_in_dim3A_109 = arith.constant 0.000000e+00 : f32
    %broadcast_in_dim3A_110 = vector.broadcast %broadcast_in_dim3A_109 : f32 to vector<16xf32>
    %swap3A_111 = arith.constant 18 : i32
    %swap3A_112 = arith.index_cast %swap3A_111 : i32 to index
    %swap3A_113 = arith.constant 0 : index
    %swap3A_114 = tpu.vector_load %arg26[%swap3A_112, %swap3A_113] {strides = array<i32>} : memref<32x16xf32, #tpu.memory_space<vmem>>, vector<16xf32>,
    tpu.vector_store %arg26[%swap3A_112, %swap3A_113], %broadcast_in_dim3A_110 {strides = array<i32>} : memref<32x16xf32, #tpu.memory_space<vmem>>, vector<16xf32>,
    %broadcast_in_dim3A_115 = arith.constant 0.000000e+00 : f32
    %broadcast_in_dim3A_116 = vector.broadcast %broadcast_in_dim3A_115 : f32 to vector<16xf32>
    %swap3A_117 = arith.constant 19 : i32
    %swap3A_118 = arith.index_cast %swap3A_117 : i32 to index
    %swap3A_119 = arith.constant 0 : index
    %swap3A_120 = tpu.vector_load %arg26[%swap3A_118, %swap3A_119] {strides = array<i32>} : memref<32x16xf32, #tpu.memory_space<vmem>>, vector<16xf32>,
    tpu.vector_store %arg26[%swap3A_118, %swap3A_119], %broadcast_in_dim3A_116 {strides = array<i32>} : memref<32x16xf32, #tpu.memory_space<vmem>>, vector<16xf32>,
    %broadcast_in_dim3A_121 = arith.constant 0.000000e+00 : f32
    %broadcast_in_dim3A_122 = vector.broadcast %broadcast_in_dim3A_121 : f32 to vector<16xf32>
    %swap3A_123 = arith.constant 20 : i32
    %swap3A_124 = arith.index_cast %swap3A_123 : i32 to index
    %swap3A_125 = arith.constant 0 : index
    %swap3A_126 = tpu.vector_load %arg26[%swap3A_124, %swap3A_125] {strides = array<i32>} : memref<32x16xf32, #tpu.memory_space<vmem>>, vector<16xf32>,
    tpu.vector_store %arg26[%swap3A_124, %swap3A_125], %broadcast_in_dim3A_122 {strides = array<i32>} : memref<32x16xf32, #tpu.memory_space<vmem>>, vector<16xf32>,
    %broadcast_in_dim3A_127 = arith.constant 0.000000e+00 : f32
    %broadcast_in_dim3A_128 = vector.broadcast %broadcast_in_dim3A_127 : f32 to vector<16xf32>
    %swap3A_129 = arith.constant 21 : i32
    %swap3A_130 = arith.index_cast %swap3A_129 : i32 to index
    %swap3A_131 = arith.constant 0 : index
    %swap3A_132 = tpu.vector_load %arg26[%swap3A_130, %swap3A_131] {strides = array<i32>} : memref<32x16xf32, #tpu.memory_space<vmem>>, vector<16xf32>,
    tpu.vector_store %arg26[%swap3A_130, %swap3A_131], %broadcast_in_dim3A_128 {strides = array<i32>} : memref<32x16xf32, #tpu.memory_space<vmem>>, vector<16xf32>,
    %broadcast_in_dim3A_133 = arith.constant 0.000000e+00 : f32
    %broadcast_in_dim3A_134 = vector.broadcast %broadcast_in_dim3A_133 : f32 to vector<16xf32>
    %swap3A_135 = arith.constant 22 : i32
    %swap3A_136 = arith.index_cast %swap3A_135 : i32 to index
    %swap3A_137 = arith.constant 0 : index
    %swap3A_138 = tpu.vector_load %arg26[%swap3A_136, %swap3A_137] {strides = array<i32>} : memref<32x16xf32, #tpu.memory_space<vmem>>, vector<16xf32>,
    tpu.vector_store %arg26[%swap3A_136, %swap3A_137], %broadcast_in_dim3A_134 {strides = array<i32>} : memref<32x16xf32, #tpu.memory_space<vmem>>, vector<16xf32>,
    %broadcast_in_dim3A_139 = arith.constant 0.000000e+00 : f32
    %broadcast_in_dim3A_140 = vector.broadcast %broadcast_in_dim3A_139 : f32 to vector<16xf32>
    %swap3A_141 = arith.constant 23 : i32
    %swap3A_142 = arith.index_cast %swap3A_141 : i32 to index
    %swap3A_143 = arith.constant 0 : index
    %swap3A_144 = tpu.vector_load %arg26[%swap3A_142, %swap3A_143] {strides = array<i32>} : memref<32x16xf32, #tpu.memory_space<vmem>>, vector<16xf32>,
    tpu.vector_store %arg26[%swap3A_142, %swap3A_143], %broadcast_in_dim3A_140 {strides = array<i32>} : memref<32x16xf32, #tpu.memory_space<vmem>>, vector<16xf32>,
    %broadcast_in_dim3A_145 = arith.constant 0.000000e+00 : f32
    %broadcast_in_dim3A_146 = vector.broadcast %broadcast_in_dim3A_145 : f32 to vector<16xf32>
    %swap3A_147 = arith.constant 24 : i32
    %swap3A_148 = arith.index_cast %swap3A_147 : i32 to index
    %swap3A_149 = arith.constant 0 : index
    %swap3A_150 = tpu.vector_load %arg26[%swap3A_148, %swap3A_149] {strides = array<i32>} : memref<32x16xf32, #tpu.memory_space<vmem>>, vector<16xf32>,
    tpu.vector_store %arg26[%swap3A_148, %swap3A_149], %broadcast_in_dim3A_146 {strides = array<i32>} : memref<32x16xf32, #tpu.memory_space<vmem>>, vector<16xf32>,
    %broadcast_in_dim3A_151 = arith.constant 0.000000e+00 : f32
    %broadcast_in_dim3A_152 = vector.broadcast %broadcast_in_dim3A_151 : f32 to vector<16xf32>
    %swap3A_153 = arith.constant 25 : i32
    %swap3A_154 = arith.index_cast %swap3A_153 : i32 to index
    %swap3A_155 = arith.constant 0 : index
    %swap3A_156 = tpu.vector_load %arg26[%swap3A_154, %swap3A_155] {strides = array<i32>} : memref<32x16xf32, #tpu.memory_space<vmem>>, vector<16xf32>,
    tpu.vector_store %arg26[%swap3A_154, %swap3A_155], %broadcast_in_dim3A_152 {strides = array<i32>} : memref<32x16xf32, #tpu.memory_space<vmem>>, vector<16xf32>,
    %broadcast_in_dim3A_157 = arith.constant 0.000000e+00 : f32
    %broadcast_in_dim3A_158 = vector.broadcast %broadcast_in_dim3A_157 : f32 to vector<16xf32>
    %swap3A_159 = arith.constant 26 : i32
    %swap3A_160 = arith.index_cast %swap3A_159 : i32 to index
    %swap3A_161 = arith.constant 0 : index
    %swap3A_162 = tpu.vector_load %arg26[%swap3A_160, %swap3A_161] {strides = array<i32>} : memref<32x16xf32, #tpu.memory_space<vmem>>, vector<16xf32>,
    tpu.vector_store %arg26[%swap3A_160, %swap3A_161], %broadcast_in_dim3A_158 {strides = array<i32>} : memref<32x16xf32, #tpu.memory_space<vmem>>, vector<16xf32>,
    %broadcast_in_dim3A_163 = arith.constant 0.000000e+00 : f32
    %broadcast_in_dim3A_164 = vector.broadcast %broadcast_in_dim3A_163 : f32 to vector<16xf32>
    %swap3A_165 = arith.constant 27 : i32
    %swap3A_166 = arith.index_cast %swap3A_165 : i32 to index
    %swap3A_167 = arith.constant 0 : index
    %swap3A_168 = tpu.vector_load %arg26[%swap3A_166, %swap3A_167] {strides = array<i32>} : memref<32x16xf32, #tpu.memory_space<vmem>>, vector<16xf32>,
    tpu.vector_store %arg26[%swap3A_166, %swap3A_167], %broadcast_in_dim3A_164 {strides = array<i32>} : memref<32x16xf32, #tpu.memory_space<vmem>>, vector<16xf32>,
    %broadcast_in_dim3A_169 = arith.constant 0.000000e+00 : f32
    %broadcast_in_dim3A_170 = vector.broadcast %broadcast_in_dim3A_169 : f32 to vector<16xf32>
    %swap3A_171 = arith.constant 28 : i32
    %swap3A_172 = arith.index_cast %swap3A_171 : i32 to index
    %swap3A_173 = arith.constant 0 : index
    %swap3A_174 = tpu.vector_load %arg26[%swap3A_172, %swap3A_173] {strides = array<i32>} : memref<32x16xf32, #tpu.memory_space<vmem>>, vector<16xf32>,
    tpu.vector_store %arg26[%swap3A_172, %swap3A_173], %broadcast_in_dim3A_170 {strides = array<i32>} : memref<32x16xf32, #tpu.memory_space<vmem>>, vector<16xf32>,
    %broadcast_in_dim3A_175 = arith.constant 0.000000e+00 : f32
    %broadcast_in_dim3A_176 = vector.broadcast %broadcast_in_dim3A_175 : f32 to vector<16xf32>
    %swap3A_177 = arith.constant 29 : i32
    %swap3A_178 = arith.index_cast %swap3A_177 : i32 to index
    %swap3A_179 = arith.constant 0 : index
    %swap3A_180 = tpu.vector_load %arg26[%swap3A_178, %swap3A_179] {strides = array<i32>} : memref<32x16xf32, #tpu.memory_space<vmem>>, vector<16xf32>,
    tpu.vector_store %arg26[%swap3A_178, %swap3A_179], %broadcast_in_dim3A_176 {strides = array<i32>} : memref<32x16xf32, #tpu.memory_space<vmem>>, vector<16xf32>,
    %broadcast_in_dim3A_181 = arith.constant 0.000000e+00 : f32
    %broadcast_in_dim3A_182 = vector.broadcast %broadcast_in_dim3A_181 : f32 to vector<16xf32>
    %swap3A_183 = arith.constant 30 : i32
    %swap3A_184 = arith.index_cast %swap3A_183 : i32 to index
    %swap3A_185 = arith.constant 0 : index
    %swap3A_186 = tpu.vector_load %arg26[%swap3A_184, %swap3A_185] {strides = array<i32>} : memref<32x16xf32, #tpu.memory_space<vmem>>, vector<16xf32>,
    tpu.vector_store %arg26[%swap3A_184, %swap3A_185], %broadcast_in_dim3A_182 {strides = array<i32>} : memref<32x16xf32, #tpu.memory_space<vmem>>, vector<16xf32>,
    %broadcast_in_dim3A_187 = arith.constant 0.000000e+00 : f32
    %broadcast_in_dim3A_188 = vector.broadcast %broadcast_in_dim3A_187 : f32 to vector<16xf32>
    %swap3A_189 = arith.constant 31 : i32
    %swap3A_190 = arith.index_cast %swap3A_189 : i32 to index
    %swap3A_191 = arith.constant 0 : index
    %swap3A_192 = tpu.vector_load %arg26[%swap3A_190, %swap3A_191] {strides = array<i32>} : memref<32x16xf32, #tpu.memory_space<vmem>>, vector<16xf32>,
    tpu.vector_store %arg26[%swap3A_190, %swap3A_191], %broadcast_in_dim3A_188 {strides = array<i32>} : memref<32x16xf32, #tpu.memory_space<vmem>>, vector<16xf32>,
    %mul3A_193 = arith.constant 0 : i32
    %mul3A_194 = arith.constant 4 : i32
    %mul3A_195 = arith.muli %mul3A_193, %mul3A_194 : i32
    %add3A_196 = arith.addi %mul3A_2, %mul3A_195 : i32
    %mul3A_197 = arith.constant 0 : i32
    %mul3A_198 = arith.constant 4 : i32
    %mul3A_199 = arith.muli %mul3A_197, %mul3A_198 : i32
    %dma_start3A = arith.constant 0 : i32
    %dma_start3A_200 = tpu.memref_slice %arg7[%mul3A_199, %dma_start3A] : memref<8x50xi32, #tpu.memory_space<vmem>> -> memref<4x50xi32, #tpu.memory_space<vmem>>
    %dma_start3A_201 = arith.constant 0 : i32
    %dma_start3A_202 = tpu.memref_slice %arg2[%add3A_196, %dma_start3A_201] : memref<16384x50xi32, #tpu.memory_space<hbm>> -> memref<4x50xi32, #tpu.memory_space<hbm>>
    %dma_start3A_203 = arith.constant 0 : i32
    %dma_start3A_204 = tpu.memref_slice %arg7[%mul3A_199, %dma_start3A_203] : memref<8x50xi32, #tpu.memory_space<vmem>> -> memref<4x50xi32, #tpu.memory_space<vmem>>
    %dma_start3A_205 = arith.constant 0 : i32
    %dma_start3A_206 = tpu.memref_slice %arg2[%add3A_196, %dma_start3A_205] : memref<16384x50xi32, #tpu.memory_space<hbm>> -> memref<4x50xi32, #tpu.memory_space<hbm>>
    tpu.enqueue_dma source(%dma_start3A_206 : memref<4x50xi32, #tpu.memory_space<hbm>>) target(%dma_start3A_204 : memref<4x50xi32, #tpu.memory_space<vmem>>) target_semaphore(%arg15 : memref<!tpu.dma_semaphore, #tpu.memory_space<semaphore_mem>>)
    %mul3A_207 = arith.constant 0 : i32
    %mul3A_208 = arith.constant 4 : i32
    %mul3A_209 = arith.muli %mul3A_207, %mul3A_208 : i32
    %dma_start3A_210 = arith.constant 0 : i32
    %dma_start3A_211 = tpu.memref_slice %arg8[%mul3A_209, %dma_start3A_210] : memref<8x20xi32, #tpu.memory_space<vmem>> -> memref<4x20xi32, #tpu.memory_space<vmem>>
    %dma_start3A_212 = arith.constant 0 : i32
    %dma_start3A_213 = tpu.memref_slice %arg3[%add3A_196, %dma_start3A_212] : memref<16384x20xi32, #tpu.memory_space<hbm>> -> memref<4x20xi32, #tpu.memory_space<hbm>>
    %dma_start3A_214 = arith.constant 0 : i32
    %dma_start3A_215 = tpu.memref_slice %arg8[%mul3A_209, %dma_start3A_214] : memref<8x20xi32, #tpu.memory_space<vmem>> -> memref<4x20xi32, #tpu.memory_space<vmem>>
    %dma_start3A_216 = arith.constant 0 : i32
    %dma_start3A_217 = tpu.memref_slice %arg3[%add3A_196, %dma_start3A_216] : memref<16384x20xi32, #tpu.memory_space<hbm>> -> memref<4x20xi32, #tpu.memory_space<hbm>>
    tpu.enqueue_dma source(%dma_start3A_217 : memref<4x20xi32, #tpu.memory_space<hbm>>) target(%dma_start3A_215 : memref<4x20xi32, #tpu.memory_space<vmem>>) target_semaphore(%arg15 : memref<!tpu.dma_semaphore, #tpu.memory_space<semaphore_mem>>)
    %mul3A_218 = arith.constant 0 : i32
    %mul3A_219 = arith.constant 4 : i32
    %mul3A_220 = arith.muli %mul3A_218, %mul3A_219 : i32
    %dma_wait3A = arith.constant 0 : i32
    %dma_wait3A_221 = tpu.memref_slice %arg7[%mul3A_220, %dma_wait3A] : memref<8x50xi32, #tpu.memory_space<vmem>> -> memref<4x50xi32, #tpu.memory_space<vmem>>
    %dma_wait3A_222 = arith.constant 0 : i32
    %dma_wait3A_223 = tpu.memref_slice %arg2[%mul3A_2, %dma_wait3A_222] : memref<16384x50xi32, #tpu.memory_space<hbm>> -> memref<4x50xi32, #tpu.memory_space<hbm>>
    %dma_wait3A_224 = arith.constant 0 : i32
    %dma_wait3A_225 = tpu.memref_slice %arg7[%mul3A_220, %dma_wait3A_224] : memref<8x50xi32, #tpu.memory_space<vmem>> -> memref<4x50xi32, #tpu.memory_space<vmem>>
    %dma_wait3A_226 = arith.constant 0 : i32
    %dma_wait3A_227 = tpu.memref_slice %arg2[%mul3A_2, %dma_wait3A_226] : memref<16384x50xi32, #tpu.memory_space<hbm>> -> memref<4x50xi32, #tpu.memory_space<hbm>>
    tpu.wait_dma2 semaphore(%arg15 : memref<!tpu.dma_semaphore, #tpu.memory_space<semaphore_mem>>) src(%dma_wait3A_227 : memref<4x50xi32, #tpu.memory_space<hbm>>) dst(%dma_wait3A_225 : memref<4x50xi32, #tpu.memory_space<vmem>>)
    %mul3A_228 = arith.constant 0 : i32
    %mul3A_229 = arith.constant 4 : i32
    %mul3A_230 = arith.muli %mul3A_228, %mul3A_229 : i32
    %dma_wait3A_231 = arith.constant 0 : i32
    %dma_wait3A_232 = tpu.memref_slice %arg8[%mul3A_230, %dma_wait3A_231] : memref<8x20xi32, #tpu.memory_space<vmem>> -> memref<4x20xi32, #tpu.memory_space<vmem>>
    %dma_wait3A_233 = arith.constant 0 : i32
    %dma_wait3A_234 = tpu.memref_slice %arg3[%mul3A_2, %dma_wait3A_233] : memref<16384x20xi32, #tpu.memory_space<hbm>> -> memref<4x20xi32, #tpu.memory_space<hbm>>
    %dma_wait3A_235 = arith.constant 0 : i32
    %dma_wait3A_236 = tpu.memref_slice %arg8[%mul3A_230, %dma_wait3A_235] : memref<8x20xi32, #tpu.memory_space<vmem>> -> memref<4x20xi32, #tpu.memory_space<vmem>>
    %dma_wait3A_237 = arith.constant 0 : i32
    %dma_wait3A_238 = tpu.memref_slice %arg3[%mul3A_2, %dma_wait3A_237] : memref<16384x20xi32, #tpu.memory_space<hbm>> -> memref<4x20xi32, #tpu.memory_space<hbm>>
    tpu.wait_dma2 semaphore(%arg15 : memref<!tpu.dma_semaphore, #tpu.memory_space<semaphore_mem>>) src(%dma_wait3A_238 : memref<4x20xi32, #tpu.memory_space<hbm>>) dst(%dma_wait3A_236 : memref<4x20xi32, #tpu.memory_space<vmem>>)
    %mul3A_239 = arith.constant 0 : i32
    %mul3A_240 = arith.constant 4 : i32
    %mul3A_241 = arith.muli %mul3A_239, %mul3A_240 : i32
    %add3A_242 = arith.constant 0 : i32
    %add3A_243 = arith.addi %mul3A_241, %add3A_242 : i32
    %dma_start3A_244 = arith.constant 0 : i32
    %dma_start3A_245 = arith.constant 0 : i32
    %dma_start3A_246 = tpu.memref_slice %arg9[%dma_start3A_244, %dma_start3A_245] : memref<200x128xf32, #tpu.memory_space<vmem>> -> memref<50x128xf32, #tpu.memory_space<vmem>>
    %dma_start3A_247 = arith.constant 0 : i32
    %dma_start3A_248 = tpu.memref_slice %arg7[%add3A_243, %dma_start3A_247] : memref<8x50xi32, #tpu.memory_space<vmem>> -> memref<1x50xi32, #tpu.memory_space<vmem>>
    %dma_start3A_249 = tpu.memref_squeeze %dma_start3A_248 : memref<1x50xi32, #tpu.memory_space<vmem>> -> memref<50xi32, #tpu.memory_space<vmem>>
    %dma_start3A_250 = arith.constant 0 : i32
    %dma_start3A_251 = arith.constant 0 : i32
    %dma_start3A_252 = tpu.memref_slice %arg4[%dma_start3A_250, %dma_start3A_251] : memref<100000x128xf32, #tpu.memory_space<hbm>> -> memref<100000x128xf32, #tpu.memory_space<hbm>>
    tpu.enqueue_indirect_dma source(%dma_start3A_252 : memref<100000x128xf32, #tpu.memory_space<hbm>>) target(%dma_start3A_246 : memref<50x128xf32, #tpu.memory_space<vmem>>) offsets(%dma_start3A_249 : memref<50xi32, #tpu.memory_space<vmem>>) semaphore(%arg13 : memref<!tpu.dma_semaphore, #tpu.memory_space<semaphore_mem>>)
    %mul3A_253 = arith.constant 0 : i32
    %mul3A_254 = arith.constant 4 : i32
    %mul3A_255 = arith.muli %mul3A_253, %mul3A_254 : i32
    %add3A_256 = arith.constant 0 : i32
    %add3A_257 = arith.addi %mul3A_255, %add3A_256 : i32
    %dma_start3A_258 = arith.constant 0 : i32
    %dma_start3A_259 = arith.constant 0 : i32
    %dma_start3A_260 = tpu.memref_slice %arg10[%dma_start3A_258, %dma_start3A_259] : memref<80x128xf32, #tpu.memory_space<vmem>> -> memref<20x128xf32, #tpu.memory_space<vmem>>
    %dma_start3A_261 = arith.constant 0 : i32
    %dma_start3A_262 = tpu.memref_slice %arg8[%add3A_257, %dma_start3A_261] : memref<8x20xi32, #tpu.memory_space<vmem>> -> memref<1x20xi32, #tpu.memory_space<vmem>>
    %dma_start3A_263 = tpu.memref_squeeze %dma_start3A_262 : memref<1x20xi32, #tpu.memory_space<vmem>> -> memref<20xi32, #tpu.memory_space<vmem>>
    %dma_start3A_264 = arith.constant 0 : i32
    %dma_start3A_265 = arith.constant 0 : i32
    %dma_start3A_266 = tpu.memref_slice %arg5[%dma_start3A_264, %dma_start3A_265] : memref<100000x128xf32, #tpu.memory_space<hbm>> -> memref<100000x128xf32, #tpu.memory_space<hbm>>
    tpu.enqueue_indirect_dma source(%dma_start3A_266 : memref<100000x128xf32, #tpu.memory_space<hbm>>) target(%dma_start3A_260 : memref<20x128xf32, #tpu.memory_space<vmem>>) offsets(%dma_start3A_263 : memref<20xi32, #tpu.memory_space<vmem>>) semaphore(%arg14 : memref<!tpu.dma_semaphore, #tpu.memory_space<semaphore_mem>>)
    %mul3A_267 = arith.constant 0 : i32
    %mul3A_268 = arith.constant 4 : i32
    %mul3A_269 = arith.muli %mul3A_267, %mul3A_268 : i32
    %add3A_270 = arith.constant 1 : i32
    %add3A_271 = arith.addi %mul3A_269, %add3A_270 : i32
    %dma_start3A_272 = arith.constant 50 : i32
    %dma_start3A_273 = arith.constant 0 : i32
    %dma_start3A_274 = tpu.memref_slice %arg9[%dma_start3A_272, %dma_start3A_273] : memref<200x128xf32, #tpu.memory_space<vmem>> -> memref<50x128xf32, #tpu.memory_space<vmem>>
    %dma_start3A_275 = arith.constant 0 : i32
    %dma_start3A_276 = tpu.memref_slice %arg7[%add3A_271, %dma_start3A_275] : memref<8x50xi32, #tpu.memory_space<vmem>> -> memref<1x50xi32, #tpu.memory_space<vmem>>
    %dma_start3A_277 = tpu.memref_squeeze %dma_start3A_276 : memref<1x50xi32, #tpu.memory_space<vmem>> -> memref<50xi32, #tpu.memory_space<vmem>>
    %dma_start3A_278 = arith.constant 0 : i32
    %dma_start3A_279 = arith.constant 0 : i32
    %dma_start3A_280 = tpu.memref_slice %arg4[%dma_start3A_278, %dma_start3A_279] : memref<100000x128xf32, #tpu.memory_space<hbm>> -> memref<100000x128xf32, #tpu.memory_space<hbm>>
    tpu.enqueue_indirect_dma source(%dma_start3A_280 : memref<100000x128xf32, #tpu.memory_space<hbm>>) target(%dma_start3A_274 : memref<50x128xf32, #tpu.memory_space<vmem>>) offsets(%dma_start3A_277 : memref<50xi32, #tpu.memory_space<vmem>>) semaphore(%arg13 : memref<!tpu.dma_semaphore, #tpu.memory_space<semaphore_mem>>)
    %mul3A_281 = arith.constant 0 : i32
    %mul3A_282 = arith.constant 4 : i32
    %mul3A_283 = arith.muli %mul3A_281, %mul3A_282 : i32
    %add3A_284 = arith.constant 1 : i32
    %add3A_285 = arith.addi %mul3A_283, %add3A_284 : i32
    %dma_start3A_286 = arith.constant 20 : i32
    %dma_start3A_287 = arith.constant 0 : i32
    %dma_start3A_288 = tpu.memref_slice %arg10[%dma_start3A_286, %dma_start3A_287] : memref<80x128xf32, #tpu.memory_space<vmem>> -> memref<20x128xf32, #tpu.memory_space<vmem>>
    %dma_start3A_289 = arith.constant 0 : i32
    %dma_start3A_290 = tpu.memref_slice %arg8[%add3A_285, %dma_start3A_289] : memref<8x20xi32, #tpu.memory_space<vmem>> -> memref<1x20xi32, #tpu.memory_space<vmem>>
    %dma_start3A_291 = tpu.memref_squeeze %dma_start3A_290 : memref<1x20xi32, #tpu.memory_space<vmem>> -> memref<20xi32, #tpu.memory_space<vmem>>
    %dma_start3A_292 = arith.constant 0 : i32
    %dma_start3A_293 = arith.constant 0 : i32
    %dma_start3A_294 = tpu.memref_slice %arg5[%dma_start3A_292, %dma_start3A_293] : memref<100000x128xf32, #tpu.memory_space<hbm>> -> memref<100000x128xf32, #tpu.memory_space<hbm>>
    tpu.enqueue_indirect_dma source(%dma_start3A_294 : memref<100000x128xf32, #tpu.memory_space<hbm>>) target(%dma_start3A_288 : memref<20x128xf32, #tpu.memory_space<vmem>>) offsets(%dma_start3A_291 : memref<20xi32, #tpu.memory_space<vmem>>) semaphore(%arg14 : memref<!tpu.dma_semaphore, #tpu.memory_space<semaphore_mem>>)
    %mul3A_295 = arith.constant 0 : i32
    %mul3A_296 = arith.constant 4 : i32
    %mul3A_297 = arith.muli %mul3A_295, %mul3A_296 : i32
    %add3A_298 = arith.constant 2 : i32
    %add3A_299 = arith.addi %mul3A_297, %add3A_298 : i32
    %dma_start3A_300 = arith.constant 100 : i32
    %dma_start3A_301 = arith.constant 0 : i32
    %dma_start3A_302 = tpu.memref_slice %arg9[%dma_start3A_300, %dma_start3A_301] : memref<200x128xf32, #tpu.memory_space<vmem>> -> memref<50x128xf32, #tpu.memory_space<vmem>>
    %dma_start3A_303 = arith.constant 0 : i32
    %dma_start3A_304 = tpu.memref_slice %arg7[%add3A_299, %dma_start3A_303] : memref<8x50xi32, #tpu.memory_space<vmem>> -> memref<1x50xi32, #tpu.memory_space<vmem>>
    %dma_start3A_305 = tpu.memref_squeeze %dma_start3A_304 : memref<1x50xi32, #tpu.memory_space<vmem>> -> memref<50xi32, #tpu.memory_space<vmem>>
    %dma_start3A_306 = arith.constant 0 : i32
    %dma_start3A_307 = arith.constant 0 : i32
    %dma_start3A_308 = tpu.memref_slice %arg4[%dma_start3A_306, %dma_start3A_307] : memref<100000x128xf32, #tpu.memory_space<hbm>> -> memref<100000x128xf32, #tpu.memory_space<hbm>>
    tpu.enqueue_indirect_dma source(%dma_start3A_308 : memref<100000x128xf32, #tpu.memory_space<hbm>>) target(%dma_start3A_302 : memref<50x128xf32, #tpu.memory_space<vmem>>) offsets(%dma_start3A_305 : memref<50xi32, #tpu.memory_space<vmem>>) semaphore(%arg13 : memref<!tpu.dma_semaphore, #tpu.memory_space<semaphore_mem>>)
    %mul3A_309 = arith.constant 0 : i32
    %mul3A_310 = arith.constant 4 : i32
    %mul3A_311 = arith.muli %mul3A_309, %mul3A_310 : i32
    %add3A_312 = arith.constant 2 : i32
    %add3A_313 = arith.addi %mul3A_311, %add3A_312 : i32
    %dma_start3A_314 = arith.constant 40 : i32
    %dma_start3A_315 = arith.constant 0 : i32
    %dma_start3A_316 = tpu.memref_slice %arg10[%dma_start3A_314, %dma_start3A_315] : memref<80x128xf32, #tpu.memory_space<vmem>> -> memref<20x128xf32, #tpu.memory_space<vmem>>
    %dma_start3A_317 = arith.constant 0 : i32
    %dma_start3A_318 = tpu.memref_slice %arg8[%add3A_313, %dma_start3A_317] : memref<8x20xi32, #tpu.memory_space<vmem>> -> memref<1x20xi32, #tpu.memory_space<vmem>>
    %dma_start3A_319 = tpu.memref_squeeze %dma_start3A_318 : memref<1x20xi32, #tpu.memory_space<vmem>> -> memref<20xi32, #tpu.memory_space<vmem>>
    %dma_start3A_320 = arith.constant 0 : i32
    %dma_start3A_321 = arith.constant 0 : i32
    %dma_start3A_322 = tpu.memref_slice %arg5[%dma_start3A_320, %dma_start3A_321] : memref<100000x128xf32, #tpu.memory_space<hbm>> -> memref<100000x128xf32, #tpu.memory_space<hbm>>
    tpu.enqueue_indirect_dma source(%dma_start3A_322 : memref<100000x128xf32, #tpu.memory_space<hbm>>) target(%dma_start3A_316 : memref<20x128xf32, #tpu.memory_space<vmem>>) offsets(%dma_start3A_319 : memref<20xi32, #tpu.memory_space<vmem>>) semaphore(%arg14 : memref<!tpu.dma_semaphore, #tpu.memory_space<semaphore_mem>>)
    %mul3A_323 = arith.constant 0 : i32
    %mul3A_324 = arith.constant 4 : i32
    %mul3A_325 = arith.muli %mul3A_323, %mul3A_324 : i32
    %add3A_326 = arith.constant 3 : i32
    %add3A_327 = arith.addi %mul3A_325, %add3A_326 : i32
    %dma_start3A_328 = arith.constant 150 : i32
    %dma_start3A_329 = arith.constant 0 : i32
    %dma_start3A_330 = tpu.memref_slice %arg9[%dma_start3A_328, %dma_start3A_329] : memref<200x128xf32, #tpu.memory_space<vmem>> -> memref<50x128xf32, #tpu.memory_space<vmem>>
    %dma_start3A_331 = arith.constant 0 : i32
    %dma_start3A_332 = tpu.memref_slice %arg7[%add3A_327, %dma_start3A_331] : memref<8x50xi32, #tpu.memory_space<vmem>> -> memref<1x50xi32, #tpu.memory_space<vmem>>
    %dma_start3A_333 = tpu.memref_squeeze %dma_start3A_332 : memref<1x50xi32, #tpu.memory_space<vmem>> -> memref<50xi32, #tpu.memory_space<vmem>>
    %dma_start3A_334 = arith.constant 0 : i32
    %dma_start3A_335 = arith.constant 0 : i32
    %dma_start3A_336 = tpu.memref_slice %arg4[%dma_start3A_334, %dma_start3A_335] : memref<100000x128xf32, #tpu.memory_space<hbm>> -> memref<100000x128xf32, #tpu.memory_space<hbm>>
    tpu.enqueue_indirect_dma source(%dma_start3A_336 : memref<100000x128xf32, #tpu.memory_space<hbm>>) target(%dma_start3A_330 : memref<50x128xf32, #tpu.memory_space<vmem>>) offsets(%dma_start3A_333 : memref<50xi32, #tpu.memory_space<vmem>>) semaphore(%arg13 : memref<!tpu.dma_semaphore, #tpu.memory_space<semaphore_mem>>)
    %mul3A_337 = arith.constant 0 : i32
    %mul3A_338 = arith.constant 4 : i32
    %mul3A_339 = arith.muli %mul3A_337, %mul3A_338 : i32
    %add3A_340 = arith.constant 3 : i32
    %add3A_341 = arith.addi %mul3A_339, %add3A_340 : i32
    %dma_start3A_342 = arith.constant 60 : i32
    %dma_start3A_343 = arith.constant 0 : i32
    %dma_start3A_344 = tpu.memref_slice %arg10[%dma_start3A_342, %dma_start3A_343] : memref<80x128xf32, #tpu.memory_space<vmem>> -> memref<20x128xf32, #tpu.memory_space<vmem>>
    %dma_start3A_345 = arith.constant 0 : i32
    %dma_start3A_346 = tpu.memref_slice %arg8[%add3A_341, %dma_start3A_345] : memref<8x20xi32, #tpu.memory_space<vmem>> -> memref<1x20xi32, #tpu.memory_space<vmem>>
    %dma_start3A_347 = tpu.memref_squeeze %dma_start3A_346 : memref<1x20xi32, #tpu.memory_space<vmem>> -> memref<20xi32, #tpu.memory_space<vmem>>
    %dma_start3A_348 = arith.constant 0 : i32
    %dma_start3A_349 = arith.constant 0 : i32
    %dma_start3A_350 = tpu.memref_slice %arg5[%dma_start3A_348, %dma_start3A_349] : memref<100000x128xf32, #tpu.memory_space<hbm>> -> memref<100000x128xf32, #tpu.memory_space<hbm>>
    tpu.enqueue_indirect_dma source(%dma_start3A_350 : memref<100000x128xf32, #tpu.memory_space<hbm>>) target(%dma_start3A_344 : memref<20x128xf32, #tpu.memory_space<vmem>>) offsets(%dma_start3A_347 : memref<20xi32, #tpu.memory_space<vmem>>) semaphore(%arg14 : memref<!tpu.dma_semaphore, #tpu.memory_space<semaphore_mem>>)
    %mul3A_351 = arith.constant 1 : i32
    %mul3A_352 = arith.constant 4 : i32
    %mul3A_353 = arith.muli %mul3A_351, %mul3A_352 : i32
    %add3A_354 = arith.addi %mul3A_2, %mul3A_353 : i32
    %mul3A_355 = arith.constant 0 : i32
    %mul3A_356 = arith.constant 4 : i32
    %mul3A_357 = arith.muli %mul3A_355, %mul3A_356 : i32
    %dma_start3A_358 = arith.constant 0 : i32
    %dma_start3A_359 = tpu.memref_slice %arg16[%mul3A_357, %dma_start3A_358] : memref<8x50xi32, #tpu.memory_space<vmem>> -> memref<4x50xi32, #tpu.memory_space<vmem>>
    %dma_start3A_360 = arith.constant 0 : i32
    %dma_start3A_361 = tpu.memref_slice %arg2[%add3A_354, %dma_start3A_360] : memref<16384x50xi32, #tpu.memory_space<hbm>> -> memref<4x50xi32, #tpu.memory_space<hbm>>
    %dma_start3A_362 = arith.constant 0 : i32
    %dma_start3A_363 = tpu.memref_slice %arg16[%mul3A_357, %dma_start3A_362] : memref<8x50xi32, #tpu.memory_space<vmem>> -> memref<4x50xi32, #tpu.memory_space<vmem>>
    %dma_start3A_364 = arith.constant 0 : i32
    %dma_start3A_365 = tpu.memref_slice %arg2[%add3A_354, %dma_start3A_364] : memref<16384x50xi32, #tpu.memory_space<hbm>> -> memref<4x50xi32, #tpu.memory_space<hbm>>
    tpu.enqueue_dma source(%dma_start3A_365 : memref<4x50xi32, #tpu.memory_space<hbm>>) target(%dma_start3A_363 : memref<4x50xi32, #tpu.memory_space<vmem>>) target_semaphore(%arg24 : memref<!tpu.dma_semaphore, #tpu.memory_space<semaphore_mem>>)
    %mul3A_366 = arith.constant 0 : i32
    %mul3A_367 = arith.constant 4 : i32
    %mul3A_368 = arith.muli %mul3A_366, %mul3A_367 : i32
    %dma_start3A_369 = arith.constant 0 : i32
    %dma_start3A_370 = tpu.memref_slice %arg17[%mul3A_368, %dma_start3A_369] : memref<8x20xi32, #tpu.memory_space<vmem>> -> memref<4x20xi32, #tpu.memory_space<vmem>>
    %dma_start3A_371 = arith.constant 0 : i32
    %dma_start3A_372 = tpu.memref_slice %arg3[%add3A_354, %dma_start3A_371] : memref<16384x20xi32, #tpu.memory_space<hbm>> -> memref<4x20xi32, #tpu.memory_space<hbm>>
    %dma_start3A_373 = arith.constant 0 : i32
    %dma_start3A_374 = tpu.memref_slice %arg17[%mul3A_368, %dma_start3A_373] : memref<8x20xi32, #tpu.memory_space<vmem>> -> memref<4x20xi32, #tpu.memory_space<vmem>>
    %dma_start3A_375 = arith.constant 0 : i32
    %dma_start3A_376 = tpu.memref_slice %arg3[%add3A_354, %dma_start3A_375] : memref<16384x20xi32, #tpu.memory_space<hbm>> -> memref<4x20xi32, #tpu.memory_space<hbm>>
    tpu.enqueue_dma source(%dma_start3A_376 : memref<4x20xi32, #tpu.memory_space<hbm>>) target(%dma_start3A_374 : memref<4x20xi32, #tpu.memory_space<vmem>>) target_semaphore(%arg24 : memref<!tpu.dma_semaphore, #tpu.memory_space<semaphore_mem>>)
    %scan3A = arith.constant 0 : i32
    %scan3A_377 = arith.constant 127 : i32
    %scan3A_378 = arith.constant 0 : i32
    %scan3A_379 = arith.constant 64 : i32
    %scan3A_380 = arith.addi %scan3A_378, %scan3A_379 : i32
    %scan3A_381 = arith.constant 1 : i32
    scf.for %scan3A_517 = %scan3A_378 to %scan3A_380 step %scan3A_381  : i32 {
      %mul3A_518 = arith.constant 2 : i32
      %mul3A_519 = arith.muli %mul3A_518, %scan3A_517 : i32
      %mul3A_520 = arith.constant 2 : i32
      %mul3A_521 = arith.muli %mul3A_520, %scan3A_517 : i32
      %add3A_522 = arith.constant 1 : i32
      %add3A_523 = arith.addi %mul3A_521, %add3A_522 : i32
      %and3A = arith.constant 1 : i32
      %and3A_524 = arith.andi %scan3A_517, %and3A : i32
      %sub3A = arith.constant 1 : i32
      %sub3A_525 = arith.subi %sub3A, %and3A_524 : i32
      %mul3A_526 = arith.constant 4 : i32
      %mul3A_527 = arith.muli %and3A_524, %mul3A_526 : i32
      %dma_wait3A_528 = arith.constant 0 : i32
      %dma_wait3A_529 = tpu.memref_slice %arg16[%mul3A_527, %dma_wait3A_528] : memref<8x50xi32, #tpu.memory_space<vmem>> -> memref<4x50xi32, #tpu.memory_space<vmem>>
      %dma_wait3A_530 = arith.constant 0 : i32
      %dma_wait3A_531 = tpu.memref_slice %arg2[%mul3A_2, %dma_wait3A_530] : memref<16384x50xi32, #tpu.memory_space<hbm>> -> memref<4x50xi32, #tpu.memory_space<hbm>>
      %dma_wait3A_532 = arith.constant 0 : i32
      %dma_wait3A_533 = tpu.memref_slice %arg16[%mul3A_527, %dma_wait3A_532] : memref<8x50xi32, #tpu.memory_space<vmem>> -> memref<4x50xi32, #tpu.memory_space<vmem>>
      %dma_wait3A_534 = arith.constant 0 : i32
      %dma_wait3A_535 = tpu.memref_slice %arg2[%mul3A_2, %dma_wait3A_534] : memref<16384x50xi32, #tpu.memory_space<hbm>> -> memref<4x50xi32, #tpu.memory_space<hbm>>
      tpu.wait_dma2 semaphore(%arg24 : memref<!tpu.dma_semaphore, #tpu.memory_space<semaphore_mem>>) src(%dma_wait3A_535 : memref<4x50xi32, #tpu.memory_space<hbm>>) dst(%dma_wait3A_533 : memref<4x50xi32, #tpu.memory_space<vmem>>)
      %mul3A_536 = arith.constant 4 : i32
      %mul3A_537 = arith.muli %and3A_524, %mul3A_536 : i32
      %dma_wait3A_538 = arith.constant 0 : i32
      %dma_wait3A_539 = tpu.memref_slice %arg17[%mul3A_537, %dma_wait3A_538] : memref<8x20xi32, #tpu.memory_space<vmem>> -> memref<4x20xi32, #tpu.memory_space<vmem>>
      %dma_wait3A_540 = arith.constant 0 : i32
      %dma_wait3A_541 = tpu.memref_slice %arg3[%mul3A_2, %dma_wait3A_540] : memref<16384x20xi32, #tpu.memory_space<hbm>> -> memref<4x20xi32, #tpu.memory_space<hbm>>
      %dma_wait3A_542 = arith.constant 0 : i32
      %dma_wait3A_543 = tpu.memref_slice %arg17[%mul3A_537, %dma_wait3A_542] : memref<8x20xi32, #tpu.memory_space<vmem>> -> memref<4x20xi32, #tpu.memory_space<vmem>>
      %dma_wait3A_544 = arith.constant 0 : i32
      %dma_wait3A_545 = tpu.memref_slice %arg3[%mul3A_2, %dma_wait3A_544] : memref<16384x20xi32, #tpu.memory_space<hbm>> -> memref<4x20xi32, #tpu.memory_space<hbm>>
      tpu.wait_dma2 semaphore(%arg24 : memref<!tpu.dma_semaphore, #tpu.memory_space<semaphore_mem>>) src(%dma_wait3A_545 : memref<4x20xi32, #tpu.memory_space<hbm>>) dst(%dma_wait3A_543 : memref<4x20xi32, #tpu.memory_space<vmem>>)
      %mul3A_546 = arith.constant 4 : i32
      %mul3A_547 = arith.muli %and3A_524, %mul3A_546 : i32
      %add3A_548 = arith.constant 0 : i32
      %add3A_549 = arith.addi %mul3A_547, %add3A_548 : i32
      %dma_start3A_550 = arith.constant 0 : i32
      %dma_start3A_551 = arith.constant 0 : i32
      %dma_start3A_552 = tpu.memref_slice %arg18[%dma_start3A_550, %dma_start3A_551] : memref<200x128xf32, #tpu.memory_space<vmem>> -> memref<50x128xf32, #tpu.memory_space<vmem>>
      %dma_start3A_553 = arith.constant 0 : i32
      %dma_start3A_554 = tpu.memref_slice %arg16[%add3A_549, %dma_start3A_553] : memref<8x50xi32, #tpu.memory_space<vmem>> -> memref<1x50xi32, #tpu.memory_space<vmem>>
      %dma_start3A_555 = tpu.memref_squeeze %dma_start3A_554 : memref<1x50xi32, #tpu.memory_space<vmem>> -> memref<50xi32, #tpu.memory_space<vmem>>
      %dma_start3A_556 = arith.constant 0 : i32
      %dma_start3A_557 = arith.constant 0 : i32
      %dma_start3A_558 = tpu.memref_slice %arg4[%dma_start3A_556, %dma_start3A_557] : memref<100000x128xf32, #tpu.memory_space<hbm>> -> memref<100000x128xf32, #tpu.memory_space<hbm>>
      tpu.enqueue_indirect_dma source(%dma_start3A_558 : memref<100000x128xf32, #tpu.memory_space<hbm>>) target(%dma_start3A_552 : memref<50x128xf32, #tpu.memory_space<vmem>>) offsets(%dma_start3A_555 : memref<50xi32, #tpu.memory_space<vmem>>) semaphore(%arg22 : memref<!tpu.dma_semaphore, #tpu.memory_space<semaphore_mem>>)
      %mul3A_559 = arith.constant 4 : i32
      %mul3A_560 = arith.muli %and3A_524, %mul3A_559 : i32
      %add3A_561 = arith.constant 0 : i32
      %add3A_562 = arith.addi %mul3A_560, %add3A_561 : i32
      %dma_start3A_563 = arith.constant 0 : i32
      %dma_start3A_564 = arith.constant 0 : i32
      %dma_start3A_565 = tpu.memref_slice %arg19[%dma_start3A_563, %dma_start3A_564] : memref<80x128xf32, #tpu.memory_space<vmem>> -> memref<20x128xf32, #tpu.memory_space<vmem>>
      %dma_start3A_566 = arith.constant 0 : i32
      %dma_start3A_567 = tpu.memref_slice %arg17[%add3A_562, %dma_start3A_566] : memref<8x20xi32, #tpu.memory_space<vmem>> -> memref<1x20xi32, #tpu.memory_space<vmem>>
      %dma_start3A_568 = tpu.memref_squeeze %dma_start3A_567 : memref<1x20xi32, #tpu.memory_space<vmem>> -> memref<20xi32, #tpu.memory_space<vmem>>
      %dma_start3A_569 = arith.constant 0 : i32
      %dma_start3A_570 = arith.constant 0 : i32
      %dma_start3A_571 = tpu.memref_slice %arg5[%dma_start3A_569, %dma_start3A_570] : memref<100000x128xf32, #tpu.memory_space<hbm>> -> memref<100000x128xf32, #tpu.memory_space<hbm>>
      tpu.enqueue_indirect_dma source(%dma_start3A_571 : memref<100000x128xf32, #tpu.memory_space<hbm>>) target(%dma_start3A_565 : memref<20x128xf32, #tpu.memory_space<vmem>>) offsets(%dma_start3A_568 : memref<20xi32, #tpu.memory_space<vmem>>) semaphore(%arg23 : memref<!tpu.dma_semaphore, #tpu.memory_space<semaphore_mem>>)
      %mul3A_572 = arith.constant 4 : i32
      %mul3A_573 = arith.muli %and3A_524, %mul3A_572 : i32
      %add3A_574 = arith.constant 1 : i32
      %add3A_575 = arith.addi %mul3A_573, %add3A_574 : i32
      %dma_start3A_576 = arith.constant 50 : i32
      %dma_start3A_577 = arith.constant 0 : i32
      %dma_start3A_578 = tpu.memref_slice %arg18[%dma_start3A_576, %dma_start3A_577] : memref<200x128xf32, #tpu.memory_space<vmem>> -> memref<50x128xf32, #tpu.memory_space<vmem>>
      %dma_start3A_579 = arith.constant 0 : i32
      %dma_start3A_580 = tpu.memref_slice %arg16[%add3A_575, %dma_start3A_579] : memref<8x50xi32, #tpu.memory_space<vmem>> -> memref<1x50xi32, #tpu.memory_space<vmem>>
      %dma_start3A_581 = tpu.memref_squeeze %dma_start3A_580 : memref<1x50xi32, #tpu.memory_space<vmem>> -> memref<50xi32, #tpu.memory_space<vmem>>
      %dma_start3A_582 = arith.constant 0 : i32
      %dma_start3A_583 = arith.constant 0 : i32
      %dma_start3A_584 = tpu.memref_slice %arg4[%dma_start3A_582, %dma_start3A_583] : memref<100000x128xf32, #tpu.memory_space<hbm>> -> memref<100000x128xf32, #tpu.memory_space<hbm>>
      tpu.enqueue_indirect_dma source(%dma_start3A_584 : memref<100000x128xf32, #tpu.memory_space<hbm>>) target(%dma_start3A_578 : memref<50x128xf32, #tpu.memory_space<vmem>>) offsets(%dma_start3A_581 : memref<50xi32, #tpu.memory_space<vmem>>) semaphore(%arg22 : memref<!tpu.dma_semaphore, #tpu.memory_space<semaphore_mem>>)
      %mul3A_585 = arith.constant 4 : i32
      %mul3A_586 = arith.muli %and3A_524, %mul3A_585 : i32
      %add3A_587 = arith.constant 1 : i32
      %add3A_588 = arith.addi %mul3A_586, %add3A_587 : i32
      %dma_start3A_589 = arith.constant 20 : i32
      %dma_start3A_590 = arith.constant 0 : i32
      %dma_start3A_591 = tpu.memref_slice %arg19[%dma_start3A_589, %dma_start3A_590] : memref<80x128xf32, #tpu.memory_space<vmem>> -> memref<20x128xf32, #tpu.memory_space<vmem>>
      %dma_start3A_592 = arith.constant 0 : i32
      %dma_start3A_593 = tpu.memref_slice %arg17[%add3A_588, %dma_start3A_592] : memref<8x20xi32, #tpu.memory_space<vmem>> -> memref<1x20xi32, #tpu.memory_space<vmem>>
      %dma_start3A_594 = tpu.memref_squeeze %dma_start3A_593 : memref<1x20xi32, #tpu.memory_space<vmem>> -> memref<20xi32, #tpu.memory_space<vmem>>
      %dma_start3A_595 = arith.constant 0 : i32
      %dma_start3A_596 = arith.constant 0 : i32
      %dma_start3A_597 = tpu.memref_slice %arg5[%dma_start3A_595, %dma_start3A_596] : memref<100000x128xf32, #tpu.memory_space<hbm>> -> memref<100000x128xf32, #tpu.memory_space<hbm>>
      tpu.enqueue_indirect_dma source(%dma_start3A_597 : memref<100000x128xf32, #tpu.memory_space<hbm>>) target(%dma_start3A_591 : memref<20x128xf32, #tpu.memory_space<vmem>>) offsets(%dma_start3A_594 : memref<20xi32, #tpu.memory_space<vmem>>) semaphore(%arg23 : memref<!tpu.dma_semaphore, #tpu.memory_space<semaphore_mem>>)
      %mul3A_598 = arith.constant 4 : i32
      %mul3A_599 = arith.muli %and3A_524, %mul3A_598 : i32
      %add3A_600 = arith.constant 2 : i32
      %add3A_601 = arith.addi %mul3A_599, %add3A_600 : i32
      %dma_start3A_602 = arith.constant 100 : i32
      %dma_start3A_603 = arith.constant 0 : i32
      %dma_start3A_604 = tpu.memref_slice %arg18[%dma_start3A_602, %dma_start3A_603] : memref<200x128xf32, #tpu.memory_space<vmem>> -> memref<50x128xf32, #tpu.memory_space<vmem>>
      %dma_start3A_605 = arith.constant 0 : i32
      %dma_start3A_606 = tpu.memref_slice %arg16[%add3A_601, %dma_start3A_605] : memref<8x50xi32, #tpu.memory_space<vmem>> -> memref<1x50xi32, #tpu.memory_space<vmem>>
      %dma_start3A_607 = tpu.memref_squeeze %dma_start3A_606 : memref<1x50xi32, #tpu.memory_space<vmem>> -> memref<50xi32, #tpu.memory_space<vmem>>
      %dma_start3A_608 = arith.constant 0 : i32
      %dma_start3A_609 = arith.constant 0 : i32
      %dma_start3A_610 = tpu.memref_slice %arg4[%dma_start3A_608, %dma_start3A_609] : memref<100000x128xf32, #tpu.memory_space<hbm>> -> memref<100000x128xf32, #tpu.memory_space<hbm>>
      tpu.enqueue_indirect_dma source(%dma_start3A_610 : memref<100000x128xf32, #tpu.memory_space<hbm>>) target(%dma_start3A_604 : memref<50x128xf32, #tpu.memory_space<vmem>>) offsets(%dma_start3A_607 : memref<50xi32, #tpu.memory_space<vmem>>) semaphore(%arg22 : memref<!tpu.dma_semaphore, #tpu.memory_space<semaphore_mem>>)
      %mul3A_611 = arith.constant 4 : i32
      %mul3A_612 = arith.muli %and3A_524, %mul3A_611 : i32
      %add3A_613 = arith.constant 2 : i32
      %add3A_614 = arith.addi %mul3A_612, %add3A_613 : i32
      %dma_start3A_615 = arith.constant 40 : i32
      %dma_start3A_616 = arith.constant 0 : i32
      %dma_start3A_617 = tpu.memref_slice %arg19[%dma_start3A_615, %dma_start3A_616] : memref<80x128xf32, #tpu.memory_space<vmem>> -> memref<20x128xf32, #tpu.memory_space<vmem>>
      %dma_start3A_618 = arith.constant 0 : i32
      %dma_start3A_619 = tpu.memref_slice %arg17[%add3A_614, %dma_start3A_618] : memref<8x20xi32, #tpu.memory_space<vmem>> -> memref<1x20xi32, #tpu.memory_space<vmem>>
      %dma_start3A_620 = tpu.memref_squeeze %dma_start3A_619 : memref<1x20xi32, #tpu.memory_space<vmem>> -> memref<20xi32, #tpu.memory_space<vmem>>
      %dma_start3A_621 = arith.constant 0 : i32
      %dma_start3A_622 = arith.constant 0 : i32
      %dma_start3A_623 = tpu.memref_slice %arg5[%dma_start3A_621, %dma_start3A_622] : memref<100000x128xf32, #tpu.memory_space<hbm>> -> memref<100000x128xf32, #tpu.memory_space<hbm>>
      tpu.enqueue_indirect_dma source(%dma_start3A_623 : memref<100000x128xf32, #tpu.memory_space<hbm>>) target(%dma_start3A_617 : memref<20x128xf32, #tpu.memory_space<vmem>>) offsets(%dma_start3A_620 : memref<20xi32, #tpu.memory_space<vmem>>) semaphore(%arg23 : memref<!tpu.dma_semaphore, #tpu.memory_space<semaphore_mem>>)
      %mul3A_624 = arith.constant 4 : i32
      %mul3A_625 = arith.muli %and3A_524, %mul3A_624 : i32
      %add3A_626 = arith.constant 3 : i32
      %add3A_627 = arith.addi %mul3A_625, %add3A_626 : i32
      %dma_start3A_628 = arith.constant 150 : i32
      %dma_start3A_629 = arith.constant 0 : i32
      %dma_start3A_630 = tpu.memref_slice %arg18[%dma_start3A_628, %dma_start3A_629] : memref<200x128xf32, #tpu.memory_space<vmem>> -> memref<50x128xf32, #tpu.memory_space<vmem>>
      %dma_start3A_631 = arith.constant 0 : i32
      %dma_start3A_632 = tpu.memref_slice %arg16[%add3A_627, %dma_start3A_631] : memref<8x50xi32, #tpu.memory_space<vmem>> -> memref<1x50xi32, #tpu.memory_space<vmem>>
      %dma_start3A_633 = tpu.memref_squeeze %dma_start3A_632 : memref<1x50xi32, #tpu.memory_space<vmem>> -> memref<50xi32, #tpu.memory_space<vmem>>
      %dma_start3A_634 = arith.constant 0 : i32
      %dma_start3A_635 = arith.constant 0 : i32
      %dma_start3A_636 = tpu.memref_slice %arg4[%dma_start3A_634, %dma_start3A_635] : memref<100000x128xf32, #tpu.memory_space<hbm>> -> memref<100000x128xf32, #tpu.memory_space<hbm>>
      tpu.enqueue_indirect_dma source(%dma_start3A_636 : memref<100000x128xf32, #tpu.memory_space<hbm>>) target(%dma_start3A_630 : memref<50x128xf32, #tpu.memory_space<vmem>>) offsets(%dma_start3A_633 : memref<50xi32, #tpu.memory_space<vmem>>) semaphore(%arg22 : memref<!tpu.dma_semaphore, #tpu.memory_space<semaphore_mem>>)
      %mul3A_637 = arith.constant 4 : i32
      %mul3A_638 = arith.muli %and3A_524, %mul3A_637 : i32
      %add3A_639 = arith.constant 3 : i32
      %add3A_640 = arith.addi %mul3A_638, %add3A_639 : i32
      %dma_start3A_641 = arith.constant 60 : i32
      %dma_start3A_642 = arith.constant 0 : i32
      %dma_start3A_643 = tpu.memref_slice %arg19[%dma_start3A_641, %dma_start3A_642] : memref<80x128xf32, #tpu.memory_space<vmem>> -> memref<20x128xf32, #tpu.memory_space<vmem>>
      %dma_start3A_644 = arith.constant 0 : i32
      %dma_start3A_645 = tpu.memref_slice %arg17[%add3A_640, %dma_start3A_644] : memref<8x20xi32, #tpu.memory_space<vmem>> -> memref<1x20xi32, #tpu.memory_space<vmem>>
      %dma_start3A_646 = tpu.memref_squeeze %dma_start3A_645 : memref<1x20xi32, #tpu.memory_space<vmem>> -> memref<20xi32, #tpu.memory_space<vmem>>
      %dma_start3A_647 = arith.constant 0 : i32
      %dma_start3A_648 = arith.constant 0 : i32
      %dma_start3A_649 = tpu.memref_slice %arg5[%dma_start3A_647, %dma_start3A_648] : memref<100000x128xf32, #tpu.memory_space<hbm>> -> memref<100000x128xf32, #tpu.memory_space<hbm>>
      tpu.enqueue_indirect_dma source(%dma_start3A_649 : memref<100000x128xf32, #tpu.memory_space<hbm>>) target(%dma_start3A_643 : memref<20x128xf32, #tpu.memory_space<vmem>>) offsets(%dma_start3A_646 : memref<20xi32, #tpu.memory_space<vmem>>) semaphore(%arg23 : memref<!tpu.dma_semaphore, #tpu.memory_space<semaphore_mem>>)
      %add3A_650 = arith.constant 2 : i32
      %add3A_651 = arith.addi %mul3A_519, %add3A_650 : i32
      %min3A = arith.minsi %add3A_651, %scan3A_377 : i32
      %mul3A_652 = arith.constant 4 : i32
      %mul3A_653 = arith.muli %min3A, %mul3A_652 : i32
      %add3A_654 = arith.addi %mul3A_2, %mul3A_653 : i32
      %mul3A_655 = arith.constant 4 : i32
      %mul3A_656 = arith.muli %sub3A_525, %mul3A_655 : i32
      %dma_start3A_657 = arith.constant 0 : i32
      %dma_start3A_658 = tpu.memref_slice %arg7[%mul3A_656, %dma_start3A_657] : memref<8x50xi32, #tpu.memory_space<vmem>> -> memref<4x50xi32, #tpu.memory_space<vmem>>
      %dma_start3A_659 = arith.constant 0 : i32
      %dma_start3A_660 = tpu.memref_slice %arg2[%add3A_654, %dma_start3A_659] : memref<16384x50xi32, #tpu.memory_space<hbm>> -> memref<4x50xi32, #tpu.memory_space<hbm>>
      %dma_start3A_661 = arith.constant 0 : i32
      %dma_start3A_662 = tpu.memref_slice %arg7[%mul3A_656, %dma_start3A_661] : memref<8x50xi32, #tpu.memory_space<vmem>> -> memref<4x50xi32, #tpu.memory_space<vmem>>
      %dma_start3A_663 = arith.constant 0 : i32
      %dma_start3A_664 = tpu.memref_slice %arg2[%add3A_654, %dma_start3A_663] : memref<16384x50xi32, #tpu.memory_space<hbm>> -> memref<4x50xi32, #tpu.memory_space<hbm>>
      tpu.enqueue_dma source(%dma_start3A_664 : memref<4x50xi32, #tpu.memory_space<hbm>>) target(%dma_start3A_662 : memref<4x50xi32, #tpu.memory_space<vmem>>) target_semaphore(%arg15 : memref<!tpu.dma_semaphore, #tpu.memory_space<semaphore_mem>>)
      %mul3A_665 = arith.constant 4 : i32
      %mul3A_666 = arith.muli %sub3A_525, %mul3A_665 : i32
      %dma_start3A_667 = arith.constant 0 : i32
      %dma_start3A_668 = tpu.memref_slice %arg8[%mul3A_666, %dma_start3A_667] : memref<8x20xi32, #tpu.memory_space<vmem>> -> memref<4x20xi32, #tpu.memory_space<vmem>>
      %dma_start3A_669 = arith.constant 0 : i32
      %dma_start3A_670 = tpu.memref_slice %arg3[%add3A_654, %dma_start3A_669] : memref<16384x20xi32, #tpu.memory_space<hbm>> -> memref<4x20xi32, #tpu.memory_space<hbm>>
      %dma_start3A_671 = arith.constant 0 : i32
      %dma_start3A_672 = tpu.memref_slice %arg8[%mul3A_666, %dma_start3A_671] : memref<8x20xi32, #tpu.memory_space<vmem>> -> memref<4x20xi32, #tpu.memory_space<vmem>>
      %dma_start3A_673 = arith.constant 0 : i32
      %dma_start3A_674 = tpu.memref_slice %arg3[%add3A_654, %dma_start3A_673] : memref<16384x20xi32, #tpu.memory_space<hbm>> -> memref<4x20xi32, #tpu.memory_space<hbm>>
      tpu.enqueue_dma source(%dma_start3A_674 : memref<4x20xi32, #tpu.memory_space<hbm>>) target(%dma_start3A_672 : memref<4x20xi32, #tpu.memory_space<vmem>>) target_semaphore(%arg15 : memref<!tpu.dma_semaphore, #tpu.memory_space<semaphore_mem>>)
      %mul3A_675 = arith.constant 4 : i32
      %mul3A_676 = arith.muli %and3A_524, %mul3A_675 : i32
      %add3A_677 = arith.constant 0 : i32
      %add3A_678 = arith.addi %mul3A_676, %add3A_677 : i32
      %dma_wait3A_679 = arith.constant 0 : i32
      %dma_wait3A_680 = arith.constant 0 : i32
      %dma_wait3A_681 = tpu.memref_slice %arg9[%dma_wait3A_679, %dma_wait3A_680] : memref<200x128xf32, #tpu.memory_space<vmem>> -> memref<50x128xf32, #tpu.memory_space<vmem>>
      %dma_wait3A_682 = arith.constant 0 : i32
      %dma_wait3A_683 = tpu.memref_slice %arg7[%add3A_678, %dma_wait3A_682] : memref<8x50xi32, #tpu.memory_space<vmem>> -> memref<1x50xi32, #tpu.memory_space<vmem>>
      %dma_wait3A_684 = tpu.memref_squeeze %dma_wait3A_683 : memref<1x50xi32, #tpu.memory_space<vmem>> -> memref<50xi32, #tpu.memory_space<vmem>>
      %dma_wait3A_685 = arith.constant 0 : i32
      %dma_wait3A_686 = arith.constant 0 : i32
      %dma_wait3A_687 = tpu.memref_slice %arg4[%dma_wait3A_685, %dma_wait3A_686] : memref<100000x128xf32, #tpu.memory_space<hbm>> -> memref<100000x128xf32, #tpu.memory_space<hbm>>
      tpu.wait_indirect_dma semaphore(%arg13 : memref<!tpu.dma_semaphore, #tpu.memory_space<semaphore_mem>>) src(%dma_wait3A_687 : memref<100000x128xf32, #tpu.memory_space<hbm>>) dst(%dma_wait3A_681 : memref<50x128xf32, #tpu.memory_space<vmem>>)
      %mul3A_688 = arith.constant 4 : i32
      %mul3A_689 = arith.muli %and3A_524, %mul3A_688 : i32
      %add3A_690 = arith.constant 0 : i32
      %add3A_691 = arith.addi %mul3A_689, %add3A_690 : i32
      %dma_wait3A_692 = arith.constant 0 : i32
      %dma_wait3A_693 = arith.constant 0 : i32
      %dma_wait3A_694 = tpu.memref_slice %arg10[%dma_wait3A_692, %dma_wait3A_693] : memref<80x128xf32, #tpu.memory_space<vmem>> -> memref<20x128xf32, #tpu.memory_space<vmem>>
      %dma_wait3A_695 = arith.constant 0 : i32
      %dma_wait3A_696 = tpu.memref_slice %arg8[%add3A_691, %dma_wait3A_695] : memref<8x20xi32, #tpu.memory_space<vmem>> -> memref<1x20xi32, #tpu.memory_space<vmem>>
      %dma_wait3A_697 = tpu.memref_squeeze %dma_wait3A_696 : memref<1x20xi32, #tpu.memory_space<vmem>> -> memref<20xi32, #tpu.memory_space<vmem>>
      %dma_wait3A_698 = arith.constant 0 : i32
      %dma_wait3A_699 = arith.constant 0 : i32
      %dma_wait3A_700 = tpu.memref_slice %arg5[%dma_wait3A_698, %dma_wait3A_699] : memref<100000x128xf32, #tpu.memory_space<hbm>> -> memref<100000x128xf32, #tpu.memory_space<hbm>>
      tpu.wait_indirect_dma semaphore(%arg14 : memref<!tpu.dma_semaphore, #tpu.memory_space<semaphore_mem>>) src(%dma_wait3A_700 : memref<100000x128xf32, #tpu.memory_space<hbm>>) dst(%dma_wait3A_694 : memref<20x128xf32, #tpu.memory_space<vmem>>)
      %mul3A_701 = arith.constant 4 : i32
      %mul3A_702 = arith.muli %and3A_524, %mul3A_701 : i32
      %add3A_703 = arith.constant 1 : i32
      %add3A_704 = arith.addi %mul3A_702, %add3A_703 : i32
      %dma_wait3A_705 = arith.constant 50 : i32
      %dma_wait3A_706 = arith.constant 0 : i32
      %dma_wait3A_707 = tpu.memref_slice %arg9[%dma_wait3A_705, %dma_wait3A_706] : memref<200x128xf32, #tpu.memory_space<vmem>> -> memref<50x128xf32, #tpu.memory_space<vmem>>
      %dma_wait3A_708 = arith.constant 0 : i32
      %dma_wait3A_709 = tpu.memref_slice %arg7[%add3A_704, %dma_wait3A_708] : memref<8x50xi32, #tpu.memory_space<vmem>> -> memref<1x50xi32, #tpu.memory_space<vmem>>
      %dma_wait3A_710 = tpu.memref_squeeze %dma_wait3A_709 : memref<1x50xi32, #tpu.memory_space<vmem>> -> memref<50xi32, #tpu.memory_space<vmem>>
      %dma_wait3A_711 = arith.constant 0 : i32
      %dma_wait3A_712 = arith.constant 0 : i32
      %dma_wait3A_713 = tpu.memref_slice %arg4[%dma_wait3A_711, %dma_wait3A_712] : memref<100000x128xf32, #tpu.memory_space<hbm>> -> memref<100000x128xf32, #tpu.memory_space<hbm>>
      tpu.wait_indirect_dma semaphore(%arg13 : memref<!tpu.dma_semaphore, #tpu.memory_space<semaphore_mem>>) src(%dma_wait3A_713 : memref<100000x128xf32, #tpu.memory_space<hbm>>) dst(%dma_wait3A_707 : memref<50x128xf32, #tpu.memory_space<vmem>>)
      %mul3A_714 = arith.constant 4 : i32
      %mul3A_715 = arith.muli %and3A_524, %mul3A_714 : i32
      %add3A_716 = arith.constant 1 : i32
      %add3A_717 = arith.addi %mul3A_715, %add3A_716 : i32
      %dma_wait3A_718 = arith.constant 20 : i32
      %dma_wait3A_719 = arith.constant 0 : i32
      %dma_wait3A_720 = tpu.memref_slice %arg10[%dma_wait3A_718, %dma_wait3A_719] : memref<80x128xf32, #tpu.memory_space<vmem>> -> memref<20x128xf32, #tpu.memory_space<vmem>>
      %dma_wait3A_721 = arith.constant 0 : i32
      %dma_wait3A_722 = tpu.memref_slice %arg8[%add3A_717, %dma_wait3A_721] : memref<8x20xi32, #tpu.memory_space<vmem>> -> memref<1x20xi32, #tpu.memory_space<vmem>>
      %dma_wait3A_723 = tpu.memref_squeeze %dma_wait3A_722 : memref<1x20xi32, #tpu.memory_space<vmem>> -> memref<20xi32, #tpu.memory_space<vmem>>
      %dma_wait3A_724 = arith.constant 0 : i32
      %dma_wait3A_725 = arith.constant 0 : i32
      %dma_wait3A_726 = tpu.memref_slice %arg5[%dma_wait3A_724, %dma_wait3A_725] : memref<100000x128xf32, #tpu.memory_space<hbm>> -> memref<100000x128xf32, #tpu.memory_space<hbm>>
      tpu.wait_indirect_dma semaphore(%arg14 : memref<!tpu.dma_semaphore, #tpu.memory_space<semaphore_mem>>) src(%dma_wait3A_726 : memref<100000x128xf32, #tpu.memory_space<hbm>>) dst(%dma_wait3A_720 : memref<20x128xf32, #tpu.memory_space<vmem>>)
      %mul3A_727 = arith.constant 4 : i32
      %mul3A_728 = arith.muli %and3A_524, %mul3A_727 : i32
      %add3A_729 = arith.constant 2 : i32
      %add3A_730 = arith.addi %mul3A_728, %add3A_729 : i32
      %dma_wait3A_731 = arith.constant 100 : i32
      %dma_wait3A_732 = arith.constant 0 : i32
      %dma_wait3A_733 = tpu.memref_slice %arg9[%dma_wait3A_731, %dma_wait3A_732] : memref<200x128xf32, #tpu.memory_space<vmem>> -> memref<50x128xf32, #tpu.memory_space<vmem>>
      %dma_wait3A_734 = arith.constant 0 : i32
      %dma_wait3A_735 = tpu.memref_slice %arg7[%add3A_730, %dma_wait3A_734] : memref<8x50xi32, #tpu.memory_space<vmem>> -> memref<1x50xi32, #tpu.memory_space<vmem>>
      %dma_wait3A_736 = tpu.memref_squeeze %dma_wait3A_735 : memref<1x50xi32, #tpu.memory_space<vmem>> -> memref<50xi32, #tpu.memory_space<vmem>>
      %dma_wait3A_737 = arith.constant 0 : i32
      %dma_wait3A_738 = arith.constant 0 : i32
      %dma_wait3A_739 = tpu.memref_slice %arg4[%dma_wait3A_737, %dma_wait3A_738] : memref<100000x128xf32, #tpu.memory_space<hbm>> -> memref<100000x128xf32, #tpu.memory_space<hbm>>
      tpu.wait_indirect_dma semaphore(%arg13 : memref<!tpu.dma_semaphore, #tpu.memory_space<semaphore_mem>>) src(%dma_wait3A_739 : memref<100000x128xf32, #tpu.memory_space<hbm>>) dst(%dma_wait3A_733 : memref<50x128xf32, #tpu.memory_space<vmem>>)
      %mul3A_740 = arith.constant 4 : i32
      %mul3A_741 = arith.muli %and3A_524, %mul3A_740 : i32
      %add3A_742 = arith.constant 2 : i32
      %add3A_743 = arith.addi %mul3A_741, %add3A_742 : i32
      %dma_wait3A_744 = arith.constant 40 : i32
      %dma_wait3A_745 = arith.constant 0 : i32
      %dma_wait3A_746 = tpu.memref_slice %arg10[%dma_wait3A_744, %dma_wait3A_745] : memref<80x128xf32, #tpu.memory_space<vmem>> -> memref<20x128xf32, #tpu.memory_space<vmem>>
      %dma_wait3A_747 = arith.constant 0 : i32
      %dma_wait3A_748 = tpu.memref_slice %arg8[%add3A_743, %dma_wait3A_747] : memref<8x20xi32, #tpu.memory_space<vmem>> -> memref<1x20xi32, #tpu.memory_space<vmem>>
      %dma_wait3A_749 = tpu.memref_squeeze %dma_wait3A_748 : memref<1x20xi32, #tpu.memory_space<vmem>> -> memref<20xi32, #tpu.memory_space<vmem>>
      %dma_wait3A_750 = arith.constant 0 : i32
      %dma_wait3A_751 = arith.constant 0 : i32
      %dma_wait3A_752 = tpu.memref_slice %arg5[%dma_wait3A_750, %dma_wait3A_751] : memref<100000x128xf32, #tpu.memory_space<hbm>> -> memref<100000x128xf32, #tpu.memory_space<hbm>>
      tpu.wait_indirect_dma semaphore(%arg14 : memref<!tpu.dma_semaphore, #tpu.memory_space<semaphore_mem>>) src(%dma_wait3A_752 : memref<100000x128xf32, #tpu.memory_space<hbm>>) dst(%dma_wait3A_746 : memref<20x128xf32, #tpu.memory_space<vmem>>)
      %mul3A_753 = arith.constant 4 : i32
      %mul3A_754 = arith.muli %and3A_524, %mul3A_753 : i32
      %add3A_755 = arith.constant 3 : i32
      %add3A_756 = arith.addi %mul3A_754, %add3A_755 : i32
      %dma_wait3A_757 = arith.constant 150 : i32
      %dma_wait3A_758 = arith.constant 0 : i32
      %dma_wait3A_759 = tpu.memref_slice %arg9[%dma_wait3A_757, %dma_wait3A_758] : memref<200x128xf32, #tpu.memory_space<vmem>> -> memref<50x128xf32, #tpu.memory_space<vmem>>
      %dma_wait3A_760 = arith.constant 0 : i32
      %dma_wait3A_761 = tpu.memref_slice %arg7[%add3A_756, %dma_wait3A_760] : memref<8x50xi32, #tpu.memory_space<vmem>> -> memref<1x50xi32, #tpu.memory_space<vmem>>
      %dma_wait3A_762 = tpu.memref_squeeze %dma_wait3A_761 : memref<1x50xi32, #tpu.memory_space<vmem>> -> memref<50xi32, #tpu.memory_space<vmem>>
      %dma_wait3A_763 = arith.constant 0 : i32
      %dma_wait3A_764 = arith.constant 0 : i32
      %dma_wait3A_765 = tpu.memref_slice %arg4[%dma_wait3A_763, %dma_wait3A_764] : memref<100000x128xf32, #tpu.memory_space<hbm>> -> memref<100000x128xf32, #tpu.memory_space<hbm>>
      tpu.wait_indirect_dma semaphore(%arg13 : memref<!tpu.dma_semaphore, #tpu.memory_space<semaphore_mem>>) src(%dma_wait3A_765 : memref<100000x128xf32, #tpu.memory_space<hbm>>) dst(%dma_wait3A_759 : memref<50x128xf32, #tpu.memory_space<vmem>>)
      %mul3A_766 = arith.constant 4 : i32
      %mul3A_767 = arith.muli %and3A_524, %mul3A_766 : i32
      %add3A_768 = arith.constant 3 : i32
      %add3A_769 = arith.addi %mul3A_767, %add3A_768 : i32
      %dma_wait3A_770 = arith.constant 60 : i32
      %dma_wait3A_771 = arith.constant 0 : i32
      %dma_wait3A_772 = tpu.memref_slice %arg10[%dma_wait3A_770, %dma_wait3A_771] : memref<80x128xf32, #tpu.memory_space<vmem>> -> memref<20x128xf32, #tpu.memory_space<vmem>>
      %dma_wait3A_773 = arith.constant 0 : i32
      %dma_wait3A_774 = tpu.memref_slice %arg8[%add3A_769, %dma_wait3A_773] : memref<8x20xi32, #tpu.memory_space<vmem>> -> memref<1x20xi32, #tpu.memory_space<vmem>>
      %dma_wait3A_775 = tpu.memref_squeeze %dma_wait3A_774 : memref<1x20xi32, #tpu.memory_space<vmem>> -> memref<20xi32, #tpu.memory_space<vmem>>
      %dma_wait3A_776 = arith.constant 0 : i32
      %dma_wait3A_777 = arith.constant 0 : i32
      %dma_wait3A_778 = tpu.memref_slice %arg5[%dma_wait3A_776, %dma_wait3A_777] : memref<100000x128xf32, #tpu.memory_space<hbm>> -> memref<100000x128xf32, #tpu.memory_space<hbm>>
      tpu.wait_indirect_dma semaphore(%arg14 : memref<!tpu.dma_semaphore, #tpu.memory_space<semaphore_mem>>) src(%dma_wait3A_778 : memref<100000x128xf32, #tpu.memory_space<hbm>>) dst(%dma_wait3A_772 : memref<20x128xf32, #tpu.memory_space<vmem>>)
      %scan3A_779 = arith.constant 0 : i32
      %scan3A_780 = arith.constant 0 : i32
      %scan3A_781 = arith.constant 4 : i32
      %scan3A_782 = arith.addi %scan3A_780, %scan3A_781 : i32
      %scan3A_783 = arith.constant 1 : i32
      scf.for %scan3A_1063 = %scan3A_780 to %scan3A_782 step %scan3A_783  : i32 {
        %mul3A_1064 = arith.constant 4 : i32
        %mul3A_1065 = arith.muli %and3A_524, %mul3A_1064 : i32
        %add3A_1066 = arith.addi %mul3A_1065, %scan3A_1063 : i32
        %broadcast_in_dim3A_1067 = vector.broadcast %add3A_1066 : i32 to vector<16xi32>
        %broadcast_in_dim3A_1068 = vector.broadcast %scan3A_1063 : i32 to vector<16xi32>
        %broadcast_in_dim3A_1069 = arith.constant 0.000000e+00 : f32
        %broadcast_in_dim3A_1070 = vector.broadcast %broadcast_in_dim3A_1069 : f32 to vector<16xf32>
        %add3A_1071 = arith.constant 0 : i32
        %add3A_1072 = vector.broadcast %add3A_1071 : i32 to vector<16xi32>
        %add3A_1073 = arith.addi %iota3A, %add3A_1072 : vector<16xi32>
        %gather3A = tpu.vector_load_idx %arg7[%broadcast_in_dim3A_1067, %add3A_1073] : memref<8x50xi32, #tpu.memory_space<vmem>>[vector<16xi32>, vector<16xi32>], vector<16xi32>,
        %eq3A = arith.constant 0 : i32
        %eq3A_1074 = vector.broadcast %eq3A : i32 to vector<16xi32>
        %eq3A_1075 = arith.cmpi eq, %gather3A, %eq3A_1074 : vector<16xi32>
        %jit3A = arith.constant 1.000000e+00 : f32
        %jit3A_1076 = arith.constant 0.000000e+00 : f32
        %broadcast_in_dim3A_1077 = vector.broadcast %jit3A : f32 to vector<16xf32>
        %broadcast_in_dim3A_1078 = vector.broadcast %jit3A_1076 : f32 to vector<16xf32>
        %select_n3A = arith.select %eq3A_1075, %broadcast_in_dim3A_1077, %broadcast_in_dim3A_1078 : vector<16xi1>, vector<16xf32>
        %add3A_1079 = arith.addf %broadcast_in_dim3A_1070, %select_n3A : vector<16xf32>
        %add3A_1080 = arith.constant 16 : i32
        %add3A_1081 = vector.broadcast %add3A_1080 : i32 to vector<16xi32>
        %add3A_1082 = arith.addi %iota3A, %add3A_1081 : vector<16xi32>
        %gather3A_1083 = tpu.vector_load_idx %arg7[%broadcast_in_dim3A_1067, %add3A_1082] : memref<8x50xi32, #tpu.memory_space<vmem>>[vector<16xi32>, vector<16xi32>], vector<16xi32>,
        %eq3A_1084 = arith.constant 0 : i32
        %eq3A_1085 = vector.broadcast %eq3A_1084 : i32 to vector<16xi32>
        %eq3A_1086 = arith.cmpi eq, %gather3A_1083, %eq3A_1085 : vector<16xi32>
        %jit3A_1087 = arith.constant 1.000000e+00 : f32
        %jit3A_1088 = arith.constant 0.000000e+00 : f32
        %broadcast_in_dim3A_1089 = vector.broadcast %jit3A_1087 : f32 to vector<16xf32>
        %broadcast_in_dim3A_1090 = vector.broadcast %jit3A_1088 : f32 to vector<16xf32>
        %select_n3A_1091 = arith.select %eq3A_1086, %broadcast_in_dim3A_1089, %broadcast_in_dim3A_1090 : vector<16xi1>, vector<16xf32>
        %add3A_1092 = arith.addf %add3A_1079, %select_n3A_1091 : vector<16xf32>
        %add3A_1093 = arith.constant 32 : i32
        %add3A_1094 = vector.broadcast %add3A_1093 : i32 to vector<16xi32>
        %add3A_1095 = arith.addi %iota3A, %add3A_1094 : vector<16xi32>
        %gather3A_1096 = tpu.vector_load_idx %arg7[%broadcast_in_dim3A_1067, %add3A_1095] : memref<8x50xi32, #tpu.memory_space<vmem>>[vector<16xi32>, vector<16xi32>], vector<16xi32>,
        %eq3A_1097 = arith.constant 0 : i32
        %eq3A_1098 = vector.broadcast %eq3A_1097 : i32 to vector<16xi32>
        %eq3A_1099 = arith.cmpi eq, %gather3A_1096, %eq3A_1098 : vector<16xi32>
        %jit3A_1100 = arith.constant 1.000000e+00 : f32
        %jit3A_1101 = arith.constant 0.000000e+00 : f32
        %broadcast_in_dim3A_1102 = vector.broadcast %jit3A_1100 : f32 to vector<16xf32>
        %broadcast_in_dim3A_1103 = vector.broadcast %jit3A_1101 : f32 to vector<16xf32>
        %select_n3A_1104 = arith.select %eq3A_1099, %broadcast_in_dim3A_1102, %broadcast_in_dim3A_1103 : vector<16xi1>, vector<16xf32>
        %add3A_1105 = arith.addf %add3A_1092, %select_n3A_1104 : vector<16xf32>
        %add3A_1106 = arith.constant 34 : i32
        %add3A_1107 = vector.broadcast %add3A_1106 : i32 to vector<16xi32>
        %add3A_1108 = arith.addi %iota3A, %add3A_1107 : vector<16xi32>
        %gather3A_1109 = tpu.vector_load_idx %arg7[%broadcast_in_dim3A_1067, %add3A_1108] : memref<8x50xi32, #tpu.memory_space<vmem>>[vector<16xi32>, vector<16xi32>], vector<16xi32>,
        %eq3A_1110 = arith.constant 0 : i32
        %eq3A_1111 = vector.broadcast %eq3A_1110 : i32 to vector<16xi32>
        %eq3A_1112 = arith.cmpi eq, %gather3A_1109, %eq3A_1111 : vector<16xi32>
        %ge3A = arith.constant 14 : i32
        %ge3A_1113 = vector.broadcast %ge3A : i32 to vector<16xi32>
        %ge3A_1114 = arith.cmpi sge, %iota3A, %ge3A_1113 : vector<16xi32>
        %and3A_1115 = arith.andi %eq3A_1112, %ge3A_1114 : vector<16xi1>
        %jit3A_1116 = arith.constant 1.000000e+00 : f32
        %jit3A_1117 = arith.constant 0.000000e+00 : f32
        %broadcast_in_dim3A_1118 = vector.broadcast %jit3A_1116 : f32 to vector<16xf32>
        %broadcast_in_dim3A_1119 = vector.broadcast %jit3A_1117 : f32 to vector<16xf32>
        %select_n3A_1120 = arith.select %and3A_1115, %broadcast_in_dim3A_1118, %broadcast_in_dim3A_1119 : vector<16xi1>, vector<16xf32>
        %add3A_1121 = arith.addf %add3A_1105, %select_n3A_1120 : vector<16xf32>
        %xor3A = arith.constant 8 : i32
        %xor3A_1122 = vector.broadcast %xor3A : i32 to vector<16xi32>
        %xor3A_1123 = arith.xori %iota3A, %xor3A_1122 : vector<16xi32>
        %broadcast_in_dim3A_1124 = vector.shape_cast %xor3A_1123 : vector<16xi32> to vector<16x1xi32>
        %gather3A_1125 = vector.shape_cast %broadcast_in_dim3A_1124 : vector<16x1xi32> to vector<16xi32>
        %gather3A_1126 = tpu.dynamic_gather %add3A_1121[%gather3A_1125] in [0] : vector<16xf32>, vector<16xi32> -> vector<16xf32>
        %add3A_1127 = arith.addf %add3A_1121, %gather3A_1126 : vector<16xf32>
        %xor3A_1128 = arith.constant 4 : i32
        %xor3A_1129 = vector.broadcast %xor3A_1128 : i32 to vector<16xi32>
        %xor3A_1130 = arith.xori %iota3A, %xor3A_1129 : vector<16xi32>
        %broadcast_in_dim3A_1131 = vector.shape_cast %xor3A_1130 : vector<16xi32> to vector<16x1xi32>
        %gather3A_1132 = vector.shape_cast %broadcast_in_dim3A_1131 : vector<16x1xi32> to vector<16xi32>
        %gather3A_1133 = tpu.dynamic_gather %add3A_1127[%gather3A_1132] in [0] : vector<16xf32>, vector<16xi32> -> vector<16xf32>
        %add3A_1134 = arith.addf %add3A_1127, %gather3A_1133 : vector<16xf32>
        %xor3A_1135 = arith.constant 2 : i32
        %xor3A_1136 = vector.broadcast %xor3A_1135 : i32 to vector<16xi32>
        %xor3A_1137 = arith.xori %iota3A, %xor3A_1136 : vector<16xi32>
        %broadcast_in_dim3A_1138 = vector.shape_cast %xor3A_1137 : vector<16xi32> to vector<16x1xi32>
        %gather3A_1139 = vector.shape_cast %broadcast_in_dim3A_1138 : vector<16x1xi32> to vector<16xi32>
        %gather3A_1140 = tpu.dynamic_gather %add3A_1134[%gather3A_1139] in [0] : vector<16xf32>, vector<16xi32> -> vector<16xf32>
        %add3A_1141 = arith.addf %add3A_1134, %gather3A_1140 : vector<16xf32>
        %xor3A_1142 = arith.constant 1 : i32
        %xor3A_1143 = vector.broadcast %xor3A_1142 : i32 to vector<16xi32>
        %xor3A_1144 = arith.xori %iota3A, %xor3A_1143 : vector<16xi32>
        %broadcast_in_dim3A_1145 = vector.shape_cast %xor3A_1144 : vector<16xi32> to vector<16x1xi32>
        %gather3A_1146 = vector.shape_cast %broadcast_in_dim3A_1145 : vector<16x1xi32> to vector<16xi32>
        %gather3A_1147 = tpu.dynamic_gather %add3A_1141[%gather3A_1146] in [0] : vector<16xf32>, vector<16xi32> -> vector<16xf32>
        %add3A_1148 = arith.addf %add3A_1141, %gather3A_1147 : vector<16xf32>
        %broadcast_in_dim3A_1149 = arith.constant 0.000000e+00 : f32
        %broadcast_in_dim3A_1150 = vector.broadcast %broadcast_in_dim3A_1149 : f32 to vector<16xf32>
        %broadcast_in_dim3A_1151 = arith.constant 0.000000e+00 : f32
        %broadcast_in_dim3A_1152 = vector.broadcast %broadcast_in_dim3A_1151 : f32 to vector<16xf32>
        %broadcast_in_dim3A_1153 = arith.constant 0.000000e+00 : f32
        %broadcast_in_dim3A_1154 = vector.broadcast %broadcast_in_dim3A_1153 : f32 to vector<16xf32>
        %broadcast_in_dim3A_1155 = arith.constant 0.000000e+00 : f32
        %broadcast_in_dim3A_1156 = vector.broadcast %broadcast_in_dim3A_1155 : f32 to vector<16xf32>
        %broadcast_in_dim3A_1157 = arith.constant 0.000000e+00 : f32
        %broadcast_in_dim3A_1158 = vector.broadcast %broadcast_in_dim3A_1157 : f32 to vector<16xf32>
        %broadcast_in_dim3A_1159 = arith.constant 0.000000e+00 : f32
        %broadcast_in_dim3A_1160 = vector.broadcast %broadcast_in_dim3A_1159 : f32 to vector<16xf32>
        %broadcast_in_dim3A_1161 = arith.constant 0.000000e+00 : f32
        %broadcast_in_dim3A_1162 = vector.broadcast %broadcast_in_dim3A_1161 : f32 to vector<16xf32>
        %broadcast_in_dim3A_1163 = arith.constant 0.000000e+00 : f32
        %broadcast_in_dim3A_1164 = vector.broadcast %broadcast_in_dim3A_1163 : f32 to vector<16xf32>
        %scan3A_1165 = arith.constant 0 : i32
        %scan3A_1166 = arith.constant 25 : i32
        %scan3A_1167 = arith.addi %scan3A_1165, %scan3A_1166 : i32
        %scan3A_1168 = arith.constant 1 : i32
        %scan3A_1169:8 = scf.for %scan3A_1266 = %scan3A_1165 to %scan3A_1167 step %scan3A_1168 iter_args(%scan3A_1267 = %broadcast_in_dim3A_1150, %scan3A_1268 = %broadcast_in_dim3A_1152, %scan3A_1269 = %broadcast_in_dim3A_1154, %scan3A_1270 = %broadcast_in_dim3A_1156, %scan3A_1271 = %broadcast_in_dim3A_1158, %scan3A_1272 = %broadcast_in_dim3A_1160, %scan3A_1273 = %broadcast_in_dim3A_1162, %scan3A_1274 = %broadcast_in_dim3A_1164) -> (vector<16xf32>, vector<16xf32>, vector<16xf32>, vector<16xf32>, vector<16xf32>, vector<16xf32>, vector<16xf32>, vector<16xf32>)  : i32 {
          %mul3A_1275 = arith.constant 50 : i32
          %mul3A_1276 = arith.muli %scan3A_1063, %mul3A_1275 : i32
          %mul3A_1277 = arith.constant 2 : i32
          %mul3A_1278 = arith.muli %mul3A_1277, %scan3A_1266 : i32
          %add3A_1279 = arith.addi %mul3A_1276, %mul3A_1278 : i32
          %broadcast_in_dim3A_1280 = vector.broadcast %add3A_1279 : i32 to vector<16xi32>
          %add3A_1281 = arith.constant 1 : i32
          %add3A_1282 = vector.broadcast %add3A_1281 : i32 to vector<16xi32>
          %add3A_1283 = arith.addi %broadcast_in_dim3A_1280, %add3A_1282 : vector<16xi32>
          %add3A_1284 = arith.constant 0 : i32
          %add3A_1285 = vector.broadcast %add3A_1284 : i32 to vector<16xi32>
          %add3A_1286 = arith.addi %iota3A, %add3A_1285 : vector<16xi32>
          %gather3A_1287 = tpu.vector_load_idx %arg9[%broadcast_in_dim3A_1280, %add3A_1286] : memref<200x128xf32, #tpu.memory_space<vmem>>[vector<16xi32>, vector<16xi32>], vector<16xf32>,
          %add3A_1288 = arith.addf %scan3A_1267, %gather3A_1287 : vector<16xf32>
          %add3A_1289 = arith.constant 0 : i32
          %add3A_1290 = vector.broadcast %add3A_1289 : i32 to vector<16xi32>
          %add3A_1291 = arith.addi %iota3A, %add3A_1290 : vector<16xi32>
          %gather3A_1292 = tpu.vector_load_idx %arg9[%add3A_1283, %add3A_1291] : memref<200x128xf32, #tpu.memory_space<vmem>>[vector<16xi32>, vector<16xi32>], vector<16xf32>,
          %add3A_1293 = arith.addf %add3A_1288, %gather3A_1292 : vector<16xf32>
          %add3A_1294 = arith.constant 16 : i32
          %add3A_1295 = vector.broadcast %add3A_1294 : i32 to vector<16xi32>
          %add3A_1296 = arith.addi %iota3A, %add3A_1295 : vector<16xi32>
          %gather3A_1297 = tpu.vector_load_idx %arg9[%broadcast_in_dim3A_1280, %add3A_1296] : memref<200x128xf32, #tpu.memory_space<vmem>>[vector<16xi32>, vector<16xi32>], vector<16xf32>,
          %add3A_1298 = arith.addf %scan3A_1268, %gather3A_1297 : vector<16xf32>
          %add3A_1299 = arith.constant 16 : i32
          %add3A_1300 = vector.broadcast %add3A_1299 : i32 to vector<16xi32>
          %add3A_1301 = arith.addi %iota3A, %add3A_1300 : vector<16xi32>
          %gather3A_1302 = tpu.vector_load_idx %arg9[%add3A_1283, %add3A_1301] : memref<200x128xf32, #tpu.memory_space<vmem>>[vector<16xi32>, vector<16xi32>], vector<16xf32>,
          %add3A_1303 = arith.addf %add3A_1298, %gather3A_1302 : vector<16xf32>
          %add3A_1304 = arith.constant 32 : i32
          %add3A_1305 = vector.broadcast %add3A_1304 : i32 to vector<16xi32>
          %add3A_1306 = arith.addi %iota3A, %add3A_1305 : vector<16xi32>
          %gather3A_1307 = tpu.vector_load_idx %arg9[%broadcast_in_dim3A_1280, %add3A_1306] : memref<200x128xf32, #tpu.memory_space<vmem>>[vector<16xi32>, vector<16xi32>], vector<16xf32>,
          %add3A_1308 = arith.addf %scan3A_1269, %gather3A_1307 : vector<16xf32>
          %add3A_1309 = arith.constant 32 : i32
          %add3A_1310 = vector.broadcast %add3A_1309 : i32 to vector<16xi32>
          %add3A_1311 = arith.addi %iota3A, %add3A_1310 : vector<16xi32>
          %gather3A_1312 = tpu.vector_load_idx %arg9[%add3A_1283, %add3A_1311] : memref<200x128xf32, #tpu.memory_space<vmem>>[vector<16xi32>, vector<16xi32>], vector<16xf32>,
          %add3A_1313 = arith.addf %add3A_1308, %gather3A_1312 : vector<16xf32>
          %add3A_1314 = arith.constant 48 : i32
          %add3A_1315 = vector.broadcast %add3A_1314 : i32 to vector<16xi32>
          %add3A_1316 = arith.addi %iota3A, %add3A_1315 : vector<16xi32>
          %gather3A_1317 = tpu.vector_load_idx %arg9[%broadcast_in_dim3A_1280, %add3A_1316] : memref<200x128xf32, #tpu.memory_space<vmem>>[vector<16xi32>, vector<16xi32>], vector<16xf32>,
          %add3A_1318 = arith.addf %scan3A_1270, %gather3A_1317 : vector<16xf32>
          %add3A_1319 = arith.constant 48 : i32
          %add3A_1320 = vector.broadcast %add3A_1319 : i32 to vector<16xi32>
          %add3A_1321 = arith.addi %iota3A, %add3A_1320 : vector<16xi32>
          %gather3A_1322 = tpu.vector_load_idx %arg9[%add3A_1283, %add3A_1321] : memref<200x128xf32, #tpu.memory_space<vmem>>[vector<16xi32>, vector<16xi32>], vector<16xf32>,
          %add3A_1323 = arith.addf %add3A_1318, %gather3A_1322 : vector<16xf32>
          %add3A_1324 = arith.constant 64 : i32
          %add3A_1325 = vector.broadcast %add3A_1324 : i32 to vector<16xi32>
          %add3A_1326 = arith.addi %iota3A, %add3A_1325 : vector<16xi32>
          %gather3A_1327 = tpu.vector_load_idx %arg9[%broadcast_in_dim3A_1280, %add3A_1326] : memref<200x128xf32, #tpu.memory_space<vmem>>[vector<16xi32>, vector<16xi32>], vector<16xf32>,
          %add3A_1328 = arith.addf %scan3A_1271, %gather3A_1327 : vector<16xf32>
          %add3A_1329 = arith.constant 64 : i32
          %add3A_1330 = vector.broadcast %add3A_1329 : i32 to vector<16xi32>
          %add3A_1331 = arith.addi %iota3A, %add3A_1330 : vector<16xi32>
          %gather3A_1332 = tpu.vector_load_idx %arg9[%add3A_1283, %add3A_1331] : memref<200x128xf32, #tpu.memory_space<vmem>>[vector<16xi32>, vector<16xi32>], vector<16xf32>,
          %add3A_1333 = arith.addf %add3A_1328, %gather3A_1332 : vector<16xf32>
          %add3A_1334 = arith.constant 80 : i32
          %add3A_1335 = vector.broadcast %add3A_1334 : i32 to vector<16xi32>
          %add3A_1336 = arith.addi %iota3A, %add3A_1335 : vector<16xi32>
          %gather3A_1337 = tpu.vector_load_idx %arg9[%broadcast_in_dim3A_1280, %add3A_1336] : memref<200x128xf32, #tpu.memory_space<vmem>>[vector<16xi32>, vector<16xi32>], vector<16xf32>,
          %add3A_1338 = arith.addf %scan3A_1272, %gather3A_1337 : vector<16xf32>
          %add3A_1339 = arith.constant 80 : i32
          %add3A_1340 = vector.broadcast %add3A_1339 : i32 to vector<16xi32>
          %add3A_1341 = arith.addi %iota3A, %add3A_1340 : vector<16xi32>
          %gather3A_1342 = tpu.vector_load_idx %arg9[%add3A_1283, %add3A_1341] : memref<200x128xf32, #tpu.memory_space<vmem>>[vector<16xi32>, vector<16xi32>], vector<16xf32>,
          %add3A_1343 = arith.addf %add3A_1338, %gather3A_1342 : vector<16xf32>
          %add3A_1344 = arith.constant 96 : i32
          %add3A_1345 = vector.broadcast %add3A_1344 : i32 to vector<16xi32>
          %add3A_1346 = arith.addi %iota3A, %add3A_1345 : vector<16xi32>
          %gather3A_1347 = tpu.vector_load_idx %arg9[%broadcast_in_dim3A_1280, %add3A_1346] : memref<200x128xf32, #tpu.memory_space<vmem>>[vector<16xi32>, vector<16xi32>], vector<16xf32>,
          %add3A_1348 = arith.addf %scan3A_1273, %gather3A_1347 : vector<16xf32>
          %add3A_1349 = arith.constant 96 : i32
          %add3A_1350 = vector.broadcast %add3A_1349 : i32 to vector<16xi32>
          %add3A_1351 = arith.addi %iota3A, %add3A_1350 : vector<16xi32>
          %gather3A_1352 = tpu.vector_load_idx %arg9[%add3A_1283, %add3A_1351] : memref<200x128xf32, #tpu.memory_space<vmem>>[vector<16xi32>, vector<16xi32>], vector<16xf32>,
          %add3A_1353 = arith.addf %add3A_1348, %gather3A_1352 : vector<16xf32>
          %add3A_1354 = arith.constant 112 : i32
          %add3A_1355 = vector.broadcast %add3A_1354 : i32 to vector<16xi32>
          %add3A_1356 = arith.addi %iota3A, %add3A_1355 : vector<16xi32>
          %gather3A_1357 = tpu.vector_load_idx %arg9[%broadcast_in_dim3A_1280, %add3A_1356] : memref<200x128xf32, #tpu.memory_space<vmem>>[vector<16xi32>, vector<16xi32>], vector<16xf32>,
          %add3A_1358 = arith.addf %scan3A_1274, %gather3A_1357 : vector<16xf32>
          %add3A_1359 = arith.constant 112 : i32
          %add3A_1360 = vector.broadcast %add3A_1359 : i32 to vector<16xi32>
          %add3A_1361 = arith.addi %iota3A, %add3A_1360 : vector<16xi32>
          %gather3A_1362 = tpu.vector_load_idx %arg9[%add3A_1283, %add3A_1361] : memref<200x128xf32, #tpu.memory_space<vmem>>[vector<16xi32>, vector<16xi32>], vector<16xf32>,
          %add3A_1363 = arith.addf %add3A_1358, %gather3A_1362 : vector<16xf32>
          scf.yield %add3A_1293, %add3A_1303, %add3A_1313, %add3A_1323, %add3A_1333, %add3A_1343, %add3A_1353, %add3A_1363 : vector<16xf32>, vector<16xf32>, vector<16xf32>, vector<16xf32>, vector<16xf32>, vector<16xf32>, vector<16xf32>, vector<16xf32>
        }
        %scan3A_1170 = arith.constant 25 : i32
        %get3A = arith.constant 0 : i32
        %get3A_1171 = arith.index_cast %get3A : i32 to index
        %get3A_1172 = arith.constant 0 : index
        %get3A_1173 = tpu.vector_load %arg25[%get3A_1171, %get3A_1172] {strides = array<i32>} : memref<1x128xf32, #tpu.memory_space<vmem>>, vector<16xf32>,
        %add3A_1174 = arith.constant 0 : i32
        %add3A_1175 = vector.broadcast %add3A_1174 : i32 to vector<16xi32>
        %add3A_1176 = arith.addi %iota3A, %add3A_1175 : vector<16xi32>
        %mul3A_1177 = arith.mulf %add3A_1148, %get3A_1173 : vector<16xf32>
        %sub3A_1178 = arith.subf %scan3A_1169#0, %mul3A_1177 : vector<16xf32>
        %mul3A_1179 = arith.constant 2.000000e-02 : f32
        %mul3A_1180 = vector.broadcast %mul3A_1179 : f32 to vector<16xf32>
        %mul3A_1181 = arith.mulf %sub3A_1178, %mul3A_1180 : vector<16xf32>
        tpu.vector_store_idx %arg11[%broadcast_in_dim3A_1068, %add3A_1176], %mul3A_1181 : memref<4x128xf32, #tpu.memory_space<vmem>>[vector<16xi32>, vector<16xi32>], vector<16xf32>,
        %get3A_1182 = arith.constant 0 : i32
        %get3A_1183 = arith.index_cast %get3A_1182 : i32 to index
        %get3A_1184 = arith.constant 16 : index
        %get3A_1185 = tpu.vector_load %arg25[%get3A_1183, %get3A_1184] {strides = array<i32>} : memref<1x128xf32, #tpu.memory_space<vmem>>, vector<16xf32>,
        %add3A_1186 = arith.constant 16 : i32
        %add3A_1187 = vector.broadcast %add3A_1186 : i32 to vector<16xi32>
        %add3A_1188 = arith.addi %iota3A, %add3A_1187 : vector<16xi32>
        %mul3A_1189 = arith.mulf %add3A_1148, %get3A_1185 : vector<16xf32>
        %sub3A_1190 = arith.subf %scan3A_1169#1, %mul3A_1189 : vector<16xf32>
        %mul3A_1191 = arith.constant 2.000000e-02 : f32
        %mul3A_1192 = vector.broadcast %mul3A_1191 : f32 to vector<16xf32>
        %mul3A_1193 = arith.mulf %sub3A_1190, %mul3A_1192 : vector<16xf32>
        tpu.vector_store_idx %arg11[%broadcast_in_dim3A_1068, %add3A_1188], %mul3A_1193 : memref<4x128xf32, #tpu.memory_space<vmem>>[vector<16xi32>, vector<16xi32>], vector<16xf32>,
        %get3A_1194 = arith.constant 0 : i32
        %get3A_1195 = arith.index_cast %get3A_1194 : i32 to index
        %get3A_1196 = arith.constant 32 : index
        %get3A_1197 = tpu.vector_load %arg25[%get3A_1195, %get3A_1196] {strides = array<i32>} : memref<1x128xf32, #tpu.memory_space<vmem>>, vector<16xf32>,
        %add3A_1198 = arith.constant 32 : i32
        %add3A_1199 = vector.broadcast %add3A_1198 : i32 to vector<16xi32>
        %add3A_1200 = arith.addi %iota3A, %add3A_1199 : vector<16xi32>
        %mul3A_1201 = arith.mulf %add3A_1148, %get3A_1197 : vector<16xf32>
        %sub3A_1202 = arith.subf %scan3A_1169#2, %mul3A_1201 : vector<16xf32>
        %mul3A_1203 = arith.constant 2.000000e-02 : f32
        %mul3A_1204 = vector.broadcast %mul3A_1203 : f32 to vector<16xf32>
        %mul3A_1205 = arith.mulf %sub3A_1202, %mul3A_1204 : vector<16xf32>
        tpu.vector_store_idx %arg11[%broadcast_in_dim3A_1068, %add3A_1200], %mul3A_1205 : memref<4x128xf32, #tpu.memory_space<vmem>>[vector<16xi32>, vector<16xi32>], vector<16xf32>,
        %get3A_1206 = arith.constant 0 : i32
        %get3A_1207 = arith.index_cast %get3A_1206 : i32 to index
        %get3A_1208 = arith.constant 48 : index
        %get3A_1209 = tpu.vector_load %arg25[%get3A_1207, %get3A_1208] {strides = array<i32>} : memref<1x128xf32, #tpu.memory_space<vmem>>, vector<16xf32>,
        %add3A_1210 = arith.constant 48 : i32
        %add3A_1211 = vector.broadcast %add3A_1210 : i32 to vector<16xi32>
        %add3A_1212 = arith.addi %iota3A, %add3A_1211 : vector<16xi32>
        %mul3A_1213 = arith.mulf %add3A_1148, %get3A_1209 : vector<16xf32>
        %sub3A_1214 = arith.subf %scan3A_1169#3, %mul3A_1213 : vector<16xf32>
        %mul3A_1215 = arith.constant 2.000000e-02 : f32
        %mul3A_1216 = vector.broadcast %mul3A_1215 : f32 to vector<16xf32>
        %mul3A_1217 = arith.mulf %sub3A_1214, %mul3A_1216 : vector<16xf32>
        tpu.vector_store_idx %arg11[%broadcast_in_dim3A_1068, %add3A_1212], %mul3A_1217 : memref<4x128xf32, #tpu.memory_space<vmem>>[vector<16xi32>, vector<16xi32>], vector<16xf32>,
        %get3A_1218 = arith.constant 0 : i32
        %get3A_1219 = arith.index_cast %get3A_1218 : i32 to index
        %get3A_1220 = arith.constant 64 : index
        %get3A_1221 = tpu.vector_load %arg25[%get3A_1219, %get3A_1220] {strides = array<i32>} : memref<1x128xf32, #tpu.memory_space<vmem>>, vector<16xf32>,
        %add3A_1222 = arith.constant 64 : i32
        %add3A_1223 = vector.broadcast %add3A_1222 : i32 to vector<16xi32>
        %add3A_1224 = arith.addi %iota3A, %add3A_1223 : vector<16xi32>
        %mul3A_1225 = arith.mulf %add3A_1148, %get3A_1221 : vector<16xf32>
        %sub3A_1226 = arith.subf %scan3A_1169#4, %mul3A_1225 : vector<16xf32>
        %mul3A_1227 = arith.constant 2.000000e-02 : f32
        %mul3A_1228 = vector.broadcast %mul3A_1227 : f32 to vector<16xf32>
        %mul3A_1229 = arith.mulf %sub3A_1226, %mul3A_1228 : vector<16xf32>
        tpu.vector_store_idx %arg11[%broadcast_in_dim3A_1068, %add3A_1224], %mul3A_1229 : memref<4x128xf32, #tpu.memory_space<vmem>>[vector<16xi32>, vector<16xi32>], vector<16xf32>,
        %get3A_1230 = arith.constant 0 : i32
        %get3A_1231 = arith.index_cast %get3A_1230 : i32 to index
        %get3A_1232 = arith.constant 80 : index
        %get3A_1233 = tpu.vector_load %arg25[%get3A_1231, %get3A_1232] {strides = array<i32>} : memref<1x128xf32, #tpu.memory_space<vmem>>, vector<16xf32>,
        %add3A_1234 = arith.constant 80 : i32
        %add3A_1235 = vector.broadcast %add3A_1234 : i32 to vector<16xi32>
        %add3A_1236 = arith.addi %iota3A, %add3A_1235 : vector<16xi32>
        %mul3A_1237 = arith.mulf %add3A_1148, %get3A_1233 : vector<16xf32>
        %sub3A_1238 = arith.subf %scan3A_1169#5, %mul3A_1237 : vector<16xf32>
        %mul3A_1239 = arith.constant 2.000000e-02 : f32
        %mul3A_1240 = vector.broadcast %mul3A_1239 : f32 to vector<16xf32>
        %mul3A_1241 = arith.mulf %sub3A_1238, %mul3A_1240 : vector<16xf32>
        tpu.vector_store_idx %arg11[%broadcast_in_dim3A_1068, %add3A_1236], %mul3A_1241 : memref<4x128xf32, #tpu.memory_space<vmem>>[vector<16xi32>, vector<16xi32>], vector<16xf32>,
        %get3A_1242 = arith.constant 0 : i32
        %get3A_1243 = arith.index_cast %get3A_1242 : i32 to index
        %get3A_1244 = arith.constant 96 : index
        %get3A_1245 = tpu.vector_load %arg25[%get3A_1243, %get3A_1244] {strides = array<i32>} : memref<1x128xf32, #tpu.memory_space<vmem>>, vector<16xf32>,
        %add3A_1246 = arith.constant 96 : i32
        %add3A_1247 = vector.broadcast %add3A_1246 : i32 to vector<16xi32>
        %add3A_1248 = arith.addi %iota3A, %add3A_1247 : vector<16xi32>
        %mul3A_1249 = arith.mulf %add3A_1148, %get3A_1245 : vector<16xf32>
        %sub3A_1250 = arith.subf %scan3A_1169#6, %mul3A_1249 : vector<16xf32>
        %mul3A_1251 = arith.constant 2.000000e-02 : f32
        %mul3A_1252 = vector.broadcast %mul3A_1251 : f32 to vector<16xf32>
        %mul3A_1253 = arith.mulf %sub3A_1250, %mul3A_1252 : vector<16xf32>
        tpu.vector_store_idx %arg11[%broadcast_in_dim3A_1068, %add3A_1248], %mul3A_1253 : memref<4x128xf32, #tpu.memory_space<vmem>>[vector<16xi32>, vector<16xi32>], vector<16xf32>,
        %get3A_1254 = arith.constant 0 : i32
        %get3A_1255 = arith.index_cast %get3A_1254 : i32 to index
        %get3A_1256 = arith.constant 112 : index
        %get3A_1257 = tpu.vector_load %arg25[%get3A_1255, %get3A_1256] {strides = array<i32>} : memref<1x128xf32, #tpu.memory_space<vmem>>, vector<16xf32>,
        %add3A_1258 = arith.constant 112 : i32
        %add3A_1259 = vector.broadcast %add3A_1258 : i32 to vector<16xi32>
        %add3A_1260 = arith.addi %iota3A, %add3A_1259 : vector<16xi32>
        %mul3A_1261 = arith.mulf %add3A_1148, %get3A_1257 : vector<16xf32>
        %sub3A_1262 = arith.subf %scan3A_1169#7, %mul3A_1261 : vector<16xf32>
        %mul3A_1263 = arith.constant 2.000000e-02 : f32
        %mul3A_1264 = vector.broadcast %mul3A_1263 : f32 to vector<16xf32>
        %mul3A_1265 = arith.mulf %sub3A_1262, %mul3A_1264 : vector<16xf32>
        tpu.vector_store_idx %arg11[%broadcast_in_dim3A_1068, %add3A_1260], %mul3A_1265 : memref<4x128xf32, #tpu.memory_space<vmem>>[vector<16xi32>, vector<16xi32>], vector<16xf32>,
      }
      %scan3A_784 = arith.constant 4 : i32
      %scan3A_785 = arith.constant 0 : i32
      %scan3A_786 = arith.constant 0 : i32
      %scan3A_787 = arith.constant 4 : i32
      %scan3A_788 = arith.addi %scan3A_786, %scan3A_787 : i32
      %scan3A_789 = arith.constant 1 : i32
      scf.for %scan3A_1063 = %scan3A_786 to %scan3A_788 step %scan3A_789  : i32 {
        %broadcast_in_dim3A_1064 = vector.broadcast %scan3A_1063 : i32 to vector<16xi32>
        %add3A_1065 = arith.constant 0 : i32
        %add3A_1066 = vector.broadcast %add3A_1065 : i32 to vector<16xi32>
        %add3A_1067 = arith.addi %iota3A, %add3A_1066 : vector<16xi32>
        %gather3A = tpu.vector_load_idx %arg11[%broadcast_in_dim3A_1064, %add3A_1067] : memref<4x128xf32, #tpu.memory_space<vmem>>[vector<16xi32>, vector<16xi32>], vector<16xf32>,
        %add3A_1068 = arith.constant 16 : i32
        %add3A_1069 = vector.broadcast %add3A_1068 : i32 to vector<16xi32>
        %add3A_1070 = arith.addi %iota3A, %add3A_1069 : vector<16xi32>
        %gather3A_1071 = tpu.vector_load_idx %arg11[%broadcast_in_dim3A_1064, %add3A_1070] : memref<4x128xf32, #tpu.memory_space<vmem>>[vector<16xi32>, vector<16xi32>], vector<16xf32>,
        %add3A_1072 = arith.constant 32 : i32
        %add3A_1073 = vector.broadcast %add3A_1072 : i32 to vector<16xi32>
        %add3A_1074 = arith.addi %iota3A, %add3A_1073 : vector<16xi32>
        %gather3A_1075 = tpu.vector_load_idx %arg11[%broadcast_in_dim3A_1064, %add3A_1074] : memref<4x128xf32, #tpu.memory_space<vmem>>[vector<16xi32>, vector<16xi32>], vector<16xf32>,
        %add3A_1076 = arith.constant 48 : i32
        %add3A_1077 = vector.broadcast %add3A_1076 : i32 to vector<16xi32>
        %add3A_1078 = arith.addi %iota3A, %add3A_1077 : vector<16xi32>
        %gather3A_1079 = tpu.vector_load_idx %arg11[%broadcast_in_dim3A_1064, %add3A_1078] : memref<4x128xf32, #tpu.memory_space<vmem>>[vector<16xi32>, vector<16xi32>], vector<16xf32>,
        %add3A_1080 = arith.constant 64 : i32
        %add3A_1081 = vector.broadcast %add3A_1080 : i32 to vector<16xi32>
        %add3A_1082 = arith.addi %iota3A, %add3A_1081 : vector<16xi32>
        %gather3A_1083 = tpu.vector_load_idx %arg11[%broadcast_in_dim3A_1064, %add3A_1082] : memref<4x128xf32, #tpu.memory_space<vmem>>[vector<16xi32>, vector<16xi32>], vector<16xf32>,
        %add3A_1084 = arith.constant 80 : i32
        %add3A_1085 = vector.broadcast %add3A_1084 : i32 to vector<16xi32>
        %add3A_1086 = arith.addi %iota3A, %add3A_1085 : vector<16xi32>
        %gather3A_1087 = tpu.vector_load_idx %arg11[%broadcast_in_dim3A_1064, %add3A_1086] : memref<4x128xf32, #tpu.memory_space<vmem>>[vector<16xi32>, vector<16xi32>], vector<16xf32>,
        %add3A_1088 = arith.constant 96 : i32
        %add3A_1089 = vector.broadcast %add3A_1088 : i32 to vector<16xi32>
        %add3A_1090 = arith.addi %iota3A, %add3A_1089 : vector<16xi32>
        %gather3A_1091 = tpu.vector_load_idx %arg11[%broadcast_in_dim3A_1064, %add3A_1090] : memref<4x128xf32, #tpu.memory_space<vmem>>[vector<16xi32>, vector<16xi32>], vector<16xf32>,
        %add3A_1092 = arith.constant 112 : i32
        %add3A_1093 = vector.broadcast %add3A_1092 : i32 to vector<16xi32>
        %add3A_1094 = arith.addi %iota3A, %add3A_1093 : vector<16xi32>
        %gather3A_1095 = tpu.vector_load_idx %arg11[%broadcast_in_dim3A_1064, %add3A_1094] : memref<4x128xf32, #tpu.memory_space<vmem>>[vector<16xi32>, vector<16xi32>], vector<16xf32>,
        %mul3A_1096 = arith.constant 20 : i32
        %mul3A_1097 = arith.muli %scan3A_1063, %mul3A_1096 : i32
        %add3A_1098 = arith.constant 0 : i32
        %add3A_1099 = arith.addi %mul3A_1097, %add3A_1098 : i32
        %broadcast_in_dim3A_1100 = vector.broadcast %add3A_1099 : i32 to vector<16xi32>
        %gather3A_1101 = tpu.vector_load_idx %arg10[%broadcast_in_dim3A_1100, %iota3A] : memref<80x128xf32, #tpu.memory_space<vmem>>[vector<16xi32>, vector<16xi32>], vector<16xf32>,
        %mul3A_1102 = arith.mulf %gather3A_1101, %gather3A : vector<16xf32>
        %add3A_1103 = arith.constant 16 : i32
        %add3A_1104 = vector.broadcast %add3A_1103 : i32 to vector<16xi32>
        %add3A_1105 = arith.addi %iota3A, %add3A_1104 : vector<16xi32>
        %gather3A_1106 = tpu.vector_load_idx %arg10[%broadcast_in_dim3A_1100, %add3A_1105] : memref<80x128xf32, #tpu.memory_space<vmem>>[vector<16xi32>, vector<16xi32>], vector<16xf32>,
        %mul3A_1107 = arith.mulf %gather3A_1106, %gather3A_1071 : vector<16xf32>
        %add3A_1108 = arith.addf %mul3A_1102, %mul3A_1107 : vector<16xf32>
        %add3A_1109 = arith.constant 32 : i32
        %add3A_1110 = vector.broadcast %add3A_1109 : i32 to vector<16xi32>
        %add3A_1111 = arith.addi %iota3A, %add3A_1110 : vector<16xi32>
        %gather3A_1112 = tpu.vector_load_idx %arg10[%broadcast_in_dim3A_1100, %add3A_1111] : memref<80x128xf32, #tpu.memory_space<vmem>>[vector<16xi32>, vector<16xi32>], vector<16xf32>,
        %mul3A_1113 = arith.mulf %gather3A_1112, %gather3A_1075 : vector<16xf32>
        %add3A_1114 = arith.addf %add3A_1108, %mul3A_1113 : vector<16xf32>
        %add3A_1115 = arith.constant 48 : i32
        %add3A_1116 = vector.broadcast %add3A_1115 : i32 to vector<16xi32>
        %add3A_1117 = arith.addi %iota3A, %add3A_1116 : vector<16xi32>
        %gather3A_1118 = tpu.vector_load_idx %arg10[%broadcast_in_dim3A_1100, %add3A_1117] : memref<80x128xf32, #tpu.memory_space<vmem>>[vector<16xi32>, vector<16xi32>], vector<16xf32>,
        %mul3A_1119 = arith.mulf %gather3A_1118, %gather3A_1079 : vector<16xf32>
        %add3A_1120 = arith.addf %add3A_1114, %mul3A_1119 : vector<16xf32>
        %add3A_1121 = arith.constant 64 : i32
        %add3A_1122 = vector.broadcast %add3A_1121 : i32 to vector<16xi32>
        %add3A_1123 = arith.addi %iota3A, %add3A_1122 : vector<16xi32>
        %gather3A_1124 = tpu.vector_load_idx %arg10[%broadcast_in_dim3A_1100, %add3A_1123] : memref<80x128xf32, #tpu.memory_space<vmem>>[vector<16xi32>, vector<16xi32>], vector<16xf32>,
        %mul3A_1125 = arith.mulf %gather3A_1124, %gather3A_1083 : vector<16xf32>
        %add3A_1126 = arith.addf %add3A_1120, %mul3A_1125 : vector<16xf32>
        %add3A_1127 = arith.constant 80 : i32
        %add3A_1128 = vector.broadcast %add3A_1127 : i32 to vector<16xi32>
        %add3A_1129 = arith.addi %iota3A, %add3A_1128 : vector<16xi32>
        %gather3A_1130 = tpu.vector_load_idx %arg10[%broadcast_in_dim3A_1100, %add3A_1129] : memref<80x128xf32, #tpu.memory_space<vmem>>[vector<16xi32>, vector<16xi32>], vector<16xf32>,
        %mul3A_1131 = arith.mulf %gather3A_1130, %gather3A_1087 : vector<16xf32>
        %add3A_1132 = arith.addf %add3A_1126, %mul3A_1131 : vector<16xf32>
        %add3A_1133 = arith.constant 96 : i32
        %add3A_1134 = vector.broadcast %add3A_1133 : i32 to vector<16xi32>
        %add3A_1135 = arith.addi %iota3A, %add3A_1134 : vector<16xi32>
        %gather3A_1136 = tpu.vector_load_idx %arg10[%broadcast_in_dim3A_1100, %add3A_1135] : memref<80x128xf32, #tpu.memory_space<vmem>>[vector<16xi32>, vector<16xi32>], vector<16xf32>,
        %mul3A_1137 = arith.mulf %gather3A_1136, %gather3A_1091 : vector<16xf32>
        %add3A_1138 = arith.addf %add3A_1132, %mul3A_1137 : vector<16xf32>
        %add3A_1139 = arith.constant 112 : i32
        %add3A_1140 = vector.broadcast %add3A_1139 : i32 to vector<16xi32>
        %add3A_1141 = arith.addi %iota3A, %add3A_1140 : vector<16xi32>
        %gather3A_1142 = tpu.vector_load_idx %arg10[%broadcast_in_dim3A_1100, %add3A_1141] : memref<80x128xf32, #tpu.memory_space<vmem>>[vector<16xi32>, vector<16xi32>], vector<16xf32>,
        %mul3A_1143 = arith.mulf %gather3A_1142, %gather3A_1095 : vector<16xf32>
        %add3A_1144 = arith.addf %add3A_1138, %mul3A_1143 : vector<16xf32>
        %swap3A_1145 = arith.constant 0 : i32
        %swap3A_1146 = arith.index_cast %swap3A_1145 : i32 to index
        %swap3A_1147 = arith.constant 0 : index
        %swap3A_1148 = tpu.vector_load %arg26[%swap3A_1146, %swap3A_1147] {strides = array<i32>} : memref<32x16xf32, #tpu.memory_space<vmem>>, vector<16xf32>,
        tpu.vector_store %arg26[%swap3A_1146, %swap3A_1147], %add3A_1144 {strides = array<i32>} : memref<32x16xf32, #tpu.memory_space<vmem>>, vector<16xf32>,
        %mul3A_1149 = arith.constant 20 : i32
        %mul3A_1150 = arith.muli %scan3A_1063, %mul3A_1149 : i32
        %add3A_1151 = arith.constant 1 : i32
        %add3A_1152 = arith.addi %mul3A_1150, %add3A_1151 : i32
        %broadcast_in_dim3A_1153 = vector.broadcast %add3A_1152 : i32 to vector<16xi32>
        %gather3A_1154 = tpu.vector_load_idx %arg10[%broadcast_in_dim3A_1153, %iota3A] : memref<80x128xf32, #tpu.memory_space<vmem>>[vector<16xi32>, vector<16xi32>], vector<16xf32>,
        %mul3A_1155 = arith.mulf %gather3A_1154, %gather3A : vector<16xf32>
        %add3A_1156 = arith.constant 16 : i32
        %add3A_1157 = vector.broadcast %add3A_1156 : i32 to vector<16xi32>
        %add3A_1158 = arith.addi %iota3A, %add3A_1157 : vector<16xi32>
        %gather3A_1159 = tpu.vector_load_idx %arg10[%broadcast_in_dim3A_1153, %add3A_1158] : memref<80x128xf32, #tpu.memory_space<vmem>>[vector<16xi32>, vector<16xi32>], vector<16xf32>,
        %mul3A_1160 = arith.mulf %gather3A_1159, %gather3A_1071 : vector<16xf32>
        %add3A_1161 = arith.addf %mul3A_1155, %mul3A_1160 : vector<16xf32>
        %add3A_1162 = arith.constant 32 : i32
        %add3A_1163 = vector.broadcast %add3A_1162 : i32 to vector<16xi32>
        %add3A_1164 = arith.addi %iota3A, %add3A_1163 : vector<16xi32>
        %gather3A_1165 = tpu.vector_load_idx %arg10[%broadcast_in_dim3A_1153, %add3A_1164] : memref<80x128xf32, #tpu.memory_space<vmem>>[vector<16xi32>, vector<16xi32>], vector<16xf32>,
        %mul3A_1166 = arith.mulf %gather3A_1165, %gather3A_1075 : vector<16xf32>
        %add3A_1167 = arith.addf %add3A_1161, %mul3A_1166 : vector<16xf32>
        %add3A_1168 = arith.constant 48 : i32
        %add3A_1169 = vector.broadcast %add3A_1168 : i32 to vector<16xi32>
        %add3A_1170 = arith.addi %iota3A, %add3A_1169 : vector<16xi32>
        %gather3A_1171 = tpu.vector_load_idx %arg10[%broadcast_in_dim3A_1153, %add3A_1170] : memref<80x128xf32, #tpu.memory_space<vmem>>[vector<16xi32>, vector<16xi32>], vector<16xf32>,
        %mul3A_1172 = arith.mulf %gather3A_1171, %gather3A_1079 : vector<16xf32>
        %add3A_1173 = arith.addf %add3A_1167, %mul3A_1172 : vector<16xf32>
        %add3A_1174 = arith.constant 64 : i32
        %add3A_1175 = vector.broadcast %add3A_1174 : i32 to vector<16xi32>
        %add3A_1176 = arith.addi %iota3A, %add3A_1175 : vector<16xi32>
        %gather3A_1177 = tpu.vector_load_idx %arg10[%broadcast_in_dim3A_1153, %add3A_1176] : memref<80x128xf32, #tpu.memory_space<vmem>>[vector<16xi32>, vector<16xi32>], vector<16xf32>,
        %mul3A_1178 = arith.mulf %gather3A_1177, %gather3A_1083 : vector<16xf32>
        %add3A_1179 = arith.addf %add3A_1173, %mul3A_1178 : vector<16xf32>
        %add3A_1180 = arith.constant 80 : i32
        %add3A_1181 = vector.broadcast %add3A_1180 : i32 to vector<16xi32>
        %add3A_1182 = arith.addi %iota3A, %add3A_1181 : vector<16xi32>
        %gather3A_1183 = tpu.vector_load_idx %arg10[%broadcast_in_dim3A_1153, %add3A_1182] : memref<80x128xf32, #tpu.memory_space<vmem>>[vector<16xi32>, vector<16xi32>], vector<16xf32>,
        %mul3A_1184 = arith.mulf %gather3A_1183, %gather3A_1087 : vector<16xf32>
        %add3A_1185 = arith.addf %add3A_1179, %mul3A_1184 : vector<16xf32>
        %add3A_1186 = arith.constant 96 : i32
        %add3A_1187 = vector.broadcast %add3A_1186 : i32 to vector<16xi32>
        %add3A_1188 = arith.addi %iota3A, %add3A_1187 : vector<16xi32>
        %gather3A_1189 = tpu.vector_load_idx %arg10[%broadcast_in_dim3A_1153, %add3A_1188] : memref<80x128xf32, #tpu.memory_space<vmem>>[vector<16xi32>, vector<16xi32>], vector<16xf32>,
        %mul3A_1190 = arith.mulf %gather3A_1189, %gather3A_1091 : vector<16xf32>
        %add3A_1191 = arith.addf %add3A_1185, %mul3A_1190 : vector<16xf32>
        %add3A_1192 = arith.constant 112 : i32
        %add3A_1193 = vector.broadcast %add3A_1192 : i32 to vector<16xi32>
        %add3A_1194 = arith.addi %iota3A, %add3A_1193 : vector<16xi32>
        %gather3A_1195 = tpu.vector_load_idx %arg10[%broadcast_in_dim3A_1153, %add3A_1194] : memref<80x128xf32, #tpu.memory_space<vmem>>[vector<16xi32>, vector<16xi32>], vector<16xf32>,
        %mul3A_1196 = arith.mulf %gather3A_1195, %gather3A_1095 : vector<16xf32>
        %add3A_1197 = arith.addf %add3A_1191, %mul3A_1196 : vector<16xf32>
        %swap3A_1198 = arith.constant 1 : i32
        %swap3A_1199 = arith.index_cast %swap3A_1198 : i32 to index
        %swap3A_1200 = arith.constant 0 : index
        %swap3A_1201 = tpu.vector_load %arg26[%swap3A_1199, %swap3A_1200] {strides = array<i32>} : memref<32x16xf32, #tpu.memory_space<vmem>>, vector<16xf32>,
        tpu.vector_store %arg26[%swap3A_1199, %swap3A_1200], %add3A_1197 {strides = array<i32>} : memref<32x16xf32, #tpu.memory_space<vmem>>, vector<16xf32>,
        %mul3A_1202 = arith.constant 20 : i32
        %mul3A_1203 = arith.muli %scan3A_1063, %mul3A_1202 : i32
        %add3A_1204 = arith.constant 2 : i32
        %add3A_1205 = arith.addi %mul3A_1203, %add3A_1204 : i32
        %broadcast_in_dim3A_1206 = vector.broadcast %add3A_1205 : i32 to vector<16xi32>
        %gather3A_1207 = tpu.vector_load_idx %arg10[%broadcast_in_dim3A_1206, %iota3A] : memref<80x128xf32, #tpu.memory_space<vmem>>[vector<16xi32>, vector<16xi32>], vector<16xf32>,
        %mul3A_1208 = arith.mulf %gather3A_1207, %gather3A : vector<16xf32>
        %add3A_1209 = arith.constant 16 : i32
        %add3A_1210 = vector.broadcast %add3A_1209 : i32 to vector<16xi32>
        %add3A_1211 = arith.addi %iota3A, %add3A_1210 : vector<16xi32>
        %gather3A_1212 = tpu.vector_load_idx %arg10[%broadcast_in_dim3A_1206, %add3A_1211] : memref<80x128xf32, #tpu.memory_space<vmem>>[vector<16xi32>, vector<16xi32>], vector<16xf32>,
        %mul3A_1213 = arith.mulf %gather3A_1212, %gather3A_1071 : vector<16xf32>
        %add3A_1214 = arith.addf %mul3A_1208, %mul3A_1213 : vector<16xf32>
        %add3A_1215 = arith.constant 32 : i32
        %add3A_1216 = vector.broadcast %add3A_1215 : i32 to vector<16xi32>
        %add3A_1217 = arith.addi %iota3A, %add3A_1216 : vector<16xi32>
        %gather3A_1218 = tpu.vector_load_idx %arg10[%broadcast_in_dim3A_1206, %add3A_1217] : memref<80x128xf32, #tpu.memory_space<vmem>>[vector<16xi32>, vector<16xi32>], vector<16xf32>,
        %mul3A_1219 = arith.mulf %gather3A_1218, %gather3A_1075 : vector<16xf32>
        %add3A_1220 = arith.addf %add3A_1214, %mul3A_1219 : vector<16xf32>
        %add3A_1221 = arith.constant 48 : i32
        %add3A_1222 = vector.broadcast %add3A_1221 : i32 to vector<16xi32>
        %add3A_1223 = arith.addi %iota3A, %add3A_1222 : vector<16xi32>
        %gather3A_1224 = tpu.vector_load_idx %arg10[%broadcast_in_dim3A_1206, %add3A_1223] : memref<80x128xf32, #tpu.memory_space<vmem>>[vector<16xi32>, vector<16xi32>], vector<16xf32>,
        %mul3A_1225 = arith.mulf %gather3A_1224, %gather3A_1079 : vector<16xf32>
        %add3A_1226 = arith.addf %add3A_1220, %mul3A_1225 : vector<16xf32>
        %add3A_1227 = arith.constant 64 : i32
        %add3A_1228 = vector.broadcast %add3A_1227 : i32 to vector<16xi32>
        %add3A_1229 = arith.addi %iota3A, %add3A_1228 : vector<16xi32>
        %gather3A_1230 = tpu.vector_load_idx %arg10[%broadcast_in_dim3A_1206, %add3A_1229] : memref<80x128xf32, #tpu.memory_space<vmem>>[vector<16xi32>, vector<16xi32>], vector<16xf32>,
        %mul3A_1231 = arith.mulf %gather3A_1230, %gather3A_1083 : vector<16xf32>
        %add3A_1232 = arith.addf %add3A_1226, %mul3A_1231 : vector<16xf32>
        %add3A_1233 = arith.constant 80 : i32
        %add3A_1234 = vector.broadcast %add3A_1233 : i32 to vector<16xi32>
        %add3A_1235 = arith.addi %iota3A, %add3A_1234 : vector<16xi32>
        %gather3A_1236 = tpu.vector_load_idx %arg10[%broadcast_in_dim3A_1206, %add3A_1235] : memref<80x128xf32, #tpu.memory_space<vmem>>[vector<16xi32>, vector<16xi32>], vector<16xf32>,
        %mul3A_1237 = arith.mulf %gather3A_1236, %gather3A_1087 : vector<16xf32>
        %add3A_1238 = arith.addf %add3A_1232, %mul3A_1237 : vector<16xf32>
        %add3A_1239 = arith.constant 96 : i32
        %add3A_1240 = vector.broadcast %add3A_1239 : i32 to vector<16xi32>
        %add3A_1241 = arith.addi %iota3A, %add3A_1240 : vector<16xi32>
        %gather3A_1242 = tpu.vector_load_idx %arg10[%broadcast_in_dim3A_1206, %add3A_1241] : memref<80x128xf32, #tpu.memory_space<vmem>>[vector<16xi32>, vector<16xi32>], vector<16xf32>,
        %mul3A_1243 = arith.mulf %gather3A_1242, %gather3A_1091 : vector<16xf32>
        %add3A_1244 = arith.addf %add3A_1238, %mul3A_1243 : vector<16xf32>
        %add3A_1245 = arith.constant 112 : i32
        %add3A_1246 = vector.broadcast %add3A_1245 : i32 to vector<16xi32>
        %add3A_1247 = arith.addi %iota3A, %add3A_1246 : vector<16xi32>
        %gather3A_1248 = tpu.vector_load_idx %arg10[%broadcast_in_dim3A_1206, %add3A_1247] : memref<80x128xf32, #tpu.memory_space<vmem>>[vector<16xi32>, vector<16xi32>], vector<16xf32>,
        %mul3A_1249 = arith.mulf %gather3A_1248, %gather3A_1095 : vector<16xf32>
        %add3A_1250 = arith.addf %add3A_1244, %mul3A_1249 : vector<16xf32>
        %swap3A_1251 = arith.constant 2 : i32
        %swap3A_1252 = arith.index_cast %swap3A_1251 : i32 to index
        %swap3A_1253 = arith.constant 0 : index
        %swap3A_1254 = tpu.vector_load %arg26[%swap3A_1252, %swap3A_1253] {strides = array<i32>} : memref<32x16xf32, #tpu.memory_space<vmem>>, vector<16xf32>,
        tpu.vector_store %arg26[%swap3A_1252, %swap3A_1253], %add3A_1250 {strides = array<i32>} : memref<32x16xf32, #tpu.memory_space<vmem>>, vector<16xf32>,
        %mul3A_1255 = arith.constant 20 : i32
        %mul3A_1256 = arith.muli %scan3A_1063, %mul3A_1255 : i32
        %add3A_1257 = arith.constant 3 : i32
        %add3A_1258 = arith.addi %mul3A_1256, %add3A_1257 : i32
        %broadcast_in_dim3A_1259 = vector.broadcast %add3A_1258 : i32 to vector<16xi32>
        %gather3A_1260 = tpu.vector_load_idx %arg10[%broadcast_in_dim3A_1259, %iota3A] : memref<80x128xf32, #tpu.memory_space<vmem>>[vector<16xi32>, vector<16xi32>], vector<16xf32>,
        %mul3A_1261 = arith.mulf %gather3A_1260, %gather3A : vector<16xf32>
        %add3A_1262 = arith.constant 16 : i32
        %add3A_1263 = vector.broadcast %add3A_1262 : i32 to vector<16xi32>
        %add3A_1264 = arith.addi %iota3A, %add3A_1263 : vector<16xi32>
        %gather3A_1265 = tpu.vector_load_idx %arg10[%broadcast_in_dim3A_1259, %add3A_1264] : memref<80x128xf32, #tpu.memory_space<vmem>>[vector<16xi32>, vector<16xi32>], vector<16xf32>,
        %mul3A_1266 = arith.mulf %gather3A_1265, %gather3A_1071 : vector<16xf32>
        %add3A_1267 = arith.addf %mul3A_1261, %mul3A_1266 : vector<16xf32>
        %add3A_1268 = arith.constant 32 : i32
        %add3A_1269 = vector.broadcast %add3A_1268 : i32 to vector<16xi32>
        %add3A_1270 = arith.addi %iota3A, %add3A_1269 : vector<16xi32>
        %gather3A_1271 = tpu.vector_load_idx %arg10[%broadcast_in_dim3A_1259, %add3A_1270] : memref<80x128xf32, #tpu.memory_space<vmem>>[vector<16xi32>, vector<16xi32>], vector<16xf32>,
        %mul3A_1272 = arith.mulf %gather3A_1271, %gather3A_1075 : vector<16xf32>
        %add3A_1273 = arith.addf %add3A_1267, %mul3A_1272 : vector<16xf32>
        %add3A_1274 = arith.constant 48 : i32
        %add3A_1275 = vector.broadcast %add3A_1274 : i32 to vector<16xi32>
        %add3A_1276 = arith.addi %iota3A, %add3A_1275 : vector<16xi32>
        %gather3A_1277 = tpu.vector_load_idx %arg10[%broadcast_in_dim3A_1259, %add3A_1276] : memref<80x128xf32, #tpu.memory_space<vmem>>[vector<16xi32>, vector<16xi32>], vector<16xf32>,
        %mul3A_1278 = arith.mulf %gather3A_1277, %gather3A_1079 : vector<16xf32>
        %add3A_1279 = arith.addf %add3A_1273, %mul3A_1278 : vector<16xf32>
        %add3A_1280 = arith.constant 64 : i32
        %add3A_1281 = vector.broadcast %add3A_1280 : i32 to vector<16xi32>
        %add3A_1282 = arith.addi %iota3A, %add3A_1281 : vector<16xi32>
        %gather3A_1283 = tpu.vector_load_idx %arg10[%broadcast_in_dim3A_1259, %add3A_1282] : memref<80x128xf32, #tpu.memory_space<vmem>>[vector<16xi32>, vector<16xi32>], vector<16xf32>,
        %mul3A_1284 = arith.mulf %gather3A_1283, %gather3A_1083 : vector<16xf32>
        %add3A_1285 = arith.addf %add3A_1279, %mul3A_1284 : vector<16xf32>
        %add3A_1286 = arith.constant 80 : i32
        %add3A_1287 = vector.broadcast %add3A_1286 : i32 to vector<16xi32>
        %add3A_1288 = arith.addi %iota3A, %add3A_1287 : vector<16xi32>
        %gather3A_1289 = tpu.vector_load_idx %arg10[%broadcast_in_dim3A_1259, %add3A_1288] : memref<80x128xf32, #tpu.memory_space<vmem>>[vector<16xi32>, vector<16xi32>], vector<16xf32>,
        %mul3A_1290 = arith.mulf %gather3A_1289, %gather3A_1087 : vector<16xf32>
        %add3A_1291 = arith.addf %add3A_1285, %mul3A_1290 : vector<16xf32>
        %add3A_1292 = arith.constant 96 : i32
        %add3A_1293 = vector.broadcast %add3A_1292 : i32 to vector<16xi32>
        %add3A_1294 = arith.addi %iota3A, %add3A_1293 : vector<16xi32>
        %gather3A_1295 = tpu.vector_load_idx %arg10[%broadcast_in_dim3A_1259, %add3A_1294] : memref<80x128xf32, #tpu.memory_space<vmem>>[vector<16xi32>, vector<16xi32>], vector<16xf32>,
        %mul3A_1296 = arith.mulf %gather3A_1295, %gather3A_1091 : vector<16xf32>
        %add3A_1297 = arith.addf %add3A_1291, %mul3A_1296 : vector<16xf32>
        %add3A_1298 = arith.constant 112 : i32
        %add3A_1299 = vector.broadcast %add3A_1298 : i32 to vector<16xi32>
        %add3A_1300 = arith.addi %iota3A, %add3A_1299 : vector<16xi32>
        %gather3A_1301 = tpu.vector_load_idx %arg10[%broadcast_in_dim3A_1259, %add3A_1300] : memref<80x128xf32, #tpu.memory_space<vmem>>[vector<16xi32>, vector<16xi32>], vector<16xf32>,
        %mul3A_1302 = arith.mulf %gather3A_1301, %gather3A_1095 : vector<16xf32>
        %add3A_1303 = arith.addf %add3A_1297, %mul3A_1302 : vector<16xf32>
        %swap3A_1304 = arith.constant 3 : i32
        %swap3A_1305 = arith.index_cast %swap3A_1304 : i32 to index
        %swap3A_1306 = arith.constant 0 : index
        %swap3A_1307 = tpu.vector_load %arg26[%swap3A_1305, %swap3A_1306] {strides = array<i32>} : memref<32x16xf32, #tpu.memory_space<vmem>>, vector<16xf32>,
        tpu.vector_store %arg26[%swap3A_1305, %swap3A_1306], %add3A_1303 {strides = array<i32>} : memref<32x16xf32, #tpu.memory_space<vmem>>, vector<16xf32>,
        %mul3A_1308 = arith.constant 20 : i32
        %mul3A_1309 = arith.muli %scan3A_1063, %mul3A_1308 : i32
        %add3A_1310 = arith.constant 4 : i32
        %add3A_1311 = arith.addi %mul3A_1309, %add3A_1310 : i32
        %broadcast_in_dim3A_1312 = vector.broadcast %add3A_1311 : i32 to vector<16xi32>
        %gather3A_1313 = tpu.vector_load_idx %arg10[%broadcast_in_dim3A_1312, %iota3A] : memref<80x128xf32, #tpu.memory_space<vmem>>[vector<16xi32>, vector<16xi32>], vector<16xf32>,
        %mul3A_1314 = arith.mulf %gather3A_1313, %gather3A : vector<16xf32>
        %add3A_1315 = arith.constant 16 : i32
        %add3A_1316 = vector.broadcast %add3A_1315 : i32 to vector<16xi32>
        %add3A_1317 = arith.addi %iota3A, %add3A_1316 : vector<16xi32>
        %gather3A_1318 = tpu.vector_load_idx %arg10[%broadcast_in_dim3A_1312, %add3A_1317] : memref<80x128xf32, #tpu.memory_space<vmem>>[vector<16xi32>, vector<16xi32>], vector<16xf32>,
        %mul3A_1319 = arith.mulf %gather3A_1318, %gather3A_1071 : vector<16xf32>
        %add3A_1320 = arith.addf %mul3A_1314, %mul3A_1319 : vector<16xf32>
        %add3A_1321 = arith.constant 32 : i32
        %add3A_1322 = vector.broadcast %add3A_1321 : i32 to vector<16xi32>
        %add3A_1323 = arith.addi %iota3A, %add3A_1322 : vector<16xi32>
        %gather3A_1324 = tpu.vector_load_idx %arg10[%broadcast_in_dim3A_1312, %add3A_1323] : memref<80x128xf32, #tpu.memory_space<vmem>>[vector<16xi32>, vector<16xi32>], vector<16xf32>,
        %mul3A_1325 = arith.mulf %gather3A_1324, %gather3A_1075 : vector<16xf32>
        %add3A_1326 = arith.addf %add3A_1320, %mul3A_1325 : vector<16xf32>
        %add3A_1327 = arith.constant 48 : i32
        %add3A_1328 = vector.broadcast %add3A_1327 : i32 to vector<16xi32>
        %add3A_1329 = arith.addi %iota3A, %add3A_1328 : vector<16xi32>
        %gather3A_1330 = tpu.vector_load_idx %arg10[%broadcast_in_dim3A_1312, %add3A_1329] : memref<80x128xf32, #tpu.memory_space<vmem>>[vector<16xi32>, vector<16xi32>], vector<16xf32>,
        %mul3A_1331 = arith.mulf %gather3A_1330, %gather3A_1079 : vector<16xf32>
        %add3A_1332 = arith.addf %add3A_1326, %mul3A_1331 : vector<16xf32>
        %add3A_1333 = arith.constant 64 : i32
        %add3A_1334 = vector.broadcast %add3A_1333 : i32 to vector<16xi32>
        %add3A_1335 = arith.addi %iota3A, %add3A_1334 : vector<16xi32>
        %gather3A_1336 = tpu.vector_load_idx %arg10[%broadcast_in_dim3A_1312, %add3A_1335] : memref<80x128xf32, #tpu.memory_space<vmem>>[vector<16xi32>, vector<16xi32>], vector<16xf32>,
        %mul3A_1337 = arith.mulf %gather3A_1336, %gather3A_1083 : vector<16xf32>
        %add3A_1338 = arith.addf %add3A_1332, %mul3A_1337 : vector<16xf32>
        %add3A_1339 = arith.constant 80 : i32
        %add3A_1340 = vector.broadcast %add3A_1339 : i32 to vector<16xi32>
        %add3A_1341 = arith.addi %iota3A, %add3A_1340 : vector<16xi32>
        %gather3A_1342 = tpu.vector_load_idx %arg10[%broadcast_in_dim3A_1312, %add3A_1341] : memref<80x128xf32, #tpu.memory_space<vmem>>[vector<16xi32>, vector<16xi32>], vector<16xf32>,
        %mul3A_1343 = arith.mulf %gather3A_1342, %gather3A_1087 : vector<16xf32>
        %add3A_1344 = arith.addf %add3A_1338, %mul3A_1343 : vector<16xf32>
        %add3A_1345 = arith.constant 96 : i32
        %add3A_1346 = vector.broadcast %add3A_1345 : i32 to vector<16xi32>
        %add3A_1347 = arith.addi %iota3A, %add3A_1346 : vector<16xi32>
        %gather3A_1348 = tpu.vector_load_idx %arg10[%broadcast_in_dim3A_1312, %add3A_1347] : memref<80x128xf32, #tpu.memory_space<vmem>>[vector<16xi32>, vector<16xi32>], vector<16xf32>,
        %mul3A_1349 = arith.mulf %gather3A_1348, %gather3A_1091 : vector<16xf32>
        %add3A_1350 = arith.addf %add3A_1344, %mul3A_1349 : vector<16xf32>
        %add3A_1351 = arith.constant 112 : i32
        %add3A_1352 = vector.broadcast %add3A_1351 : i32 to vector<16xi32>
        %add3A_1353 = arith.addi %iota3A, %add3A_1352 : vector<16xi32>
        %gather3A_1354 = tpu.vector_load_idx %arg10[%broadcast_in_dim3A_1312, %add3A_1353] : memref<80x128xf32, #tpu.memory_space<vmem>>[vector<16xi32>, vector<16xi32>], vector<16xf32>,
        %mul3A_1355 = arith.mulf %gather3A_1354, %gather3A_1095 : vector<16xf32>
        %add3A_1356 = arith.addf %add3A_1350, %mul3A_1355 : vector<16xf32>
        %swap3A_1357 = arith.constant 4 : i32
        %swap3A_1358 = arith.index_cast %swap3A_1357 : i32 to index
        %swap3A_1359 = arith.constant 0 : index
        %swap3A_1360 = tpu.vector_load %arg26[%swap3A_1358, %swap3A_1359] {strides = array<i32>} : memref<32x16xf32, #tpu.memory_space<vmem>>, vector<16xf32>,
        tpu.vector_store %arg26[%swap3A_1358, %swap3A_1359], %add3A_1356 {strides = array<i32>} : memref<32x16xf32, #tpu.memory_space<vmem>>, vector<16xf32>,
        %mul3A_1361 = arith.constant 20 : i32
        %mul3A_1362 = arith.muli %scan3A_1063, %mul3A_1361 : i32
        %add3A_1363 = arith.constant 5 : i32
        %add3A_1364 = arith.addi %mul3A_1362, %add3A_1363 : i32
        %broadcast_in_dim3A_1365 = vector.broadcast %add3A_1364 : i32 to vector<16xi32>
        %gather3A_1366 = tpu.vector_load_idx %arg10[%broadcast_in_dim3A_1365, %iota3A] : memref<80x128xf32, #tpu.memory_space<vmem>>[vector<16xi32>, vector<16xi32>], vector<16xf32>,
        %mul3A_1367 = arith.mulf %gather3A_1366, %gather3A : vector<16xf32>
        %add3A_1368 = arith.constant 16 : i32
        %add3A_1369 = vector.broadcast %add3A_1368 : i32 to vector<16xi32>
        %add3A_1370 = arith.addi %iota3A, %add3A_1369 : vector<16xi32>
        %gather3A_1371 = tpu.vector_load_idx %arg10[%broadcast_in_dim3A_1365, %add3A_1370] : memref<80x128xf32, #tpu.memory_space<vmem>>[vector<16xi32>, vector<16xi32>], vector<16xf32>,
        %mul3A_1372 = arith.mulf %gather3A_1371, %gather3A_1071 : vector<16xf32>
        %add3A_1373 = arith.addf %mul3A_1367, %mul3A_1372 : vector<16xf32>
        %add3A_1374 = arith.constant 32 : i32
        %add3A_1375 = vector.broadcast %add3A_1374 : i32 to vector<16xi32>
        %add3A_1376 = arith.addi %iota3A, %add3A_1375 : vector<16xi32>
        %gather3A_1377 = tpu.vector_load_idx %arg10[%broadcast_in_dim3A_1365, %add3A_1376] : memref<80x128xf32, #tpu.memory_space<vmem>>[vector<16xi32>, vector<16xi32>], vector<16xf32>,
        %mul3A_1378 = arith.mulf %gather3A_1377, %gather3A_1075 : vector<16xf32>
        %add3A_1379 = arith.addf %add3A_1373, %mul3A_1378 : vector<16xf32>
        %add3A_1380 = arith.constant 48 : i32
        %add3A_1381 = vector.broadcast %add3A_1380 : i32 to vector<16xi32>
        %add3A_1382 = arith.addi %iota3A, %add3A_1381 : vector<16xi32>
        %gather3A_1383 = tpu.vector_load_idx %arg10[%broadcast_in_dim3A_1365, %add3A_1382] : memref<80x128xf32, #tpu.memory_space<vmem>>[vector<16xi32>, vector<16xi32>], vector<16xf32>,
        %mul3A_1384 = arith.mulf %gather3A_1383, %gather3A_1079 : vector<16xf32>
        %add3A_1385 = arith.addf %add3A_1379, %mul3A_1384 : vector<16xf32>
        %add3A_1386 = arith.constant 64 : i32
        %add3A_1387 = vector.broadcast %add3A_1386 : i32 to vector<16xi32>
        %add3A_1388 = arith.addi %iota3A, %add3A_1387 : vector<16xi32>
        %gather3A_1389 = tpu.vector_load_idx %arg10[%broadcast_in_dim3A_1365, %add3A_1388] : memref<80x128xf32, #tpu.memory_space<vmem>>[vector<16xi32>, vector<16xi32>], vector<16xf32>,
        %mul3A_1390 = arith.mulf %gather3A_1389, %gather3A_1083 : vector<16xf32>
        %add3A_1391 = arith.addf %add3A_1385, %mul3A_1390 : vector<16xf32>
        %add3A_1392 = arith.constant 80 : i32
        %add3A_1393 = vector.broadcast %add3A_1392 : i32 to vector<16xi32>
        %add3A_1394 = arith.addi %iota3A, %add3A_1393 : vector<16xi32>
        %gather3A_1395 = tpu.vector_load_idx %arg10[%broadcast_in_dim3A_1365, %add3A_1394] : memref<80x128xf32, #tpu.memory_space<vmem>>[vector<16xi32>, vector<16xi32>], vector<16xf32>,
        %mul3A_1396 = arith.mulf %gather3A_1395, %gather3A_1087 : vector<16xf32>
        %add3A_1397 = arith.addf %add3A_1391, %mul3A_1396 : vector<16xf32>
        %add3A_1398 = arith.constant 96 : i32
        %add3A_1399 = vector.broadcast %add3A_1398 : i32 to vector<16xi32>
        %add3A_1400 = arith.addi %iota3A, %add3A_1399 : vector<16xi32>
        %gather3A_1401 = tpu.vector_load_idx %arg10[%broadcast_in_dim3A_1365, %add3A_1400] : memref<80x128xf32, #tpu.memory_space<vmem>>[vector<16xi32>, vector<16xi32>], vector<16xf32>,
        %mul3A_1402 = arith.mulf %gather3A_1401, %gather3A_1091 : vector<16xf32>
        %add3A_1403 = arith.addf %add3A_1397, %mul3A_1402 : vector<16xf32>
        %add3A_1404 = arith.constant 112 : i32
        %add3A_1405 = vector.broadcast %add3A_1404 : i32 to vector<16xi32>
        %add3A_1406 = arith.addi %iota3A, %add3A_1405 : vector<16xi32>
        %gather3A_1407 = tpu.vector_load_idx %arg10[%broadcast_in_dim3A_1365, %add3A_1406] : memref<80x128xf32, #tpu.memory_space<vmem>>[vector<16xi32>, vector<16xi32>], vector<16xf32>,
        %mul3A_1408 = arith.mulf %gather3A_1407, %gather3A_1095 : vector<16xf32>
        %add3A_1409 = arith.addf %add3A_1403, %mul3A_1408 : vector<16xf32>
        %swap3A_1410 = arith.constant 5 : i32
        %swap3A_1411 = arith.index_cast %swap3A_1410 : i32 to index
        %swap3A_1412 = arith.constant 0 : index
        %swap3A_1413 = tpu.vector_load %arg26[%swap3A_1411, %swap3A_1412] {strides = array<i32>} : memref<32x16xf32, #tpu.memory_space<vmem>>, vector<16xf32>,
        tpu.vector_store %arg26[%swap3A_1411, %swap3A_1412], %add3A_1409 {strides = array<i32>} : memref<32x16xf32, #tpu.memory_space<vmem>>, vector<16xf32>,
        %mul3A_1414 = arith.constant 20 : i32
        %mul3A_1415 = arith.muli %scan3A_1063, %mul3A_1414 : i32
        %add3A_1416 = arith.constant 6 : i32
        %add3A_1417 = arith.addi %mul3A_1415, %add3A_1416 : i32
        %broadcast_in_dim3A_1418 = vector.broadcast %add3A_1417 : i32 to vector<16xi32>
        %gather3A_1419 = tpu.vector_load_idx %arg10[%broadcast_in_dim3A_1418, %iota3A] : memref<80x128xf32, #tpu.memory_space<vmem>>[vector<16xi32>, vector<16xi32>], vector<16xf32>,
        %mul3A_1420 = arith.mulf %gather3A_1419, %gather3A : vector<16xf32>
        %add3A_1421 = arith.constant 16 : i32
        %add3A_1422 = vector.broadcast %add3A_1421 : i32 to vector<16xi32>
        %add3A_1423 = arith.addi %iota3A, %add3A_1422 : vector<16xi32>
        %gather3A_1424 = tpu.vector_load_idx %arg10[%broadcast_in_dim3A_1418, %add3A_1423] : memref<80x128xf32, #tpu.memory_space<vmem>>[vector<16xi32>, vector<16xi32>], vector<16xf32>,
        %mul3A_1425 = arith.mulf %gather3A_1424, %gather3A_1071 : vector<16xf32>
        %add3A_1426 = arith.addf %mul3A_1420, %mul3A_1425 : vector<16xf32>
        %add3A_1427 = arith.constant 32 : i32
        %add3A_1428 = vector.broadcast %add3A_1427 : i32 to vector<16xi32>
        %add3A_1429 = arith.addi %iota3A, %add3A_1428 : vector<16xi32>
        %gather3A_1430 = tpu.vector_load_idx %arg10[%broadcast_in_dim3A_1418, %add3A_1429] : memref<80x128xf32, #tpu.memory_space<vmem>>[vector<16xi32>, vector<16xi32>], vector<16xf32>,
        %mul3A_1431 = arith.mulf %gather3A_1430, %gather3A_1075 : vector<16xf32>
        %add3A_1432 = arith.addf %add3A_1426, %mul3A_1431 : vector<16xf32>
        %add3A_1433 = arith.constant 48 : i32
        %add3A_1434 = vector.broadcast %add3A_1433 : i32 to vector<16xi32>
        %add3A_1435 = arith.addi %iota3A, %add3A_1434 : vector<16xi32>
        %gather3A_1436 = tpu.vector_load_idx %arg10[%broadcast_in_dim3A_1418, %add3A_1435] : memref<80x128xf32, #tpu.memory_space<vmem>>[vector<16xi32>, vector<16xi32>], vector<16xf32>,
        %mul3A_1437 = arith.mulf %gather3A_1436, %gather3A_1079 : vector<16xf32>
        %add3A_1438 = arith.addf %add3A_1432, %mul3A_1437 : vector<16xf32>
        %add3A_1439 = arith.constant 64 : i32
        %add3A_1440 = vector.broadcast %add3A_1439 : i32 to vector<16xi32>
        %add3A_1441 = arith.addi %iota3A, %add3A_1440 : vector<16xi32>
        %gather3A_1442 = tpu.vector_load_idx %arg10[%broadcast_in_dim3A_1418, %add3A_1441] : memref<80x128xf32, #tpu.memory_space<vmem>>[vector<16xi32>, vector<16xi32>], vector<16xf32>,
        %mul3A_1443 = arith.mulf %gather3A_1442, %gather3A_1083 : vector<16xf32>
        %add3A_1444 = arith.addf %add3A_1438, %mul3A_1443 : vector<16xf32>
        %add3A_1445 = arith.constant 80 : i32
        %add3A_1446 = vector.broadcast %add3A_1445 : i32 to vector<16xi32>
        %add3A_1447 = arith.addi %iota3A, %add3A_1446 : vector<16xi32>
        %gather3A_1448 = tpu.vector_load_idx %arg10[%broadcast_in_dim3A_1418, %add3A_1447] : memref<80x128xf32, #tpu.memory_space<vmem>>[vector<16xi32>, vector<16xi32>], vector<16xf32>,
        %mul3A_1449 = arith.mulf %gather3A_1448, %gather3A_1087 : vector<16xf32>
        %add3A_1450 = arith.addf %add3A_1444, %mul3A_1449 : vector<16xf32>
        %add3A_1451 = arith.constant 96 : i32
        %add3A_1452 = vector.broadcast %add3A_1451 : i32 to vector<16xi32>
        %add3A_1453 = arith.addi %iota3A, %add3A_1452 : vector<16xi32>
        %gather3A_1454 = tpu.vector_load_idx %arg10[%broadcast_in_dim3A_1418, %add3A_1453] : memref<80x128xf32, #tpu.memory_space<vmem>>[vector<16xi32>, vector<16xi32>], vector<16xf32>,
        %mul3A_1455 = arith.mulf %gather3A_1454, %gather3A_1091 : vector<16xf32>
        %add3A_1456 = arith.addf %add3A_1450, %mul3A_1455 : vector<16xf32>
        %add3A_1457 = arith.constant 112 : i32
        %add3A_1458 = vector.broadcast %add3A_1457 : i32 to vector<16xi32>
        %add3A_1459 = arith.addi %iota3A, %add3A_1458 : vector<16xi32>
        %gather3A_1460 = tpu.vector_load_idx %arg10[%broadcast_in_dim3A_1418, %add3A_1459] : memref<80x128xf32, #tpu.memory_space<vmem>>[vector<16xi32>, vector<16xi32>], vector<16xf32>,
        %mul3A_1461 = arith.mulf %gather3A_1460, %gather3A_1095 : vector<16xf32>
        %add3A_1462 = arith.addf %add3A_1456, %mul3A_1461 : vector<16xf32>
        %swap3A_1463 = arith.constant 6 : i32
        %swap3A_1464 = arith.index_cast %swap3A_1463 : i32 to index
        %swap3A_1465 = arith.constant 0 : index
        %swap3A_1466 = tpu.vector_load %arg26[%swap3A_1464, %swap3A_1465] {strides = array<i32>} : memref<32x16xf32, #tpu.memory_space<vmem>>, vector<16xf32>,
        tpu.vector_store %arg26[%swap3A_1464, %swap3A_1465], %add3A_1462 {strides = array<i32>} : memref<32x16xf32, #tpu.memory_space<vmem>>, vector<16xf32>,
        %mul3A_1467 = arith.constant 20 : i32
        %mul3A_1468 = arith.muli %scan3A_1063, %mul3A_1467 : i32
        %add3A_1469 = arith.constant 7 : i32
        %add3A_1470 = arith.addi %mul3A_1468, %add3A_1469 : i32
        %broadcast_in_dim3A_1471 = vector.broadcast %add3A_1470 : i32 to vector<16xi32>
        %gather3A_1472 = tpu.vector_load_idx %arg10[%broadcast_in_dim3A_1471, %iota3A] : memref<80x128xf32, #tpu.memory_space<vmem>>[vector<16xi32>, vector<16xi32>], vector<16xf32>,
        %mul3A_1473 = arith.mulf %gather3A_1472, %gather3A : vector<16xf32>
        %add3A_1474 = arith.constant 16 : i32
        %add3A_1475 = vector.broadcast %add3A_1474 : i32 to vector<16xi32>
        %add3A_1476 = arith.addi %iota3A, %add3A_1475 : vector<16xi32>
        %gather3A_1477 = tpu.vector_load_idx %arg10[%broadcast_in_dim3A_1471, %add3A_1476] : memref<80x128xf32, #tpu.memory_space<vmem>>[vector<16xi32>, vector<16xi32>], vector<16xf32>,
        %mul3A_1478 = arith.mulf %gather3A_1477, %gather3A_1071 : vector<16xf32>
        %add3A_1479 = arith.addf %mul3A_1473, %mul3A_1478 : vector<16xf32>
        %add3A_1480 = arith.constant 32 : i32
        %add3A_1481 = vector.broadcast %add3A_1480 : i32 to vector<16xi32>
        %add3A_1482 = arith.addi %iota3A, %add3A_1481 : vector<16xi32>
        %gather3A_1483 = tpu.vector_load_idx %arg10[%broadcast_in_dim3A_1471, %add3A_1482] : memref<80x128xf32, #tpu.memory_space<vmem>>[vector<16xi32>, vector<16xi32>], vector<16xf32>,
        %mul3A_1484 = arith.mulf %gather3A_1483, %gather3A_1075 : vector<16xf32>
        %add3A_1485 = arith.addf %add3A_1479, %mul3A_1484 : vector<16xf32>
        %add3A_1486 = arith.constant 48 : i32
        %add3A_1487 = vector.broadcast %add3A_1486 : i32 to vector<16xi32>
        %add3A_1488 = arith.addi %iota3A, %add3A_1487 : vector<16xi32>
        %gather3A_1489 = tpu.vector_load_idx %arg10[%broadcast_in_dim3A_1471, %add3A_1488] : memref<80x128xf32, #tpu.memory_space<vmem>>[vector<16xi32>, vector<16xi32>], vector<16xf32>,
        %mul3A_1490 = arith.mulf %gather3A_1489, %gather3A_1079 : vector<16xf32>
        %add3A_1491 = arith.addf %add3A_1485, %mul3A_1490 : vector<16xf32>
        %add3A_1492 = arith.constant 64 : i32
        %add3A_1493 = vector.broadcast %add3A_1492 : i32 to vector<16xi32>
        %add3A_1494 = arith.addi %iota3A, %add3A_1493 : vector<16xi32>
        %gather3A_1495 = tpu.vector_load_idx %arg10[%broadcast_in_dim3A_1471, %add3A_1494] : memref<80x128xf32, #tpu.memory_space<vmem>>[vector<16xi32>, vector<16xi32>], vector<16xf32>,
        %mul3A_1496 = arith.mulf %gather3A_1495, %gather3A_1083 : vector<16xf32>
        %add3A_1497 = arith.addf %add3A_1491, %mul3A_1496 : vector<16xf32>
        %add3A_1498 = arith.constant 80 : i32
        %add3A_1499 = vector.broadcast %add3A_1498 : i32 to vector<16xi32>
        %add3A_1500 = arith.addi %iota3A, %add3A_1499 : vector<16xi32>
        %gather3A_1501 = tpu.vector_load_idx %arg10[%broadcast_in_dim3A_1471, %add3A_1500] : memref<80x128xf32, #tpu.memory_space<vmem>>[vector<16xi32>, vector<16xi32>], vector<16xf32>,
        %mul3A_1502 = arith.mulf %gather3A_1501, %gather3A_1087 : vector<16xf32>
        %add3A_1503 = arith.addf %add3A_1497, %mul3A_1502 : vector<16xf32>
        %add3A_1504 = arith.constant 96 : i32
        %add3A_1505 = vector.broadcast %add3A_1504 : i32 to vector<16xi32>
        %add3A_1506 = arith.addi %iota3A, %add3A_1505 : vector<16xi32>
        %gather3A_1507 = tpu.vector_load_idx %arg10[%broadcast_in_dim3A_1471, %add3A_1506] : memref<80x128xf32, #tpu.memory_space<vmem>>[vector<16xi32>, vector<16xi32>], vector<16xf32>,
        %mul3A_1508 = arith.mulf %gather3A_1507, %gather3A_1091 : vector<16xf32>
        %add3A_1509 = arith.addf %add3A_1503, %mul3A_1508 : vector<16xf32>
        %add3A_1510 = arith.constant 112 : i32
        %add3A_1511 = vector.broadcast %add3A_1510 : i32 to vector<16xi32>
        %add3A_1512 = arith.addi %iota3A, %add3A_1511 : vector<16xi32>
        %gather3A_1513 = tpu.vector_load_idx %arg10[%broadcast_in_dim3A_1471, %add3A_1512] : memref<80x128xf32, #tpu.memory_space<vmem>>[vector<16xi32>, vector<16xi32>], vector<16xf32>,
        %mul3A_1514 = arith.mulf %gather3A_1513, %gather3A_1095 : vector<16xf32>
        %add3A_1515 = arith.addf %add3A_1509, %mul3A_1514 : vector<16xf32>
        %swap3A_1516 = arith.constant 7 : i32
        %swap3A_1517 = arith.index_cast %swap3A_1516 : i32 to index
        %swap3A_1518 = arith.constant 0 : index
        %swap3A_1519 = tpu.vector_load %arg26[%swap3A_1517, %swap3A_1518] {strides = array<i32>} : memref<32x16xf32, #tpu.memory_space<vmem>>, vector<16xf32>,
        tpu.vector_store %arg26[%swap3A_1517, %swap3A_1518], %add3A_1515 {strides = array<i32>} : memref<32x16xf32, #tpu.memory_space<vmem>>, vector<16xf32>,
        %mul3A_1520 = arith.constant 20 : i32
        %mul3A_1521 = arith.muli %scan3A_1063, %mul3A_1520 : i32
        %add3A_1522 = arith.constant 8 : i32
        %add3A_1523 = arith.addi %mul3A_1521, %add3A_1522 : i32
        %broadcast_in_dim3A_1524 = vector.broadcast %add3A_1523 : i32 to vector<16xi32>
        %gather3A_1525 = tpu.vector_load_idx %arg10[%broadcast_in_dim3A_1524, %iota3A] : memref<80x128xf32, #tpu.memory_space<vmem>>[vector<16xi32>, vector<16xi32>], vector<16xf32>,
        %mul3A_1526 = arith.mulf %gather3A_1525, %gather3A : vector<16xf32>
        %add3A_1527 = arith.constant 16 : i32
        %add3A_1528 = vector.broadcast %add3A_1527 : i32 to vector<16xi32>
        %add3A_1529 = arith.addi %iota3A, %add3A_1528 : vector<16xi32>
        %gather3A_1530 = tpu.vector_load_idx %arg10[%broadcast_in_dim3A_1524, %add3A_1529] : memref<80x128xf32, #tpu.memory_space<vmem>>[vector<16xi32>, vector<16xi32>], vector<16xf32>,
        %mul3A_1531 = arith.mulf %gather3A_1530, %gather3A_1071 : vector<16xf32>
        %add3A_1532 = arith.addf %mul3A_1526, %mul3A_1531 : vector<16xf32>
        %add3A_1533 = arith.constant 32 : i32
        %add3A_1534 = vector.broadcast %add3A_1533 : i32 to vector<16xi32>
        %add3A_1535 = arith.addi %iota3A, %add3A_1534 : vector<16xi32>
        %gather3A_1536 = tpu.vector_load_idx %arg10[%broadcast_in_dim3A_1524, %add3A_1535] : memref<80x128xf32, #tpu.memory_space<vmem>>[vector<16xi32>, vector<16xi32>], vector<16xf32>,
        %mul3A_1537 = arith.mulf %gather3A_1536, %gather3A_1075 : vector<16xf32>
        %add3A_1538 = arith.addf %add3A_1532, %mul3A_1537 : vector<16xf32>
        %add3A_1539 = arith.constant 48 : i32
        %add3A_1540 = vector.broadcast %add3A_1539 : i32 to vector<16xi32>
        %add3A_1541 = arith.addi %iota3A, %add3A_1540 : vector<16xi32>
        %gather3A_1542 = tpu.vector_load_idx %arg10[%broadcast_in_dim3A_1524, %add3A_1541] : memref<80x128xf32, #tpu.memory_space<vmem>>[vector<16xi32>, vector<16xi32>], vector<16xf32>,
        %mul3A_1543 = arith.mulf %gather3A_1542, %gather3A_1079 : vector<16xf32>
        %add3A_1544 = arith.addf %add3A_1538, %mul3A_1543 : vector<16xf32>
        %add3A_1545 = arith.constant 64 : i32
        %add3A_1546 = vector.broadcast %add3A_1545 : i32 to vector<16xi32>
        %add3A_1547 = arith.addi %iota3A, %add3A_1546 : vector<16xi32>
        %gather3A_1548 = tpu.vector_load_idx %arg10[%broadcast_in_dim3A_1524, %add3A_1547] : memref<80x128xf32, #tpu.memory_space<vmem>>[vector<16xi32>, vector<16xi32>], vector<16xf32>,
        %mul3A_1549 = arith.mulf %gather3A_1548, %gather3A_1083 : vector<16xf32>
        %add3A_1550 = arith.addf %add3A_1544, %mul3A_1549 : vector<16xf32>
        %add3A_1551 = arith.constant 80 : i32
        %add3A_1552 = vector.broadcast %add3A_1551 : i32 to vector<16xi32>
        %add3A_1553 = arith.addi %iota3A, %add3A_1552 : vector<16xi32>
        %gather3A_1554 = tpu.vector_load_idx %arg10[%broadcast_in_dim3A_1524, %add3A_1553] : memref<80x128xf32, #tpu.memory_space<vmem>>[vector<16xi32>, vector<16xi32>], vector<16xf32>,
        %mul3A_1555 = arith.mulf %gather3A_1554, %gather3A_1087 : vector<16xf32>
        %add3A_1556 = arith.addf %add3A_1550, %mul3A_1555 : vector<16xf32>
        %add3A_1557 = arith.constant 96 : i32
        %add3A_1558 = vector.broadcast %add3A_1557 : i32 to vector<16xi32>
        %add3A_1559 = arith.addi %iota3A, %add3A_1558 : vector<16xi32>
        %gather3A_1560 = tpu.vector_load_idx %arg10[%broadcast_in_dim3A_1524, %add3A_1559] : memref<80x128xf32, #tpu.memory_space<vmem>>[vector<16xi32>, vector<16xi32>], vector<16xf32>,
        %mul3A_1561 = arith.mulf %gather3A_1560, %gather3A_1091 : vector<16xf32>
        %add3A_1562 = arith.addf %add3A_1556, %mul3A_1561 : vector<16xf32>
        %add3A_1563 = arith.constant 112 : i32
        %add3A_1564 = vector.broadcast %add3A_1563 : i32 to vector<16xi32>
        %add3A_1565 = arith.addi %iota3A, %add3A_1564 : vector<16xi32>
        %gather3A_1566 = tpu.vector_load_idx %arg10[%broadcast_in_dim3A_1524, %add3A_1565] : memref<80x128xf32, #tpu.memory_space<vmem>>[vector<16xi32>, vector<16xi32>], vector<16xf32>,
        %mul3A_1567 = arith.mulf %gather3A_1566, %gather3A_1095 : vector<16xf32>
        %add3A_1568 = arith.addf %add3A_1562, %mul3A_1567 : vector<16xf32>
        %swap3A_1569 = arith.constant 8 : i32
        %swap3A_1570 = arith.index_cast %swap3A_1569 : i32 to index
        %swap3A_1571 = arith.constant 0 : index
        %swap3A_1572 = tpu.vector_load %arg26[%swap3A_1570, %swap3A_1571] {strides = array<i32>} : memref<32x16xf32, #tpu.memory_space<vmem>>, vector<16xf32>,
        tpu.vector_store %arg26[%swap3A_1570, %swap3A_1571], %add3A_1568 {strides = array<i32>} : memref<32x16xf32, #tpu.memory_space<vmem>>, vector<16xf32>,
        %mul3A_1573 = arith.constant 20 : i32
        %mul3A_1574 = arith.muli %scan3A_1063, %mul3A_1573 : i32
        %add3A_1575 = arith.constant 9 : i32
        %add3A_1576 = arith.addi %mul3A_1574, %add3A_1575 : i32
        %broadcast_in_dim3A_1577 = vector.broadcast %add3A_1576 : i32 to vector<16xi32>
        %gather3A_1578 = tpu.vector_load_idx %arg10[%broadcast_in_dim3A_1577, %iota3A] : memref<80x128xf32, #tpu.memory_space<vmem>>[vector<16xi32>, vector<16xi32>], vector<16xf32>,
        %mul3A_1579 = arith.mulf %gather3A_1578, %gather3A : vector<16xf32>
        %add3A_1580 = arith.constant 16 : i32
        %add3A_1581 = vector.broadcast %add3A_1580 : i32 to vector<16xi32>
        %add3A_1582 = arith.addi %iota3A, %add3A_1581 : vector<16xi32>
        %gather3A_1583 = tpu.vector_load_idx %arg10[%broadcast_in_dim3A_1577, %add3A_1582] : memref<80x128xf32, #tpu.memory_space<vmem>>[vector<16xi32>, vector<16xi32>], vector<16xf32>,
        %mul3A_1584 = arith.mulf %gather3A_1583, %gather3A_1071 : vector<16xf32>
        %add3A_1585 = arith.addf %mul3A_1579, %mul3A_1584 : vector<16xf32>
        %add3A_1586 = arith.constant 32 : i32
        %add3A_1587 = vector.broadcast %add3A_1586 : i32 to vector<16xi32>
        %add3A_1588 = arith.addi %iota3A, %add3A_1587 : vector<16xi32>
        %gather3A_1589 = tpu.vector_load_idx %arg10[%broadcast_in_dim3A_1577, %add3A_1588] : memref<80x128xf32, #tpu.memory_space<vmem>>[vector<16xi32>, vector<16xi32>], vector<16xf32>,
        %mul3A_1590 = arith.mulf %gather3A_1589, %gather3A_1075 : vector<16xf32>
        %add3A_1591 = arith.addf %add3A_1585, %mul3A_1590 : vector<16xf32>
        %add3A_1592 = arith.constant 48 : i32
        %add3A_1593 = vector.broadcast %add3A_1592 : i32 to vector<16xi32>
        %add3A_1594 = arith.addi %iota3A, %add3A_1593 : vector<16xi32>
        %gather3A_1595 = tpu.vector_load_idx %arg10[%broadcast_in_dim3A_1577, %add3A_1594] : memref<80x128xf32, #tpu.memory_space<vmem>>[vector<16xi32>, vector<16xi32>], vector<16xf32>,
        %mul3A_1596 = arith.mulf %gather3A_1595, %gather3A_1079 : vector<16xf32>
        %add3A_1597 = arith.addf %add3A_1591, %mul3A_1596 : vector<16xf32>
        %add3A_1598 = arith.constant 64 : i32
        %add3A_1599 = vector.broadcast %add3A_1598 : i32 to vector<16xi32>
        %add3A_1600 = arith.addi %iota3A, %add3A_1599 : vector<16xi32>
        %gather3A_1601 = tpu.vector_load_idx %arg10[%broadcast_in_dim3A_1577, %add3A_1600] : memref<80x128xf32, #tpu.memory_space<vmem>>[vector<16xi32>, vector<16xi32>], vector<16xf32>,
        %mul3A_1602 = arith.mulf %gather3A_1601, %gather3A_1083 : vector<16xf32>
        %add3A_1603 = arith.addf %add3A_1597, %mul3A_1602 : vector<16xf32>
        %add3A_1604 = arith.constant 80 : i32
        %add3A_1605 = vector.broadcast %add3A_1604 : i32 to vector<16xi32>
        %add3A_1606 = arith.addi %iota3A, %add3A_1605 : vector<16xi32>
        %gather3A_1607 = tpu.vector_load_idx %arg10[%broadcast_in_dim3A_1577, %add3A_1606] : memref<80x128xf32, #tpu.memory_space<vmem>>[vector<16xi32>, vector<16xi32>], vector<16xf32>,
        %mul3A_1608 = arith.mulf %gather3A_1607, %gather3A_1087 : vector<16xf32>
        %add3A_1609 = arith.addf %add3A_1603, %mul3A_1608 : vector<16xf32>
        %add3A_1610 = arith.constant 96 : i32
        %add3A_1611 = vector.broadcast %add3A_1610 : i32 to vector<16xi32>
        %add3A_1612 = arith.addi %iota3A, %add3A_1611 : vector<16xi32>
        %gather3A_1613 = tpu.vector_load_idx %arg10[%broadcast_in_dim3A_1577, %add3A_1612] : memref<80x128xf32, #tpu.memory_space<vmem>>[vector<16xi32>, vector<16xi32>], vector<16xf32>,
        %mul3A_1614 = arith.mulf %gather3A_1613, %gather3A_1091 : vector<16xf32>
        %add3A_1615 = arith.addf %add3A_1609, %mul3A_1614 : vector<16xf32>
        %add3A_1616 = arith.constant 112 : i32
        %add3A_1617 = vector.broadcast %add3A_1616 : i32 to vector<16xi32>
        %add3A_1618 = arith.addi %iota3A, %add3A_1617 : vector<16xi32>
        %gather3A_1619 = tpu.vector_load_idx %arg10[%broadcast_in_dim3A_1577, %add3A_1618] : memref<80x128xf32, #tpu.memory_space<vmem>>[vector<16xi32>, vector<16xi32>], vector<16xf32>,
        %mul3A_1620 = arith.mulf %gather3A_1619, %gather3A_1095 : vector<16xf32>
        %add3A_1621 = arith.addf %add3A_1615, %mul3A_1620 : vector<16xf32>
        %swap3A_1622 = arith.constant 9 : i32
        %swap3A_1623 = arith.index_cast %swap3A_1622 : i32 to index
        %swap3A_1624 = arith.constant 0 : index
        %swap3A_1625 = tpu.vector_load %arg26[%swap3A_1623, %swap3A_1624] {strides = array<i32>} : memref<32x16xf32, #tpu.memory_space<vmem>>, vector<16xf32>,
        tpu.vector_store %arg26[%swap3A_1623, %swap3A_1624], %add3A_1621 {strides = array<i32>} : memref<32x16xf32, #tpu.memory_space<vmem>>, vector<16xf32>,
        %mul3A_1626 = arith.constant 20 : i32
        %mul3A_1627 = arith.muli %scan3A_1063, %mul3A_1626 : i32
        %add3A_1628 = arith.constant 10 : i32
        %add3A_1629 = arith.addi %mul3A_1627, %add3A_1628 : i32
        %broadcast_in_dim3A_1630 = vector.broadcast %add3A_1629 : i32 to vector<16xi32>
        %gather3A_1631 = tpu.vector_load_idx %arg10[%broadcast_in_dim3A_1630, %iota3A] : memref<80x128xf32, #tpu.memory_space<vmem>>[vector<16xi32>, vector<16xi32>], vector<16xf32>,
        %mul3A_1632 = arith.mulf %gather3A_1631, %gather3A : vector<16xf32>
        %add3A_1633 = arith.constant 16 : i32
        %add3A_1634 = vector.broadcast %add3A_1633 : i32 to vector<16xi32>
        %add3A_1635 = arith.addi %iota3A, %add3A_1634 : vector<16xi32>
        %gather3A_1636 = tpu.vector_load_idx %arg10[%broadcast_in_dim3A_1630, %add3A_1635] : memref<80x128xf32, #tpu.memory_space<vmem>>[vector<16xi32>, vector<16xi32>], vector<16xf32>,
        %mul3A_1637 = arith.mulf %gather3A_1636, %gather3A_1071 : vector<16xf32>
        %add3A_1638 = arith.addf %mul3A_1632, %mul3A_1637 : vector<16xf32>
        %add3A_1639 = arith.constant 32 : i32
        %add3A_1640 = vector.broadcast %add3A_1639 : i32 to vector<16xi32>
        %add3A_1641 = arith.addi %iota3A, %add3A_1640 : vector<16xi32>
        %gather3A_1642 = tpu.vector_load_idx %arg10[%broadcast_in_dim3A_1630, %add3A_1641] : memref<80x128xf32, #tpu.memory_space<vmem>>[vector<16xi32>, vector<16xi32>], vector<16xf32>,
        %mul3A_1643 = arith.mulf %gather3A_1642, %gather3A_1075 : vector<16xf32>
        %add3A_1644 = arith.addf %add3A_1638, %mul3A_1643 : vector<16xf32>
        %add3A_1645 = arith.constant 48 : i32
        %add3A_1646 = vector.broadcast %add3A_1645 : i32 to vector<16xi32>
        %add3A_1647 = arith.addi %iota3A, %add3A_1646 : vector<16xi32>
        %gather3A_1648 = tpu.vector_load_idx %arg10[%broadcast_in_dim3A_1630, %add3A_1647] : memref<80x128xf32, #tpu.memory_space<vmem>>[vector<16xi32>, vector<16xi32>], vector<16xf32>,
        %mul3A_1649 = arith.mulf %gather3A_1648, %gather3A_1079 : vector<16xf32>
        %add3A_1650 = arith.addf %add3A_1644, %mul3A_1649 : vector<16xf32>
        %add3A_1651 = arith.constant 64 : i32
        %add3A_1652 = vector.broadcast %add3A_1651 : i32 to vector<16xi32>
        %add3A_1653 = arith.addi %iota3A, %add3A_1652 : vector<16xi32>
        %gather3A_1654 = tpu.vector_load_idx %arg10[%broadcast_in_dim3A_1630, %add3A_1653] : memref<80x128xf32, #tpu.memory_space<vmem>>[vector<16xi32>, vector<16xi32>], vector<16xf32>,
        %mul3A_1655 = arith.mulf %gather3A_1654, %gather3A_1083 : vector<16xf32>
        %add3A_1656 = arith.addf %add3A_1650, %mul3A_1655 : vector<16xf32>
        %add3A_1657 = arith.constant 80 : i32
        %add3A_1658 = vector.broadcast %add3A_1657 : i32 to vector<16xi32>
        %add3A_1659 = arith.addi %iota3A, %add3A_1658 : vector<16xi32>
        %gather3A_1660 = tpu.vector_load_idx %arg10[%broadcast_in_dim3A_1630, %add3A_1659] : memref<80x128xf32, #tpu.memory_space<vmem>>[vector<16xi32>, vector<16xi32>], vector<16xf32>,
        %mul3A_1661 = arith.mulf %gather3A_1660, %gather3A_1087 : vector<16xf32>
        %add3A_1662 = arith.addf %add3A_1656, %mul3A_1661 : vector<16xf32>
        %add3A_1663 = arith.constant 96 : i32
        %add3A_1664 = vector.broadcast %add3A_1663 : i32 to vector<16xi32>
        %add3A_1665 = arith.addi %iota3A, %add3A_1664 : vector<16xi32>
        %gather3A_1666 = tpu.vector_load_idx %arg10[%broadcast_in_dim3A_1630, %add3A_1665] : memref<80x128xf32, #tpu.memory_space<vmem>>[vector<16xi32>, vector<16xi32>], vector<16xf32>,
        %mul3A_1667 = arith.mulf %gather3A_1666, %gather3A_1091 : vector<16xf32>
        %add3A_1668 = arith.addf %add3A_1662, %mul3A_1667 : vector<16xf32>
        %add3A_1669 = arith.constant 112 : i32
        %add3A_1670 = vector.broadcast %add3A_1669 : i32 to vector<16xi32>
        %add3A_1671 = arith.addi %iota3A, %add3A_1670 : vector<16xi32>
        %gather3A_1672 = tpu.vector_load_idx %arg10[%broadcast_in_dim3A_1630, %add3A_1671] : memref<80x128xf32, #tpu.memory_space<vmem>>[vector<16xi32>, vector<16xi32>], vector<16xf32>,
        %mul3A_1673 = arith.mulf %gather3A_1672, %gather3A_1095 : vector<16xf32>
        %add3A_1674 = arith.addf %add3A_1668, %mul3A_1673 : vector<16xf32>
        %swap3A_1675 = arith.constant 10 : i32
        %swap3A_1676 = arith.index_cast %swap3A_1675 : i32 to index
        %swap3A_1677 = arith.constant 0 : index
        %swap3A_1678 = tpu.vector_load %arg26[%swap3A_1676, %swap3A_1677] {strides = array<i32>} : memref<32x16xf32, #tpu.memory_space<vmem>>, vector<16xf32>,
        tpu.vector_store %arg26[%swap3A_1676, %swap3A_1677], %add3A_1674 {strides = array<i32>} : memref<32x16xf32, #tpu.memory_space<vmem>>, vector<16xf32>,
        %mul3A_1679 = arith.constant 20 : i32
        %mul3A_1680 = arith.muli %scan3A_1063, %mul3A_1679 : i32
        %add3A_1681 = arith.constant 11 : i32
        %add3A_1682 = arith.addi %mul3A_1680, %add3A_1681 : i32
        %broadcast_in_dim3A_1683 = vector.broadcast %add3A_1682 : i32 to vector<16xi32>
        %gather3A_1684 = tpu.vector_load_idx %arg10[%broadcast_in_dim3A_1683, %iota3A] : memref<80x128xf32, #tpu.memory_space<vmem>>[vector<16xi32>, vector<16xi32>], vector<16xf32>,
        %mul3A_1685 = arith.mulf %gather3A_1684, %gather3A : vector<16xf32>
        %add3A_1686 = arith.constant 16 : i32
        %add3A_1687 = vector.broadcast %add3A_1686 : i32 to vector<16xi32>
        %add3A_1688 = arith.addi %iota3A, %add3A_1687 : vector<16xi32>
        %gather3A_1689 = tpu.vector_load_idx %arg10[%broadcast_in_dim3A_1683, %add3A_1688] : memref<80x128xf32, #tpu.memory_space<vmem>>[vector<16xi32>, vector<16xi32>], vector<16xf32>,
        %mul3A_1690 = arith.mulf %gather3A_1689, %gather3A_1071 : vector<16xf32>
        %add3A_1691 = arith.addf %mul3A_1685, %mul3A_1690 : vector<16xf32>
        %add3A_1692 = arith.constant 32 : i32
        %add3A_1693 = vector.broadcast %add3A_1692 : i32 to vector<16xi32>
        %add3A_1694 = arith.addi %iota3A, %add3A_1693 : vector<16xi32>
        %gather3A_1695 = tpu.vector_load_idx %arg10[%broadcast_in_dim3A_1683, %add3A_1694] : memref<80x128xf32, #tpu.memory_space<vmem>>[vector<16xi32>, vector<16xi32>], vector<16xf32>,
        %mul3A_1696 = arith.mulf %gather3A_1695, %gather3A_1075 : vector<16xf32>
        %add3A_1697 = arith.addf %add3A_1691, %mul3A_1696 : vector<16xf32>
        %add3A_1698 = arith.constant 48 : i32
        %add3A_1699 = vector.broadcast %add3A_1698 : i32 to vector<16xi32>
        %add3A_1700 = arith.addi %iota3A, %add3A_1699 : vector<16xi32>
        %gather3A_1701 = tpu.vector_load_idx %arg10[%broadcast_in_dim3A_1683, %add3A_1700] : memref<80x128xf32, #tpu.memory_space<vmem>>[vector<16xi32>, vector<16xi32>], vector<16xf32>,
        %mul3A_1702 = arith.mulf %gather3A_1701, %gather3A_1079 : vector<16xf32>
        %add3A_1703 = arith.addf %add3A_1697, %mul3A_1702 : vector<16xf32>
        %add3A_1704 = arith.constant 64 : i32
        %add3A_1705 = vector.broadcast %add3A_1704 : i32 to vector<16xi32>
        %add3A_1706 = arith.addi %iota3A, %add3A_1705 : vector<16xi32>
        %gather3A_1707 = tpu.vector_load_idx %arg10[%broadcast_in_dim3A_1683, %add3A_1706] : memref<80x128xf32, #tpu.memory_space<vmem>>[vector<16xi32>, vector<16xi32>], vector<16xf32>,
        %mul3A_1708 = arith.mulf %gather3A_1707, %gather3A_1083 : vector<16xf32>
        %add3A_1709 = arith.addf %add3A_1703, %mul3A_1708 : vector<16xf32>
        %add3A_1710 = arith.constant 80 : i32
        %add3A_1711 = vector.broadcast %add3A_1710 : i32 to vector<16xi32>
        %add3A_1712 = arith.addi %iota3A, %add3A_1711 : vector<16xi32>
        %gather3A_1713 = tpu.vector_load_idx %arg10[%broadcast_in_dim3A_1683, %add3A_1712] : memref<80x128xf32, #tpu.memory_space<vmem>>[vector<16xi32>, vector<16xi32>], vector<16xf32>,
        %mul3A_1714 = arith.mulf %gather3A_1713, %gather3A_1087 : vector<16xf32>
        %add3A_1715 = arith.addf %add3A_1709, %mul3A_1714 : vector<16xf32>
        %add3A_1716 = arith.constant 96 : i32
        %add3A_1717 = vector.broadcast %add3A_1716 : i32 to vector<16xi32>
        %add3A_1718 = arith.addi %iota3A, %add3A_1717 : vector<16xi32>
        %gather3A_1719 = tpu.vector_load_idx %arg10[%broadcast_in_dim3A_1683, %add3A_1718] : memref<80x128xf32, #tpu.memory_space<vmem>>[vector<16xi32>, vector<16xi32>], vector<16xf32>,
        %mul3A_1720 = arith.mulf %gather3A_1719, %gather3A_1091 : vector<16xf32>
        %add3A_1721 = arith.addf %add3A_1715, %mul3A_1720 : vector<16xf32>
        %add3A_1722 = arith.constant 112 : i32
        %add3A_1723 = vector.broadcast %add3A_1722 : i32 to vector<16xi32>
        %add3A_1724 = arith.addi %iota3A, %add3A_1723 : vector<16xi32>
        %gather3A_1725 = tpu.vector_load_idx %arg10[%broadcast_in_dim3A_1683, %add3A_1724] : memref<80x128xf32, #tpu.memory_space<vmem>>[vector<16xi32>, vector<16xi32>], vector<16xf32>,
        %mul3A_1726 = arith.mulf %gather3A_1725, %gather3A_1095 : vector<16xf32>
        %add3A_1727 = arith.addf %add3A_1721, %mul3A_1726 : vector<16xf32>
        %swap3A_1728 = arith.constant 11 : i32
        %swap3A_1729 = arith.index_cast %swap3A_1728 : i32 to index
        %swap3A_1730 = arith.constant 0 : index
        %swap3A_1731 = tpu.vector_load %arg26[%swap3A_1729, %swap3A_1730] {strides = array<i32>} : memref<32x16xf32, #tpu.memory_space<vmem>>, vector<16xf32>,
        tpu.vector_store %arg26[%swap3A_1729, %swap3A_1730], %add3A_1727 {strides = array<i32>} : memref<32x16xf32, #tpu.memory_space<vmem>>, vector<16xf32>,
        %mul3A_1732 = arith.constant 20 : i32
        %mul3A_1733 = arith.muli %scan3A_1063, %mul3A_1732 : i32
        %add3A_1734 = arith.constant 12 : i32
        %add3A_1735 = arith.addi %mul3A_1733, %add3A_1734 : i32
        %broadcast_in_dim3A_1736 = vector.broadcast %add3A_1735 : i32 to vector<16xi32>
        %gather3A_1737 = tpu.vector_load_idx %arg10[%broadcast_in_dim3A_1736, %iota3A] : memref<80x128xf32, #tpu.memory_space<vmem>>[vector<16xi32>, vector<16xi32>], vector<16xf32>,
        %mul3A_1738 = arith.mulf %gather3A_1737, %gather3A : vector<16xf32>
        %add3A_1739 = arith.constant 16 : i32
        %add3A_1740 = vector.broadcast %add3A_1739 : i32 to vector<16xi32>
        %add3A_1741 = arith.addi %iota3A, %add3A_1740 : vector<16xi32>
        %gather3A_1742 = tpu.vector_load_idx %arg10[%broadcast_in_dim3A_1736, %add3A_1741] : memref<80x128xf32, #tpu.memory_space<vmem>>[vector<16xi32>, vector<16xi32>], vector<16xf32>,
        %mul3A_1743 = arith.mulf %gather3A_1742, %gather3A_1071 : vector<16xf32>
        %add3A_1744 = arith.addf %mul3A_1738, %mul3A_1743 : vector<16xf32>
        %add3A_1745 = arith.constant 32 : i32
        %add3A_1746 = vector.broadcast %add3A_1745 : i32 to vector<16xi32>
        %add3A_1747 = arith.addi %iota3A, %add3A_1746 : vector<16xi32>
        %gather3A_1748 = tpu.vector_load_idx %arg10[%broadcast_in_dim3A_1736, %add3A_1747] : memref<80x128xf32, #tpu.memory_space<vmem>>[vector<16xi32>, vector<16xi32>], vector<16xf32>,
        %mul3A_1749 = arith.mulf %gather3A_1748, %gather3A_1075 : vector<16xf32>
        %add3A_1750 = arith.addf %add3A_1744, %mul3A_1749 : vector<16xf32>
        %add3A_1751 = arith.constant 48 : i32
        %add3A_1752 = vector.broadcast %add3A_1751 : i32 to vector<16xi32>
        %add3A_1753 = arith.addi %iota3A, %add3A_1752 : vector<16xi32>
        %gather3A_1754 = tpu.vector_load_idx %arg10[%broadcast_in_dim3A_1736, %add3A_1753] : memref<80x128xf32, #tpu.memory_space<vmem>>[vector<16xi32>, vector<16xi32>], vector<16xf32>,
        %mul3A_1755 = arith.mulf %gather3A_1754, %gather3A_1079 : vector<16xf32>
        %add3A_1756 = arith.addf %add3A_1750, %mul3A_1755 : vector<16xf32>
        %add3A_1757 = arith.constant 64 : i32
        %add3A_1758 = vector.broadcast %add3A_1757 : i32 to vector<16xi32>
        %add3A_1759 = arith.addi %iota3A, %add3A_1758 : vector<16xi32>
        %gather3A_1760 = tpu.vector_load_idx %arg10[%broadcast_in_dim3A_1736, %add3A_1759] : memref<80x128xf32, #tpu.memory_space<vmem>>[vector<16xi32>, vector<16xi32>], vector<16xf32>,
        %mul3A_1761 = arith.mulf %gather3A_1760, %gather3A_1083 : vector<16xf32>
        %add3A_1762 = arith.addf %add3A_1756, %mul3A_1761 : vector<16xf32>
        %add3A_1763 = arith.constant 80 : i32
        %add3A_1764 = vector.broadcast %add3A_1763 : i32 to vector<16xi32>
        %add3A_1765 = arith.addi %iota3A, %add3A_1764 : vector<16xi32>
        %gather3A_1766 = tpu.vector_load_idx %arg10[%broadcast_in_dim3A_1736, %add3A_1765] : memref<80x128xf32, #tpu.memory_space<vmem>>[vector<16xi32>, vector<16xi32>], vector<16xf32>,
        %mul3A_1767 = arith.mulf %gather3A_1766, %gather3A_1087 : vector<16xf32>
        %add3A_1768 = arith.addf %add3A_1762, %mul3A_1767 : vector<16xf32>
        %add3A_1769 = arith.constant 96 : i32
        %add3A_1770 = vector.broadcast %add3A_1769 : i32 to vector<16xi32>
        %add3A_1771 = arith.addi %iota3A, %add3A_1770 : vector<16xi32>
        %gather3A_1772 = tpu.vector_load_idx %arg10[%broadcast_in_dim3A_1736, %add3A_1771] : memref<80x128xf32, #tpu.memory_space<vmem>>[vector<16xi32>, vector<16xi32>], vector<16xf32>,
        %mul3A_1773 = arith.mulf %gather3A_1772, %gather3A_1091 : vector<16xf32>
        %add3A_1774 = arith.addf %add3A_1768, %mul3A_1773 : vector<16xf32>
        %add3A_1775 = arith.constant 112 : i32
        %add3A_1776 = vector.broadcast %add3A_1775 : i32 to vector<16xi32>
        %add3A_1777 = arith.addi %iota3A, %add3A_1776 : vector<16xi32>
        %gather3A_1778 = tpu.vector_load_idx %arg10[%broadcast_in_dim3A_1736, %add3A_1777] : memref<80x128xf32, #tpu.memory_space<vmem>>[vector<16xi32>, vector<16xi32>], vector<16xf32>,
        %mul3A_1779 = arith.mulf %gather3A_1778, %gather3A_1095 : vector<16xf32>
        %add3A_1780 = arith.addf %add3A_1774, %mul3A_1779 : vector<16xf32>
        %swap3A_1781 = arith.constant 12 : i32
        %swap3A_1782 = arith.index_cast %swap3A_1781 : i32 to index
        %swap3A_1783 = arith.constant 0 : index
        %swap3A_1784 = tpu.vector_load %arg26[%swap3A_1782, %swap3A_1783] {strides = array<i32>} : memref<32x16xf32, #tpu.memory_space<vmem>>, vector<16xf32>,
        tpu.vector_store %arg26[%swap3A_1782, %swap3A_1783], %add3A_1780 {strides = array<i32>} : memref<32x16xf32, #tpu.memory_space<vmem>>, vector<16xf32>,
        %mul3A_1785 = arith.constant 20 : i32
        %mul3A_1786 = arith.muli %scan3A_1063, %mul3A_1785 : i32
        %add3A_1787 = arith.constant 13 : i32
        %add3A_1788 = arith.addi %mul3A_1786, %add3A_1787 : i32
        %broadcast_in_dim3A_1789 = vector.broadcast %add3A_1788 : i32 to vector<16xi32>
        %gather3A_1790 = tpu.vector_load_idx %arg10[%broadcast_in_dim3A_1789, %iota3A] : memref<80x128xf32, #tpu.memory_space<vmem>>[vector<16xi32>, vector<16xi32>], vector<16xf32>,
        %mul3A_1791 = arith.mulf %gather3A_1790, %gather3A : vector<16xf32>
        %add3A_1792 = arith.constant 16 : i32
        %add3A_1793 = vector.broadcast %add3A_1792 : i32 to vector<16xi32>
        %add3A_1794 = arith.addi %iota3A, %add3A_1793 : vector<16xi32>
        %gather3A_1795 = tpu.vector_load_idx %arg10[%broadcast_in_dim3A_1789, %add3A_1794] : memref<80x128xf32, #tpu.memory_space<vmem>>[vector<16xi32>, vector<16xi32>], vector<16xf32>,
        %mul3A_1796 = arith.mulf %gather3A_1795, %gather3A_1071 : vector<16xf32>
        %add3A_1797 = arith.addf %mul3A_1791, %mul3A_1796 : vector<16xf32>
        %add3A_1798 = arith.constant 32 : i32
        %add3A_1799 = vector.broadcast %add3A_1798 : i32 to vector<16xi32>
        %add3A_1800 = arith.addi %iota3A, %add3A_1799 : vector<16xi32>
        %gather3A_1801 = tpu.vector_load_idx %arg10[%broadcast_in_dim3A_1789, %add3A_1800] : memref<80x128xf32, #tpu.memory_space<vmem>>[vector<16xi32>, vector<16xi32>], vector<16xf32>,
        %mul3A_1802 = arith.mulf %gather3A_1801, %gather3A_1075 : vector<16xf32>
        %add3A_1803 = arith.addf %add3A_1797, %mul3A_1802 : vector<16xf32>
        %add3A_1804 = arith.constant 48 : i32
        %add3A_1805 = vector.broadcast %add3A_1804 : i32 to vector<16xi32>
        %add3A_1806 = arith.addi %iota3A, %add3A_1805 : vector<16xi32>
        %gather3A_1807 = tpu.vector_load_idx %arg10[%broadcast_in_dim3A_1789, %add3A_1806] : memref<80x128xf32, #tpu.memory_space<vmem>>[vector<16xi32>, vector<16xi32>], vector<16xf32>,
        %mul3A_1808 = arith.mulf %gather3A_1807, %gather3A_1079 : vector<16xf32>
        %add3A_1809 = arith.addf %add3A_1803, %mul3A_1808 : vector<16xf32>
        %add3A_1810 = arith.constant 64 : i32
        %add3A_1811 = vector.broadcast %add3A_1810 : i32 to vector<16xi32>
        %add3A_1812 = arith.addi %iota3A, %add3A_1811 : vector<16xi32>
        %gather3A_1813 = tpu.vector_load_idx %arg10[%broadcast_in_dim3A_1789, %add3A_1812] : memref<80x128xf32, #tpu.memory_space<vmem>>[vector<16xi32>, vector<16xi32>], vector<16xf32>,
        %mul3A_1814 = arith.mulf %gather3A_1813, %gather3A_1083 : vector<16xf32>
        %add3A_1815 = arith.addf %add3A_1809, %mul3A_1814 : vector<16xf32>
        %add3A_1816 = arith.constant 80 : i32
        %add3A_1817 = vector.broadcast %add3A_1816 : i32 to vector<16xi32>
        %add3A_1818 = arith.addi %iota3A, %add3A_1817 : vector<16xi32>
        %gather3A_1819 = tpu.vector_load_idx %arg10[%broadcast_in_dim3A_1789, %add3A_1818] : memref<80x128xf32, #tpu.memory_space<vmem>>[vector<16xi32>, vector<16xi32>], vector<16xf32>,
        %mul3A_1820 = arith.mulf %gather3A_1819, %gather3A_1087 : vector<16xf32>
        %add3A_1821 = arith.addf %add3A_1815, %mul3A_1820 : vector<16xf32>
        %add3A_1822 = arith.constant 96 : i32
        %add3A_1823 = vector.broadcast %add3A_1822 : i32 to vector<16xi32>
        %add3A_1824 = arith.addi %iota3A, %add3A_1823 : vector<16xi32>
        %gather3A_1825 = tpu.vector_load_idx %arg10[%broadcast_in_dim3A_1789, %add3A_1824] : memref<80x128xf32, #tpu.memory_space<vmem>>[vector<16xi32>, vector<16xi32>], vector<16xf32>,
        %mul3A_1826 = arith.mulf %gather3A_1825, %gather3A_1091 : vector<16xf32>
        %add3A_1827 = arith.addf %add3A_1821, %mul3A_1826 : vector<16xf32>
        %add3A_1828 = arith.constant 112 : i32
        %add3A_1829 = vector.broadcast %add3A_1828 : i32 to vector<16xi32>
        %add3A_1830 = arith.addi %iota3A, %add3A_1829 : vector<16xi32>
        %gather3A_1831 = tpu.vector_load_idx %arg10[%broadcast_in_dim3A_1789, %add3A_1830] : memref<80x128xf32, #tpu.memory_space<vmem>>[vector<16xi32>, vector<16xi32>], vector<16xf32>,
        %mul3A_1832 = arith.mulf %gather3A_1831, %gather3A_1095 : vector<16xf32>
        %add3A_1833 = arith.addf %add3A_1827, %mul3A_1832 : vector<16xf32>
        %swap3A_1834 = arith.constant 13 : i32
        %swap3A_1835 = arith.index_cast %swap3A_1834 : i32 to index
        %swap3A_1836 = arith.constant 0 : index
        %swap3A_1837 = tpu.vector_load %arg26[%swap3A_1835, %swap3A_1836] {strides = array<i32>} : memref<32x16xf32, #tpu.memory_space<vmem>>, vector<16xf32>,
        tpu.vector_store %arg26[%swap3A_1835, %swap3A_1836], %add3A_1833 {strides = array<i32>} : memref<32x16xf32, #tpu.memory_space<vmem>>, vector<16xf32>,
        %mul3A_1838 = arith.constant 20 : i32
        %mul3A_1839 = arith.muli %scan3A_1063, %mul3A_1838 : i32
        %add3A_1840 = arith.constant 14 : i32
        %add3A_1841 = arith.addi %mul3A_1839, %add3A_1840 : i32
        %broadcast_in_dim3A_1842 = vector.broadcast %add3A_1841 : i32 to vector<16xi32>
        %gather3A_1843 = tpu.vector_load_idx %arg10[%broadcast_in_dim3A_1842, %iota3A] : memref<80x128xf32, #tpu.memory_space<vmem>>[vector<16xi32>, vector<16xi32>], vector<16xf32>,
        %mul3A_1844 = arith.mulf %gather3A_1843, %gather3A : vector<16xf32>
        %add3A_1845 = arith.constant 16 : i32
        %add3A_1846 = vector.broadcast %add3A_1845 : i32 to vector<16xi32>
        %add3A_1847 = arith.addi %iota3A, %add3A_1846 : vector<16xi32>
        %gather3A_1848 = tpu.vector_load_idx %arg10[%broadcast_in_dim3A_1842, %add3A_1847] : memref<80x128xf32, #tpu.memory_space<vmem>>[vector<16xi32>, vector<16xi32>], vector<16xf32>,
        %mul3A_1849 = arith.mulf %gather3A_1848, %gather3A_1071 : vector<16xf32>
        %add3A_1850 = arith.addf %mul3A_1844, %mul3A_1849 : vector<16xf32>
        %add3A_1851 = arith.constant 32 : i32
        %add3A_1852 = vector.broadcast %add3A_1851 : i32 to vector<16xi32>
        %add3A_1853 = arith.addi %iota3A, %add3A_1852 : vector<16xi32>
        %gather3A_1854 = tpu.vector_load_idx %arg10[%broadcast_in_dim3A_1842, %add3A_1853] : memref<80x128xf32, #tpu.memory_space<vmem>>[vector<16xi32>, vector<16xi32>], vector<16xf32>,
        %mul3A_1855 = arith.mulf %gather3A_1854, %gather3A_1075 : vector<16xf32>
        %add3A_1856 = arith.addf %add3A_1850, %mul3A_1855 : vector<16xf32>
        %add3A_1857 = arith.constant 48 : i32
        %add3A_1858 = vector.broadcast %add3A_1857 : i32 to vector<16xi32>
        %add3A_1859 = arith.addi %iota3A, %add3A_1858 : vector<16xi32>
        %gather3A_1860 = tpu.vector_load_idx %arg10[%broadcast_in_dim3A_1842, %add3A_1859] : memref<80x128xf32, #tpu.memory_space<vmem>>[vector<16xi32>, vector<16xi32>], vector<16xf32>,
        %mul3A_1861 = arith.mulf %gather3A_1860, %gather3A_1079 : vector<16xf32>
        %add3A_1862 = arith.addf %add3A_1856, %mul3A_1861 : vector<16xf32>
        %add3A_1863 = arith.constant 64 : i32
        %add3A_1864 = vector.broadcast %add3A_1863 : i32 to vector<16xi32>
        %add3A_1865 = arith.addi %iota3A, %add3A_1864 : vector<16xi32>
        %gather3A_1866 = tpu.vector_load_idx %arg10[%broadcast_in_dim3A_1842, %add3A_1865] : memref<80x128xf32, #tpu.memory_space<vmem>>[vector<16xi32>, vector<16xi32>], vector<16xf32>,
        %mul3A_1867 = arith.mulf %gather3A_1866, %gather3A_1083 : vector<16xf32>
        %add3A_1868 = arith.addf %add3A_1862, %mul3A_1867 : vector<16xf32>
        %add3A_1869 = arith.constant 80 : i32
        %add3A_1870 = vector.broadcast %add3A_1869 : i32 to vector<16xi32>
        %add3A_1871 = arith.addi %iota3A, %add3A_1870 : vector<16xi32>
        %gather3A_1872 = tpu.vector_load_idx %arg10[%broadcast_in_dim3A_1842, %add3A_1871] : memref<80x128xf32, #tpu.memory_space<vmem>>[vector<16xi32>, vector<16xi32>], vector<16xf32>,
        %mul3A_1873 = arith.mulf %gather3A_1872, %gather3A_1087 : vector<16xf32>
        %add3A_1874 = arith.addf %add3A_1868, %mul3A_1873 : vector<16xf32>
        %add3A_1875 = arith.constant 96 : i32
        %add3A_1876 = vector.broadcast %add3A_1875 : i32 to vector<16xi32>
        %add3A_1877 = arith.addi %iota3A, %add3A_1876 : vector<16xi32>
        %gather3A_1878 = tpu.vector_load_idx %arg10[%broadcast_in_dim3A_1842, %add3A_1877] : memref<80x128xf32, #tpu.memory_space<vmem>>[vector<16xi32>, vector<16xi32>], vector<16xf32>,
        %mul3A_1879 = arith.mulf %gather3A_1878, %gather3A_1091 : vector<16xf32>
        %add3A_1880 = arith.addf %add3A_1874, %mul3A_1879 : vector<16xf32>
        %add3A_1881 = arith.constant 112 : i32
        %add3A_1882 = vector.broadcast %add3A_1881 : i32 to vector<16xi32>
        %add3A_1883 = arith.addi %iota3A, %add3A_1882 : vector<16xi32>
        %gather3A_1884 = tpu.vector_load_idx %arg10[%broadcast_in_dim3A_1842, %add3A_1883] : memref<80x128xf32, #tpu.memory_space<vmem>>[vector<16xi32>, vector<16xi32>], vector<16xf32>,
        %mul3A_1885 = arith.mulf %gather3A_1884, %gather3A_1095 : vector<16xf32>
        %add3A_1886 = arith.addf %add3A_1880, %mul3A_1885 : vector<16xf32>
        %swap3A_1887 = arith.constant 14 : i32
        %swap3A_1888 = arith.index_cast %swap3A_1887 : i32 to index
        %swap3A_1889 = arith.constant 0 : index
        %swap3A_1890 = tpu.vector_load %arg26[%swap3A_1888, %swap3A_1889] {strides = array<i32>} : memref<32x16xf32, #tpu.memory_space<vmem>>, vector<16xf32>,
        tpu.vector_store %arg26[%swap3A_1888, %swap3A_1889], %add3A_1886 {strides = array<i32>} : memref<32x16xf32, #tpu.memory_space<vmem>>, vector<16xf32>,
        %mul3A_1891 = arith.constant 20 : i32
        %mul3A_1892 = arith.muli %scan3A_1063, %mul3A_1891 : i32
        %add3A_1893 = arith.constant 15 : i32
        %add3A_1894 = arith.addi %mul3A_1892, %add3A_1893 : i32
        %broadcast_in_dim3A_1895 = vector.broadcast %add3A_1894 : i32 to vector<16xi32>
        %gather3A_1896 = tpu.vector_load_idx %arg10[%broadcast_in_dim3A_1895, %iota3A] : memref<80x128xf32, #tpu.memory_space<vmem>>[vector<16xi32>, vector<16xi32>], vector<16xf32>,
        %mul3A_1897 = arith.mulf %gather3A_1896, %gather3A : vector<16xf32>
        %add3A_1898 = arith.constant 16 : i32
        %add3A_1899 = vector.broadcast %add3A_1898 : i32 to vector<16xi32>
        %add3A_1900 = arith.addi %iota3A, %add3A_1899 : vector<16xi32>
        %gather3A_1901 = tpu.vector_load_idx %arg10[%broadcast_in_dim3A_1895, %add3A_1900] : memref<80x128xf32, #tpu.memory_space<vmem>>[vector<16xi32>, vector<16xi32>], vector<16xf32>,
        %mul3A_1902 = arith.mulf %gather3A_1901, %gather3A_1071 : vector<16xf32>
        %add3A_1903 = arith.addf %mul3A_1897, %mul3A_1902 : vector<16xf32>
        %add3A_1904 = arith.constant 32 : i32
        %add3A_1905 = vector.broadcast %add3A_1904 : i32 to vector<16xi32>
        %add3A_1906 = arith.addi %iota3A, %add3A_1905 : vector<16xi32>
        %gather3A_1907 = tpu.vector_load_idx %arg10[%broadcast_in_dim3A_1895, %add3A_1906] : memref<80x128xf32, #tpu.memory_space<vmem>>[vector<16xi32>, vector<16xi32>], vector<16xf32>,
        %mul3A_1908 = arith.mulf %gather3A_1907, %gather3A_1075 : vector<16xf32>
        %add3A_1909 = arith.addf %add3A_1903, %mul3A_1908 : vector<16xf32>
        %add3A_1910 = arith.constant 48 : i32
        %add3A_1911 = vector.broadcast %add3A_1910 : i32 to vector<16xi32>
        %add3A_1912 = arith.addi %iota3A, %add3A_1911 : vector<16xi32>
        %gather3A_1913 = tpu.vector_load_idx %arg10[%broadcast_in_dim3A_1895, %add3A_1912] : memref<80x128xf32, #tpu.memory_space<vmem>>[vector<16xi32>, vector<16xi32>], vector<16xf32>,
        %mul3A_1914 = arith.mulf %gather3A_1913, %gather3A_1079 : vector<16xf32>
        %add3A_1915 = arith.addf %add3A_1909, %mul3A_1914 : vector<16xf32>
        %add3A_1916 = arith.constant 64 : i32
        %add3A_1917 = vector.broadcast %add3A_1916 : i32 to vector<16xi32>
        %add3A_1918 = arith.addi %iota3A, %add3A_1917 : vector<16xi32>
        %gather3A_1919 = tpu.vector_load_idx %arg10[%broadcast_in_dim3A_1895, %add3A_1918] : memref<80x128xf32, #tpu.memory_space<vmem>>[vector<16xi32>, vector<16xi32>], vector<16xf32>,
        %mul3A_1920 = arith.mulf %gather3A_1919, %gather3A_1083 : vector<16xf32>
        %add3A_1921 = arith.addf %add3A_1915, %mul3A_1920 : vector<16xf32>
        %add3A_1922 = arith.constant 80 : i32
        %add3A_1923 = vector.broadcast %add3A_1922 : i32 to vector<16xi32>
        %add3A_1924 = arith.addi %iota3A, %add3A_1923 : vector<16xi32>
        %gather3A_1925 = tpu.vector_load_idx %arg10[%broadcast_in_dim3A_1895, %add3A_1924] : memref<80x128xf32, #tpu.memory_space<vmem>>[vector<16xi32>, vector<16xi32>], vector<16xf32>,
        %mul3A_1926 = arith.mulf %gather3A_1925, %gather3A_1087 : vector<16xf32>
        %add3A_1927 = arith.addf %add3A_1921, %mul3A_1926 : vector<16xf32>
        %add3A_1928 = arith.constant 96 : i32
        %add3A_1929 = vector.broadcast %add3A_1928 : i32 to vector<16xi32>
        %add3A_1930 = arith.addi %iota3A, %add3A_1929 : vector<16xi32>
        %gather3A_1931 = tpu.vector_load_idx %arg10[%broadcast_in_dim3A_1895, %add3A_1930] : memref<80x128xf32, #tpu.memory_space<vmem>>[vector<16xi32>, vector<16xi32>], vector<16xf32>,
        %mul3A_1932 = arith.mulf %gather3A_1931, %gather3A_1091 : vector<16xf32>
        %add3A_1933 = arith.addf %add3A_1927, %mul3A_1932 : vector<16xf32>
        %add3A_1934 = arith.constant 112 : i32
        %add3A_1935 = vector.broadcast %add3A_1934 : i32 to vector<16xi32>
        %add3A_1936 = arith.addi %iota3A, %add3A_1935 : vector<16xi32>
        %gather3A_1937 = tpu.vector_load_idx %arg10[%broadcast_in_dim3A_1895, %add3A_1936] : memref<80x128xf32, #tpu.memory_space<vmem>>[vector<16xi32>, vector<16xi32>], vector<16xf32>,
        %mul3A_1938 = arith.mulf %gather3A_1937, %gather3A_1095 : vector<16xf32>
        %add3A_1939 = arith.addf %add3A_1933, %mul3A_1938 : vector<16xf32>
        %swap3A_1940 = arith.constant 15 : i32
        %swap3A_1941 = arith.index_cast %swap3A_1940 : i32 to index
        %swap3A_1942 = arith.constant 0 : index
        %swap3A_1943 = tpu.vector_load %arg26[%swap3A_1941, %swap3A_1942] {strides = array<i32>} : memref<32x16xf32, #tpu.memory_space<vmem>>, vector<16xf32>,
        tpu.vector_store %arg26[%swap3A_1941, %swap3A_1942], %add3A_1939 {strides = array<i32>} : memref<32x16xf32, #tpu.memory_space<vmem>>, vector<16xf32>,
        %mul3A_1944 = arith.constant 20 : i32
        %mul3A_1945 = arith.muli %scan3A_1063, %mul3A_1944 : i32
        %add3A_1946 = arith.constant 16 : i32
        %add3A_1947 = arith.addi %mul3A_1945, %add3A_1946 : i32
        %broadcast_in_dim3A_1948 = vector.broadcast %add3A_1947 : i32 to vector<16xi32>
        %gather3A_1949 = tpu.vector_load_idx %arg10[%broadcast_in_dim3A_1948, %iota3A] : memref<80x128xf32, #tpu.memory_space<vmem>>[vector<16xi32>, vector<16xi32>], vector<16xf32>,
        %mul3A_1950 = arith.mulf %gather3A_1949, %gather3A : vector<16xf32>
        %add3A_1951 = arith.constant 16 : i32
        %add3A_1952 = vector.broadcast %add3A_1951 : i32 to vector<16xi32>
        %add3A_1953 = arith.addi %iota3A, %add3A_1952 : vector<16xi32>
        %gather3A_1954 = tpu.vector_load_idx %arg10[%broadcast_in_dim3A_1948, %add3A_1953] : memref<80x128xf32, #tpu.memory_space<vmem>>[vector<16xi32>, vector<16xi32>], vector<16xf32>,
        %mul3A_1955 = arith.mulf %gather3A_1954, %gather3A_1071 : vector<16xf32>
        %add3A_1956 = arith.addf %mul3A_1950, %mul3A_1955 : vector<16xf32>
        %add3A_1957 = arith.constant 32 : i32
        %add3A_1958 = vector.broadcast %add3A_1957 : i32 to vector<16xi32>
        %add3A_1959 = arith.addi %iota3A, %add3A_1958 : vector<16xi32>
        %gather3A_1960 = tpu.vector_load_idx %arg10[%broadcast_in_dim3A_1948, %add3A_1959] : memref<80x128xf32, #tpu.memory_space<vmem>>[vector<16xi32>, vector<16xi32>], vector<16xf32>,
        %mul3A_1961 = arith.mulf %gather3A_1960, %gather3A_1075 : vector<16xf32>
        %add3A_1962 = arith.addf %add3A_1956, %mul3A_1961 : vector<16xf32>
        %add3A_1963 = arith.constant 48 : i32
        %add3A_1964 = vector.broadcast %add3A_1963 : i32 to vector<16xi32>
        %add3A_1965 = arith.addi %iota3A, %add3A_1964 : vector<16xi32>
        %gather3A_1966 = tpu.vector_load_idx %arg10[%broadcast_in_dim3A_1948, %add3A_1965] : memref<80x128xf32, #tpu.memory_space<vmem>>[vector<16xi32>, vector<16xi32>], vector<16xf32>,
        %mul3A_1967 = arith.mulf %gather3A_1966, %gather3A_1079 : vector<16xf32>
        %add3A_1968 = arith.addf %add3A_1962, %mul3A_1967 : vector<16xf32>
        %add3A_1969 = arith.constant 64 : i32
        %add3A_1970 = vector.broadcast %add3A_1969 : i32 to vector<16xi32>
        %add3A_1971 = arith.addi %iota3A, %add3A_1970 : vector<16xi32>
        %gather3A_1972 = tpu.vector_load_idx %arg10[%broadcast_in_dim3A_1948, %add3A_1971] : memref<80x128xf32, #tpu.memory_space<vmem>>[vector<16xi32>, vector<16xi32>], vector<16xf32>,
        %mul3A_1973 = arith.mulf %gather3A_1972, %gather3A_1083 : vector<16xf32>
        %add3A_1974 = arith.addf %add3A_1968, %mul3A_1973 : vector<16xf32>
        %add3A_1975 = arith.constant 80 : i32
        %add3A_1976 = vector.broadcast %add3A_1975 : i32 to vector<16xi32>
        %add3A_1977 = arith.addi %iota3A, %add3A_1976 : vector<16xi32>
        %gather3A_1978 = tpu.vector_load_idx %arg10[%broadcast_in_dim3A_1948, %add3A_1977] : memref<80x128xf32, #tpu.memory_space<vmem>>[vector<16xi32>, vector<16xi32>], vector<16xf32>,
        %mul3A_1979 = arith.mulf %gather3A_1978, %gather3A_1087 : vector<16xf32>
        %add3A_1980 = arith.addf %add3A_1974, %mul3A_1979 : vector<16xf32>
        %add3A_1981 = arith.constant 96 : i32
        %add3A_1982 = vector.broadcast %add3A_1981 : i32 to vector<16xi32>
        %add3A_1983 = arith.addi %iota3A, %add3A_1982 : vector<16xi32>
        %gather3A_1984 = tpu.vector_load_idx %arg10[%broadcast_in_dim3A_1948, %add3A_1983] : memref<80x128xf32, #tpu.memory_space<vmem>>[vector<16xi32>, vector<16xi32>], vector<16xf32>,
        %mul3A_1985 = arith.mulf %gather3A_1984, %gather3A_1091 : vector<16xf32>
        %add3A_1986 = arith.addf %add3A_1980, %mul3A_1985 : vector<16xf32>
        %add3A_1987 = arith.constant 112 : i32
        %add3A_1988 = vector.broadcast %add3A_1987 : i32 to vector<16xi32>
        %add3A_1989 = arith.addi %iota3A, %add3A_1988 : vector<16xi32>
        %gather3A_1990 = tpu.vector_load_idx %arg10[%broadcast_in_dim3A_1948, %add3A_1989] : memref<80x128xf32, #tpu.memory_space<vmem>>[vector<16xi32>, vector<16xi32>], vector<16xf32>,
        %mul3A_1991 = arith.mulf %gather3A_1990, %gather3A_1095 : vector<16xf32>
        %add3A_1992 = arith.addf %add3A_1986, %mul3A_1991 : vector<16xf32>
        %swap3A_1993 = arith.constant 16 : i32
        %swap3A_1994 = arith.index_cast %swap3A_1993 : i32 to index
        %swap3A_1995 = arith.constant 0 : index
        %swap3A_1996 = tpu.vector_load %arg26[%swap3A_1994, %swap3A_1995] {strides = array<i32>} : memref<32x16xf32, #tpu.memory_space<vmem>>, vector<16xf32>,
        tpu.vector_store %arg26[%swap3A_1994, %swap3A_1995], %add3A_1992 {strides = array<i32>} : memref<32x16xf32, #tpu.memory_space<vmem>>, vector<16xf32>,
        %mul3A_1997 = arith.constant 20 : i32
        %mul3A_1998 = arith.muli %scan3A_1063, %mul3A_1997 : i32
        %add3A_1999 = arith.constant 17 : i32
        %add3A_2000 = arith.addi %mul3A_1998, %add3A_1999 : i32
        %broadcast_in_dim3A_2001 = vector.broadcast %add3A_2000 : i32 to vector<16xi32>
        %gather3A_2002 = tpu.vector_load_idx %arg10[%broadcast_in_dim3A_2001, %iota3A] : memref<80x128xf32, #tpu.memory_space<vmem>>[vector<16xi32>, vector<16xi32>], vector<16xf32>,
        %mul3A_2003 = arith.mulf %gather3A_2002, %gather3A : vector<16xf32>
        %add3A_2004 = arith.constant 16 : i32
        %add3A_2005 = vector.broadcast %add3A_2004 : i32 to vector<16xi32>
        %add3A_2006 = arith.addi %iota3A, %add3A_2005 : vector<16xi32>
        %gather3A_2007 = tpu.vector_load_idx %arg10[%broadcast_in_dim3A_2001, %add3A_2006] : memref<80x128xf32, #tpu.memory_space<vmem>>[vector<16xi32>, vector<16xi32>], vector<16xf32>,
        %mul3A_2008 = arith.mulf %gather3A_2007, %gather3A_1071 : vector<16xf32>
        %add3A_2009 = arith.addf %mul3A_2003, %mul3A_2008 : vector<16xf32>
        %add3A_2010 = arith.constant 32 : i32
        %add3A_2011 = vector.broadcast %add3A_2010 : i32 to vector<16xi32>
        %add3A_2012 = arith.addi %iota3A, %add3A_2011 : vector<16xi32>
        %gather3A_2013 = tpu.vector_load_idx %arg10[%broadcast_in_dim3A_2001, %add3A_2012] : memref<80x128xf32, #tpu.memory_space<vmem>>[vector<16xi32>, vector<16xi32>], vector<16xf32>,
        %mul3A_2014 = arith.mulf %gather3A_2013, %gather3A_1075 : vector<16xf32>
        %add3A_2015 = arith.addf %add3A_2009, %mul3A_2014 : vector<16xf32>
        %add3A_2016 = arith.constant 48 : i32
        %add3A_2017 = vector.broadcast %add3A_2016 : i32 to vector<16xi32>
        %add3A_2018 = arith.addi %iota3A, %add3A_2017 : vector<16xi32>
        %gather3A_2019 = tpu.vector_load_idx %arg10[%broadcast_in_dim3A_2001, %add3A_2018] : memref<80x128xf32, #tpu.memory_space<vmem>>[vector<16xi32>, vector<16xi32>], vector<16xf32>,
        %mul3A_2020 = arith.mulf %gather3A_2019, %gather3A_1079 : vector<16xf32>
        %add3A_2021 = arith.addf %add3A_2015, %mul3A_2020 : vector<16xf32>
        %add3A_2022 = arith.constant 64 : i32
        %add3A_2023 = vector.broadcast %add3A_2022 : i32 to vector<16xi32>
        %add3A_2024 = arith.addi %iota3A, %add3A_2023 : vector<16xi32>
        %gather3A_2025 = tpu.vector_load_idx %arg10[%broadcast_in_dim3A_2001, %add3A_2024] : memref<80x128xf32, #tpu.memory_space<vmem>>[vector<16xi32>, vector<16xi32>], vector<16xf32>,
        %mul3A_2026 = arith.mulf %gather3A_2025, %gather3A_1083 : vector<16xf32>
        %add3A_2027 = arith.addf %add3A_2021, %mul3A_2026 : vector<16xf32>
        %add3A_2028 = arith.constant 80 : i32
        %add3A_2029 = vector.broadcast %add3A_2028 : i32 to vector<16xi32>
        %add3A_2030 = arith.addi %iota3A, %add3A_2029 : vector<16xi32>
        %gather3A_2031 = tpu.vector_load_idx %arg10[%broadcast_in_dim3A_2001, %add3A_2030] : memref<80x128xf32, #tpu.memory_space<vmem>>[vector<16xi32>, vector<16xi32>], vector<16xf32>,
        %mul3A_2032 = arith.mulf %gather3A_2031, %gather3A_1087 : vector<16xf32>
        %add3A_2033 = arith.addf %add3A_2027, %mul3A_2032 : vector<16xf32>
        %add3A_2034 = arith.constant 96 : i32
        %add3A_2035 = vector.broadcast %add3A_2034 : i32 to vector<16xi32>
        %add3A_2036 = arith.addi %iota3A, %add3A_2035 : vector<16xi32>
        %gather3A_2037 = tpu.vector_load_idx %arg10[%broadcast_in_dim3A_2001, %add3A_2036] : memref<80x128xf32, #tpu.memory_space<vmem>>[vector<16xi32>, vector<16xi32>], vector<16xf32>,
        %mul3A_2038 = arith.mulf %gather3A_2037, %gather3A_1091 : vector<16xf32>
        %add3A_2039 = arith.addf %add3A_2033, %mul3A_2038 : vector<16xf32>
        %add3A_2040 = arith.constant 112 : i32
        %add3A_2041 = vector.broadcast %add3A_2040 : i32 to vector<16xi32>
        %add3A_2042 = arith.addi %iota3A, %add3A_2041 : vector<16xi32>
        %gather3A_2043 = tpu.vector_load_idx %arg10[%broadcast_in_dim3A_2001, %add3A_2042] : memref<80x128xf32, #tpu.memory_space<vmem>>[vector<16xi32>, vector<16xi32>], vector<16xf32>,
        %mul3A_2044 = arith.mulf %gather3A_2043, %gather3A_1095 : vector<16xf32>
        %add3A_2045 = arith.addf %add3A_2039, %mul3A_2044 : vector<16xf32>
        %swap3A_2046 = arith.constant 17 : i32
        %swap3A_2047 = arith.index_cast %swap3A_2046 : i32 to index
        %swap3A_2048 = arith.constant 0 : index
        %swap3A_2049 = tpu.vector_load %arg26[%swap3A_2047, %swap3A_2048] {strides = array<i32>} : memref<32x16xf32, #tpu.memory_space<vmem>>, vector<16xf32>,
        tpu.vector_store %arg26[%swap3A_2047, %swap3A_2048], %add3A_2045 {strides = array<i32>} : memref<32x16xf32, #tpu.memory_space<vmem>>, vector<16xf32>,
        %mul3A_2050 = arith.constant 20 : i32
        %mul3A_2051 = arith.muli %scan3A_1063, %mul3A_2050 : i32
        %add3A_2052 = arith.constant 18 : i32
        %add3A_2053 = arith.addi %mul3A_2051, %add3A_2052 : i32
        %broadcast_in_dim3A_2054 = vector.broadcast %add3A_2053 : i32 to vector<16xi32>
        %gather3A_2055 = tpu.vector_load_idx %arg10[%broadcast_in_dim3A_2054, %iota3A] : memref<80x128xf32, #tpu.memory_space<vmem>>[vector<16xi32>, vector<16xi32>], vector<16xf32>,
        %mul3A_2056 = arith.mulf %gather3A_2055, %gather3A : vector<16xf32>
        %add3A_2057 = arith.constant 16 : i32
        %add3A_2058 = vector.broadcast %add3A_2057 : i32 to vector<16xi32>
        %add3A_2059 = arith.addi %iota3A, %add3A_2058 : vector<16xi32>
        %gather3A_2060 = tpu.vector_load_idx %arg10[%broadcast_in_dim3A_2054, %add3A_2059] : memref<80x128xf32, #tpu.memory_space<vmem>>[vector<16xi32>, vector<16xi32>], vector<16xf32>,
        %mul3A_2061 = arith.mulf %gather3A_2060, %gather3A_1071 : vector<16xf32>
        %add3A_2062 = arith.addf %mul3A_2056, %mul3A_2061 : vector<16xf32>
        %add3A_2063 = arith.constant 32 : i32
        %add3A_2064 = vector.broadcast %add3A_2063 : i32 to vector<16xi32>
        %add3A_2065 = arith.addi %iota3A, %add3A_2064 : vector<16xi32>
        %gather3A_2066 = tpu.vector_load_idx %arg10[%broadcast_in_dim3A_2054, %add3A_2065] : memref<80x128xf32, #tpu.memory_space<vmem>>[vector<16xi32>, vector<16xi32>], vector<16xf32>,
        %mul3A_2067 = arith.mulf %gather3A_2066, %gather3A_1075 : vector<16xf32>
        %add3A_2068 = arith.addf %add3A_2062, %mul3A_2067 : vector<16xf32>
        %add3A_2069 = arith.constant 48 : i32
        %add3A_2070 = vector.broadcast %add3A_2069 : i32 to vector<16xi32>
        %add3A_2071 = arith.addi %iota3A, %add3A_2070 : vector<16xi32>
        %gather3A_2072 = tpu.vector_load_idx %arg10[%broadcast_in_dim3A_2054, %add3A_2071] : memref<80x128xf32, #tpu.memory_space<vmem>>[vector<16xi32>, vector<16xi32>], vector<16xf32>,
        %mul3A_2073 = arith.mulf %gather3A_2072, %gather3A_1079 : vector<16xf32>
        %add3A_2074 = arith.addf %add3A_2068, %mul3A_2073 : vector<16xf32>
        %add3A_2075 = arith.constant 64 : i32
        %add3A_2076 = vector.broadcast %add3A_2075 : i32 to vector<16xi32>
        %add3A_2077 = arith.addi %iota3A, %add3A_2076 : vector<16xi32>
        %gather3A_2078 = tpu.vector_load_idx %arg10[%broadcast_in_dim3A_2054, %add3A_2077] : memref<80x128xf32, #tpu.memory_space<vmem>>[vector<16xi32>, vector<16xi32>], vector<16xf32>,
        %mul3A_2079 = arith.mulf %gather3A_2078, %gather3A_1083 : vector<16xf32>
        %add3A_2080 = arith.addf %add3A_2074, %mul3A_2079 : vector<16xf32>
        %add3A_2081 = arith.constant 80 : i32
        %add3A_2082 = vector.broadcast %add3A_2081 : i32 to vector<16xi32>
        %add3A_2083 = arith.addi %iota3A, %add3A_2082 : vector<16xi32>
        %gather3A_2084 = tpu.vector_load_idx %arg10[%broadcast_in_dim3A_2054, %add3A_2083] : memref<80x128xf32, #tpu.memory_space<vmem>>[vector<16xi32>, vector<16xi32>], vector<16xf32>,
        %mul3A_2085 = arith.mulf %gather3A_2084, %gather3A_1087 : vector<16xf32>
        %add3A_2086 = arith.addf %add3A_2080, %mul3A_2085 : vector<16xf32>
        %add3A_2087 = arith.constant 96 : i32
        %add3A_2088 = vector.broadcast %add3A_2087 : i32 to vector<16xi32>
        %add3A_2089 = arith.addi %iota3A, %add3A_2088 : vector<16xi32>
        %gather3A_2090 = tpu.vector_load_idx %arg10[%broadcast_in_dim3A_2054, %add3A_2089] : memref<80x128xf32, #tpu.memory_space<vmem>>[vector<16xi32>, vector<16xi32>], vector<16xf32>,
        %mul3A_2091 = arith.mulf %gather3A_2090, %gather3A_1091 : vector<16xf32>
        %add3A_2092 = arith.addf %add3A_2086, %mul3A_2091 : vector<16xf32>
        %add3A_2093 = arith.constant 112 : i32
        %add3A_2094 = vector.broadcast %add3A_2093 : i32 to vector<16xi32>
        %add3A_2095 = arith.addi %iota3A, %add3A_2094 : vector<16xi32>
        %gather3A_2096 = tpu.vector_load_idx %arg10[%broadcast_in_dim3A_2054, %add3A_2095] : memref<80x128xf32, #tpu.memory_space<vmem>>[vector<16xi32>, vector<16xi32>], vector<16xf32>,
        %mul3A_2097 = arith.mulf %gather3A_2096, %gather3A_1095 : vector<16xf32>
        %add3A_2098 = arith.addf %add3A_2092, %mul3A_2097 : vector<16xf32>
        %swap3A_2099 = arith.constant 18 : i32
        %swap3A_2100 = arith.index_cast %swap3A_2099 : i32 to index
        %swap3A_2101 = arith.constant 0 : index
        %swap3A_2102 = tpu.vector_load %arg26[%swap3A_2100, %swap3A_2101] {strides = array<i32>} : memref<32x16xf32, #tpu.memory_space<vmem>>, vector<16xf32>,
        tpu.vector_store %arg26[%swap3A_2100, %swap3A_2101], %add3A_2098 {strides = array<i32>} : memref<32x16xf32, #tpu.memory_space<vmem>>, vector<16xf32>,
        %mul3A_2103 = arith.constant 20 : i32
        %mul3A_2104 = arith.muli %scan3A_1063, %mul3A_2103 : i32
        %add3A_2105 = arith.constant 19 : i32
        %add3A_2106 = arith.addi %mul3A_2104, %add3A_2105 : i32
        %broadcast_in_dim3A_2107 = vector.broadcast %add3A_2106 : i32 to vector<16xi32>
        %gather3A_2108 = tpu.vector_load_idx %arg10[%broadcast_in_dim3A_2107, %iota3A] : memref<80x128xf32, #tpu.memory_space<vmem>>[vector<16xi32>, vector<16xi32>], vector<16xf32>,
        %mul3A_2109 = arith.mulf %gather3A_2108, %gather3A : vector<16xf32>
        %add3A_2110 = arith.constant 16 : i32
        %add3A_2111 = vector.broadcast %add3A_2110 : i32 to vector<16xi32>
        %add3A_2112 = arith.addi %iota3A, %add3A_2111 : vector<16xi32>
        %gather3A_2113 = tpu.vector_load_idx %arg10[%broadcast_in_dim3A_2107, %add3A_2112] : memref<80x128xf32, #tpu.memory_space<vmem>>[vector<16xi32>, vector<16xi32>], vector<16xf32>,
        %mul3A_2114 = arith.mulf %gather3A_2113, %gather3A_1071 : vector<16xf32>
        %add3A_2115 = arith.addf %mul3A_2109, %mul3A_2114 : vector<16xf32>
        %add3A_2116 = arith.constant 32 : i32
        %add3A_2117 = vector.broadcast %add3A_2116 : i32 to vector<16xi32>
        %add3A_2118 = arith.addi %iota3A, %add3A_2117 : vector<16xi32>
        %gather3A_2119 = tpu.vector_load_idx %arg10[%broadcast_in_dim3A_2107, %add3A_2118] : memref<80x128xf32, #tpu.memory_space<vmem>>[vector<16xi32>, vector<16xi32>], vector<16xf32>,
        %mul3A_2120 = arith.mulf %gather3A_2119, %gather3A_1075 : vector<16xf32>
        %add3A_2121 = arith.addf %add3A_2115, %mul3A_2120 : vector<16xf32>
        %add3A_2122 = arith.constant 48 : i32
        %add3A_2123 = vector.broadcast %add3A_2122 : i32 to vector<16xi32>
        %add3A_2124 = arith.addi %iota3A, %add3A_2123 : vector<16xi32>
        %gather3A_2125 = tpu.vector_load_idx %arg10[%broadcast_in_dim3A_2107, %add3A_2124] : memref<80x128xf32, #tpu.memory_space<vmem>>[vector<16xi32>, vector<16xi32>], vector<16xf32>,
        %mul3A_2126 = arith.mulf %gather3A_2125, %gather3A_1079 : vector<16xf32>
        %add3A_2127 = arith.addf %add3A_2121, %mul3A_2126 : vector<16xf32>
        %add3A_2128 = arith.constant 64 : i32
        %add3A_2129 = vector.broadcast %add3A_2128 : i32 to vector<16xi32>
        %add3A_2130 = arith.addi %iota3A, %add3A_2129 : vector<16xi32>
        %gather3A_2131 = tpu.vector_load_idx %arg10[%broadcast_in_dim3A_2107, %add3A_2130] : memref<80x128xf32, #tpu.memory_space<vmem>>[vector<16xi32>, vector<16xi32>], vector<16xf32>,
        %mul3A_2132 = arith.mulf %gather3A_2131, %gather3A_1083 : vector<16xf32>
        %add3A_2133 = arith.addf %add3A_2127, %mul3A_2132 : vector<16xf32>
        %add3A_2134 = arith.constant 80 : i32
        %add3A_2135 = vector.broadcast %add3A_2134 : i32 to vector<16xi32>
        %add3A_2136 = arith.addi %iota3A, %add3A_2135 : vector<16xi32>
        %gather3A_2137 = tpu.vector_load_idx %arg10[%broadcast_in_dim3A_2107, %add3A_2136] : memref<80x128xf32, #tpu.memory_space<vmem>>[vector<16xi32>, vector<16xi32>], vector<16xf32>,
        %mul3A_2138 = arith.mulf %gather3A_2137, %gather3A_1087 : vector<16xf32>
        %add3A_2139 = arith.addf %add3A_2133, %mul3A_2138 : vector<16xf32>
        %add3A_2140 = arith.constant 96 : i32
        %add3A_2141 = vector.broadcast %add3A_2140 : i32 to vector<16xi32>
        %add3A_2142 = arith.addi %iota3A, %add3A_2141 : vector<16xi32>
        %gather3A_2143 = tpu.vector_load_idx %arg10[%broadcast_in_dim3A_2107, %add3A_2142] : memref<80x128xf32, #tpu.memory_space<vmem>>[vector<16xi32>, vector<16xi32>], vector<16xf32>,
        %mul3A_2144 = arith.mulf %gather3A_2143, %gather3A_1091 : vector<16xf32>
        %add3A_2145 = arith.addf %add3A_2139, %mul3A_2144 : vector<16xf32>
        %add3A_2146 = arith.constant 112 : i32
        %add3A_2147 = vector.broadcast %add3A_2146 : i32 to vector<16xi32>
        %add3A_2148 = arith.addi %iota3A, %add3A_2147 : vector<16xi32>
        %gather3A_2149 = tpu.vector_load_idx %arg10[%broadcast_in_dim3A_2107, %add3A_2148] : memref<80x128xf32, #tpu.memory_space<vmem>>[vector<16xi32>, vector<16xi32>], vector<16xf32>,
        %mul3A_2150 = arith.mulf %gather3A_2149, %gather3A_1095 : vector<16xf32>
        %add3A_2151 = arith.addf %add3A_2145, %mul3A_2150 : vector<16xf32>
        %swap3A_2152 = arith.constant 19 : i32
        %swap3A_2153 = arith.index_cast %swap3A_2152 : i32 to index
        %swap3A_2154 = arith.constant 0 : index
        %swap3A_2155 = tpu.vector_load %arg26[%swap3A_2153, %swap3A_2154] {strides = array<i32>} : memref<32x16xf32, #tpu.memory_space<vmem>>, vector<16xf32>,
        tpu.vector_store %arg26[%swap3A_2153, %swap3A_2154], %add3A_2151 {strides = array<i32>} : memref<32x16xf32, #tpu.memory_space<vmem>>, vector<16xf32>,
        %add3A_2156 = arith.constant 0 : i32
        %add3A_2157 = vector.broadcast %add3A_2156 : i32 to vector<16xi32>
        %add3A_2158 = arith.addi %iota3A, %add3A_2157 : vector<16xi32>
        %broadcast_in_dim3A_2159 = arith.constant 0 : i32
        %broadcast_in_dim3A_2160 = vector.broadcast %broadcast_in_dim3A_2159 : i32 to vector<16xi32>
        %gather3A_2161 = tpu.vector_load_idx %arg26[%add3A_2158, %broadcast_in_dim3A_2160] : memref<32x16xf32, #tpu.memory_space<vmem>>[vector<16xi32>, vector<16xi32>], vector<16xf32>,
        %broadcast_in_dim3A_2162 = arith.constant 1 : i32
        %broadcast_in_dim3A_2163 = vector.broadcast %broadcast_in_dim3A_2162 : i32 to vector<16xi32>
        %gather3A_2164 = tpu.vector_load_idx %arg26[%add3A_2158, %broadcast_in_dim3A_2163] : memref<32x16xf32, #tpu.memory_space<vmem>>[vector<16xi32>, vector<16xi32>], vector<16xf32>,
        %add3A_2165 = arith.addf %gather3A_2161, %gather3A_2164 : vector<16xf32>
        %broadcast_in_dim3A_2166 = arith.constant 2 : i32
        %broadcast_in_dim3A_2167 = vector.broadcast %broadcast_in_dim3A_2166 : i32 to vector<16xi32>
        %gather3A_2168 = tpu.vector_load_idx %arg26[%add3A_2158, %broadcast_in_dim3A_2167] : memref<32x16xf32, #tpu.memory_space<vmem>>[vector<16xi32>, vector<16xi32>], vector<16xf32>,
        %add3A_2169 = arith.addf %add3A_2165, %gather3A_2168 : vector<16xf32>
        %broadcast_in_dim3A_2170 = arith.constant 3 : i32
        %broadcast_in_dim3A_2171 = vector.broadcast %broadcast_in_dim3A_2170 : i32 to vector<16xi32>
        %gather3A_2172 = tpu.vector_load_idx %arg26[%add3A_2158, %broadcast_in_dim3A_2171] : memref<32x16xf32, #tpu.memory_space<vmem>>[vector<16xi32>, vector<16xi32>], vector<16xf32>,
        %add3A_2173 = arith.addf %add3A_2169, %gather3A_2172 : vector<16xf32>
        %broadcast_in_dim3A_2174 = arith.constant 4 : i32
        %broadcast_in_dim3A_2175 = vector.broadcast %broadcast_in_dim3A_2174 : i32 to vector<16xi32>
        %gather3A_2176 = tpu.vector_load_idx %arg26[%add3A_2158, %broadcast_in_dim3A_2175] : memref<32x16xf32, #tpu.memory_space<vmem>>[vector<16xi32>, vector<16xi32>], vector<16xf32>,
        %add3A_2177 = arith.addf %add3A_2173, %gather3A_2176 : vector<16xf32>
        %broadcast_in_dim3A_2178 = arith.constant 5 : i32
        %broadcast_in_dim3A_2179 = vector.broadcast %broadcast_in_dim3A_2178 : i32 to vector<16xi32>
        %gather3A_2180 = tpu.vector_load_idx %arg26[%add3A_2158, %broadcast_in_dim3A_2179] : memref<32x16xf32, #tpu.memory_space<vmem>>[vector<16xi32>, vector<16xi32>], vector<16xf32>,
        %add3A_2181 = arith.addf %add3A_2177, %gather3A_2180 : vector<16xf32>
        %broadcast_in_dim3A_2182 = arith.constant 6 : i32
        %broadcast_in_dim3A_2183 = vector.broadcast %broadcast_in_dim3A_2182 : i32 to vector<16xi32>
        %gather3A_2184 = tpu.vector_load_idx %arg26[%add3A_2158, %broadcast_in_dim3A_2183] : memref<32x16xf32, #tpu.memory_space<vmem>>[vector<16xi32>, vector<16xi32>], vector<16xf32>,
        %add3A_2185 = arith.addf %add3A_2181, %gather3A_2184 : vector<16xf32>
        %broadcast_in_dim3A_2186 = arith.constant 7 : i32
        %broadcast_in_dim3A_2187 = vector.broadcast %broadcast_in_dim3A_2186 : i32 to vector<16xi32>
        %gather3A_2188 = tpu.vector_load_idx %arg26[%add3A_2158, %broadcast_in_dim3A_2187] : memref<32x16xf32, #tpu.memory_space<vmem>>[vector<16xi32>, vector<16xi32>], vector<16xf32>,
        %add3A_2189 = arith.addf %add3A_2185, %gather3A_2188 : vector<16xf32>
        %broadcast_in_dim3A_2190 = arith.constant 8 : i32
        %broadcast_in_dim3A_2191 = vector.broadcast %broadcast_in_dim3A_2190 : i32 to vector<16xi32>
        %gather3A_2192 = tpu.vector_load_idx %arg26[%add3A_2158, %broadcast_in_dim3A_2191] : memref<32x16xf32, #tpu.memory_space<vmem>>[vector<16xi32>, vector<16xi32>], vector<16xf32>,
        %add3A_2193 = arith.addf %add3A_2189, %gather3A_2192 : vector<16xf32>
        %broadcast_in_dim3A_2194 = arith.constant 9 : i32
        %broadcast_in_dim3A_2195 = vector.broadcast %broadcast_in_dim3A_2194 : i32 to vector<16xi32>
        %gather3A_2196 = tpu.vector_load_idx %arg26[%add3A_2158, %broadcast_in_dim3A_2195] : memref<32x16xf32, #tpu.memory_space<vmem>>[vector<16xi32>, vector<16xi32>], vector<16xf32>,
        %add3A_2197 = arith.addf %add3A_2193, %gather3A_2196 : vector<16xf32>
        %broadcast_in_dim3A_2198 = arith.constant 10 : i32
        %broadcast_in_dim3A_2199 = vector.broadcast %broadcast_in_dim3A_2198 : i32 to vector<16xi32>
        %gather3A_2200 = tpu.vector_load_idx %arg26[%add3A_2158, %broadcast_in_dim3A_2199] : memref<32x16xf32, #tpu.memory_space<vmem>>[vector<16xi32>, vector<16xi32>], vector<16xf32>,
        %add3A_2201 = arith.addf %add3A_2197, %gather3A_2200 : vector<16xf32>
        %broadcast_in_dim3A_2202 = arith.constant 11 : i32
        %broadcast_in_dim3A_2203 = vector.broadcast %broadcast_in_dim3A_2202 : i32 to vector<16xi32>
        %gather3A_2204 = tpu.vector_load_idx %arg26[%add3A_2158, %broadcast_in_dim3A_2203] : memref<32x16xf32, #tpu.memory_space<vmem>>[vector<16xi32>, vector<16xi32>], vector<16xf32>,
        %add3A_2205 = arith.addf %add3A_2201, %gather3A_2204 : vector<16xf32>
        %broadcast_in_dim3A_2206 = arith.constant 12 : i32
        %broadcast_in_dim3A_2207 = vector.broadcast %broadcast_in_dim3A_2206 : i32 to vector<16xi32>
        %gather3A_2208 = tpu.vector_load_idx %arg26[%add3A_2158, %broadcast_in_dim3A_2207] : memref<32x16xf32, #tpu.memory_space<vmem>>[vector<16xi32>, vector<16xi32>], vector<16xf32>,
        %add3A_2209 = arith.addf %add3A_2205, %gather3A_2208 : vector<16xf32>
        %broadcast_in_dim3A_2210 = arith.constant 13 : i32
        %broadcast_in_dim3A_2211 = vector.broadcast %broadcast_in_dim3A_2210 : i32 to vector<16xi32>
        %gather3A_2212 = tpu.vector_load_idx %arg26[%add3A_2158, %broadcast_in_dim3A_2211] : memref<32x16xf32, #tpu.memory_space<vmem>>[vector<16xi32>, vector<16xi32>], vector<16xf32>,
        %add3A_2213 = arith.addf %add3A_2209, %gather3A_2212 : vector<16xf32>
        %broadcast_in_dim3A_2214 = arith.constant 14 : i32
        %broadcast_in_dim3A_2215 = vector.broadcast %broadcast_in_dim3A_2214 : i32 to vector<16xi32>
        %gather3A_2216 = tpu.vector_load_idx %arg26[%add3A_2158, %broadcast_in_dim3A_2215] : memref<32x16xf32, #tpu.memory_space<vmem>>[vector<16xi32>, vector<16xi32>], vector<16xf32>,
        %add3A_2217 = arith.addf %add3A_2213, %gather3A_2216 : vector<16xf32>
        %broadcast_in_dim3A_2218 = arith.constant 15 : i32
        %broadcast_in_dim3A_2219 = vector.broadcast %broadcast_in_dim3A_2218 : i32 to vector<16xi32>
        %gather3A_2220 = tpu.vector_load_idx %arg26[%add3A_2158, %broadcast_in_dim3A_2219] : memref<32x16xf32, #tpu.memory_space<vmem>>[vector<16xi32>, vector<16xi32>], vector<16xf32>,
        %add3A_2221 = arith.addf %add3A_2217, %gather3A_2220 : vector<16xf32>
        %add3A_2222 = arith.constant 0 : i32
        %add3A_2223 = vector.broadcast %add3A_2222 : i32 to vector<16xi32>
        %add3A_2224 = arith.addi %iota3A, %add3A_2223 : vector<16xi32>
        tpu.vector_store_idx %arg12[%broadcast_in_dim3A_1064, %add3A_2224], %add3A_2221 : memref<4x32xf32, #tpu.memory_space<vmem>>[vector<16xi32>, vector<16xi32>], vector<16xf32>,
        %add3A_2225 = arith.constant 16 : i32
        %add3A_2226 = vector.broadcast %add3A_2225 : i32 to vector<16xi32>
        %add3A_2227 = arith.addi %iota3A, %add3A_2226 : vector<16xi32>
        %broadcast_in_dim3A_2228 = arith.constant 0 : i32
        %broadcast_in_dim3A_2229 = vector.broadcast %broadcast_in_dim3A_2228 : i32 to vector<16xi32>
        %gather3A_2230 = tpu.vector_load_idx %arg26[%add3A_2227, %broadcast_in_dim3A_2229] : memref<32x16xf32, #tpu.memory_space<vmem>>[vector<16xi32>, vector<16xi32>], vector<16xf32>,
        %broadcast_in_dim3A_2231 = arith.constant 1 : i32
        %broadcast_in_dim3A_2232 = vector.broadcast %broadcast_in_dim3A_2231 : i32 to vector<16xi32>
        %gather3A_2233 = tpu.vector_load_idx %arg26[%add3A_2227, %broadcast_in_dim3A_2232] : memref<32x16xf32, #tpu.memory_space<vmem>>[vector<16xi32>, vector<16xi32>], vector<16xf32>,
        %add3A_2234 = arith.addf %gather3A_2230, %gather3A_2233 : vector<16xf32>
        %broadcast_in_dim3A_2235 = arith.constant 2 : i32
        %broadcast_in_dim3A_2236 = vector.broadcast %broadcast_in_dim3A_2235 : i32 to vector<16xi32>
        %gather3A_2237 = tpu.vector_load_idx %arg26[%add3A_2227, %broadcast_in_dim3A_2236] : memref<32x16xf32, #tpu.memory_space<vmem>>[vector<16xi32>, vector<16xi32>], vector<16xf32>,
        %add3A_2238 = arith.addf %add3A_2234, %gather3A_2237 : vector<16xf32>
        %broadcast_in_dim3A_2239 = arith.constant 3 : i32
        %broadcast_in_dim3A_2240 = vector.broadcast %broadcast_in_dim3A_2239 : i32 to vector<16xi32>
        %gather3A_2241 = tpu.vector_load_idx %arg26[%add3A_2227, %broadcast_in_dim3A_2240] : memref<32x16xf32, #tpu.memory_space<vmem>>[vector<16xi32>, vector<16xi32>], vector<16xf32>,
        %add3A_2242 = arith.addf %add3A_2238, %gather3A_2241 : vector<16xf32>
        %broadcast_in_dim3A_2243 = arith.constant 4 : i32
        %broadcast_in_dim3A_2244 = vector.broadcast %broadcast_in_dim3A_2243 : i32 to vector<16xi32>
        %gather3A_2245 = tpu.vector_load_idx %arg26[%add3A_2227, %broadcast_in_dim3A_2244] : memref<32x16xf32, #tpu.memory_space<vmem>>[vector<16xi32>, vector<16xi32>], vector<16xf32>,
        %add3A_2246 = arith.addf %add3A_2242, %gather3A_2245 : vector<16xf32>
        %broadcast_in_dim3A_2247 = arith.constant 5 : i32
        %broadcast_in_dim3A_2248 = vector.broadcast %broadcast_in_dim3A_2247 : i32 to vector<16xi32>
        %gather3A_2249 = tpu.vector_load_idx %arg26[%add3A_2227, %broadcast_in_dim3A_2248] : memref<32x16xf32, #tpu.memory_space<vmem>>[vector<16xi32>, vector<16xi32>], vector<16xf32>,
        %add3A_2250 = arith.addf %add3A_2246, %gather3A_2249 : vector<16xf32>
        %broadcast_in_dim3A_2251 = arith.constant 6 : i32
        %broadcast_in_dim3A_2252 = vector.broadcast %broadcast_in_dim3A_2251 : i32 to vector<16xi32>
        %gather3A_2253 = tpu.vector_load_idx %arg26[%add3A_2227, %broadcast_in_dim3A_2252] : memref<32x16xf32, #tpu.memory_space<vmem>>[vector<16xi32>, vector<16xi32>], vector<16xf32>,
        %add3A_2254 = arith.addf %add3A_2250, %gather3A_2253 : vector<16xf32>
        %broadcast_in_dim3A_2255 = arith.constant 7 : i32
        %broadcast_in_dim3A_2256 = vector.broadcast %broadcast_in_dim3A_2255 : i32 to vector<16xi32>
        %gather3A_2257 = tpu.vector_load_idx %arg26[%add3A_2227, %broadcast_in_dim3A_2256] : memref<32x16xf32, #tpu.memory_space<vmem>>[vector<16xi32>, vector<16xi32>], vector<16xf32>,
        %add3A_2258 = arith.addf %add3A_2254, %gather3A_2257 : vector<16xf32>
        %broadcast_in_dim3A_2259 = arith.constant 8 : i32
        %broadcast_in_dim3A_2260 = vector.broadcast %broadcast_in_dim3A_2259 : i32 to vector<16xi32>
        %gather3A_2261 = tpu.vector_load_idx %arg26[%add3A_2227, %broadcast_in_dim3A_2260] : memref<32x16xf32, #tpu.memory_space<vmem>>[vector<16xi32>, vector<16xi32>], vector<16xf32>,
        %add3A_2262 = arith.addf %add3A_2258, %gather3A_2261 : vector<16xf32>
        %broadcast_in_dim3A_2263 = arith.constant 9 : i32
        %broadcast_in_dim3A_2264 = vector.broadcast %broadcast_in_dim3A_2263 : i32 to vector<16xi32>
        %gather3A_2265 = tpu.vector_load_idx %arg26[%add3A_2227, %broadcast_in_dim3A_2264] : memref<32x16xf32, #tpu.memory_space<vmem>>[vector<16xi32>, vector<16xi32>], vector<16xf32>,
        %add3A_2266 = arith.addf %add3A_2262, %gather3A_2265 : vector<16xf32>
        %broadcast_in_dim3A_2267 = arith.constant 10 : i32
        %broadcast_in_dim3A_2268 = vector.broadcast %broadcast_in_dim3A_2267 : i32 to vector<16xi32>
        %gather3A_2269 = tpu.vector_load_idx %arg26[%add3A_2227, %broadcast_in_dim3A_2268] : memref<32x16xf32, #tpu.memory_space<vmem>>[vector<16xi32>, vector<16xi32>], vector<16xf32>,
        %add3A_2270 = arith.addf %add3A_2266, %gather3A_2269 : vector<16xf32>
        %broadcast_in_dim3A_2271 = arith.constant 11 : i32
        %broadcast_in_dim3A_2272 = vector.broadcast %broadcast_in_dim3A_2271 : i32 to vector<16xi32>
        %gather3A_2273 = tpu.vector_load_idx %arg26[%add3A_2227, %broadcast_in_dim3A_2272] : memref<32x16xf32, #tpu.memory_space<vmem>>[vector<16xi32>, vector<16xi32>], vector<16xf32>,
        %add3A_2274 = arith.addf %add3A_2270, %gather3A_2273 : vector<16xf32>
        %broadcast_in_dim3A_2275 = arith.constant 12 : i32
        %broadcast_in_dim3A_2276 = vector.broadcast %broadcast_in_dim3A_2275 : i32 to vector<16xi32>
        %gather3A_2277 = tpu.vector_load_idx %arg26[%add3A_2227, %broadcast_in_dim3A_2276] : memref<32x16xf32, #tpu.memory_space<vmem>>[vector<16xi32>, vector<16xi32>], vector<16xf32>,
        %add3A_2278 = arith.addf %add3A_2274, %gather3A_2277 : vector<16xf32>
        %broadcast_in_dim3A_2279 = arith.constant 13 : i32
        %broadcast_in_dim3A_2280 = vector.broadcast %broadcast_in_dim3A_2279 : i32 to vector<16xi32>
        %gather3A_2281 = tpu.vector_load_idx %arg26[%add3A_2227, %broadcast_in_dim3A_2280] : memref<32x16xf32, #tpu.memory_space<vmem>>[vector<16xi32>, vector<16xi32>], vector<16xf32>,
        %add3A_2282 = arith.addf %add3A_2278, %gather3A_2281 : vector<16xf32>
        %broadcast_in_dim3A_2283 = arith.constant 14 : i32
        %broadcast_in_dim3A_2284 = vector.broadcast %broadcast_in_dim3A_2283 : i32 to vector<16xi32>
        %gather3A_2285 = tpu.vector_load_idx %arg26[%add3A_2227, %broadcast_in_dim3A_2284] : memref<32x16xf32, #tpu.memory_space<vmem>>[vector<16xi32>, vector<16xi32>], vector<16xf32>,
        %add3A_2286 = arith.addf %add3A_2282, %gather3A_2285 : vector<16xf32>
        %broadcast_in_dim3A_2287 = arith.constant 15 : i32
        %broadcast_in_dim3A_2288 = vector.broadcast %broadcast_in_dim3A_2287 : i32 to vector<16xi32>
        %gather3A_2289 = tpu.vector_load_idx %arg26[%add3A_2227, %broadcast_in_dim3A_2288] : memref<32x16xf32, #tpu.memory_space<vmem>>[vector<16xi32>, vector<16xi32>], vector<16xf32>,
        %add3A_2290 = arith.addf %add3A_2286, %gather3A_2289 : vector<16xf32>
        %add3A_2291 = arith.constant 16 : i32
        %add3A_2292 = vector.broadcast %add3A_2291 : i32 to vector<16xi32>
        %add3A_2293 = arith.addi %iota3A, %add3A_2292 : vector<16xi32>
        tpu.vector_store_idx %arg12[%broadcast_in_dim3A_1064, %add3A_2293], %add3A_2290 : memref<4x32xf32, #tpu.memory_space<vmem>>[vector<16xi32>, vector<16xi32>], vector<16xf32>,
      }
      %scan3A_790 = arith.constant 4 : i32
      %mul3A_791 = arith.constant 4 : i32
      %mul3A_792 = arith.muli %mul3A_519, %mul3A_791 : i32
      %add3A_793 = arith.addi %mul3A_2, %mul3A_792 : i32
      "tpu.region"() ({
        %run_scoped3A = tpu.sem_alloc : memref<!tpu.dma_semaphore, #tpu.memory_space<semaphore_mem>>
        %dma_start3A_1063 = arith.constant 0 : i32
        %dma_start3A_1064 = tpu.memref_slice %arg6[%add3A_793, %dma_start3A_1063] : memref<16384x32xf32, #tpu.memory_space<hbm>> -> memref<4x32xf32, #tpu.memory_space<hbm>>
        %dma_start3A_1065 = arith.constant 0 : i32
        %dma_start3A_1066 = tpu.memref_slice %arg6[%add3A_793, %dma_start3A_1065] : memref<16384x32xf32, #tpu.memory_space<hbm>> -> memref<4x32xf32, #tpu.memory_space<hbm>>
        tpu.enqueue_dma source(%arg12 : memref<4x32xf32, #tpu.memory_space<vmem>>) target(%dma_start3A_1066 : memref<4x32xf32, #tpu.memory_space<hbm>>) target_semaphore(%run_scoped3A : memref<!tpu.dma_semaphore, #tpu.memory_space<semaphore_mem>>)
        %dma_wait3A_1067 = arith.constant 0 : i32
        %dma_wait3A_1068 = tpu.memref_slice %arg6[%add3A_793, %dma_wait3A_1067] : memref<16384x32xf32, #tpu.memory_space<hbm>> -> memref<4x32xf32, #tpu.memory_space<hbm>>
        %dma_wait3A_1069 = arith.constant 0 : i32
        %dma_wait3A_1070 = tpu.memref_slice %arg6[%add3A_793, %dma_wait3A_1069] : memref<16384x32xf32, #tpu.memory_space<hbm>> -> memref<4x32xf32, #tpu.memory_space<hbm>>
        tpu.wait_dma2 semaphore(%run_scoped3A : memref<!tpu.dma_semaphore, #tpu.memory_space<semaphore_mem>>) src(%arg12 : memref<4x32xf32, #tpu.memory_space<vmem>>) dst(%dma_wait3A_1070 : memref<4x32xf32, #tpu.memory_space<hbm>>)
        tpu.yield
      }) : () -> ()
      %mul3A_794 = arith.constant 4 : i32
      %mul3A_795 = arith.muli %sub3A_525, %mul3A_794 : i32
      %dma_wait3A_796 = arith.constant 0 : i32
      %dma_wait3A_797 = tpu.memref_slice %arg7[%mul3A_795, %dma_wait3A_796] : memref<8x50xi32, #tpu.memory_space<vmem>> -> memref<4x50xi32, #tpu.memory_space<vmem>>
      %dma_wait3A_798 = arith.constant 0 : i32
      %dma_wait3A_799 = tpu.memref_slice %arg2[%mul3A_2, %dma_wait3A_798] : memref<16384x50xi32, #tpu.memory_space<hbm>> -> memref<4x50xi32, #tpu.memory_space<hbm>>
      %dma_wait3A_800 = arith.constant 0 : i32
      %dma_wait3A_801 = tpu.memref_slice %arg7[%mul3A_795, %dma_wait3A_800] : memref<8x50xi32, #tpu.memory_space<vmem>> -> memref<4x50xi32, #tpu.memory_space<vmem>>
      %dma_wait3A_802 = arith.constant 0 : i32
      %dma_wait3A_803 = tpu.memref_slice %arg2[%mul3A_2, %dma_wait3A_802] : memref<16384x50xi32, #tpu.memory_space<hbm>> -> memref<4x50xi32, #tpu.memory_space<hbm>>
      tpu.wait_dma2 semaphore(%arg15 : memref<!tpu.dma_semaphore, #tpu.memory_space<semaphore_mem>>) src(%dma_wait3A_803 : memref<4x50xi32, #tpu.memory_space<hbm>>) dst(%dma_wait3A_801 : memref<4x50xi32, #tpu.memory_space<vmem>>)
      %mul3A_804 = arith.constant 4 : i32
      %mul3A_805 = arith.muli %sub3A_525, %mul3A_804 : i32
      %dma_wait3A_806 = arith.constant 0 : i32
      %dma_wait3A_807 = tpu.memref_slice %arg8[%mul3A_805, %dma_wait3A_806] : memref<8x20xi32, #tpu.memory_space<vmem>> -> memref<4x20xi32, #tpu.memory_space<vmem>>
      %dma_wait3A_808 = arith.constant 0 : i32
      %dma_wait3A_809 = tpu.memref_slice %arg3[%mul3A_2, %dma_wait3A_808] : memref<16384x20xi32, #tpu.memory_space<hbm>> -> memref<4x20xi32, #tpu.memory_space<hbm>>
      %dma_wait3A_810 = arith.constant 0 : i32
      %dma_wait3A_811 = tpu.memref_slice %arg8[%mul3A_805, %dma_wait3A_810] : memref<8x20xi32, #tpu.memory_space<vmem>> -> memref<4x20xi32, #tpu.memory_space<vmem>>
      %dma_wait3A_812 = arith.constant 0 : i32
      %dma_wait3A_813 = tpu.memref_slice %arg3[%mul3A_2, %dma_wait3A_812] : memref<16384x20xi32, #tpu.memory_space<hbm>> -> memref<4x20xi32, #tpu.memory_space<hbm>>
      tpu.wait_dma2 semaphore(%arg15 : memref<!tpu.dma_semaphore, #tpu.memory_space<semaphore_mem>>) src(%dma_wait3A_813 : memref<4x20xi32, #tpu.memory_space<hbm>>) dst(%dma_wait3A_811 : memref<4x20xi32, #tpu.memory_space<vmem>>)
      %mul3A_814 = arith.constant 4 : i32
      %mul3A_815 = arith.muli %sub3A_525, %mul3A_814 : i32
      %add3A_816 = arith.constant 0 : i32
      %add3A_817 = arith.addi %mul3A_815, %add3A_816 : i32
      %dma_start3A_818 = arith.constant 0 : i32
      %dma_start3A_819 = arith.constant 0 : i32
      %dma_start3A_820 = tpu.memref_slice %arg9[%dma_start3A_818, %dma_start3A_819] : memref<200x128xf32, #tpu.memory_space<vmem>> -> memref<50x128xf32, #tpu.memory_space<vmem>>
      %dma_start3A_821 = arith.constant 0 : i32
      %dma_start3A_822 = tpu.memref_slice %arg7[%add3A_817, %dma_start3A_821] : memref<8x50xi32, #tpu.memory_space<vmem>> -> memref<1x50xi32, #tpu.memory_space<vmem>>
      %dma_start3A_823 = tpu.memref_squeeze %dma_start3A_822 : memref<1x50xi32, #tpu.memory_space<vmem>> -> memref<50xi32, #tpu.memory_space<vmem>>
      %dma_start3A_824 = arith.constant 0 : i32
      %dma_start3A_825 = arith.constant 0 : i32
      %dma_start3A_826 = tpu.memref_slice %arg4[%dma_start3A_824, %dma_start3A_825] : memref<100000x128xf32, #tpu.memory_space<hbm>> -> memref<100000x128xf32, #tpu.memory_space<hbm>>
      tpu.enqueue_indirect_dma source(%dma_start3A_826 : memref<100000x128xf32, #tpu.memory_space<hbm>>) target(%dma_start3A_820 : memref<50x128xf32, #tpu.memory_space<vmem>>) offsets(%dma_start3A_823 : memref<50xi32, #tpu.memory_space<vmem>>) semaphore(%arg13 : memref<!tpu.dma_semaphore, #tpu.memory_space<semaphore_mem>>)
      %mul3A_827 = arith.constant 4 : i32
      %mul3A_828 = arith.muli %sub3A_525, %mul3A_827 : i32
      %add3A_829 = arith.constant 0 : i32
      %add3A_830 = arith.addi %mul3A_828, %add3A_829 : i32
      %dma_start3A_831 = arith.constant 0 : i32
      %dma_start3A_832 = arith.constant 0 : i32
      %dma_start3A_833 = tpu.memref_slice %arg10[%dma_start3A_831, %dma_start3A_832] : memref<80x128xf32, #tpu.memory_space<vmem>> -> memref<20x128xf32, #tpu.memory_space<vmem>>
      %dma_start3A_834 = arith.constant 0 : i32
      %dma_start3A_835 = tpu.memref_slice %arg8[%add3A_830, %dma_start3A_834] : memref<8x20xi32, #tpu.memory_space<vmem>> -> memref<1x20xi32, #tpu.memory_space<vmem>>
      %dma_start3A_836 = tpu.memref_squeeze %dma_start3A_835 : memref<1x20xi32, #tpu.memory_space<vmem>> -> memref<20xi32, #tpu.memory_space<vmem>>
      %dma_start3A_837 = arith.constant 0 : i32
      %dma_start3A_838 = arith.constant 0 : i32
      %dma_start3A_839 = tpu.memref_slice %arg5[%dma_start3A_837, %dma_start3A_838] : memref<100000x128xf32, #tpu.memory_space<hbm>> -> memref<100000x128xf32, #tpu.memory_space<hbm>>
      tpu.enqueue_indirect_dma source(%dma_start3A_839 : memref<100000x128xf32, #tpu.memory_space<hbm>>) target(%dma_start3A_833 : memref<20x128xf32, #tpu.memory_space<vmem>>) offsets(%dma_start3A_836 : memref<20xi32, #tpu.memory_space<vmem>>) semaphore(%arg14 : memref<!tpu.dma_semaphore, #tpu.memory_space<semaphore_mem>>)
      %mul3A_840 = arith.constant 4 : i32
      %mul3A_841 = arith.muli %sub3A_525, %mul3A_840 : i32
      %add3A_842 = arith.constant 1 : i32
      %add3A_843 = arith.addi %mul3A_841, %add3A_842 : i32
      %dma_start3A_844 = arith.constant 50 : i32
      %dma_start3A_845 = arith.constant 0 : i32
      %dma_start3A_846 = tpu.memref_slice %arg9[%dma_start3A_844, %dma_start3A_845] : memref<200x128xf32, #tpu.memory_space<vmem>> -> memref<50x128xf32, #tpu.memory_space<vmem>>
      %dma_start3A_847 = arith.constant 0 : i32
      %dma_start3A_848 = tpu.memref_slice %arg7[%add3A_843, %dma_start3A_847] : memref<8x50xi32, #tpu.memory_space<vmem>> -> memref<1x50xi32, #tpu.memory_space<vmem>>
      %dma_start3A_849 = tpu.memref_squeeze %dma_start3A_848 : memref<1x50xi32, #tpu.memory_space<vmem>> -> memref<50xi32, #tpu.memory_space<vmem>>
      %dma_start3A_850 = arith.constant 0 : i32
      %dma_start3A_851 = arith.constant 0 : i32
      %dma_start3A_852 = tpu.memref_slice %arg4[%dma_start3A_850, %dma_start3A_851] : memref<100000x128xf32, #tpu.memory_space<hbm>> -> memref<100000x128xf32, #tpu.memory_space<hbm>>
      tpu.enqueue_indirect_dma source(%dma_start3A_852 : memref<100000x128xf32, #tpu.memory_space<hbm>>) target(%dma_start3A_846 : memref<50x128xf32, #tpu.memory_space<vmem>>) offsets(%dma_start3A_849 : memref<50xi32, #tpu.memory_space<vmem>>) semaphore(%arg13 : memref<!tpu.dma_semaphore, #tpu.memory_space<semaphore_mem>>)
      %mul3A_853 = arith.constant 4 : i32
      %mul3A_854 = arith.muli %sub3A_525, %mul3A_853 : i32
      %add3A_855 = arith.constant 1 : i32
      %add3A_856 = arith.addi %mul3A_854, %add3A_855 : i32
      %dma_start3A_857 = arith.constant 20 : i32
      %dma_start3A_858 = arith.constant 0 : i32
      %dma_start3A_859 = tpu.memref_slice %arg10[%dma_start3A_857, %dma_start3A_858] : memref<80x128xf32, #tpu.memory_space<vmem>> -> memref<20x128xf32, #tpu.memory_space<vmem>>
      %dma_start3A_860 = arith.constant 0 : i32
      %dma_start3A_861 = tpu.memref_slice %arg8[%add3A_856, %dma_start3A_860] : memref<8x20xi32, #tpu.memory_space<vmem>> -> memref<1x20xi32, #tpu.memory_space<vmem>>
      %dma_start3A_862 = tpu.memref_squeeze %dma_start3A_861 : memref<1x20xi32, #tpu.memory_space<vmem>> -> memref<20xi32, #tpu.memory_space<vmem>>
      %dma_start3A_863 = arith.constant 0 : i32
      %dma_start3A_864 = arith.constant 0 : i32
      %dma_start3A_865 = tpu.memref_slice %arg5[%dma_start3A_863, %dma_start3A_864] : memref<100000x128xf32, #tpu.memory_space<hbm>> -> memref<100000x128xf32, #tpu.memory_space<hbm>>
      tpu.enqueue_indirect_dma source(%dma_start3A_865 : memref<100000x128xf32, #tpu.memory_space<hbm>>) target(%dma_start3A_859 : memref<20x128xf32, #tpu.memory_space<vmem>>) offsets(%dma_start3A_862 : memref<20xi32, #tpu.memory_space<vmem>>) semaphore(%arg14 : memref<!tpu.dma_semaphore, #tpu.memory_space<semaphore_mem>>)
      %mul3A_866 = arith.constant 4 : i32
      %mul3A_867 = arith.muli %sub3A_525, %mul3A_866 : i32
      %add3A_868 = arith.constant 2 : i32
      %add3A_869 = arith.addi %mul3A_867, %add3A_868 : i32
      %dma_start3A_870 = arith.constant 100 : i32
      %dma_start3A_871 = arith.constant 0 : i32
      %dma_start3A_872 = tpu.memref_slice %arg9[%dma_start3A_870, %dma_start3A_871] : memref<200x128xf32, #tpu.memory_space<vmem>> -> memref<50x128xf32, #tpu.memory_space<vmem>>
      %dma_start3A_873 = arith.constant 0 : i32
      %dma_start3A_874 = tpu.memref_slice %arg7[%add3A_869, %dma_start3A_873] : memref<8x50xi32, #tpu.memory_space<vmem>> -> memref<1x50xi32, #tpu.memory_space<vmem>>
      %dma_start3A_875 = tpu.memref_squeeze %dma_start3A_874 : memref<1x50xi32, #tpu.memory_space<vmem>> -> memref<50xi32, #tpu.memory_space<vmem>>
      %dma_start3A_876 = arith.constant 0 : i32
      %dma_start3A_877 = arith.constant 0 : i32
      %dma_start3A_878 = tpu.memref_slice %arg4[%dma_start3A_876, %dma_start3A_877] : memref<100000x128xf32, #tpu.memory_space<hbm>> -> memref<100000x128xf32, #tpu.memory_space<hbm>>
      tpu.enqueue_indirect_dma source(%dma_start3A_878 : memref<100000x128xf32, #tpu.memory_space<hbm>>) target(%dma_start3A_872 : memref<50x128xf32, #tpu.memory_space<vmem>>) offsets(%dma_start3A_875 : memref<50xi32, #tpu.memory_space<vmem>>) semaphore(%arg13 : memref<!tpu.dma_semaphore, #tpu.memory_space<semaphore_mem>>)
      %mul3A_879 = arith.constant 4 : i32
      %mul3A_880 = arith.muli %sub3A_525, %mul3A_879 : i32
      %add3A_881 = arith.constant 2 : i32
      %add3A_882 = arith.addi %mul3A_880, %add3A_881 : i32
      %dma_start3A_883 = arith.constant 40 : i32
      %dma_start3A_884 = arith.constant 0 : i32
      %dma_start3A_885 = tpu.memref_slice %arg10[%dma_start3A_883, %dma_start3A_884] : memref<80x128xf32, #tpu.memory_space<vmem>> -> memref<20x128xf32, #tpu.memory_space<vmem>>
      %dma_start3A_886 = arith.constant 0 : i32
      %dma_start3A_887 = tpu.memref_slice %arg8[%add3A_882, %dma_start3A_886] : memref<8x20xi32, #tpu.memory_space<vmem>> -> memref<1x20xi32, #tpu.memory_space<vmem>>
      %dma_start3A_888 = tpu.memref_squeeze %dma_start3A_887 : memref<1x20xi32, #tpu.memory_space<vmem>> -> memref<20xi32, #tpu.memory_space<vmem>>
      %dma_start3A_889 = arith.constant 0 : i32
      %dma_start3A_890 = arith.constant 0 : i32
      %dma_start3A_891 = tpu.memref_slice %arg5[%dma_start3A_889, %dma_start3A_890] : memref<100000x128xf32, #tpu.memory_space<hbm>> -> memref<100000x128xf32, #tpu.memory_space<hbm>>
      tpu.enqueue_indirect_dma source(%dma_start3A_891 : memref<100000x128xf32, #tpu.memory_space<hbm>>) target(%dma_start3A_885 : memref<20x128xf32, #tpu.memory_space<vmem>>) offsets(%dma_start3A_888 : memref<20xi32, #tpu.memory_space<vmem>>) semaphore(%arg14 : memref<!tpu.dma_semaphore, #tpu.memory_space<semaphore_mem>>)
      %mul3A_892 = arith.constant 4 : i32
      %mul3A_893 = arith.muli %sub3A_525, %mul3A_892 : i32
      %add3A_894 = arith.constant 3 : i32
      %add3A_895 = arith.addi %mul3A_893, %add3A_894 : i32
      %dma_start3A_896 = arith.constant 150 : i32
      %dma_start3A_897 = arith.constant 0 : i32
      %dma_start3A_898 = tpu.memref_slice %arg9[%dma_start3A_896, %dma_start3A_897] : memref<200x128xf32, #tpu.memory_space<vmem>> -> memref<50x128xf32, #tpu.memory_space<vmem>>
      %dma_start3A_899 = arith.constant 0 : i32
      %dma_start3A_900 = tpu.memref_slice %arg7[%add3A_895, %dma_start3A_899] : memref<8x50xi32, #tpu.memory_space<vmem>> -> memref<1x50xi32, #tpu.memory_space<vmem>>
      %dma_start3A_901 = tpu.memref_squeeze %dma_start3A_900 : memref<1x50xi32, #tpu.memory_space<vmem>> -> memref<50xi32, #tpu.memory_space<vmem>>
      %dma_start3A_902 = arith.constant 0 : i32
      %dma_start3A_903 = arith.constant 0 : i32
      %dma_start3A_904 = tpu.memref_slice %arg4[%dma_start3A_902, %dma_start3A_903] : memref<100000x128xf32, #tpu.memory_space<hbm>> -> memref<100000x128xf32, #tpu.memory_space<hbm>>
      tpu.enqueue_indirect_dma source(%dma_start3A_904 : memref<100000x128xf32, #tpu.memory_space<hbm>>) target(%dma_start3A_898 : memref<50x128xf32, #tpu.memory_space<vmem>>) offsets(%dma_start3A_901 : memref<50xi32, #tpu.memory_space<vmem>>) semaphore(%arg13 : memref<!tpu.dma_semaphore, #tpu.memory_space<semaphore_mem>>)
      %mul3A_905 = arith.constant 4 : i32
      %mul3A_906 = arith.muli %sub3A_525, %mul3A_905 : i32
      %add3A_907 = arith.constant 3 : i32
      %add3A_908 = arith.addi %mul3A_906, %add3A_907 : i32
      %dma_start3A_909 = arith.constant 60 : i32
      %dma_start3A_910 = arith.constant 0 : i32
      %dma_start3A_911 = tpu.memref_slice %arg10[%dma_start3A_909, %dma_start3A_910] : memref<80x128xf32, #tpu.memory_space<vmem>> -> memref<20x128xf32, #tpu.memory_space<vmem>>
      %dma_start3A_912 = arith.constant 0 : i32
      %dma_start3A_913 = tpu.memref_slice %arg8[%add3A_908, %dma_start3A_912] : memref<8x20xi32, #tpu.memory_space<vmem>> -> memref<1x20xi32, #tpu.memory_space<vmem>>
      %dma_start3A_914 = tpu.memref_squeeze %dma_start3A_913 : memref<1x20xi32, #tpu.memory_space<vmem>> -> memref<20xi32, #tpu.memory_space<vmem>>
      %dma_start3A_915 = arith.constant 0 : i32
      %dma_start3A_916 = arith.constant 0 : i32
      %dma_start3A_917 = tpu.memref_slice %arg5[%dma_start3A_915, %dma_start3A_916] : memref<100000x128xf32, #tpu.memory_space<hbm>> -> memref<100000x128xf32, #tpu.memory_space<hbm>>
      tpu.enqueue_indirect_dma source(%dma_start3A_917 : memref<100000x128xf32, #tpu.memory_space<hbm>>) target(%dma_start3A_911 : memref<20x128xf32, #tpu.memory_space<vmem>>) offsets(%dma_start3A_914 : memref<20xi32, #tpu.memory_space<vmem>>) semaphore(%arg14 : memref<!tpu.dma_semaphore, #tpu.memory_space<semaphore_mem>>)
      %add3A_918 = arith.constant 2 : i32
      %add3A_919 = arith.addi %add3A_523, %add3A_918 : i32
      %min3A_920 = arith.minsi %add3A_919, %scan3A_377 : i32
      %mul3A_921 = arith.constant 4 : i32
      %mul3A_922 = arith.muli %min3A_920, %mul3A_921 : i32
      %add3A_923 = arith.addi %mul3A_2, %mul3A_922 : i32
      %mul3A_924 = arith.constant 4 : i32
      %mul3A_925 = arith.muli %sub3A_525, %mul3A_924 : i32
      %dma_start3A_926 = arith.constant 0 : i32
      %dma_start3A_927 = tpu.memref_slice %arg16[%mul3A_925, %dma_start3A_926] : memref<8x50xi32, #tpu.memory_space<vmem>> -> memref<4x50xi32, #tpu.memory_space<vmem>>
      %dma_start3A_928 = arith.constant 0 : i32
      %dma_start3A_929 = tpu.memref_slice %arg2[%add3A_923, %dma_start3A_928] : memref<16384x50xi32, #tpu.memory_space<hbm>> -> memref<4x50xi32, #tpu.memory_space<hbm>>
      %dma_start3A_930 = arith.constant 0 : i32
      %dma_start3A_931 = tpu.memref_slice %arg16[%mul3A_925, %dma_start3A_930] : memref<8x50xi32, #tpu.memory_space<vmem>> -> memref<4x50xi32, #tpu.memory_space<vmem>>
      %dma_start3A_932 = arith.constant 0 : i32
      %dma_start3A_933 = tpu.memref_slice %arg2[%add3A_923, %dma_start3A_932] : memref<16384x50xi32, #tpu.memory_space<hbm>> -> memref<4x50xi32, #tpu.memory_space<hbm>>
      tpu.enqueue_dma source(%dma_start3A_933 : memref<4x50xi32, #tpu.memory_space<hbm>>) target(%dma_start3A_931 : memref<4x50xi32, #tpu.memory_space<vmem>>) target_semaphore(%arg24 : memref<!tpu.dma_semaphore, #tpu.memory_space<semaphore_mem>>)
      %mul3A_934 = arith.constant 4 : i32
      %mul3A_935 = arith.muli %sub3A_525, %mul3A_934 : i32
      %dma_start3A_936 = arith.constant 0 : i32
      %dma_start3A_937 = tpu.memref_slice %arg17[%mul3A_935, %dma_start3A_936] : memref<8x20xi32, #tpu.memory_space<vmem>> -> memref<4x20xi32, #tpu.memory_space<vmem>>
      %dma_start3A_938 = arith.constant 0 : i32
      %dma_start3A_939 = tpu.memref_slice %arg3[%add3A_923, %dma_start3A_938] : memref<16384x20xi32, #tpu.memory_space<hbm>> -> memref<4x20xi32, #tpu.memory_space<hbm>>
      %dma_start3A_940 = arith.constant 0 : i32
      %dma_start3A_941 = tpu.memref_slice %arg17[%mul3A_935, %dma_start3A_940] : memref<8x20xi32, #tpu.memory_space<vmem>> -> memref<4x20xi32, #tpu.memory_space<vmem>>
      %dma_start3A_942 = arith.constant 0 : i32
      %dma_start3A_943 = tpu.memref_slice %arg3[%add3A_923, %dma_start3A_942] : memref<16384x20xi32, #tpu.memory_space<hbm>> -> memref<4x20xi32, #tpu.memory_space<hbm>>
      tpu.enqueue_dma source(%dma_start3A_943 : memref<4x20xi32, #tpu.memory_space<hbm>>) target(%dma_start3A_941 : memref<4x20xi32, #tpu.memory_space<vmem>>) target_semaphore(%arg24 : memref<!tpu.dma_semaphore, #tpu.memory_space<semaphore_mem>>)
      %mul3A_944 = arith.constant 4 : i32
      %mul3A_945 = arith.muli %and3A_524, %mul3A_944 : i32
      %add3A_946 = arith.constant 0 : i32
      %add3A_947 = arith.addi %mul3A_945, %add3A_946 : i32
      %dma_wait3A_948 = arith.constant 0 : i32
      %dma_wait3A_949 = arith.constant 0 : i32
      %dma_wait3A_950 = tpu.memref_slice %arg18[%dma_wait3A_948, %dma_wait3A_949] : memref<200x128xf32, #tpu.memory_space<vmem>> -> memref<50x128xf32, #tpu.memory_space<vmem>>
      %dma_wait3A_951 = arith.constant 0 : i32
      %dma_wait3A_952 = tpu.memref_slice %arg16[%add3A_947, %dma_wait3A_951] : memref<8x50xi32, #tpu.memory_space<vmem>> -> memref<1x50xi32, #tpu.memory_space<vmem>>
      %dma_wait3A_953 = tpu.memref_squeeze %dma_wait3A_952 : memref<1x50xi32, #tpu.memory_space<vmem>> -> memref<50xi32, #tpu.memory_space<vmem>>
      %dma_wait3A_954 = arith.constant 0 : i32
      %dma_wait3A_955 = arith.constant 0 : i32
      %dma_wait3A_956 = tpu.memref_slice %arg4[%dma_wait3A_954, %dma_wait3A_955] : memref<100000x128xf32, #tpu.memory_space<hbm>> -> memref<100000x128xf32, #tpu.memory_space<hbm>>
      tpu.wait_indirect_dma semaphore(%arg22 : memref<!tpu.dma_semaphore, #tpu.memory_space<semaphore_mem>>) src(%dma_wait3A_956 : memref<100000x128xf32, #tpu.memory_space<hbm>>) dst(%dma_wait3A_950 : memref<50x128xf32, #tpu.memory_space<vmem>>)
      %mul3A_957 = arith.constant 4 : i32
      %mul3A_958 = arith.muli %and3A_524, %mul3A_957 : i32
      %add3A_959 = arith.constant 0 : i32
      %add3A_960 = arith.addi %mul3A_958, %add3A_959 : i32
      %dma_wait3A_961 = arith.constant 0 : i32
      %dma_wait3A_962 = arith.constant 0 : i32
      %dma_wait3A_963 = tpu.memref_slice %arg19[%dma_wait3A_961, %dma_wait3A_962] : memref<80x128xf32, #tpu.memory_space<vmem>> -> memref<20x128xf32, #tpu.memory_space<vmem>>
      %dma_wait3A_964 = arith.constant 0 : i32
      %dma_wait3A_965 = tpu.memref_slice %arg17[%add3A_960, %dma_wait3A_964] : memref<8x20xi32, #tpu.memory_space<vmem>> -> memref<1x20xi32, #tpu.memory_space<vmem>>
      %dma_wait3A_966 = tpu.memref_squeeze %dma_wait3A_965 : memref<1x20xi32, #tpu.memory_space<vmem>> -> memref<20xi32, #tpu.memory_space<vmem>>
      %dma_wait3A_967 = arith.constant 0 : i32
      %dma_wait3A_968 = arith.constant 0 : i32
      %dma_wait3A_969 = tpu.memref_slice %arg5[%dma_wait3A_967, %dma_wait3A_968] : memref<100000x128xf32, #tpu.memory_space<hbm>> -> memref<100000x128xf32, #tpu.memory_space<hbm>>
      tpu.wait_indirect_dma semaphore(%arg23 : memref<!tpu.dma_semaphore, #tpu.memory_space<semaphore_mem>>) src(%dma_wait3A_969 : memref<100000x128xf32, #tpu.memory_space<hbm>>) dst(%dma_wait3A_963 : memref<20x128xf32, #tpu.memory_space<vmem>>)
      %mul3A_970 = arith.constant 4 : i32
      %mul3A_971 = arith.muli %and3A_524, %mul3A_970 : i32
      %add3A_972 = arith.constant 1 : i32
      %add3A_973 = arith.addi %mul3A_971, %add3A_972 : i32
      %dma_wait3A_974 = arith.constant 50 : i32
      %dma_wait3A_975 = arith.constant 0 : i32
      %dma_wait3A_976 = tpu.memref_slice %arg18[%dma_wait3A_974, %dma_wait3A_975] : memref<200x128xf32, #tpu.memory_space<vmem>> -> memref<50x128xf32, #tpu.memory_space<vmem>>
      %dma_wait3A_977 = arith.constant 0 : i32
      %dma_wait3A_978 = tpu.memref_slice %arg16[%add3A_973, %dma_wait3A_977] : memref<8x50xi32, #tpu.memory_space<vmem>> -> memref<1x50xi32, #tpu.memory_space<vmem>>
      %dma_wait3A_979 = tpu.memref_squeeze %dma_wait3A_978 : memref<1x50xi32, #tpu.memory_space<vmem>> -> memref<50xi32, #tpu.memory_space<vmem>>
      %dma_wait3A_980 = arith.constant 0 : i32
      %dma_wait3A_981 = arith.constant 0 : i32
      %dma_wait3A_982 = tpu.memref_slice %arg4[%dma_wait3A_980, %dma_wait3A_981] : memref<100000x128xf32, #tpu.memory_space<hbm>> -> memref<100000x128xf32, #tpu.memory_space<hbm>>
      tpu.wait_indirect_dma semaphore(%arg22 : memref<!tpu.dma_semaphore, #tpu.memory_space<semaphore_mem>>) src(%dma_wait3A_982 : memref<100000x128xf32, #tpu.memory_space<hbm>>) dst(%dma_wait3A_976 : memref<50x128xf32, #tpu.memory_space<vmem>>)
      %mul3A_983 = arith.constant 4 : i32
      %mul3A_984 = arith.muli %and3A_524, %mul3A_983 : i32
      %add3A_985 = arith.constant 1 : i32
      %add3A_986 = arith.addi %mul3A_984, %add3A_985 : i32
      %dma_wait3A_987 = arith.constant 20 : i32
      %dma_wait3A_988 = arith.constant 0 : i32
      %dma_wait3A_989 = tpu.memref_slice %arg19[%dma_wait3A_987, %dma_wait3A_988] : memref<80x128xf32, #tpu.memory_space<vmem>> -> memref<20x128xf32, #tpu.memory_space<vmem>>
      %dma_wait3A_990 = arith.constant 0 : i32
      %dma_wait3A_991 = tpu.memref_slice %arg17[%add3A_986, %dma_wait3A_990] : memref<8x20xi32, #tpu.memory_space<vmem>> -> memref<1x20xi32, #tpu.memory_space<vmem>>
      %dma_wait3A_992 = tpu.memref_squeeze %dma_wait3A_991 : memref<1x20xi32, #tpu.memory_space<vmem>> -> memref<20xi32, #tpu.memory_space<vmem>>
      %dma_wait3A_993 = arith.constant 0 : i32
      %dma_wait3A_994 = arith.constant 0 : i32
      %dma_wait3A_995 = tpu.memref_slice %arg5[%dma_wait3A_993, %dma_wait3A_994] : memref<100000x128xf32, #tpu.memory_space<hbm>> -> memref<100000x128xf32, #tpu.memory_space<hbm>>
      tpu.wait_indirect_dma semaphore(%arg23 : memref<!tpu.dma_semaphore, #tpu.memory_space<semaphore_mem>>) src(%dma_wait3A_995 : memref<100000x128xf32, #tpu.memory_space<hbm>>) dst(%dma_wait3A_989 : memref<20x128xf32, #tpu.memory_space<vmem>>)
      %mul3A_996 = arith.constant 4 : i32
      %mul3A_997 = arith.muli %and3A_524, %mul3A_996 : i32
      %add3A_998 = arith.constant 2 : i32
      %add3A_999 = arith.addi %mul3A_997, %add3A_998 : i32
      %dma_wait3A_1000 = arith.constant 100 : i32
      %dma_wait3A_1001 = arith.constant 0 : i32
      %dma_wait3A_1002 = tpu.memref_slice %arg18[%dma_wait3A_1000, %dma_wait3A_1001] : memref<200x128xf32, #tpu.memory_space<vmem>> -> memref<50x128xf32, #tpu.memory_space<vmem>>
      %dma_wait3A_1003 = arith.constant 0 : i32
      %dma_wait3A_1004 = tpu.memref_slice %arg16[%add3A_999, %dma_wait3A_1003] : memref<8x50xi32, #tpu.memory_space<vmem>> -> memref<1x50xi32, #tpu.memory_space<vmem>>
      %dma_wait3A_1005 = tpu.memref_squeeze %dma_wait3A_1004 : memref<1x50xi32, #tpu.memory_space<vmem>> -> memref<50xi32, #tpu.memory_space<vmem>>
      %dma_wait3A_1006 = arith.constant 0 : i32
      %dma_wait3A_1007 = arith.constant 0 : i32
      %dma_wait3A_1008 = tpu.memref_slice %arg4[%dma_wait3A_1006, %dma_wait3A_1007] : memref<100000x128xf32, #tpu.memory_space<hbm>> -> memref<100000x128xf32, #tpu.memory_space<hbm>>
      tpu.wait_indirect_dma semaphore(%arg22 : memref<!tpu.dma_semaphore, #tpu.memory_space<semaphore_mem>>) src(%dma_wait3A_1008 : memref<100000x128xf32, #tpu.memory_space<hbm>>) dst(%dma_wait3A_1002 : memref<50x128xf32, #tpu.memory_space<vmem>>)
      %mul3A_1009 = arith.constant 4 : i32
      %mul3A_1010 = arith.muli %and3A_524, %mul3A_1009 : i32
      %add3A_1011 = arith.constant 2 : i32
      %add3A_1012 = arith.addi %mul3A_1010, %add3A_1011 : i32
      %dma_wait3A_1013 = arith.constant 40 : i32
      %dma_wait3A_1014 = arith.constant 0 : i32
      %dma_wait3A_1015 = tpu.memref_slice %arg19[%dma_wait3A_1013, %dma_wait3A_1014] : memref<80x128xf32, #tpu.memory_space<vmem>> -> memref<20x128xf32, #tpu.memory_space<vmem>>
      %dma_wait3A_1016 = arith.constant 0 : i32
      %dma_wait3A_1017 = tpu.memref_slice %arg17[%add3A_1012, %dma_wait3A_1016] : memref<8x20xi32, #tpu.memory_space<vmem>> -> memref<1x20xi32, #tpu.memory_space<vmem>>
      %dma_wait3A_1018 = tpu.memref_squeeze %dma_wait3A_1017 : memref<1x20xi32, #tpu.memory_space<vmem>> -> memref<20xi32, #tpu.memory_space<vmem>>
      %dma_wait3A_1019 = arith.constant 0 : i32
      %dma_wait3A_1020 = arith.constant 0 : i32
      %dma_wait3A_1021 = tpu.memref_slice %arg5[%dma_wait3A_1019, %dma_wait3A_1020] : memref<100000x128xf32, #tpu.memory_space<hbm>> -> memref<100000x128xf32, #tpu.memory_space<hbm>>
      tpu.wait_indirect_dma semaphore(%arg23 : memref<!tpu.dma_semaphore, #tpu.memory_space<semaphore_mem>>) src(%dma_wait3A_1021 : memref<100000x128xf32, #tpu.memory_space<hbm>>) dst(%dma_wait3A_1015 : memref<20x128xf32, #tpu.memory_space<vmem>>)
      %mul3A_1022 = arith.constant 4 : i32
      %mul3A_1023 = arith.muli %and3A_524, %mul3A_1022 : i32
      %add3A_1024 = arith.constant 3 : i32
      %add3A_1025 = arith.addi %mul3A_1023, %add3A_1024 : i32
      %dma_wait3A_1026 = arith.constant 150 : i32
      %dma_wait3A_1027 = arith.constant 0 : i32
      %dma_wait3A_1028 = tpu.memref_slice %arg18[%dma_wait3A_1026, %dma_wait3A_1027] : memref<200x128xf32, #tpu.memory_space<vmem>> -> memref<50x128xf32, #tpu.memory_space<vmem>>
      %dma_wait3A_1029 = arith.constant 0 : i32
      %dma_wait3A_1030 = tpu.memref_slice %arg16[%add3A_1025, %dma_wait3A_1029] : memref<8x50xi32, #tpu.memory_space<vmem>> -> memref<1x50xi32, #tpu.memory_space<vmem>>
      %dma_wait3A_1031 = tpu.memref_squeeze %dma_wait3A_1030 : memref<1x50xi32, #tpu.memory_space<vmem>> -> memref<50xi32, #tpu.memory_space<vmem>>
      %dma_wait3A_1032 = arith.constant 0 : i32
      %dma_wait3A_1033 = arith.constant 0 : i32
      %dma_wait3A_1034 = tpu.memref_slice %arg4[%dma_wait3A_1032, %dma_wait3A_1033] : memref<100000x128xf32, #tpu.memory_space<hbm>> -> memref<100000x128xf32, #tpu.memory_space<hbm>>
      tpu.wait_indirect_dma semaphore(%arg22 : memref<!tpu.dma_semaphore, #tpu.memory_space<semaphore_mem>>) src(%dma_wait3A_1034 : memref<100000x128xf32, #tpu.memory_space<hbm>>) dst(%dma_wait3A_1028 : memref<50x128xf32, #tpu.memory_space<vmem>>)
      %mul3A_1035 = arith.constant 4 : i32
      %mul3A_1036 = arith.muli %and3A_524, %mul3A_1035 : i32
      %add3A_1037 = arith.constant 3 : i32
      %add3A_1038 = arith.addi %mul3A_1036, %add3A_1037 : i32
      %dma_wait3A_1039 = arith.constant 60 : i32
      %dma_wait3A_1040 = arith.constant 0 : i32
      %dma_wait3A_1041 = tpu.memref_slice %arg19[%dma_wait3A_1039, %dma_wait3A_1040] : memref<80x128xf32, #tpu.memory_space<vmem>> -> memref<20x128xf32, #tpu.memory_space<vmem>>
      %dma_wait3A_1042 = arith.constant 0 : i32
      %dma_wait3A_1043 = tpu.memref_slice %arg17[%add3A_1038, %dma_wait3A_1042] : memref<8x20xi32, #tpu.memory_space<vmem>> -> memref<1x20xi32, #tpu.memory_space<vmem>>
      %dma_wait3A_1044 = tpu.memref_squeeze %dma_wait3A_1043 : memref<1x20xi32, #tpu.memory_space<vmem>> -> memref<20xi32, #tpu.memory_space<vmem>>
      %dma_wait3A_1045 = arith.constant 0 : i32
      %dma_wait3A_1046 = arith.constant 0 : i32
      %dma_wait3A_1047 = tpu.memref_slice %arg5[%dma_wait3A_1045, %dma_wait3A_1046] : memref<100000x128xf32, #tpu.memory_space<hbm>> -> memref<100000x128xf32, #tpu.memory_space<hbm>>
      tpu.wait_indirect_dma semaphore(%arg23 : memref<!tpu.dma_semaphore, #tpu.memory_space<semaphore_mem>>) src(%dma_wait3A_1047 : memref<100000x128xf32, #tpu.memory_space<hbm>>) dst(%dma_wait3A_1041 : memref<20x128xf32, #tpu.memory_space<vmem>>)
      %scan3A_1048 = arith.constant 0 : i32
      %scan3A_1049 = arith.constant 0 : i32
      %scan3A_1050 = arith.constant 4 : i32
      %scan3A_1051 = arith.addi %scan3A_1049, %scan3A_1050 : i32
      %scan3A_1052 = arith.constant 1 : i32
      scf.for %scan3A_1063 = %scan3A_1049 to %scan3A_1051 step %scan3A_1052  : i32 {
        %mul3A_1064 = arith.constant 4 : i32
        %mul3A_1065 = arith.muli %and3A_524, %mul3A_1064 : i32
        %add3A_1066 = arith.addi %mul3A_1065, %scan3A_1063 : i32
        %broadcast_in_dim3A_1067 = vector.broadcast %add3A_1066 : i32 to vector<16xi32>
        %broadcast_in_dim3A_1068 = vector.broadcast %scan3A_1063 : i32 to vector<16xi32>
        %broadcast_in_dim3A_1069 = arith.constant 0.000000e+00 : f32
        %broadcast_in_dim3A_1070 = vector.broadcast %broadcast_in_dim3A_1069 : f32 to vector<16xf32>
        %add3A_1071 = arith.constant 0 : i32
        %add3A_1072 = vector.broadcast %add3A_1071 : i32 to vector<16xi32>
        %add3A_1073 = arith.addi %iota3A, %add3A_1072 : vector<16xi32>
        %gather3A = tpu.vector_load_idx %arg16[%broadcast_in_dim3A_1067, %add3A_1073] : memref<8x50xi32, #tpu.memory_space<vmem>>[vector<16xi32>, vector<16xi32>], vector<16xi32>,
        %eq3A = arith.constant 0 : i32
        %eq3A_1074 = vector.broadcast %eq3A : i32 to vector<16xi32>
        %eq3A_1075 = arith.cmpi eq, %gather3A, %eq3A_1074 : vector<16xi32>
        %jit3A = arith.constant 1.000000e+00 : f32
        %jit3A_1076 = arith.constant 0.000000e+00 : f32
        %broadcast_in_dim3A_1077 = vector.broadcast %jit3A : f32 to vector<16xf32>
        %broadcast_in_dim3A_1078 = vector.broadcast %jit3A_1076 : f32 to vector<16xf32>
        %select_n3A = arith.select %eq3A_1075, %broadcast_in_dim3A_1077, %broadcast_in_dim3A_1078 : vector<16xi1>, vector<16xf32>
        %add3A_1079 = arith.addf %broadcast_in_dim3A_1070, %select_n3A : vector<16xf32>
        %add3A_1080 = arith.constant 16 : i32
        %add3A_1081 = vector.broadcast %add3A_1080 : i32 to vector<16xi32>
        %add3A_1082 = arith.addi %iota3A, %add3A_1081 : vector<16xi32>
        %gather3A_1083 = tpu.vector_load_idx %arg16[%broadcast_in_dim3A_1067, %add3A_1082] : memref<8x50xi32, #tpu.memory_space<vmem>>[vector<16xi32>, vector<16xi32>], vector<16xi32>,
        %eq3A_1084 = arith.constant 0 : i32
        %eq3A_1085 = vector.broadcast %eq3A_1084 : i32 to vector<16xi32>
        %eq3A_1086 = arith.cmpi eq, %gather3A_1083, %eq3A_1085 : vector<16xi32>
        %jit3A_1087 = arith.constant 1.000000e+00 : f32
        %jit3A_1088 = arith.constant 0.000000e+00 : f32
        %broadcast_in_dim3A_1089 = vector.broadcast %jit3A_1087 : f32 to vector<16xf32>
        %broadcast_in_dim3A_1090 = vector.broadcast %jit3A_1088 : f32 to vector<16xf32>
        %select_n3A_1091 = arith.select %eq3A_1086, %broadcast_in_dim3A_1089, %broadcast_in_dim3A_1090 : vector<16xi1>, vector<16xf32>
        %add3A_1092 = arith.addf %add3A_1079, %select_n3A_1091 : vector<16xf32>
        %add3A_1093 = arith.constant 32 : i32
        %add3A_1094 = vector.broadcast %add3A_1093 : i32 to vector<16xi32>
        %add3A_1095 = arith.addi %iota3A, %add3A_1094 : vector<16xi32>
        %gather3A_1096 = tpu.vector_load_idx %arg16[%broadcast_in_dim3A_1067, %add3A_1095] : memref<8x50xi32, #tpu.memory_space<vmem>>[vector<16xi32>, vector<16xi32>], vector<16xi32>,
        %eq3A_1097 = arith.constant 0 : i32
        %eq3A_1098 = vector.broadcast %eq3A_1097 : i32 to vector<16xi32>
        %eq3A_1099 = arith.cmpi eq, %gather3A_1096, %eq3A_1098 : vector<16xi32>
        %jit3A_1100 = arith.constant 1.000000e+00 : f32
        %jit3A_1101 = arith.constant 0.000000e+00 : f32
        %broadcast_in_dim3A_1102 = vector.broadcast %jit3A_1100 : f32 to vector<16xf32>
        %broadcast_in_dim3A_1103 = vector.broadcast %jit3A_1101 : f32 to vector<16xf32>
        %select_n3A_1104 = arith.select %eq3A_1099, %broadcast_in_dim3A_1102, %broadcast_in_dim3A_1103 : vector<16xi1>, vector<16xf32>
        %add3A_1105 = arith.addf %add3A_1092, %select_n3A_1104 : vector<16xf32>
        %add3A_1106 = arith.constant 34 : i32
        %add3A_1107 = vector.broadcast %add3A_1106 : i32 to vector<16xi32>
        %add3A_1108 = arith.addi %iota3A, %add3A_1107 : vector<16xi32>
        %gather3A_1109 = tpu.vector_load_idx %arg16[%broadcast_in_dim3A_1067, %add3A_1108] : memref<8x50xi32, #tpu.memory_space<vmem>>[vector<16xi32>, vector<16xi32>], vector<16xi32>,
        %eq3A_1110 = arith.constant 0 : i32
        %eq3A_1111 = vector.broadcast %eq3A_1110 : i32 to vector<16xi32>
        %eq3A_1112 = arith.cmpi eq, %gather3A_1109, %eq3A_1111 : vector<16xi32>
        %ge3A = arith.constant 14 : i32
        %ge3A_1113 = vector.broadcast %ge3A : i32 to vector<16xi32>
        %ge3A_1114 = arith.cmpi sge, %iota3A, %ge3A_1113 : vector<16xi32>
        %and3A_1115 = arith.andi %eq3A_1112, %ge3A_1114 : vector<16xi1>
        %jit3A_1116 = arith.constant 1.000000e+00 : f32
        %jit3A_1117 = arith.constant 0.000000e+00 : f32
        %broadcast_in_dim3A_1118 = vector.broadcast %jit3A_1116 : f32 to vector<16xf32>
        %broadcast_in_dim3A_1119 = vector.broadcast %jit3A_1117 : f32 to vector<16xf32>
        %select_n3A_1120 = arith.select %and3A_1115, %broadcast_in_dim3A_1118, %broadcast_in_dim3A_1119 : vector<16xi1>, vector<16xf32>
        %add3A_1121 = arith.addf %add3A_1105, %select_n3A_1120 : vector<16xf32>
        %xor3A = arith.constant 8 : i32
        %xor3A_1122 = vector.broadcast %xor3A : i32 to vector<16xi32>
        %xor3A_1123 = arith.xori %iota3A, %xor3A_1122 : vector<16xi32>
        %broadcast_in_dim3A_1124 = vector.shape_cast %xor3A_1123 : vector<16xi32> to vector<16x1xi32>
        %gather3A_1125 = vector.shape_cast %broadcast_in_dim3A_1124 : vector<16x1xi32> to vector<16xi32>
        %gather3A_1126 = tpu.dynamic_gather %add3A_1121[%gather3A_1125] in [0] : vector<16xf32>, vector<16xi32> -> vector<16xf32>
        %add3A_1127 = arith.addf %add3A_1121, %gather3A_1126 : vector<16xf32>
        %xor3A_1128 = arith.constant 4 : i32
        %xor3A_1129 = vector.broadcast %xor3A_1128 : i32 to vector<16xi32>
        %xor3A_1130 = arith.xori %iota3A, %xor3A_1129 : vector<16xi32>
        %broadcast_in_dim3A_1131 = vector.shape_cast %xor3A_1130 : vector<16xi32> to vector<16x1xi32>
        %gather3A_1132 = vector.shape_cast %broadcast_in_dim3A_1131 : vector<16x1xi32> to vector<16xi32>
        %gather3A_1133 = tpu.dynamic_gather %add3A_1127[%gather3A_1132] in [0] : vector<16xf32>, vector<16xi32> -> vector<16xf32>
        %add3A_1134 = arith.addf %add3A_1127, %gather3A_1133 : vector<16xf32>
        %xor3A_1135 = arith.constant 2 : i32
        %xor3A_1136 = vector.broadcast %xor3A_1135 : i32 to vector<16xi32>
        %xor3A_1137 = arith.xori %iota3A, %xor3A_1136 : vector<16xi32>
        %broadcast_in_dim3A_1138 = vector.shape_cast %xor3A_1137 : vector<16xi32> to vector<16x1xi32>
        %gather3A_1139 = vector.shape_cast %broadcast_in_dim3A_1138 : vector<16x1xi32> to vector<16xi32>
        %gather3A_1140 = tpu.dynamic_gather %add3A_1134[%gather3A_1139] in [0] : vector<16xf32>, vector<16xi32> -> vector<16xf32>
        %add3A_1141 = arith.addf %add3A_1134, %gather3A_1140 : vector<16xf32>
        %xor3A_1142 = arith.constant 1 : i32
        %xor3A_1143 = vector.broadcast %xor3A_1142 : i32 to vector<16xi32>
        %xor3A_1144 = arith.xori %iota3A, %xor3A_1143 : vector<16xi32>
        %broadcast_in_dim3A_1145 = vector.shape_cast %xor3A_1144 : vector<16xi32> to vector<16x1xi32>
        %gather3A_1146 = vector.shape_cast %broadcast_in_dim3A_1145 : vector<16x1xi32> to vector<16xi32>
        %gather3A_1147 = tpu.dynamic_gather %add3A_1141[%gather3A_1146] in [0] : vector<16xf32>, vector<16xi32> -> vector<16xf32>
        %add3A_1148 = arith.addf %add3A_1141, %gather3A_1147 : vector<16xf32>
        %broadcast_in_dim3A_1149 = arith.constant 0.000000e+00 : f32
        %broadcast_in_dim3A_1150 = vector.broadcast %broadcast_in_dim3A_1149 : f32 to vector<16xf32>
        %broadcast_in_dim3A_1151 = arith.constant 0.000000e+00 : f32
        %broadcast_in_dim3A_1152 = vector.broadcast %broadcast_in_dim3A_1151 : f32 to vector<16xf32>
        %broadcast_in_dim3A_1153 = arith.constant 0.000000e+00 : f32
        %broadcast_in_dim3A_1154 = vector.broadcast %broadcast_in_dim3A_1153 : f32 to vector<16xf32>
        %broadcast_in_dim3A_1155 = arith.constant 0.000000e+00 : f32
        %broadcast_in_dim3A_1156 = vector.broadcast %broadcast_in_dim3A_1155 : f32 to vector<16xf32>
        %broadcast_in_dim3A_1157 = arith.constant 0.000000e+00 : f32
        %broadcast_in_dim3A_1158 = vector.broadcast %broadcast_in_dim3A_1157 : f32 to vector<16xf32>
        %broadcast_in_dim3A_1159 = arith.constant 0.000000e+00 : f32
        %broadcast_in_dim3A_1160 = vector.broadcast %broadcast_in_dim3A_1159 : f32 to vector<16xf32>
        %broadcast_in_dim3A_1161 = arith.constant 0.000000e+00 : f32
        %broadcast_in_dim3A_1162 = vector.broadcast %broadcast_in_dim3A_1161 : f32 to vector<16xf32>
        %broadcast_in_dim3A_1163 = arith.constant 0.000000e+00 : f32
        %broadcast_in_dim3A_1164 = vector.broadcast %broadcast_in_dim3A_1163 : f32 to vector<16xf32>
        %scan3A_1165 = arith.constant 0 : i32
        %scan3A_1166 = arith.constant 25 : i32
        %scan3A_1167 = arith.addi %scan3A_1165, %scan3A_1166 : i32
        %scan3A_1168 = arith.constant 1 : i32
        %scan3A_1169:8 = scf.for %scan3A_1266 = %scan3A_1165 to %scan3A_1167 step %scan3A_1168 iter_args(%scan3A_1267 = %broadcast_in_dim3A_1150, %scan3A_1268 = %broadcast_in_dim3A_1152, %scan3A_1269 = %broadcast_in_dim3A_1154, %scan3A_1270 = %broadcast_in_dim3A_1156, %scan3A_1271 = %broadcast_in_dim3A_1158, %scan3A_1272 = %broadcast_in_dim3A_1160, %scan3A_1273 = %broadcast_in_dim3A_1162, %scan3A_1274 = %broadcast_in_dim3A_1164) -> (vector<16xf32>, vector<16xf32>, vector<16xf32>, vector<16xf32>, vector<16xf32>, vector<16xf32>, vector<16xf32>, vector<16xf32>)  : i32 {
          %mul3A_1275 = arith.constant 50 : i32
          %mul3A_1276 = arith.muli %scan3A_1063, %mul3A_1275 : i32
          %mul3A_1277 = arith.constant 2 : i32
          %mul3A_1278 = arith.muli %mul3A_1277, %scan3A_1266 : i32
          %add3A_1279 = arith.addi %mul3A_1276, %mul3A_1278 : i32
          %broadcast_in_dim3A_1280 = vector.broadcast %add3A_1279 : i32 to vector<16xi32>
          %add3A_1281 = arith.constant 1 : i32
          %add3A_1282 = vector.broadcast %add3A_1281 : i32 to vector<16xi32>
          %add3A_1283 = arith.addi %broadcast_in_dim3A_1280, %add3A_1282 : vector<16xi32>
          %add3A_1284 = arith.constant 0 : i32
          %add3A_1285 = vector.broadcast %add3A_1284 : i32 to vector<16xi32>
          %add3A_1286 = arith.addi %iota3A, %add3A_1285 : vector<16xi32>
          %gather3A_1287 = tpu.vector_load_idx %arg18[%broadcast_in_dim3A_1280, %add3A_1286] : memref<200x128xf32, #tpu.memory_space<vmem>>[vector<16xi32>, vector<16xi32>], vector<16xf32>,
          %add3A_1288 = arith.addf %scan3A_1267, %gather3A_1287 : vector<16xf32>
          %add3A_1289 = arith.constant 0 : i32
          %add3A_1290 = vector.broadcast %add3A_1289 : i32 to vector<16xi32>
          %add3A_1291 = arith.addi %iota3A, %add3A_1290 : vector<16xi32>
          %gather3A_1292 = tpu.vector_load_idx %arg18[%add3A_1283, %add3A_1291] : memref<200x128xf32, #tpu.memory_space<vmem>>[vector<16xi32>, vector<16xi32>], vector<16xf32>,
          %add3A_1293 = arith.addf %add3A_1288, %gather3A_1292 : vector<16xf32>
          %add3A_1294 = arith.constant 16 : i32
          %add3A_1295 = vector.broadcast %add3A_1294 : i32 to vector<16xi32>
          %add3A_1296 = arith.addi %iota3A, %add3A_1295 : vector<16xi32>
          %gather3A_1297 = tpu.vector_load_idx %arg18[%broadcast_in_dim3A_1280, %add3A_1296] : memref<200x128xf32, #tpu.memory_space<vmem>>[vector<16xi32>, vector<16xi32>], vector<16xf32>,
          %add3A_1298 = arith.addf %scan3A_1268, %gather3A_1297 : vector<16xf32>
          %add3A_1299 = arith.constant 16 : i32
          %add3A_1300 = vector.broadcast %add3A_1299 : i32 to vector<16xi32>
          %add3A_1301 = arith.addi %iota3A, %add3A_1300 : vector<16xi32>
          %gather3A_1302 = tpu.vector_load_idx %arg18[%add3A_1283, %add3A_1301] : memref<200x128xf32, #tpu.memory_space<vmem>>[vector<16xi32>, vector<16xi32>], vector<16xf32>,
          %add3A_1303 = arith.addf %add3A_1298, %gather3A_1302 : vector<16xf32>
          %add3A_1304 = arith.constant 32 : i32
          %add3A_1305 = vector.broadcast %add3A_1304 : i32 to vector<16xi32>
          %add3A_1306 = arith.addi %iota3A, %add3A_1305 : vector<16xi32>
          %gather3A_1307 = tpu.vector_load_idx %arg18[%broadcast_in_dim3A_1280, %add3A_1306] : memref<200x128xf32, #tpu.memory_space<vmem>>[vector<16xi32>, vector<16xi32>], vector<16xf32>,
          %add3A_1308 = arith.addf %scan3A_1269, %gather3A_1307 : vector<16xf32>
          %add3A_1309 = arith.constant 32 : i32
          %add3A_1310 = vector.broadcast %add3A_1309 : i32 to vector<16xi32>
          %add3A_1311 = arith.addi %iota3A, %add3A_1310 : vector<16xi32>
          %gather3A_1312 = tpu.vector_load_idx %arg18[%add3A_1283, %add3A_1311] : memref<200x128xf32, #tpu.memory_space<vmem>>[vector<16xi32>, vector<16xi32>], vector<16xf32>,
          %add3A_1313 = arith.addf %add3A_1308, %gather3A_1312 : vector<16xf32>
          %add3A_1314 = arith.constant 48 : i32
          %add3A_1315 = vector.broadcast %add3A_1314 : i32 to vector<16xi32>
          %add3A_1316 = arith.addi %iota3A, %add3A_1315 : vector<16xi32>
          %gather3A_1317 = tpu.vector_load_idx %arg18[%broadcast_in_dim3A_1280, %add3A_1316] : memref<200x128xf32, #tpu.memory_space<vmem>>[vector<16xi32>, vector<16xi32>], vector<16xf32>,
          %add3A_1318 = arith.addf %scan3A_1270, %gather3A_1317 : vector<16xf32>
          %add3A_1319 = arith.constant 48 : i32
          %add3A_1320 = vector.broadcast %add3A_1319 : i32 to vector<16xi32>
          %add3A_1321 = arith.addi %iota3A, %add3A_1320 : vector<16xi32>
          %gather3A_1322 = tpu.vector_load_idx %arg18[%add3A_1283, %add3A_1321] : memref<200x128xf32, #tpu.memory_space<vmem>>[vector<16xi32>, vector<16xi32>], vector<16xf32>,
          %add3A_1323 = arith.addf %add3A_1318, %gather3A_1322 : vector<16xf32>
          %add3A_1324 = arith.constant 64 : i32
          %add3A_1325 = vector.broadcast %add3A_1324 : i32 to vector<16xi32>
          %add3A_1326 = arith.addi %iota3A, %add3A_1325 : vector<16xi32>
          %gather3A_1327 = tpu.vector_load_idx %arg18[%broadcast_in_dim3A_1280, %add3A_1326] : memref<200x128xf32, #tpu.memory_space<vmem>>[vector<16xi32>, vector<16xi32>], vector<16xf32>,
          %add3A_1328 = arith.addf %scan3A_1271, %gather3A_1327 : vector<16xf32>
          %add3A_1329 = arith.constant 64 : i32
          %add3A_1330 = vector.broadcast %add3A_1329 : i32 to vector<16xi32>
          %add3A_1331 = arith.addi %iota3A, %add3A_1330 : vector<16xi32>
          %gather3A_1332 = tpu.vector_load_idx %arg18[%add3A_1283, %add3A_1331] : memref<200x128xf32, #tpu.memory_space<vmem>>[vector<16xi32>, vector<16xi32>], vector<16xf32>,
          %add3A_1333 = arith.addf %add3A_1328, %gather3A_1332 : vector<16xf32>
          %add3A_1334 = arith.constant 80 : i32
          %add3A_1335 = vector.broadcast %add3A_1334 : i32 to vector<16xi32>
          %add3A_1336 = arith.addi %iota3A, %add3A_1335 : vector<16xi32>
          %gather3A_1337 = tpu.vector_load_idx %arg18[%broadcast_in_dim3A_1280, %add3A_1336] : memref<200x128xf32, #tpu.memory_space<vmem>>[vector<16xi32>, vector<16xi32>], vector<16xf32>,
          %add3A_1338 = arith.addf %scan3A_1272, %gather3A_1337 : vector<16xf32>
          %add3A_1339 = arith.constant 80 : i32
          %add3A_1340 = vector.broadcast %add3A_1339 : i32 to vector<16xi32>
          %add3A_1341 = arith.addi %iota3A, %add3A_1340 : vector<16xi32>
          %gather3A_1342 = tpu.vector_load_idx %arg18[%add3A_1283, %add3A_1341] : memref<200x128xf32, #tpu.memory_space<vmem>>[vector<16xi32>, vector<16xi32>], vector<16xf32>,
          %add3A_1343 = arith.addf %add3A_1338, %gather3A_1342 : vector<16xf32>
          %add3A_1344 = arith.constant 96 : i32
          %add3A_1345 = vector.broadcast %add3A_1344 : i32 to vector<16xi32>
          %add3A_1346 = arith.addi %iota3A, %add3A_1345 : vector<16xi32>
          %gather3A_1347 = tpu.vector_load_idx %arg18[%broadcast_in_dim3A_1280, %add3A_1346] : memref<200x128xf32, #tpu.memory_space<vmem>>[vector<16xi32>, vector<16xi32>], vector<16xf32>,
          %add3A_1348 = arith.addf %scan3A_1273, %gather3A_1347 : vector<16xf32>
          %add3A_1349 = arith.constant 96 : i32
          %add3A_1350 = vector.broadcast %add3A_1349 : i32 to vector<16xi32>
          %add3A_1351 = arith.addi %iota3A, %add3A_1350 : vector<16xi32>
          %gather3A_1352 = tpu.vector_load_idx %arg18[%add3A_1283, %add3A_1351] : memref<200x128xf32, #tpu.memory_space<vmem>>[vector<16xi32>, vector<16xi32>], vector<16xf32>,
          %add3A_1353 = arith.addf %add3A_1348, %gather3A_1352 : vector<16xf32>
          %add3A_1354 = arith.constant 112 : i32
          %add3A_1355 = vector.broadcast %add3A_1354 : i32 to vector<16xi32>
          %add3A_1356 = arith.addi %iota3A, %add3A_1355 : vector<16xi32>
          %gather3A_1357 = tpu.vector_load_idx %arg18[%broadcast_in_dim3A_1280, %add3A_1356] : memref<200x128xf32, #tpu.memory_space<vmem>>[vector<16xi32>, vector<16xi32>], vector<16xf32>,
          %add3A_1358 = arith.addf %scan3A_1274, %gather3A_1357 : vector<16xf32>
          %add3A_1359 = arith.constant 112 : i32
          %add3A_1360 = vector.broadcast %add3A_1359 : i32 to vector<16xi32>
          %add3A_1361 = arith.addi %iota3A, %add3A_1360 : vector<16xi32>
          %gather3A_1362 = tpu.vector_load_idx %arg18[%add3A_1283, %add3A_1361] : memref<200x128xf32, #tpu.memory_space<vmem>>[vector<16xi32>, vector<16xi32>], vector<16xf32>,
          %add3A_1363 = arith.addf %add3A_1358, %gather3A_1362 : vector<16xf32>
          scf.yield %add3A_1293, %add3A_1303, %add3A_1313, %add3A_1323, %add3A_1333, %add3A_1343, %add3A_1353, %add3A_1363 : vector<16xf32>, vector<16xf32>, vector<16xf32>, vector<16xf32>, vector<16xf32>, vector<16xf32>, vector<16xf32>, vector<16xf32>
        }
        %scan3A_1170 = arith.constant 25 : i32
        %get3A = arith.constant 0 : i32
        %get3A_1171 = arith.index_cast %get3A : i32 to index
        %get3A_1172 = arith.constant 0 : index
        %get3A_1173 = tpu.vector_load %arg25[%get3A_1171, %get3A_1172] {strides = array<i32>} : memref<1x128xf32, #tpu.memory_space<vmem>>, vector<16xf32>,
        %add3A_1174 = arith.constant 0 : i32
        %add3A_1175 = vector.broadcast %add3A_1174 : i32 to vector<16xi32>
        %add3A_1176 = arith.addi %iota3A, %add3A_1175 : vector<16xi32>
        %mul3A_1177 = arith.mulf %add3A_1148, %get3A_1173 : vector<16xf32>
        %sub3A_1178 = arith.subf %scan3A_1169#0, %mul3A_1177 : vector<16xf32>
        %mul3A_1179 = arith.constant 2.000000e-02 : f32
        %mul3A_1180 = vector.broadcast %mul3A_1179 : f32 to vector<16xf32>
        %mul3A_1181 = arith.mulf %sub3A_1178, %mul3A_1180 : vector<16xf32>
        tpu.vector_store_idx %arg20[%broadcast_in_dim3A_1068, %add3A_1176], %mul3A_1181 : memref<4x128xf32, #tpu.memory_space<vmem>>[vector<16xi32>, vector<16xi32>], vector<16xf32>,
        %get3A_1182 = arith.constant 0 : i32
        %get3A_1183 = arith.index_cast %get3A_1182 : i32 to index
        %get3A_1184 = arith.constant 16 : index
        %get3A_1185 = tpu.vector_load %arg25[%get3A_1183, %get3A_1184] {strides = array<i32>} : memref<1x128xf32, #tpu.memory_space<vmem>>, vector<16xf32>,
        %add3A_1186 = arith.constant 16 : i32
        %add3A_1187 = vector.broadcast %add3A_1186 : i32 to vector<16xi32>
        %add3A_1188 = arith.addi %iota3A, %add3A_1187 : vector<16xi32>
        %mul3A_1189 = arith.mulf %add3A_1148, %get3A_1185 : vector<16xf32>
        %sub3A_1190 = arith.subf %scan3A_1169#1, %mul3A_1189 : vector<16xf32>
        %mul3A_1191 = arith.constant 2.000000e-02 : f32
        %mul3A_1192 = vector.broadcast %mul3A_1191 : f32 to vector<16xf32>
        %mul3A_1193 = arith.mulf %sub3A_1190, %mul3A_1192 : vector<16xf32>
        tpu.vector_store_idx %arg20[%broadcast_in_dim3A_1068, %add3A_1188], %mul3A_1193 : memref<4x128xf32, #tpu.memory_space<vmem>>[vector<16xi32>, vector<16xi32>], vector<16xf32>,
        %get3A_1194 = arith.constant 0 : i32
        %get3A_1195 = arith.index_cast %get3A_1194 : i32 to index
        %get3A_1196 = arith.constant 32 : index
        %get3A_1197 = tpu.vector_load %arg25[%get3A_1195, %get3A_1196] {strides = array<i32>} : memref<1x128xf32, #tpu.memory_space<vmem>>, vector<16xf32>,
        %add3A_1198 = arith.constant 32 : i32
        %add3A_1199 = vector.broadcast %add3A_1198 : i32 to vector<16xi32>
        %add3A_1200 = arith.addi %iota3A, %add3A_1199 : vector<16xi32>
        %mul3A_1201 = arith.mulf %add3A_1148, %get3A_1197 : vector<16xf32>
        %sub3A_1202 = arith.subf %scan3A_1169#2, %mul3A_1201 : vector<16xf32>
        %mul3A_1203 = arith.constant 2.000000e-02 : f32
        %mul3A_1204 = vector.broadcast %mul3A_1203 : f32 to vector<16xf32>
        %mul3A_1205 = arith.mulf %sub3A_1202, %mul3A_1204 : vector<16xf32>
        tpu.vector_store_idx %arg20[%broadcast_in_dim3A_1068, %add3A_1200], %mul3A_1205 : memref<4x128xf32, #tpu.memory_space<vmem>>[vector<16xi32>, vector<16xi32>], vector<16xf32>,
        %get3A_1206 = arith.constant 0 : i32
        %get3A_1207 = arith.index_cast %get3A_1206 : i32 to index
        %get3A_1208 = arith.constant 48 : index
        %get3A_1209 = tpu.vector_load %arg25[%get3A_1207, %get3A_1208] {strides = array<i32>} : memref<1x128xf32, #tpu.memory_space<vmem>>, vector<16xf32>,
        %add3A_1210 = arith.constant 48 : i32
        %add3A_1211 = vector.broadcast %add3A_1210 : i32 to vector<16xi32>
        %add3A_1212 = arith.addi %iota3A, %add3A_1211 : vector<16xi32>
        %mul3A_1213 = arith.mulf %add3A_1148, %get3A_1209 : vector<16xf32>
        %sub3A_1214 = arith.subf %scan3A_1169#3, %mul3A_1213 : vector<16xf32>
        %mul3A_1215 = arith.constant 2.000000e-02 : f32
        %mul3A_1216 = vector.broadcast %mul3A_1215 : f32 to vector<16xf32>
        %mul3A_1217 = arith.mulf %sub3A_1214, %mul3A_1216 : vector<16xf32>
        tpu.vector_store_idx %arg20[%broadcast_in_dim3A_1068, %add3A_1212], %mul3A_1217 : memref<4x128xf32, #tpu.memory_space<vmem>>[vector<16xi32>, vector<16xi32>], vector<16xf32>,
        %get3A_1218 = arith.constant 0 : i32
        %get3A_1219 = arith.index_cast %get3A_1218 : i32 to index
        %get3A_1220 = arith.constant 64 : index
        %get3A_1221 = tpu.vector_load %arg25[%get3A_1219, %get3A_1220] {strides = array<i32>} : memref<1x128xf32, #tpu.memory_space<vmem>>, vector<16xf32>,
        %add3A_1222 = arith.constant 64 : i32
        %add3A_1223 = vector.broadcast %add3A_1222 : i32 to vector<16xi32>
        %add3A_1224 = arith.addi %iota3A, %add3A_1223 : vector<16xi32>
        %mul3A_1225 = arith.mulf %add3A_1148, %get3A_1221 : vector<16xf32>
        %sub3A_1226 = arith.subf %scan3A_1169#4, %mul3A_1225 : vector<16xf32>
        %mul3A_1227 = arith.constant 2.000000e-02 : f32
        %mul3A_1228 = vector.broadcast %mul3A_1227 : f32 to vector<16xf32>
        %mul3A_1229 = arith.mulf %sub3A_1226, %mul3A_1228 : vector<16xf32>
        tpu.vector_store_idx %arg20[%broadcast_in_dim3A_1068, %add3A_1224], %mul3A_1229 : memref<4x128xf32, #tpu.memory_space<vmem>>[vector<16xi32>, vector<16xi32>], vector<16xf32>,
        %get3A_1230 = arith.constant 0 : i32
        %get3A_1231 = arith.index_cast %get3A_1230 : i32 to index
        %get3A_1232 = arith.constant 80 : index
        %get3A_1233 = tpu.vector_load %arg25[%get3A_1231, %get3A_1232] {strides = array<i32>} : memref<1x128xf32, #tpu.memory_space<vmem>>, vector<16xf32>,
        %add3A_1234 = arith.constant 80 : i32
        %add3A_1235 = vector.broadcast %add3A_1234 : i32 to vector<16xi32>
        %add3A_1236 = arith.addi %iota3A, %add3A_1235 : vector<16xi32>
        %mul3A_1237 = arith.mulf %add3A_1148, %get3A_1233 : vector<16xf32>
        %sub3A_1238 = arith.subf %scan3A_1169#5, %mul3A_1237 : vector<16xf32>
        %mul3A_1239 = arith.constant 2.000000e-02 : f32
        %mul3A_1240 = vector.broadcast %mul3A_1239 : f32 to vector<16xf32>
        %mul3A_1241 = arith.mulf %sub3A_1238, %mul3A_1240 : vector<16xf32>
        tpu.vector_store_idx %arg20[%broadcast_in_dim3A_1068, %add3A_1236], %mul3A_1241 : memref<4x128xf32, #tpu.memory_space<vmem>>[vector<16xi32>, vector<16xi32>], vector<16xf32>,
        %get3A_1242 = arith.constant 0 : i32
        %get3A_1243 = arith.index_cast %get3A_1242 : i32 to index
        %get3A_1244 = arith.constant 96 : index
        %get3A_1245 = tpu.vector_load %arg25[%get3A_1243, %get3A_1244] {strides = array<i32>} : memref<1x128xf32, #tpu.memory_space<vmem>>, vector<16xf32>,
        %add3A_1246 = arith.constant 96 : i32
        %add3A_1247 = vector.broadcast %add3A_1246 : i32 to vector<16xi32>
        %add3A_1248 = arith.addi %iota3A, %add3A_1247 : vector<16xi32>
        %mul3A_1249 = arith.mulf %add3A_1148, %get3A_1245 : vector<16xf32>
        %sub3A_1250 = arith.subf %scan3A_1169#6, %mul3A_1249 : vector<16xf32>
        %mul3A_1251 = arith.constant 2.000000e-02 : f32
        %mul3A_1252 = vector.broadcast %mul3A_1251 : f32 to vector<16xf32>
        %mul3A_1253 = arith.mulf %sub3A_1250, %mul3A_1252 : vector<16xf32>
        tpu.vector_store_idx %arg20[%broadcast_in_dim3A_1068, %add3A_1248], %mul3A_1253 : memref<4x128xf32, #tpu.memory_space<vmem>>[vector<16xi32>, vector<16xi32>], vector<16xf32>,
        %get3A_1254 = arith.constant 0 : i32
        %get3A_1255 = arith.index_cast %get3A_1254 : i32 to index
        %get3A_1256 = arith.constant 112 : index
        %get3A_1257 = tpu.vector_load %arg25[%get3A_1255, %get3A_1256] {strides = array<i32>} : memref<1x128xf32, #tpu.memory_space<vmem>>, vector<16xf32>,
        %add3A_1258 = arith.constant 112 : i32
        %add3A_1259 = vector.broadcast %add3A_1258 : i32 to vector<16xi32>
        %add3A_1260 = arith.addi %iota3A, %add3A_1259 : vector<16xi32>
        %mul3A_1261 = arith.mulf %add3A_1148, %get3A_1257 : vector<16xf32>
        %sub3A_1262 = arith.subf %scan3A_1169#7, %mul3A_1261 : vector<16xf32>
        %mul3A_1263 = arith.constant 2.000000e-02 : f32
        %mul3A_1264 = vector.broadcast %mul3A_1263 : f32 to vector<16xf32>
        %mul3A_1265 = arith.mulf %sub3A_1262, %mul3A_1264 : vector<16xf32>
        tpu.vector_store_idx %arg20[%broadcast_in_dim3A_1068, %add3A_1260], %mul3A_1265 : memref<4x128xf32, #tpu.memory_space<vmem>>[vector<16xi32>, vector<16xi32>], vector<16xf32>,
      }
      %scan3A_1053 = arith.constant 4 : i32
      %scan3A_1054 = arith.constant 0 : i32
      %scan3A_1055 = arith.constant 0 : i32
      %scan3A_1056 = arith.constant 4 : i32
      %scan3A_1057 = arith.addi %scan3A_1055, %scan3A_1056 : i32
      %scan3A_1058 = arith.constant 1 : i32
      scf.for %scan3A_1063 = %scan3A_1055 to %scan3A_1057 step %scan3A_1058  : i32 {
        %broadcast_in_dim3A_1064 = vector.broadcast %scan3A_1063 : i32 to vector<16xi32>
        %add3A_1065 = arith.constant 0 : i32
        %add3A_1066 = vector.broadcast %add3A_1065 : i32 to vector<16xi32>
        %add3A_1067 = arith.addi %iota3A, %add3A_1066 : vector<16xi32>
        %gather3A = tpu.vector_load_idx %arg20[%broadcast_in_dim3A_1064, %add3A_1067] : memref<4x128xf32, #tpu.memory_space<vmem>>[vector<16xi32>, vector<16xi32>], vector<16xf32>,
        %add3A_1068 = arith.constant 16 : i32
        %add3A_1069 = vector.broadcast %add3A_1068 : i32 to vector<16xi32>
        %add3A_1070 = arith.addi %iota3A, %add3A_1069 : vector<16xi32>
        %gather3A_1071 = tpu.vector_load_idx %arg20[%broadcast_in_dim3A_1064, %add3A_1070] : memref<4x128xf32, #tpu.memory_space<vmem>>[vector<16xi32>, vector<16xi32>], vector<16xf32>,
        %add3A_1072 = arith.constant 32 : i32
        %add3A_1073 = vector.broadcast %add3A_1072 : i32 to vector<16xi32>
        %add3A_1074 = arith.addi %iota3A, %add3A_1073 : vector<16xi32>
        %gather3A_1075 = tpu.vector_load_idx %arg20[%broadcast_in_dim3A_1064, %add3A_1074] : memref<4x128xf32, #tpu.memory_space<vmem>>[vector<16xi32>, vector<16xi32>], vector<16xf32>,
        %add3A_1076 = arith.constant 48 : i32
        %add3A_1077 = vector.broadcast %add3A_1076 : i32 to vector<16xi32>
        %add3A_1078 = arith.addi %iota3A, %add3A_1077 : vector<16xi32>
        %gather3A_1079 = tpu.vector_load_idx %arg20[%broadcast_in_dim3A_1064, %add3A_1078] : memref<4x128xf32, #tpu.memory_space<vmem>>[vector<16xi32>, vector<16xi32>], vector<16xf32>,
        %add3A_1080 = arith.constant 64 : i32
        %add3A_1081 = vector.broadcast %add3A_1080 : i32 to vector<16xi32>
        %add3A_1082 = arith.addi %iota3A, %add3A_1081 : vector<16xi32>
        %gather3A_1083 = tpu.vector_load_idx %arg20[%broadcast_in_dim3A_1064, %add3A_1082] : memref<4x128xf32, #tpu.memory_space<vmem>>[vector<16xi32>, vector<16xi32>], vector<16xf32>,
        %add3A_1084 = arith.constant 80 : i32
        %add3A_1085 = vector.broadcast %add3A_1084 : i32 to vector<16xi32>
        %add3A_1086 = arith.addi %iota3A, %add3A_1085 : vector<16xi32>
        %gather3A_1087 = tpu.vector_load_idx %arg20[%broadcast_in_dim3A_1064, %add3A_1086] : memref<4x128xf32, #tpu.memory_space<vmem>>[vector<16xi32>, vector<16xi32>], vector<16xf32>,
        %add3A_1088 = arith.constant 96 : i32
        %add3A_1089 = vector.broadcast %add3A_1088 : i32 to vector<16xi32>
        %add3A_1090 = arith.addi %iota3A, %add3A_1089 : vector<16xi32>
        %gather3A_1091 = tpu.vector_load_idx %arg20[%broadcast_in_dim3A_1064, %add3A_1090] : memref<4x128xf32, #tpu.memory_space<vmem>>[vector<16xi32>, vector<16xi32>], vector<16xf32>,
        %add3A_1092 = arith.constant 112 : i32
        %add3A_1093 = vector.broadcast %add3A_1092 : i32 to vector<16xi32>
        %add3A_1094 = arith.addi %iota3A, %add3A_1093 : vector<16xi32>
        %gather3A_1095 = tpu.vector_load_idx %arg20[%broadcast_in_dim3A_1064, %add3A_1094] : memref<4x128xf32, #tpu.memory_space<vmem>>[vector<16xi32>, vector<16xi32>], vector<16xf32>,
        %mul3A_1096 = arith.constant 20 : i32
        %mul3A_1097 = arith.muli %scan3A_1063, %mul3A_1096 : i32
        %add3A_1098 = arith.constant 0 : i32
        %add3A_1099 = arith.addi %mul3A_1097, %add3A_1098 : i32
        %broadcast_in_dim3A_1100 = vector.broadcast %add3A_1099 : i32 to vector<16xi32>
        %gather3A_1101 = tpu.vector_load_idx %arg19[%broadcast_in_dim3A_1100, %iota3A] : memref<80x128xf32, #tpu.memory_space<vmem>>[vector<16xi32>, vector<16xi32>], vector<16xf32>,
        %mul3A_1102 = arith.mulf %gather3A_1101, %gather3A : vector<16xf32>
        %add3A_1103 = arith.constant 16 : i32
        %add3A_1104 = vector.broadcast %add3A_1103 : i32 to vector<16xi32>
        %add3A_1105 = arith.addi %iota3A, %add3A_1104 : vector<16xi32>
        %gather3A_1106 = tpu.vector_load_idx %arg19[%broadcast_in_dim3A_1100, %add3A_1105] : memref<80x128xf32, #tpu.memory_space<vmem>>[vector<16xi32>, vector<16xi32>], vector<16xf32>,
        %mul3A_1107 = arith.mulf %gather3A_1106, %gather3A_1071 : vector<16xf32>
        %add3A_1108 = arith.addf %mul3A_1102, %mul3A_1107 : vector<16xf32>
        %add3A_1109 = arith.constant 32 : i32
        %add3A_1110 = vector.broadcast %add3A_1109 : i32 to vector<16xi32>
        %add3A_1111 = arith.addi %iota3A, %add3A_1110 : vector<16xi32>
        %gather3A_1112 = tpu.vector_load_idx %arg19[%broadcast_in_dim3A_1100, %add3A_1111] : memref<80x128xf32, #tpu.memory_space<vmem>>[vector<16xi32>, vector<16xi32>], vector<16xf32>,
        %mul3A_1113 = arith.mulf %gather3A_1112, %gather3A_1075 : vector<16xf32>
        %add3A_1114 = arith.addf %add3A_1108, %mul3A_1113 : vector<16xf32>
        %add3A_1115 = arith.constant 48 : i32
        %add3A_1116 = vector.broadcast %add3A_1115 : i32 to vector<16xi32>
        %add3A_1117 = arith.addi %iota3A, %add3A_1116 : vector<16xi32>
        %gather3A_1118 = tpu.vector_load_idx %arg19[%broadcast_in_dim3A_1100, %add3A_1117] : memref<80x128xf32, #tpu.memory_space<vmem>>[vector<16xi32>, vector<16xi32>], vector<16xf32>,
        %mul3A_1119 = arith.mulf %gather3A_1118, %gather3A_1079 : vector<16xf32>
        %add3A_1120 = arith.addf %add3A_1114, %mul3A_1119 : vector<16xf32>
        %add3A_1121 = arith.constant 64 : i32
        %add3A_1122 = vector.broadcast %add3A_1121 : i32 to vector<16xi32>
        %add3A_1123 = arith.addi %iota3A, %add3A_1122 : vector<16xi32>
        %gather3A_1124 = tpu.vector_load_idx %arg19[%broadcast_in_dim3A_1100, %add3A_1123] : memref<80x128xf32, #tpu.memory_space<vmem>>[vector<16xi32>, vector<16xi32>], vector<16xf32>,
        %mul3A_1125 = arith.mulf %gather3A_1124, %gather3A_1083 : vector<16xf32>
        %add3A_1126 = arith.addf %add3A_1120, %mul3A_1125 : vector<16xf32>
        %add3A_1127 = arith.constant 80 : i32
        %add3A_1128 = vector.broadcast %add3A_1127 : i32 to vector<16xi32>
        %add3A_1129 = arith.addi %iota3A, %add3A_1128 : vector<16xi32>
        %gather3A_1130 = tpu.vector_load_idx %arg19[%broadcast_in_dim3A_1100, %add3A_1129] : memref<80x128xf32, #tpu.memory_space<vmem>>[vector<16xi32>, vector<16xi32>], vector<16xf32>,
        %mul3A_1131 = arith.mulf %gather3A_1130, %gather3A_1087 : vector<16xf32>
        %add3A_1132 = arith.addf %add3A_1126, %mul3A_1131 : vector<16xf32>
        %add3A_1133 = arith.constant 96 : i32
        %add3A_1134 = vector.broadcast %add3A_1133 : i32 to vector<16xi32>
        %add3A_1135 = arith.addi %iota3A, %add3A_1134 : vector<16xi32>
        %gather3A_1136 = tpu.vector_load_idx %arg19[%broadcast_in_dim3A_1100, %add3A_1135] : memref<80x128xf32, #tpu.memory_space<vmem>>[vector<16xi32>, vector<16xi32>], vector<16xf32>,
        %mul3A_1137 = arith.mulf %gather3A_1136, %gather3A_1091 : vector<16xf32>
        %add3A_1138 = arith.addf %add3A_1132, %mul3A_1137 : vector<16xf32>
        %add3A_1139 = arith.constant 112 : i32
        %add3A_1140 = vector.broadcast %add3A_1139 : i32 to vector<16xi32>
        %add3A_1141 = arith.addi %iota3A, %add3A_1140 : vector<16xi32>
        %gather3A_1142 = tpu.vector_load_idx %arg19[%broadcast_in_dim3A_1100, %add3A_1141] : memref<80x128xf32, #tpu.memory_space<vmem>>[vector<16xi32>, vector<16xi32>], vector<16xf32>,
        %mul3A_1143 = arith.mulf %gather3A_1142, %gather3A_1095 : vector<16xf32>
        %add3A_1144 = arith.addf %add3A_1138, %mul3A_1143 : vector<16xf32>
        %swap3A_1145 = arith.constant 0 : i32
        %swap3A_1146 = arith.index_cast %swap3A_1145 : i32 to index
        %swap3A_1147 = arith.constant 0 : index
        %swap3A_1148 = tpu.vector_load %arg26[%swap3A_1146, %swap3A_1147] {strides = array<i32>} : memref<32x16xf32, #tpu.memory_space<vmem>>, vector<16xf32>,
        tpu.vector_store %arg26[%swap3A_1146, %swap3A_1147], %add3A_1144 {strides = array<i32>} : memref<32x16xf32, #tpu.memory_space<vmem>>, vector<16xf32>,
        %mul3A_1149 = arith.constant 20 : i32
        %mul3A_1150 = arith.muli %scan3A_1063, %mul3A_1149 : i32
        %add3A_1151 = arith.constant 1 : i32
        %add3A_1152 = arith.addi %mul3A_1150, %add3A_1151 : i32
        %broadcast_in_dim3A_1153 = vector.broadcast %add3A_1152 : i32 to vector<16xi32>
        %gather3A_1154 = tpu.vector_load_idx %arg19[%broadcast_in_dim3A_1153, %iota3A] : memref<80x128xf32, #tpu.memory_space<vmem>>[vector<16xi32>, vector<16xi32>], vector<16xf32>,
        %mul3A_1155 = arith.mulf %gather3A_1154, %gather3A : vector<16xf32>
        %add3A_1156 = arith.constant 16 : i32
        %add3A_1157 = vector.broadcast %add3A_1156 : i32 to vector<16xi32>
        %add3A_1158 = arith.addi %iota3A, %add3A_1157 : vector<16xi32>
        %gather3A_1159 = tpu.vector_load_idx %arg19[%broadcast_in_dim3A_1153, %add3A_1158] : memref<80x128xf32, #tpu.memory_space<vmem>>[vector<16xi32>, vector<16xi32>], vector<16xf32>,
        %mul3A_1160 = arith.mulf %gather3A_1159, %gather3A_1071 : vector<16xf32>
        %add3A_1161 = arith.addf %mul3A_1155, %mul3A_1160 : vector<16xf32>
        %add3A_1162 = arith.constant 32 : i32
        %add3A_1163 = vector.broadcast %add3A_1162 : i32 to vector<16xi32>
        %add3A_1164 = arith.addi %iota3A, %add3A_1163 : vector<16xi32>
        %gather3A_1165 = tpu.vector_load_idx %arg19[%broadcast_in_dim3A_1153, %add3A_1164] : memref<80x128xf32, #tpu.memory_space<vmem>>[vector<16xi32>, vector<16xi32>], vector<16xf32>,
        %mul3A_1166 = arith.mulf %gather3A_1165, %gather3A_1075 : vector<16xf32>
        %add3A_1167 = arith.addf %add3A_1161, %mul3A_1166 : vector<16xf32>
        %add3A_1168 = arith.constant 48 : i32
        %add3A_1169 = vector.broadcast %add3A_1168 : i32 to vector<16xi32>
        %add3A_1170 = arith.addi %iota3A, %add3A_1169 : vector<16xi32>
        %gather3A_1171 = tpu.vector_load_idx %arg19[%broadcast_in_dim3A_1153, %add3A_1170] : memref<80x128xf32, #tpu.memory_space<vmem>>[vector<16xi32>, vector<16xi32>], vector<16xf32>,
        %mul3A_1172 = arith.mulf %gather3A_1171, %gather3A_1079 : vector<16xf32>
        %add3A_1173 = arith.addf %add3A_1167, %mul3A_1172 : vector<16xf32>
        %add3A_1174 = arith.constant 64 : i32
        %add3A_1175 = vector.broadcast %add3A_1174 : i32 to vector<16xi32>
        %add3A_1176 = arith.addi %iota3A, %add3A_1175 : vector<16xi32>
        %gather3A_1177 = tpu.vector_load_idx %arg19[%broadcast_in_dim3A_1153, %add3A_1176] : memref<80x128xf32, #tpu.memory_space<vmem>>[vector<16xi32>, vector<16xi32>], vector<16xf32>,
        %mul3A_1178 = arith.mulf %gather3A_1177, %gather3A_1083 : vector<16xf32>
        %add3A_1179 = arith.addf %add3A_1173, %mul3A_1178 : vector<16xf32>
        %add3A_1180 = arith.constant 80 : i32
        %add3A_1181 = vector.broadcast %add3A_1180 : i32 to vector<16xi32>
        %add3A_1182 = arith.addi %iota3A, %add3A_1181 : vector<16xi32>
        %gather3A_1183 = tpu.vector_load_idx %arg19[%broadcast_in_dim3A_1153, %add3A_1182] : memref<80x128xf32, #tpu.memory_space<vmem>>[vector<16xi32>, vector<16xi32>], vector<16xf32>,
        %mul3A_1184 = arith.mulf %gather3A_1183, %gather3A_1087 : vector<16xf32>
        %add3A_1185 = arith.addf %add3A_1179, %mul3A_1184 : vector<16xf32>
        %add3A_1186 = arith.constant 96 : i32
        %add3A_1187 = vector.broadcast %add3A_1186 : i32 to vector<16xi32>
        %add3A_1188 = arith.addi %iota3A, %add3A_1187 : vector<16xi32>
        %gather3A_1189 = tpu.vector_load_idx %arg19[%broadcast_in_dim3A_1153, %add3A_1188] : memref<80x128xf32, #tpu.memory_space<vmem>>[vector<16xi32>, vector<16xi32>], vector<16xf32>,
        %mul3A_1190 = arith.mulf %gather3A_1189, %gather3A_1091 : vector<16xf32>
        %add3A_1191 = arith.addf %add3A_1185, %mul3A_1190 : vector<16xf32>
        %add3A_1192 = arith.constant 112 : i32
        %add3A_1193 = vector.broadcast %add3A_1192 : i32 to vector<16xi32>
        %add3A_1194 = arith.addi %iota3A, %add3A_1193 : vector<16xi32>
        %gather3A_1195 = tpu.vector_load_idx %arg19[%broadcast_in_dim3A_1153, %add3A_1194] : memref<80x128xf32, #tpu.memory_space<vmem>>[vector<16xi32>, vector<16xi32>], vector<16xf32>,
        %mul3A_1196 = arith.mulf %gather3A_1195, %gather3A_1095 : vector<16xf32>
        %add3A_1197 = arith.addf %add3A_1191, %mul3A_1196 : vector<16xf32>
        %swap3A_1198 = arith.constant 1 : i32
        %swap3A_1199 = arith.index_cast %swap3A_1198 : i32 to index
        %swap3A_1200 = arith.constant 0 : index
        %swap3A_1201 = tpu.vector_load %arg26[%swap3A_1199, %swap3A_1200] {strides = array<i32>} : memref<32x16xf32, #tpu.memory_space<vmem>>, vector<16xf32>,
        tpu.vector_store %arg26[%swap3A_1199, %swap3A_1200], %add3A_1197 {strides = array<i32>} : memref<32x16xf32, #tpu.memory_space<vmem>>, vector<16xf32>,
        %mul3A_1202 = arith.constant 20 : i32
        %mul3A_1203 = arith.muli %scan3A_1063, %mul3A_1202 : i32
        %add3A_1204 = arith.constant 2 : i32
        %add3A_1205 = arith.addi %mul3A_1203, %add3A_1204 : i32
        %broadcast_in_dim3A_1206 = vector.broadcast %add3A_1205 : i32 to vector<16xi32>
        %gather3A_1207 = tpu.vector_load_idx %arg19[%broadcast_in_dim3A_1206, %iota3A] : memref<80x128xf32, #tpu.memory_space<vmem>>[vector<16xi32>, vector<16xi32>], vector<16xf32>,
        %mul3A_1208 = arith.mulf %gather3A_1207, %gather3A : vector<16xf32>
        %add3A_1209 = arith.constant 16 : i32
        %add3A_1210 = vector.broadcast %add3A_1209 : i32 to vector<16xi32>
        %add3A_1211 = arith.addi %iota3A, %add3A_1210 : vector<16xi32>
        %gather3A_1212 = tpu.vector_load_idx %arg19[%broadcast_in_dim3A_1206, %add3A_1211] : memref<80x128xf32, #tpu.memory_space<vmem>>[vector<16xi32>, vector<16xi32>], vector<16xf32>,
        %mul3A_1213 = arith.mulf %gather3A_1212, %gather3A_1071 : vector<16xf32>
        %add3A_1214 = arith.addf %mul3A_1208, %mul3A_1213 : vector<16xf32>
        %add3A_1215 = arith.constant 32 : i32
        %add3A_1216 = vector.broadcast %add3A_1215 : i32 to vector<16xi32>
        %add3A_1217 = arith.addi %iota3A, %add3A_1216 : vector<16xi32>
        %gather3A_1218 = tpu.vector_load_idx %arg19[%broadcast_in_dim3A_1206, %add3A_1217] : memref<80x128xf32, #tpu.memory_space<vmem>>[vector<16xi32>, vector<16xi32>], vector<16xf32>,
        %mul3A_1219 = arith.mulf %gather3A_1218, %gather3A_1075 : vector<16xf32>
        %add3A_1220 = arith.addf %add3A_1214, %mul3A_1219 : vector<16xf32>
        %add3A_1221 = arith.constant 48 : i32
        %add3A_1222 = vector.broadcast %add3A_1221 : i32 to vector<16xi32>
        %add3A_1223 = arith.addi %iota3A, %add3A_1222 : vector<16xi32>
        %gather3A_1224 = tpu.vector_load_idx %arg19[%broadcast_in_dim3A_1206, %add3A_1223] : memref<80x128xf32, #tpu.memory_space<vmem>>[vector<16xi32>, vector<16xi32>], vector<16xf32>,
        %mul3A_1225 = arith.mulf %gather3A_1224, %gather3A_1079 : vector<16xf32>
        %add3A_1226 = arith.addf %add3A_1220, %mul3A_1225 : vector<16xf32>
        %add3A_1227 = arith.constant 64 : i32
        %add3A_1228 = vector.broadcast %add3A_1227 : i32 to vector<16xi32>
        %add3A_1229 = arith.addi %iota3A, %add3A_1228 : vector<16xi32>
        %gather3A_1230 = tpu.vector_load_idx %arg19[%broadcast_in_dim3A_1206, %add3A_1229] : memref<80x128xf32, #tpu.memory_space<vmem>>[vector<16xi32>, vector<16xi32>], vector<16xf32>,
        %mul3A_1231 = arith.mulf %gather3A_1230, %gather3A_1083 : vector<16xf32>
        %add3A_1232 = arith.addf %add3A_1226, %mul3A_1231 : vector<16xf32>
        %add3A_1233 = arith.constant 80 : i32
        %add3A_1234 = vector.broadcast %add3A_1233 : i32 to vector<16xi32>
        %add3A_1235 = arith.addi %iota3A, %add3A_1234 : vector<16xi32>
        %gather3A_1236 = tpu.vector_load_idx %arg19[%broadcast_in_dim3A_1206, %add3A_1235] : memref<80x128xf32, #tpu.memory_space<vmem>>[vector<16xi32>, vector<16xi32>], vector<16xf32>,
        %mul3A_1237 = arith.mulf %gather3A_1236, %gather3A_1087 : vector<16xf32>
        %add3A_1238 = arith.addf %add3A_1232, %mul3A_1237 : vector<16xf32>
        %add3A_1239 = arith.constant 96 : i32
        %add3A_1240 = vector.broadcast %add3A_1239 : i32 to vector<16xi32>
        %add3A_1241 = arith.addi %iota3A, %add3A_1240 : vector<16xi32>
        %gather3A_1242 = tpu.vector_load_idx %arg19[%broadcast_in_dim3A_1206, %add3A_1241] : memref<80x128xf32, #tpu.memory_space<vmem>>[vector<16xi32>, vector<16xi32>], vector<16xf32>,
        %mul3A_1243 = arith.mulf %gather3A_1242, %gather3A_1091 : vector<16xf32>
        %add3A_1244 = arith.addf %add3A_1238, %mul3A_1243 : vector<16xf32>
        %add3A_1245 = arith.constant 112 : i32
        %add3A_1246 = vector.broadcast %add3A_1245 : i32 to vector<16xi32>
        %add3A_1247 = arith.addi %iota3A, %add3A_1246 : vector<16xi32>
        %gather3A_1248 = tpu.vector_load_idx %arg19[%broadcast_in_dim3A_1206, %add3A_1247] : memref<80x128xf32, #tpu.memory_space<vmem>>[vector<16xi32>, vector<16xi32>], vector<16xf32>,
        %mul3A_1249 = arith.mulf %gather3A_1248, %gather3A_1095 : vector<16xf32>
        %add3A_1250 = arith.addf %add3A_1244, %mul3A_1249 : vector<16xf32>
        %swap3A_1251 = arith.constant 2 : i32
        %swap3A_1252 = arith.index_cast %swap3A_1251 : i32 to index
        %swap3A_1253 = arith.constant 0 : index
        %swap3A_1254 = tpu.vector_load %arg26[%swap3A_1252, %swap3A_1253] {strides = array<i32>} : memref<32x16xf32, #tpu.memory_space<vmem>>, vector<16xf32>,
        tpu.vector_store %arg26[%swap3A_1252, %swap3A_1253], %add3A_1250 {strides = array<i32>} : memref<32x16xf32, #tpu.memory_space<vmem>>, vector<16xf32>,
        %mul3A_1255 = arith.constant 20 : i32
        %mul3A_1256 = arith.muli %scan3A_1063, %mul3A_1255 : i32
        %add3A_1257 = arith.constant 3 : i32
        %add3A_1258 = arith.addi %mul3A_1256, %add3A_1257 : i32
        %broadcast_in_dim3A_1259 = vector.broadcast %add3A_1258 : i32 to vector<16xi32>
        %gather3A_1260 = tpu.vector_load_idx %arg19[%broadcast_in_dim3A_1259, %iota3A] : memref<80x128xf32, #tpu.memory_space<vmem>>[vector<16xi32>, vector<16xi32>], vector<16xf32>,
        %mul3A_1261 = arith.mulf %gather3A_1260, %gather3A : vector<16xf32>
        %add3A_1262 = arith.constant 16 : i32
        %add3A_1263 = vector.broadcast %add3A_1262 : i32 to vector<16xi32>
        %add3A_1264 = arith.addi %iota3A, %add3A_1263 : vector<16xi32>
        %gather3A_1265 = tpu.vector_load_idx %arg19[%broadcast_in_dim3A_1259, %add3A_1264] : memref<80x128xf32, #tpu.memory_space<vmem>>[vector<16xi32>, vector<16xi32>], vector<16xf32>,
        %mul3A_1266 = arith.mulf %gather3A_1265, %gather3A_1071 : vector<16xf32>
        %add3A_1267 = arith.addf %mul3A_1261, %mul3A_1266 : vector<16xf32>
        %add3A_1268 = arith.constant 32 : i32
        %add3A_1269 = vector.broadcast %add3A_1268 : i32 to vector<16xi32>
        %add3A_1270 = arith.addi %iota3A, %add3A_1269 : vector<16xi32>
        %gather3A_1271 = tpu.vector_load_idx %arg19[%broadcast_in_dim3A_1259, %add3A_1270] : memref<80x128xf32, #tpu.memory_space<vmem>>[vector<16xi32>, vector<16xi32>], vector<16xf32>,
        %mul3A_1272 = arith.mulf %gather3A_1271, %gather3A_1075 : vector<16xf32>
        %add3A_1273 = arith.addf %add3A_1267, %mul3A_1272 : vector<16xf32>
        %add3A_1274 = arith.constant 48 : i32
        %add3A_1275 = vector.broadcast %add3A_1274 : i32 to vector<16xi32>
        %add3A_1276 = arith.addi %iota3A, %add3A_1275 : vector<16xi32>
        %gather3A_1277 = tpu.vector_load_idx %arg19[%broadcast_in_dim3A_1259, %add3A_1276] : memref<80x128xf32, #tpu.memory_space<vmem>>[vector<16xi32>, vector<16xi32>], vector<16xf32>,
        %mul3A_1278 = arith.mulf %gather3A_1277, %gather3A_1079 : vector<16xf32>
        %add3A_1279 = arith.addf %add3A_1273, %mul3A_1278 : vector<16xf32>
        %add3A_1280 = arith.constant 64 : i32
        %add3A_1281 = vector.broadcast %add3A_1280 : i32 to vector<16xi32>
        %add3A_1282 = arith.addi %iota3A, %add3A_1281 : vector<16xi32>
        %gather3A_1283 = tpu.vector_load_idx %arg19[%broadcast_in_dim3A_1259, %add3A_1282] : memref<80x128xf32, #tpu.memory_space<vmem>>[vector<16xi32>, vector<16xi32>], vector<16xf32>,
        %mul3A_1284 = arith.mulf %gather3A_1283, %gather3A_1083 : vector<16xf32>
        %add3A_1285 = arith.addf %add3A_1279, %mul3A_1284 : vector<16xf32>
        %add3A_1286 = arith.constant 80 : i32
        %add3A_1287 = vector.broadcast %add3A_1286 : i32 to vector<16xi32>
        %add3A_1288 = arith.addi %iota3A, %add3A_1287 : vector<16xi32>
        %gather3A_1289 = tpu.vector_load_idx %arg19[%broadcast_in_dim3A_1259, %add3A_1288] : memref<80x128xf32, #tpu.memory_space<vmem>>[vector<16xi32>, vector<16xi32>], vector<16xf32>,
        %mul3A_1290 = arith.mulf %gather3A_1289, %gather3A_1087 : vector<16xf32>
        %add3A_1291 = arith.addf %add3A_1285, %mul3A_1290 : vector<16xf32>
        %add3A_1292 = arith.constant 96 : i32
        %add3A_1293 = vector.broadcast %add3A_1292 : i32 to vector<16xi32>
        %add3A_1294 = arith.addi %iota3A, %add3A_1293 : vector<16xi32>
        %gather3A_1295 = tpu.vector_load_idx %arg19[%broadcast_in_dim3A_1259, %add3A_1294] : memref<80x128xf32, #tpu.memory_space<vmem>>[vector<16xi32>, vector<16xi32>], vector<16xf32>,
        %mul3A_1296 = arith.mulf %gather3A_1295, %gather3A_1091 : vector<16xf32>
        %add3A_1297 = arith.addf %add3A_1291, %mul3A_1296 : vector<16xf32>
        %add3A_1298 = arith.constant 112 : i32
        %add3A_1299 = vector.broadcast %add3A_1298 : i32 to vector<16xi32>
        %add3A_1300 = arith.addi %iota3A, %add3A_1299 : vector<16xi32>
        %gather3A_1301 = tpu.vector_load_idx %arg19[%broadcast_in_dim3A_1259, %add3A_1300] : memref<80x128xf32, #tpu.memory_space<vmem>>[vector<16xi32>, vector<16xi32>], vector<16xf32>,
        %mul3A_1302 = arith.mulf %gather3A_1301, %gather3A_1095 : vector<16xf32>
        %add3A_1303 = arith.addf %add3A_1297, %mul3A_1302 : vector<16xf32>
        %swap3A_1304 = arith.constant 3 : i32
        %swap3A_1305 = arith.index_cast %swap3A_1304 : i32 to index
        %swap3A_1306 = arith.constant 0 : index
        %swap3A_1307 = tpu.vector_load %arg26[%swap3A_1305, %swap3A_1306] {strides = array<i32>} : memref<32x16xf32, #tpu.memory_space<vmem>>, vector<16xf32>,
        tpu.vector_store %arg26[%swap3A_1305, %swap3A_1306], %add3A_1303 {strides = array<i32>} : memref<32x16xf32, #tpu.memory_space<vmem>>, vector<16xf32>,
        %mul3A_1308 = arith.constant 20 : i32
        %mul3A_1309 = arith.muli %scan3A_1063, %mul3A_1308 : i32
        %add3A_1310 = arith.constant 4 : i32
        %add3A_1311 = arith.addi %mul3A_1309, %add3A_1310 : i32
        %broadcast_in_dim3A_1312 = vector.broadcast %add3A_1311 : i32 to vector<16xi32>
        %gather3A_1313 = tpu.vector_load_idx %arg19[%broadcast_in_dim3A_1312, %iota3A] : memref<80x128xf32, #tpu.memory_space<vmem>>[vector<16xi32>, vector<16xi32>], vector<16xf32>,
        %mul3A_1314 = arith.mulf %gather3A_1313, %gather3A : vector<16xf32>
        %add3A_1315 = arith.constant 16 : i32
        %add3A_1316 = vector.broadcast %add3A_1315 : i32 to vector<16xi32>
        %add3A_1317 = arith.addi %iota3A, %add3A_1316 : vector<16xi32>
        %gather3A_1318 = tpu.vector_load_idx %arg19[%broadcast_in_dim3A_1312, %add3A_1317] : memref<80x128xf32, #tpu.memory_space<vmem>>[vector<16xi32>, vector<16xi32>], vector<16xf32>,
        %mul3A_1319 = arith.mulf %gather3A_1318, %gather3A_1071 : vector<16xf32>
        %add3A_1320 = arith.addf %mul3A_1314, %mul3A_1319 : vector<16xf32>
        %add3A_1321 = arith.constant 32 : i32
        %add3A_1322 = vector.broadcast %add3A_1321 : i32 to vector<16xi32>
        %add3A_1323 = arith.addi %iota3A, %add3A_1322 : vector<16xi32>
        %gather3A_1324 = tpu.vector_load_idx %arg19[%broadcast_in_dim3A_1312, %add3A_1323] : memref<80x128xf32, #tpu.memory_space<vmem>>[vector<16xi32>, vector<16xi32>], vector<16xf32>,
        %mul3A_1325 = arith.mulf %gather3A_1324, %gather3A_1075 : vector<16xf32>
        %add3A_1326 = arith.addf %add3A_1320, %mul3A_1325 : vector<16xf32>
        %add3A_1327 = arith.constant 48 : i32
        %add3A_1328 = vector.broadcast %add3A_1327 : i32 to vector<16xi32>
        %add3A_1329 = arith.addi %iota3A, %add3A_1328 : vector<16xi32>
        %gather3A_1330 = tpu.vector_load_idx %arg19[%broadcast_in_dim3A_1312, %add3A_1329] : memref<80x128xf32, #tpu.memory_space<vmem>>[vector<16xi32>, vector<16xi32>], vector<16xf32>,
        %mul3A_1331 = arith.mulf %gather3A_1330, %gather3A_1079 : vector<16xf32>
        %add3A_1332 = arith.addf %add3A_1326, %mul3A_1331 : vector<16xf32>
        %add3A_1333 = arith.constant 64 : i32
        %add3A_1334 = vector.broadcast %add3A_1333 : i32 to vector<16xi32>
        %add3A_1335 = arith.addi %iota3A, %add3A_1334 : vector<16xi32>
        %gather3A_1336 = tpu.vector_load_idx %arg19[%broadcast_in_dim3A_1312, %add3A_1335] : memref<80x128xf32, #tpu.memory_space<vmem>>[vector<16xi32>, vector<16xi32>], vector<16xf32>,
        %mul3A_1337 = arith.mulf %gather3A_1336, %gather3A_1083 : vector<16xf32>
        %add3A_1338 = arith.addf %add3A_1332, %mul3A_1337 : vector<16xf32>
        %add3A_1339 = arith.constant 80 : i32
        %add3A_1340 = vector.broadcast %add3A_1339 : i32 to vector<16xi32>
        %add3A_1341 = arith.addi %iota3A, %add3A_1340 : vector<16xi32>
        %gather3A_1342 = tpu.vector_load_idx %arg19[%broadcast_in_dim3A_1312, %add3A_1341] : memref<80x128xf32, #tpu.memory_space<vmem>>[vector<16xi32>, vector<16xi32>], vector<16xf32>,
        %mul3A_1343 = arith.mulf %gather3A_1342, %gather3A_1087 : vector<16xf32>
        %add3A_1344 = arith.addf %add3A_1338, %mul3A_1343 : vector<16xf32>
        %add3A_1345 = arith.constant 96 : i32
        %add3A_1346 = vector.broadcast %add3A_1345 : i32 to vector<16xi32>
        %add3A_1347 = arith.addi %iota3A, %add3A_1346 : vector<16xi32>
        %gather3A_1348 = tpu.vector_load_idx %arg19[%broadcast_in_dim3A_1312, %add3A_1347] : memref<80x128xf32, #tpu.memory_space<vmem>>[vector<16xi32>, vector<16xi32>], vector<16xf32>,
        %mul3A_1349 = arith.mulf %gather3A_1348, %gather3A_1091 : vector<16xf32>
        %add3A_1350 = arith.addf %add3A_1344, %mul3A_1349 : vector<16xf32>
        %add3A_1351 = arith.constant 112 : i32
        %add3A_1352 = vector.broadcast %add3A_1351 : i32 to vector<16xi32>
        %add3A_1353 = arith.addi %iota3A, %add3A_1352 : vector<16xi32>
        %gather3A_1354 = tpu.vector_load_idx %arg19[%broadcast_in_dim3A_1312, %add3A_1353] : memref<80x128xf32, #tpu.memory_space<vmem>>[vector<16xi32>, vector<16xi32>], vector<16xf32>,
        %mul3A_1355 = arith.mulf %gather3A_1354, %gather3A_1095 : vector<16xf32>
        %add3A_1356 = arith.addf %add3A_1350, %mul3A_1355 : vector<16xf32>
        %swap3A_1357 = arith.constant 4 : i32
        %swap3A_1358 = arith.index_cast %swap3A_1357 : i32 to index
        %swap3A_1359 = arith.constant 0 : index
        %swap3A_1360 = tpu.vector_load %arg26[%swap3A_1358, %swap3A_1359] {strides = array<i32>} : memref<32x16xf32, #tpu.memory_space<vmem>>, vector<16xf32>,
        tpu.vector_store %arg26[%swap3A_1358, %swap3A_1359], %add3A_1356 {strides = array<i32>} : memref<32x16xf32, #tpu.memory_space<vmem>>, vector<16xf32>,
        %mul3A_1361 = arith.constant 20 : i32
        %mul3A_1362 = arith.muli %scan3A_1063, %mul3A_1361 : i32
        %add3A_1363 = arith.constant 5 : i32
        %add3A_1364 = arith.addi %mul3A_1362, %add3A_1363 : i32
        %broadcast_in_dim3A_1365 = vector.broadcast %add3A_1364 : i32 to vector<16xi32>
        %gather3A_1366 = tpu.vector_load_idx %arg19[%broadcast_in_dim3A_1365, %iota3A] : memref<80x128xf32, #tpu.memory_space<vmem>>[vector<16xi32>, vector<16xi32>], vector<16xf32>,
        %mul3A_1367 = arith.mulf %gather3A_1366, %gather3A : vector<16xf32>
        %add3A_1368 = arith.constant 16 : i32
        %add3A_1369 = vector.broadcast %add3A_1368 : i32 to vector<16xi32>
        %add3A_1370 = arith.addi %iota3A, %add3A_1369 : vector<16xi32>
        %gather3A_1371 = tpu.vector_load_idx %arg19[%broadcast_in_dim3A_1365, %add3A_1370] : memref<80x128xf32, #tpu.memory_space<vmem>>[vector<16xi32>, vector<16xi32>], vector<16xf32>,
        %mul3A_1372 = arith.mulf %gather3A_1371, %gather3A_1071 : vector<16xf32>
        %add3A_1373 = arith.addf %mul3A_1367, %mul3A_1372 : vector<16xf32>
        %add3A_1374 = arith.constant 32 : i32
        %add3A_1375 = vector.broadcast %add3A_1374 : i32 to vector<16xi32>
        %add3A_1376 = arith.addi %iota3A, %add3A_1375 : vector<16xi32>
        %gather3A_1377 = tpu.vector_load_idx %arg19[%broadcast_in_dim3A_1365, %add3A_1376] : memref<80x128xf32, #tpu.memory_space<vmem>>[vector<16xi32>, vector<16xi32>], vector<16xf32>,
        %mul3A_1378 = arith.mulf %gather3A_1377, %gather3A_1075 : vector<16xf32>
        %add3A_1379 = arith.addf %add3A_1373, %mul3A_1378 : vector<16xf32>
        %add3A_1380 = arith.constant 48 : i32
        %add3A_1381 = vector.broadcast %add3A_1380 : i32 to vector<16xi32>
        %add3A_1382 = arith.addi %iota3A, %add3A_1381 : vector<16xi32>
        %gather3A_1383 = tpu.vector_load_idx %arg19[%broadcast_in_dim3A_1365, %add3A_1382] : memref<80x128xf32, #tpu.memory_space<vmem>>[vector<16xi32>, vector<16xi32>], vector<16xf32>,
        %mul3A_1384 = arith.mulf %gather3A_1383, %gather3A_1079 : vector<16xf32>
        %add3A_1385 = arith.addf %add3A_1379, %mul3A_1384 : vector<16xf32>
        %add3A_1386 = arith.constant 64 : i32
        %add3A_1387 = vector.broadcast %add3A_1386 : i32 to vector<16xi32>
        %add3A_1388 = arith.addi %iota3A, %add3A_1387 : vector<16xi32>
        %gather3A_1389 = tpu.vector_load_idx %arg19[%broadcast_in_dim3A_1365, %add3A_1388] : memref<80x128xf32, #tpu.memory_space<vmem>>[vector<16xi32>, vector<16xi32>], vector<16xf32>,
        %mul3A_1390 = arith.mulf %gather3A_1389, %gather3A_1083 : vector<16xf32>
        %add3A_1391 = arith.addf %add3A_1385, %mul3A_1390 : vector<16xf32>
        %add3A_1392 = arith.constant 80 : i32
        %add3A_1393 = vector.broadcast %add3A_1392 : i32 to vector<16xi32>
        %add3A_1394 = arith.addi %iota3A, %add3A_1393 : vector<16xi32>
        %gather3A_1395 = tpu.vector_load_idx %arg19[%broadcast_in_dim3A_1365, %add3A_1394] : memref<80x128xf32, #tpu.memory_space<vmem>>[vector<16xi32>, vector<16xi32>], vector<16xf32>,
        %mul3A_1396 = arith.mulf %gather3A_1395, %gather3A_1087 : vector<16xf32>
        %add3A_1397 = arith.addf %add3A_1391, %mul3A_1396 : vector<16xf32>
        %add3A_1398 = arith.constant 96 : i32
        %add3A_1399 = vector.broadcast %add3A_1398 : i32 to vector<16xi32>
        %add3A_1400 = arith.addi %iota3A, %add3A_1399 : vector<16xi32>
        %gather3A_1401 = tpu.vector_load_idx %arg19[%broadcast_in_dim3A_1365, %add3A_1400] : memref<80x128xf32, #tpu.memory_space<vmem>>[vector<16xi32>, vector<16xi32>], vector<16xf32>,
        %mul3A_1402 = arith.mulf %gather3A_1401, %gather3A_1091 : vector<16xf32>
        %add3A_1403 = arith.addf %add3A_1397, %mul3A_1402 : vector<16xf32>
        %add3A_1404 = arith.constant 112 : i32
        %add3A_1405 = vector.broadcast %add3A_1404 : i32 to vector<16xi32>
        %add3A_1406 = arith.addi %iota3A, %add3A_1405 : vector<16xi32>
        %gather3A_1407 = tpu.vector_load_idx %arg19[%broadcast_in_dim3A_1365, %add3A_1406] : memref<80x128xf32, #tpu.memory_space<vmem>>[vector<16xi32>, vector<16xi32>], vector<16xf32>,
        %mul3A_1408 = arith.mulf %gather3A_1407, %gather3A_1095 : vector<16xf32>
        %add3A_1409 = arith.addf %add3A_1403, %mul3A_1408 : vector<16xf32>
        %swap3A_1410 = arith.constant 5 : i32
        %swap3A_1411 = arith.index_cast %swap3A_1410 : i32 to index
        %swap3A_1412 = arith.constant 0 : index
        %swap3A_1413 = tpu.vector_load %arg26[%swap3A_1411, %swap3A_1412] {strides = array<i32>} : memref<32x16xf32, #tpu.memory_space<vmem>>, vector<16xf32>,
        tpu.vector_store %arg26[%swap3A_1411, %swap3A_1412], %add3A_1409 {strides = array<i32>} : memref<32x16xf32, #tpu.memory_space<vmem>>, vector<16xf32>,
        %mul3A_1414 = arith.constant 20 : i32
        %mul3A_1415 = arith.muli %scan3A_1063, %mul3A_1414 : i32
        %add3A_1416 = arith.constant 6 : i32
        %add3A_1417 = arith.addi %mul3A_1415, %add3A_1416 : i32
        %broadcast_in_dim3A_1418 = vector.broadcast %add3A_1417 : i32 to vector<16xi32>
        %gather3A_1419 = tpu.vector_load_idx %arg19[%broadcast_in_dim3A_1418, %iota3A] : memref<80x128xf32, #tpu.memory_space<vmem>>[vector<16xi32>, vector<16xi32>], vector<16xf32>,
        %mul3A_1420 = arith.mulf %gather3A_1419, %gather3A : vector<16xf32>
        %add3A_1421 = arith.constant 16 : i32
        %add3A_1422 = vector.broadcast %add3A_1421 : i32 to vector<16xi32>
        %add3A_1423 = arith.addi %iota3A, %add3A_1422 : vector<16xi32>
        %gather3A_1424 = tpu.vector_load_idx %arg19[%broadcast_in_dim3A_1418, %add3A_1423] : memref<80x128xf32, #tpu.memory_space<vmem>>[vector<16xi32>, vector<16xi32>], vector<16xf32>,
        %mul3A_1425 = arith.mulf %gather3A_1424, %gather3A_1071 : vector<16xf32>
        %add3A_1426 = arith.addf %mul3A_1420, %mul3A_1425 : vector<16xf32>
        %add3A_1427 = arith.constant 32 : i32
        %add3A_1428 = vector.broadcast %add3A_1427 : i32 to vector<16xi32>
        %add3A_1429 = arith.addi %iota3A, %add3A_1428 : vector<16xi32>
        %gather3A_1430 = tpu.vector_load_idx %arg19[%broadcast_in_dim3A_1418, %add3A_1429] : memref<80x128xf32, #tpu.memory_space<vmem>>[vector<16xi32>, vector<16xi32>], vector<16xf32>,
        %mul3A_1431 = arith.mulf %gather3A_1430, %gather3A_1075 : vector<16xf32>
        %add3A_1432 = arith.addf %add3A_1426, %mul3A_1431 : vector<16xf32>
        %add3A_1433 = arith.constant 48 : i32
        %add3A_1434 = vector.broadcast %add3A_1433 : i32 to vector<16xi32>
        %add3A_1435 = arith.addi %iota3A, %add3A_1434 : vector<16xi32>
        %gather3A_1436 = tpu.vector_load_idx %arg19[%broadcast_in_dim3A_1418, %add3A_1435] : memref<80x128xf32, #tpu.memory_space<vmem>>[vector<16xi32>, vector<16xi32>], vector<16xf32>,
        %mul3A_1437 = arith.mulf %gather3A_1436, %gather3A_1079 : vector<16xf32>
        %add3A_1438 = arith.addf %add3A_1432, %mul3A_1437 : vector<16xf32>
        %add3A_1439 = arith.constant 64 : i32
        %add3A_1440 = vector.broadcast %add3A_1439 : i32 to vector<16xi32>
        %add3A_1441 = arith.addi %iota3A, %add3A_1440 : vector<16xi32>
        %gather3A_1442 = tpu.vector_load_idx %arg19[%broadcast_in_dim3A_1418, %add3A_1441] : memref<80x128xf32, #tpu.memory_space<vmem>>[vector<16xi32>, vector<16xi32>], vector<16xf32>,
        %mul3A_1443 = arith.mulf %gather3A_1442, %gather3A_1083 : vector<16xf32>
        %add3A_1444 = arith.addf %add3A_1438, %mul3A_1443 : vector<16xf32>
        %add3A_1445 = arith.constant 80 : i32
        %add3A_1446 = vector.broadcast %add3A_1445 : i32 to vector<16xi32>
        %add3A_1447 = arith.addi %iota3A, %add3A_1446 : vector<16xi32>
        %gather3A_1448 = tpu.vector_load_idx %arg19[%broadcast_in_dim3A_1418, %add3A_1447] : memref<80x128xf32, #tpu.memory_space<vmem>>[vector<16xi32>, vector<16xi32>], vector<16xf32>,
        %mul3A_1449 = arith.mulf %gather3A_1448, %gather3A_1087 : vector<16xf32>
        %add3A_1450 = arith.addf %add3A_1444, %mul3A_1449 : vector<16xf32>
        %add3A_1451 = arith.constant 96 : i32
        %add3A_1452 = vector.broadcast %add3A_1451 : i32 to vector<16xi32>
        %add3A_1453 = arith.addi %iota3A, %add3A_1452 : vector<16xi32>
        %gather3A_1454 = tpu.vector_load_idx %arg19[%broadcast_in_dim3A_1418, %add3A_1453] : memref<80x128xf32, #tpu.memory_space<vmem>>[vector<16xi32>, vector<16xi32>], vector<16xf32>,
        %mul3A_1455 = arith.mulf %gather3A_1454, %gather3A_1091 : vector<16xf32>
        %add3A_1456 = arith.addf %add3A_1450, %mul3A_1455 : vector<16xf32>
        %add3A_1457 = arith.constant 112 : i32
        %add3A_1458 = vector.broadcast %add3A_1457 : i32 to vector<16xi32>
        %add3A_1459 = arith.addi %iota3A, %add3A_1458 : vector<16xi32>
        %gather3A_1460 = tpu.vector_load_idx %arg19[%broadcast_in_dim3A_1418, %add3A_1459] : memref<80x128xf32, #tpu.memory_space<vmem>>[vector<16xi32>, vector<16xi32>], vector<16xf32>,
        %mul3A_1461 = arith.mulf %gather3A_1460, %gather3A_1095 : vector<16xf32>
        %add3A_1462 = arith.addf %add3A_1456, %mul3A_1461 : vector<16xf32>
        %swap3A_1463 = arith.constant 6 : i32
        %swap3A_1464 = arith.index_cast %swap3A_1463 : i32 to index
        %swap3A_1465 = arith.constant 0 : index
        %swap3A_1466 = tpu.vector_load %arg26[%swap3A_1464, %swap3A_1465] {strides = array<i32>} : memref<32x16xf32, #tpu.memory_space<vmem>>, vector<16xf32>,
        tpu.vector_store %arg26[%swap3A_1464, %swap3A_1465], %add3A_1462 {strides = array<i32>} : memref<32x16xf32, #tpu.memory_space<vmem>>, vector<16xf32>,
        %mul3A_1467 = arith.constant 20 : i32
        %mul3A_1468 = arith.muli %scan3A_1063, %mul3A_1467 : i32
        %add3A_1469 = arith.constant 7 : i32
        %add3A_1470 = arith.addi %mul3A_1468, %add3A_1469 : i32
        %broadcast_in_dim3A_1471 = vector.broadcast %add3A_1470 : i32 to vector<16xi32>
        %gather3A_1472 = tpu.vector_load_idx %arg19[%broadcast_in_dim3A_1471, %iota3A] : memref<80x128xf32, #tpu.memory_space<vmem>>[vector<16xi32>, vector<16xi32>], vector<16xf32>,
        %mul3A_1473 = arith.mulf %gather3A_1472, %gather3A : vector<16xf32>
        %add3A_1474 = arith.constant 16 : i32
        %add3A_1475 = vector.broadcast %add3A_1474 : i32 to vector<16xi32>
        %add3A_1476 = arith.addi %iota3A, %add3A_1475 : vector<16xi32>
        %gather3A_1477 = tpu.vector_load_idx %arg19[%broadcast_in_dim3A_1471, %add3A_1476] : memref<80x128xf32, #tpu.memory_space<vmem>>[vector<16xi32>, vector<16xi32>], vector<16xf32>,
        %mul3A_1478 = arith.mulf %gather3A_1477, %gather3A_1071 : vector<16xf32>
        %add3A_1479 = arith.addf %mul3A_1473, %mul3A_1478 : vector<16xf32>
        %add3A_1480 = arith.constant 32 : i32
        %add3A_1481 = vector.broadcast %add3A_1480 : i32 to vector<16xi32>
        %add3A_1482 = arith.addi %iota3A, %add3A_1481 : vector<16xi32>
        %gather3A_1483 = tpu.vector_load_idx %arg19[%broadcast_in_dim3A_1471, %add3A_1482] : memref<80x128xf32, #tpu.memory_space<vmem>>[vector<16xi32>, vector<16xi32>], vector<16xf32>,
        %mul3A_1484 = arith.mulf %gather3A_1483, %gather3A_1075 : vector<16xf32>
        %add3A_1485 = arith.addf %add3A_1479, %mul3A_1484 : vector<16xf32>
        %add3A_1486 = arith.constant 48 : i32
        %add3A_1487 = vector.broadcast %add3A_1486 : i32 to vector<16xi32>
        %add3A_1488 = arith.addi %iota3A, %add3A_1487 : vector<16xi32>
        %gather3A_1489 = tpu.vector_load_idx %arg19[%broadcast_in_dim3A_1471, %add3A_1488] : memref<80x128xf32, #tpu.memory_space<vmem>>[vector<16xi32>, vector<16xi32>], vector<16xf32>,
        %mul3A_1490 = arith.mulf %gather3A_1489, %gather3A_1079 : vector<16xf32>
        %add3A_1491 = arith.addf %add3A_1485, %mul3A_1490 : vector<16xf32>
        %add3A_1492 = arith.constant 64 : i32
        %add3A_1493 = vector.broadcast %add3A_1492 : i32 to vector<16xi32>
        %add3A_1494 = arith.addi %iota3A, %add3A_1493 : vector<16xi32>
        %gather3A_1495 = tpu.vector_load_idx %arg19[%broadcast_in_dim3A_1471, %add3A_1494] : memref<80x128xf32, #tpu.memory_space<vmem>>[vector<16xi32>, vector<16xi32>], vector<16xf32>,
        %mul3A_1496 = arith.mulf %gather3A_1495, %gather3A_1083 : vector<16xf32>
        %add3A_1497 = arith.addf %add3A_1491, %mul3A_1496 : vector<16xf32>
        %add3A_1498 = arith.constant 80 : i32
        %add3A_1499 = vector.broadcast %add3A_1498 : i32 to vector<16xi32>
        %add3A_1500 = arith.addi %iota3A, %add3A_1499 : vector<16xi32>
        %gather3A_1501 = tpu.vector_load_idx %arg19[%broadcast_in_dim3A_1471, %add3A_1500] : memref<80x128xf32, #tpu.memory_space<vmem>>[vector<16xi32>, vector<16xi32>], vector<16xf32>,
        %mul3A_1502 = arith.mulf %gather3A_1501, %gather3A_1087 : vector<16xf32>
        %add3A_1503 = arith.addf %add3A_1497, %mul3A_1502 : vector<16xf32>
        %add3A_1504 = arith.constant 96 : i32
        %add3A_1505 = vector.broadcast %add3A_1504 : i32 to vector<16xi32>
        %add3A_1506 = arith.addi %iota3A, %add3A_1505 : vector<16xi32>
        %gather3A_1507 = tpu.vector_load_idx %arg19[%broadcast_in_dim3A_1471, %add3A_1506] : memref<80x128xf32, #tpu.memory_space<vmem>>[vector<16xi32>, vector<16xi32>], vector<16xf32>,
        %mul3A_1508 = arith.mulf %gather3A_1507, %gather3A_1091 : vector<16xf32>
        %add3A_1509 = arith.addf %add3A_1503, %mul3A_1508 : vector<16xf32>
        %add3A_1510 = arith.constant 112 : i32
        %add3A_1511 = vector.broadcast %add3A_1510 : i32 to vector<16xi32>
        %add3A_1512 = arith.addi %iota3A, %add3A_1511 : vector<16xi32>
        %gather3A_1513 = tpu.vector_load_idx %arg19[%broadcast_in_dim3A_1471, %add3A_1512] : memref<80x128xf32, #tpu.memory_space<vmem>>[vector<16xi32>, vector<16xi32>], vector<16xf32>,
        %mul3A_1514 = arith.mulf %gather3A_1513, %gather3A_1095 : vector<16xf32>
        %add3A_1515 = arith.addf %add3A_1509, %mul3A_1514 : vector<16xf32>
        %swap3A_1516 = arith.constant 7 : i32
        %swap3A_1517 = arith.index_cast %swap3A_1516 : i32 to index
        %swap3A_1518 = arith.constant 0 : index
        %swap3A_1519 = tpu.vector_load %arg26[%swap3A_1517, %swap3A_1518] {strides = array<i32>} : memref<32x16xf32, #tpu.memory_space<vmem>>, vector<16xf32>,
        tpu.vector_store %arg26[%swap3A_1517, %swap3A_1518], %add3A_1515 {strides = array<i32>} : memref<32x16xf32, #tpu.memory_space<vmem>>, vector<16xf32>,
        %mul3A_1520 = arith.constant 20 : i32
        %mul3A_1521 = arith.muli %scan3A_1063, %mul3A_1520 : i32
        %add3A_1522 = arith.constant 8 : i32
        %add3A_1523 = arith.addi %mul3A_1521, %add3A_1522 : i32
        %broadcast_in_dim3A_1524 = vector.broadcast %add3A_1523 : i32 to vector<16xi32>
        %gather3A_1525 = tpu.vector_load_idx %arg19[%broadcast_in_dim3A_1524, %iota3A] : memref<80x128xf32, #tpu.memory_space<vmem>>[vector<16xi32>, vector<16xi32>], vector<16xf32>,
        %mul3A_1526 = arith.mulf %gather3A_1525, %gather3A : vector<16xf32>
        %add3A_1527 = arith.constant 16 : i32
        %add3A_1528 = vector.broadcast %add3A_1527 : i32 to vector<16xi32>
        %add3A_1529 = arith.addi %iota3A, %add3A_1528 : vector<16xi32>
        %gather3A_1530 = tpu.vector_load_idx %arg19[%broadcast_in_dim3A_1524, %add3A_1529] : memref<80x128xf32, #tpu.memory_space<vmem>>[vector<16xi32>, vector<16xi32>], vector<16xf32>,
        %mul3A_1531 = arith.mulf %gather3A_1530, %gather3A_1071 : vector<16xf32>
        %add3A_1532 = arith.addf %mul3A_1526, %mul3A_1531 : vector<16xf32>
        %add3A_1533 = arith.constant 32 : i32
        %add3A_1534 = vector.broadcast %add3A_1533 : i32 to vector<16xi32>
        %add3A_1535 = arith.addi %iota3A, %add3A_1534 : vector<16xi32>
        %gather3A_1536 = tpu.vector_load_idx %arg19[%broadcast_in_dim3A_1524, %add3A_1535] : memref<80x128xf32, #tpu.memory_space<vmem>>[vector<16xi32>, vector<16xi32>], vector<16xf32>,
        %mul3A_1537 = arith.mulf %gather3A_1536, %gather3A_1075 : vector<16xf32>
        %add3A_1538 = arith.addf %add3A_1532, %mul3A_1537 : vector<16xf32>
        %add3A_1539 = arith.constant 48 : i32
        %add3A_1540 = vector.broadcast %add3A_1539 : i32 to vector<16xi32>
        %add3A_1541 = arith.addi %iota3A, %add3A_1540 : vector<16xi32>
        %gather3A_1542 = tpu.vector_load_idx %arg19[%broadcast_in_dim3A_1524, %add3A_1541] : memref<80x128xf32, #tpu.memory_space<vmem>>[vector<16xi32>, vector<16xi32>], vector<16xf32>,
        %mul3A_1543 = arith.mulf %gather3A_1542, %gather3A_1079 : vector<16xf32>
        %add3A_1544 = arith.addf %add3A_1538, %mul3A_1543 : vector<16xf32>
        %add3A_1545 = arith.constant 64 : i32
        %add3A_1546 = vector.broadcast %add3A_1545 : i32 to vector<16xi32>
        %add3A_1547 = arith.addi %iota3A, %add3A_1546 : vector<16xi32>
        %gather3A_1548 = tpu.vector_load_idx %arg19[%broadcast_in_dim3A_1524, %add3A_1547] : memref<80x128xf32, #tpu.memory_space<vmem>>[vector<16xi32>, vector<16xi32>], vector<16xf32>,
        %mul3A_1549 = arith.mulf %gather3A_1548, %gather3A_1083 : vector<16xf32>
        %add3A_1550 = arith.addf %add3A_1544, %mul3A_1549 : vector<16xf32>
        %add3A_1551 = arith.constant 80 : i32
        %add3A_1552 = vector.broadcast %add3A_1551 : i32 to vector<16xi32>
        %add3A_1553 = arith.addi %iota3A, %add3A_1552 : vector<16xi32>
        %gather3A_1554 = tpu.vector_load_idx %arg19[%broadcast_in_dim3A_1524, %add3A_1553] : memref<80x128xf32, #tpu.memory_space<vmem>>[vector<16xi32>, vector<16xi32>], vector<16xf32>,
        %mul3A_1555 = arith.mulf %gather3A_1554, %gather3A_1087 : vector<16xf32>
        %add3A_1556 = arith.addf %add3A_1550, %mul3A_1555 : vector<16xf32>
        %add3A_1557 = arith.constant 96 : i32
        %add3A_1558 = vector.broadcast %add3A_1557 : i32 to vector<16xi32>
        %add3A_1559 = arith.addi %iota3A, %add3A_1558 : vector<16xi32>
        %gather3A_1560 = tpu.vector_load_idx %arg19[%broadcast_in_dim3A_1524, %add3A_1559] : memref<80x128xf32, #tpu.memory_space<vmem>>[vector<16xi32>, vector<16xi32>], vector<16xf32>,
        %mul3A_1561 = arith.mulf %gather3A_1560, %gather3A_1091 : vector<16xf32>
        %add3A_1562 = arith.addf %add3A_1556, %mul3A_1561 : vector<16xf32>
        %add3A_1563 = arith.constant 112 : i32
        %add3A_1564 = vector.broadcast %add3A_1563 : i32 to vector<16xi32>
        %add3A_1565 = arith.addi %iota3A, %add3A_1564 : vector<16xi32>
        %gather3A_1566 = tpu.vector_load_idx %arg19[%broadcast_in_dim3A_1524, %add3A_1565] : memref<80x128xf32, #tpu.memory_space<vmem>>[vector<16xi32>, vector<16xi32>], vector<16xf32>,
        %mul3A_1567 = arith.mulf %gather3A_1566, %gather3A_1095 : vector<16xf32>
        %add3A_1568 = arith.addf %add3A_1562, %mul3A_1567 : vector<16xf32>
        %swap3A_1569 = arith.constant 8 : i32
        %swap3A_1570 = arith.index_cast %swap3A_1569 : i32 to index
        %swap3A_1571 = arith.constant 0 : index
        %swap3A_1572 = tpu.vector_load %arg26[%swap3A_1570, %swap3A_1571] {strides = array<i32>} : memref<32x16xf32, #tpu.memory_space<vmem>>, vector<16xf32>,
        tpu.vector_store %arg26[%swap3A_1570, %swap3A_1571], %add3A_1568 {strides = array<i32>} : memref<32x16xf32, #tpu.memory_space<vmem>>, vector<16xf32>,
        %mul3A_1573 = arith.constant 20 : i32
        %mul3A_1574 = arith.muli %scan3A_1063, %mul3A_1573 : i32
        %add3A_1575 = arith.constant 9 : i32
        %add3A_1576 = arith.addi %mul3A_1574, %add3A_1575 : i32
        %broadcast_in_dim3A_1577 = vector.broadcast %add3A_1576 : i32 to vector<16xi32>
        %gather3A_1578 = tpu.vector_load_idx %arg19[%broadcast_in_dim3A_1577, %iota3A] : memref<80x128xf32, #tpu.memory_space<vmem>>[vector<16xi32>, vector<16xi32>], vector<16xf32>,
        %mul3A_1579 = arith.mulf %gather3A_1578, %gather3A : vector<16xf32>
        %add3A_1580 = arith.constant 16 : i32
        %add3A_1581 = vector.broadcast %add3A_1580 : i32 to vector<16xi32>
        %add3A_1582 = arith.addi %iota3A, %add3A_1581 : vector<16xi32>
        %gather3A_1583 = tpu.vector_load_idx %arg19[%broadcast_in_dim3A_1577, %add3A_1582] : memref<80x128xf32, #tpu.memory_space<vmem>>[vector<16xi32>, vector<16xi32>], vector<16xf32>,
        %mul3A_1584 = arith.mulf %gather3A_1583, %gather3A_1071 : vector<16xf32>
        %add3A_1585 = arith.addf %mul3A_1579, %mul3A_1584 : vector<16xf32>
        %add3A_1586 = arith.constant 32 : i32
        %add3A_1587 = vector.broadcast %add3A_1586 : i32 to vector<16xi32>
        %add3A_1588 = arith.addi %iota3A, %add3A_1587 : vector<16xi32>
        %gather3A_1589 = tpu.vector_load_idx %arg19[%broadcast_in_dim3A_1577, %add3A_1588] : memref<80x128xf32, #tpu.memory_space<vmem>>[vector<16xi32>, vector<16xi32>], vector<16xf32>,
        %mul3A_1590 = arith.mulf %gather3A_1589, %gather3A_1075 : vector<16xf32>
        %add3A_1591 = arith.addf %add3A_1585, %mul3A_1590 : vector<16xf32>
        %add3A_1592 = arith.constant 48 : i32
        %add3A_1593 = vector.broadcast %add3A_1592 : i32 to vector<16xi32>
        %add3A_1594 = arith.addi %iota3A, %add3A_1593 : vector<16xi32>
        %gather3A_1595 = tpu.vector_load_idx %arg19[%broadcast_in_dim3A_1577, %add3A_1594] : memref<80x128xf32, #tpu.memory_space<vmem>>[vector<16xi32>, vector<16xi32>], vector<16xf32>,
        %mul3A_1596 = arith.mulf %gather3A_1595, %gather3A_1079 : vector<16xf32>
        %add3A_1597 = arith.addf %add3A_1591, %mul3A_1596 : vector<16xf32>
        %add3A_1598 = arith.constant 64 : i32
        %add3A_1599 = vector.broadcast %add3A_1598 : i32 to vector<16xi32>
        %add3A_1600 = arith.addi %iota3A, %add3A_1599 : vector<16xi32>
        %gather3A_1601 = tpu.vector_load_idx %arg19[%broadcast_in_dim3A_1577, %add3A_1600] : memref<80x128xf32, #tpu.memory_space<vmem>>[vector<16xi32>, vector<16xi32>], vector<16xf32>,
        %mul3A_1602 = arith.mulf %gather3A_1601, %gather3A_1083 : vector<16xf32>
        %add3A_1603 = arith.addf %add3A_1597, %mul3A_1602 : vector<16xf32>
        %add3A_1604 = arith.constant 80 : i32
        %add3A_1605 = vector.broadcast %add3A_1604 : i32 to vector<16xi32>
        %add3A_1606 = arith.addi %iota3A, %add3A_1605 : vector<16xi32>
        %gather3A_1607 = tpu.vector_load_idx %arg19[%broadcast_in_dim3A_1577, %add3A_1606] : memref<80x128xf32, #tpu.memory_space<vmem>>[vector<16xi32>, vector<16xi32>], vector<16xf32>,
        %mul3A_1608 = arith.mulf %gather3A_1607, %gather3A_1087 : vector<16xf32>
        %add3A_1609 = arith.addf %add3A_1603, %mul3A_1608 : vector<16xf32>
        %add3A_1610 = arith.constant 96 : i32
        %add3A_1611 = vector.broadcast %add3A_1610 : i32 to vector<16xi32>
        %add3A_1612 = arith.addi %iota3A, %add3A_1611 : vector<16xi32>
        %gather3A_1613 = tpu.vector_load_idx %arg19[%broadcast_in_dim3A_1577, %add3A_1612] : memref<80x128xf32, #tpu.memory_space<vmem>>[vector<16xi32>, vector<16xi32>], vector<16xf32>,
        %mul3A_1614 = arith.mulf %gather3A_1613, %gather3A_1091 : vector<16xf32>
        %add3A_1615 = arith.addf %add3A_1609, %mul3A_1614 : vector<16xf32>
        %add3A_1616 = arith.constant 112 : i32
        %add3A_1617 = vector.broadcast %add3A_1616 : i32 to vector<16xi32>
        %add3A_1618 = arith.addi %iota3A, %add3A_1617 : vector<16xi32>
        %gather3A_1619 = tpu.vector_load_idx %arg19[%broadcast_in_dim3A_1577, %add3A_1618] : memref<80x128xf32, #tpu.memory_space<vmem>>[vector<16xi32>, vector<16xi32>], vector<16xf32>,
        %mul3A_1620 = arith.mulf %gather3A_1619, %gather3A_1095 : vector<16xf32>
        %add3A_1621 = arith.addf %add3A_1615, %mul3A_1620 : vector<16xf32>
        %swap3A_1622 = arith.constant 9 : i32
        %swap3A_1623 = arith.index_cast %swap3A_1622 : i32 to index
        %swap3A_1624 = arith.constant 0 : index
        %swap3A_1625 = tpu.vector_load %arg26[%swap3A_1623, %swap3A_1624] {strides = array<i32>} : memref<32x16xf32, #tpu.memory_space<vmem>>, vector<16xf32>,
        tpu.vector_store %arg26[%swap3A_1623, %swap3A_1624], %add3A_1621 {strides = array<i32>} : memref<32x16xf32, #tpu.memory_space<vmem>>, vector<16xf32>,
        %mul3A_1626 = arith.constant 20 : i32
        %mul3A_1627 = arith.muli %scan3A_1063, %mul3A_1626 : i32
        %add3A_1628 = arith.constant 10 : i32
        %add3A_1629 = arith.addi %mul3A_1627, %add3A_1628 : i32
        %broadcast_in_dim3A_1630 = vector.broadcast %add3A_1629 : i32 to vector<16xi32>
        %gather3A_1631 = tpu.vector_load_idx %arg19[%broadcast_in_dim3A_1630, %iota3A] : memref<80x128xf32, #tpu.memory_space<vmem>>[vector<16xi32>, vector<16xi32>], vector<16xf32>,
        %mul3A_1632 = arith.mulf %gather3A_1631, %gather3A : vector<16xf32>
        %add3A_1633 = arith.constant 16 : i32
        %add3A_1634 = vector.broadcast %add3A_1633 : i32 to vector<16xi32>
        %add3A_1635 = arith.addi %iota3A, %add3A_1634 : vector<16xi32>
        %gather3A_1636 = tpu.vector_load_idx %arg19[%broadcast_in_dim3A_1630, %add3A_1635] : memref<80x128xf32, #tpu.memory_space<vmem>>[vector<16xi32>, vector<16xi32>], vector<16xf32>,
        %mul3A_1637 = arith.mulf %gather3A_1636, %gather3A_1071 : vector<16xf32>
        %add3A_1638 = arith.addf %mul3A_1632, %mul3A_1637 : vector<16xf32>
        %add3A_1639 = arith.constant 32 : i32
        %add3A_1640 = vector.broadcast %add3A_1639 : i32 to vector<16xi32>
        %add3A_1641 = arith.addi %iota3A, %add3A_1640 : vector<16xi32>
        %gather3A_1642 = tpu.vector_load_idx %arg19[%broadcast_in_dim3A_1630, %add3A_1641] : memref<80x128xf32, #tpu.memory_space<vmem>>[vector<16xi32>, vector<16xi32>], vector<16xf32>,
        %mul3A_1643 = arith.mulf %gather3A_1642, %gather3A_1075 : vector<16xf32>
        %add3A_1644 = arith.addf %add3A_1638, %mul3A_1643 : vector<16xf32>
        %add3A_1645 = arith.constant 48 : i32
        %add3A_1646 = vector.broadcast %add3A_1645 : i32 to vector<16xi32>
        %add3A_1647 = arith.addi %iota3A, %add3A_1646 : vector<16xi32>
        %gather3A_1648 = tpu.vector_load_idx %arg19[%broadcast_in_dim3A_1630, %add3A_1647] : memref<80x128xf32, #tpu.memory_space<vmem>>[vector<16xi32>, vector<16xi32>], vector<16xf32>,
        %mul3A_1649 = arith.mulf %gather3A_1648, %gather3A_1079 : vector<16xf32>
        %add3A_1650 = arith.addf %add3A_1644, %mul3A_1649 : vector<16xf32>
        %add3A_1651 = arith.constant 64 : i32
        %add3A_1652 = vector.broadcast %add3A_1651 : i32 to vector<16xi32>
        %add3A_1653 = arith.addi %iota3A, %add3A_1652 : vector<16xi32>
        %gather3A_1654 = tpu.vector_load_idx %arg19[%broadcast_in_dim3A_1630, %add3A_1653] : memref<80x128xf32, #tpu.memory_space<vmem>>[vector<16xi32>, vector<16xi32>], vector<16xf32>,
        %mul3A_1655 = arith.mulf %gather3A_1654, %gather3A_1083 : vector<16xf32>
        %add3A_1656 = arith.addf %add3A_1650, %mul3A_1655 : vector<16xf32>
        %add3A_1657 = arith.constant 80 : i32
        %add3A_1658 = vector.broadcast %add3A_1657 : i32 to vector<16xi32>
        %add3A_1659 = arith.addi %iota3A, %add3A_1658 : vector<16xi32>
        %gather3A_1660 = tpu.vector_load_idx %arg19[%broadcast_in_dim3A_1630, %add3A_1659] : memref<80x128xf32, #tpu.memory_space<vmem>>[vector<16xi32>, vector<16xi32>], vector<16xf32>,
        %mul3A_1661 = arith.mulf %gather3A_1660, %gather3A_1087 : vector<16xf32>
        %add3A_1662 = arith.addf %add3A_1656, %mul3A_1661 : vector<16xf32>
        %add3A_1663 = arith.constant 96 : i32
        %add3A_1664 = vector.broadcast %add3A_1663 : i32 to vector<16xi32>
        %add3A_1665 = arith.addi %iota3A, %add3A_1664 : vector<16xi32>
        %gather3A_1666 = tpu.vector_load_idx %arg19[%broadcast_in_dim3A_1630, %add3A_1665] : memref<80x128xf32, #tpu.memory_space<vmem>>[vector<16xi32>, vector<16xi32>], vector<16xf32>,
        %mul3A_1667 = arith.mulf %gather3A_1666, %gather3A_1091 : vector<16xf32>
        %add3A_1668 = arith.addf %add3A_1662, %mul3A_1667 : vector<16xf32>
        %add3A_1669 = arith.constant 112 : i32
        %add3A_1670 = vector.broadcast %add3A_1669 : i32 to vector<16xi32>
        %add3A_1671 = arith.addi %iota3A, %add3A_1670 : vector<16xi32>
        %gather3A_1672 = tpu.vector_load_idx %arg19[%broadcast_in_dim3A_1630, %add3A_1671] : memref<80x128xf32, #tpu.memory_space<vmem>>[vector<16xi32>, vector<16xi32>], vector<16xf32>,
        %mul3A_1673 = arith.mulf %gather3A_1672, %gather3A_1095 : vector<16xf32>
        %add3A_1674 = arith.addf %add3A_1668, %mul3A_1673 : vector<16xf32>
        %swap3A_1675 = arith.constant 10 : i32
        %swap3A_1676 = arith.index_cast %swap3A_1675 : i32 to index
        %swap3A_1677 = arith.constant 0 : index
        %swap3A_1678 = tpu.vector_load %arg26[%swap3A_1676, %swap3A_1677] {strides = array<i32>} : memref<32x16xf32, #tpu.memory_space<vmem>>, vector<16xf32>,
        tpu.vector_store %arg26[%swap3A_1676, %swap3A_1677], %add3A_1674 {strides = array<i32>} : memref<32x16xf32, #tpu.memory_space<vmem>>, vector<16xf32>,
        %mul3A_1679 = arith.constant 20 : i32
        %mul3A_1680 = arith.muli %scan3A_1063, %mul3A_1679 : i32
        %add3A_1681 = arith.constant 11 : i32
        %add3A_1682 = arith.addi %mul3A_1680, %add3A_1681 : i32
        %broadcast_in_dim3A_1683 = vector.broadcast %add3A_1682 : i32 to vector<16xi32>
        %gather3A_1684 = tpu.vector_load_idx %arg19[%broadcast_in_dim3A_1683, %iota3A] : memref<80x128xf32, #tpu.memory_space<vmem>>[vector<16xi32>, vector<16xi32>], vector<16xf32>,
        %mul3A_1685 = arith.mulf %gather3A_1684, %gather3A : vector<16xf32>
        %add3A_1686 = arith.constant 16 : i32
        %add3A_1687 = vector.broadcast %add3A_1686 : i32 to vector<16xi32>
        %add3A_1688 = arith.addi %iota3A, %add3A_1687 : vector<16xi32>
        %gather3A_1689 = tpu.vector_load_idx %arg19[%broadcast_in_dim3A_1683, %add3A_1688] : memref<80x128xf32, #tpu.memory_space<vmem>>[vector<16xi32>, vector<16xi32>], vector<16xf32>,
        %mul3A_1690 = arith.mulf %gather3A_1689, %gather3A_1071 : vector<16xf32>
        %add3A_1691 = arith.addf %mul3A_1685, %mul3A_1690 : vector<16xf32>
        %add3A_1692 = arith.constant 32 : i32
        %add3A_1693 = vector.broadcast %add3A_1692 : i32 to vector<16xi32>
        %add3A_1694 = arith.addi %iota3A, %add3A_1693 : vector<16xi32>
        %gather3A_1695 = tpu.vector_load_idx %arg19[%broadcast_in_dim3A_1683, %add3A_1694] : memref<80x128xf32, #tpu.memory_space<vmem>>[vector<16xi32>, vector<16xi32>], vector<16xf32>,
        %mul3A_1696 = arith.mulf %gather3A_1695, %gather3A_1075 : vector<16xf32>
        %add3A_1697 = arith.addf %add3A_1691, %mul3A_1696 : vector<16xf32>
        %add3A_1698 = arith.constant 48 : i32
        %add3A_1699 = vector.broadcast %add3A_1698 : i32 to vector<16xi32>
        %add3A_1700 = arith.addi %iota3A, %add3A_1699 : vector<16xi32>
        %gather3A_1701 = tpu.vector_load_idx %arg19[%broadcast_in_dim3A_1683, %add3A_1700] : memref<80x128xf32, #tpu.memory_space<vmem>>[vector<16xi32>, vector<16xi32>], vector<16xf32>,
        %mul3A_1702 = arith.mulf %gather3A_1701, %gather3A_1079 : vector<16xf32>
        %add3A_1703 = arith.addf %add3A_1697, %mul3A_1702 : vector<16xf32>
        %add3A_1704 = arith.constant 64 : i32
        %add3A_1705 = vector.broadcast %add3A_1704 : i32 to vector<16xi32>
        %add3A_1706 = arith.addi %iota3A, %add3A_1705 : vector<16xi32>
        %gather3A_1707 = tpu.vector_load_idx %arg19[%broadcast_in_dim3A_1683, %add3A_1706] : memref<80x128xf32, #tpu.memory_space<vmem>>[vector<16xi32>, vector<16xi32>], vector<16xf32>,
        %mul3A_1708 = arith.mulf %gather3A_1707, %gather3A_1083 : vector<16xf32>
        %add3A_1709 = arith.addf %add3A_1703, %mul3A_1708 : vector<16xf32>
        %add3A_1710 = arith.constant 80 : i32
        %add3A_1711 = vector.broadcast %add3A_1710 : i32 to vector<16xi32>
        %add3A_1712 = arith.addi %iota3A, %add3A_1711 : vector<16xi32>
        %gather3A_1713 = tpu.vector_load_idx %arg19[%broadcast_in_dim3A_1683, %add3A_1712] : memref<80x128xf32, #tpu.memory_space<vmem>>[vector<16xi32>, vector<16xi32>], vector<16xf32>,
        %mul3A_1714 = arith.mulf %gather3A_1713, %gather3A_1087 : vector<16xf32>
        %add3A_1715 = arith.addf %add3A_1709, %mul3A_1714 : vector<16xf32>
        %add3A_1716 = arith.constant 96 : i32
        %add3A_1717 = vector.broadcast %add3A_1716 : i32 to vector<16xi32>
        %add3A_1718 = arith.addi %iota3A, %add3A_1717 : vector<16xi32>
        %gather3A_1719 = tpu.vector_load_idx %arg19[%broadcast_in_dim3A_1683, %add3A_1718] : memref<80x128xf32, #tpu.memory_space<vmem>>[vector<16xi32>, vector<16xi32>], vector<16xf32>,
        %mul3A_1720 = arith.mulf %gather3A_1719, %gather3A_1091 : vector<16xf32>
        %add3A_1721 = arith.addf %add3A_1715, %mul3A_1720 : vector<16xf32>
        %add3A_1722 = arith.constant 112 : i32
        %add3A_1723 = vector.broadcast %add3A_1722 : i32 to vector<16xi32>
        %add3A_1724 = arith.addi %iota3A, %add3A_1723 : vector<16xi32>
        %gather3A_1725 = tpu.vector_load_idx %arg19[%broadcast_in_dim3A_1683, %add3A_1724] : memref<80x128xf32, #tpu.memory_space<vmem>>[vector<16xi32>, vector<16xi32>], vector<16xf32>,
        %mul3A_1726 = arith.mulf %gather3A_1725, %gather3A_1095 : vector<16xf32>
        %add3A_1727 = arith.addf %add3A_1721, %mul3A_1726 : vector<16xf32>
        %swap3A_1728 = arith.constant 11 : i32
        %swap3A_1729 = arith.index_cast %swap3A_1728 : i32 to index
        %swap3A_1730 = arith.constant 0 : index
        %swap3A_1731 = tpu.vector_load %arg26[%swap3A_1729, %swap3A_1730] {strides = array<i32>} : memref<32x16xf32, #tpu.memory_space<vmem>>, vector<16xf32>,
        tpu.vector_store %arg26[%swap3A_1729, %swap3A_1730], %add3A_1727 {strides = array<i32>} : memref<32x16xf32, #tpu.memory_space<vmem>>, vector<16xf32>,
        %mul3A_1732 = arith.constant 20 : i32
        %mul3A_1733 = arith.muli %scan3A_1063, %mul3A_1732 : i32
        %add3A_1734 = arith.constant 12 : i32
        %add3A_1735 = arith.addi %mul3A_1733, %add3A_1734 : i32
        %broadcast_in_dim3A_1736 = vector.broadcast %add3A_1735 : i32 to vector<16xi32>
        %gather3A_1737 = tpu.vector_load_idx %arg19[%broadcast_in_dim3A_1736, %iota3A] : memref<80x128xf32, #tpu.memory_space<vmem>>[vector<16xi32>, vector<16xi32>], vector<16xf32>,
        %mul3A_1738 = arith.mulf %gather3A_1737, %gather3A : vector<16xf32>
        %add3A_1739 = arith.constant 16 : i32
        %add3A_1740 = vector.broadcast %add3A_1739 : i32 to vector<16xi32>
        %add3A_1741 = arith.addi %iota3A, %add3A_1740 : vector<16xi32>
        %gather3A_1742 = tpu.vector_load_idx %arg19[%broadcast_in_dim3A_1736, %add3A_1741] : memref<80x128xf32, #tpu.memory_space<vmem>>[vector<16xi32>, vector<16xi32>], vector<16xf32>,
        %mul3A_1743 = arith.mulf %gather3A_1742, %gather3A_1071 : vector<16xf32>
        %add3A_1744 = arith.addf %mul3A_1738, %mul3A_1743 : vector<16xf32>
        %add3A_1745 = arith.constant 32 : i32
        %add3A_1746 = vector.broadcast %add3A_1745 : i32 to vector<16xi32>
        %add3A_1747 = arith.addi %iota3A, %add3A_1746 : vector<16xi32>
        %gather3A_1748 = tpu.vector_load_idx %arg19[%broadcast_in_dim3A_1736, %add3A_1747] : memref<80x128xf32, #tpu.memory_space<vmem>>[vector<16xi32>, vector<16xi32>], vector<16xf32>,
        %mul3A_1749 = arith.mulf %gather3A_1748, %gather3A_1075 : vector<16xf32>
        %add3A_1750 = arith.addf %add3A_1744, %mul3A_1749 : vector<16xf32>
        %add3A_1751 = arith.constant 48 : i32
        %add3A_1752 = vector.broadcast %add3A_1751 : i32 to vector<16xi32>
        %add3A_1753 = arith.addi %iota3A, %add3A_1752 : vector<16xi32>
        %gather3A_1754 = tpu.vector_load_idx %arg19[%broadcast_in_dim3A_1736, %add3A_1753] : memref<80x128xf32, #tpu.memory_space<vmem>>[vector<16xi32>, vector<16xi32>], vector<16xf32>,
        %mul3A_1755 = arith.mulf %gather3A_1754, %gather3A_1079 : vector<16xf32>
        %add3A_1756 = arith.addf %add3A_1750, %mul3A_1755 : vector<16xf32>
        %add3A_1757 = arith.constant 64 : i32
        %add3A_1758 = vector.broadcast %add3A_1757 : i32 to vector<16xi32>
        %add3A_1759 = arith.addi %iota3A, %add3A_1758 : vector<16xi32>
        %gather3A_1760 = tpu.vector_load_idx %arg19[%broadcast_in_dim3A_1736, %add3A_1759] : memref<80x128xf32, #tpu.memory_space<vmem>>[vector<16xi32>, vector<16xi32>], vector<16xf32>,
        %mul3A_1761 = arith.mulf %gather3A_1760, %gather3A_1083 : vector<16xf32>
        %add3A_1762 = arith.addf %add3A_1756, %mul3A_1761 : vector<16xf32>
        %add3A_1763 = arith.constant 80 : i32
        %add3A_1764 = vector.broadcast %add3A_1763 : i32 to vector<16xi32>
        %add3A_1765 = arith.addi %iota3A, %add3A_1764 : vector<16xi32>
        %gather3A_1766 = tpu.vector_load_idx %arg19[%broadcast_in_dim3A_1736, %add3A_1765] : memref<80x128xf32, #tpu.memory_space<vmem>>[vector<16xi32>, vector<16xi32>], vector<16xf32>,
        %mul3A_1767 = arith.mulf %gather3A_1766, %gather3A_1087 : vector<16xf32>
        %add3A_1768 = arith.addf %add3A_1762, %mul3A_1767 : vector<16xf32>
        %add3A_1769 = arith.constant 96 : i32
        %add3A_1770 = vector.broadcast %add3A_1769 : i32 to vector<16xi32>
        %add3A_1771 = arith.addi %iota3A, %add3A_1770 : vector<16xi32>
        %gather3A_1772 = tpu.vector_load_idx %arg19[%broadcast_in_dim3A_1736, %add3A_1771] : memref<80x128xf32, #tpu.memory_space<vmem>>[vector<16xi32>, vector<16xi32>], vector<16xf32>,
        %mul3A_1773 = arith.mulf %gather3A_1772, %gather3A_1091 : vector<16xf32>
        %add3A_1774 = arith.addf %add3A_1768, %mul3A_1773 : vector<16xf32>
        %add3A_1775 = arith.constant 112 : i32
        %add3A_1776 = vector.broadcast %add3A_1775 : i32 to vector<16xi32>
        %add3A_1777 = arith.addi %iota3A, %add3A_1776 : vector<16xi32>
        %gather3A_1778 = tpu.vector_load_idx %arg19[%broadcast_in_dim3A_1736, %add3A_1777] : memref<80x128xf32, #tpu.memory_space<vmem>>[vector<16xi32>, vector<16xi32>], vector<16xf32>,
        %mul3A_1779 = arith.mulf %gather3A_1778, %gather3A_1095 : vector<16xf32>
        %add3A_1780 = arith.addf %add3A_1774, %mul3A_1779 : vector<16xf32>
        %swap3A_1781 = arith.constant 12 : i32
        %swap3A_1782 = arith.index_cast %swap3A_1781 : i32 to index
        %swap3A_1783 = arith.constant 0 : index
        %swap3A_1784 = tpu.vector_load %arg26[%swap3A_1782, %swap3A_1783] {strides = array<i32>} : memref<32x16xf32, #tpu.memory_space<vmem>>, vector<16xf32>,
        tpu.vector_store %arg26[%swap3A_1782, %swap3A_1783], %add3A_1780 {strides = array<i32>} : memref<32x16xf32, #tpu.memory_space<vmem>>, vector<16xf32>,
        %mul3A_1785 = arith.constant 20 : i32
        %mul3A_1786 = arith.muli %scan3A_1063, %mul3A_1785 : i32
        %add3A_1787 = arith.constant 13 : i32
        %add3A_1788 = arith.addi %mul3A_1786, %add3A_1787 : i32
        %broadcast_in_dim3A_1789 = vector.broadcast %add3A_1788 : i32 to vector<16xi32>
        %gather3A_1790 = tpu.vector_load_idx %arg19[%broadcast_in_dim3A_1789, %iota3A] : memref<80x128xf32, #tpu.memory_space<vmem>>[vector<16xi32>, vector<16xi32>], vector<16xf32>,
        %mul3A_1791 = arith.mulf %gather3A_1790, %gather3A : vector<16xf32>
        %add3A_1792 = arith.constant 16 : i32
        %add3A_1793 = vector.broadcast %add3A_1792 : i32 to vector<16xi32>
        %add3A_1794 = arith.addi %iota3A, %add3A_1793 : vector<16xi32>
        %gather3A_1795 = tpu.vector_load_idx %arg19[%broadcast_in_dim3A_1789, %add3A_1794] : memref<80x128xf32, #tpu.memory_space<vmem>>[vector<16xi32>, vector<16xi32>], vector<16xf32>,
        %mul3A_1796 = arith.mulf %gather3A_1795, %gather3A_1071 : vector<16xf32>
        %add3A_1797 = arith.addf %mul3A_1791, %mul3A_1796 : vector<16xf32>
        %add3A_1798 = arith.constant 32 : i32
        %add3A_1799 = vector.broadcast %add3A_1798 : i32 to vector<16xi32>
        %add3A_1800 = arith.addi %iota3A, %add3A_1799 : vector<16xi32>
        %gather3A_1801 = tpu.vector_load_idx %arg19[%broadcast_in_dim3A_1789, %add3A_1800] : memref<80x128xf32, #tpu.memory_space<vmem>>[vector<16xi32>, vector<16xi32>], vector<16xf32>,
        %mul3A_1802 = arith.mulf %gather3A_1801, %gather3A_1075 : vector<16xf32>
        %add3A_1803 = arith.addf %add3A_1797, %mul3A_1802 : vector<16xf32>
        %add3A_1804 = arith.constant 48 : i32
        %add3A_1805 = vector.broadcast %add3A_1804 : i32 to vector<16xi32>
        %add3A_1806 = arith.addi %iota3A, %add3A_1805 : vector<16xi32>
        %gather3A_1807 = tpu.vector_load_idx %arg19[%broadcast_in_dim3A_1789, %add3A_1806] : memref<80x128xf32, #tpu.memory_space<vmem>>[vector<16xi32>, vector<16xi32>], vector<16xf32>,
        %mul3A_1808 = arith.mulf %gather3A_1807, %gather3A_1079 : vector<16xf32>
        %add3A_1809 = arith.addf %add3A_1803, %mul3A_1808 : vector<16xf32>
        %add3A_1810 = arith.constant 64 : i32
        %add3A_1811 = vector.broadcast %add3A_1810 : i32 to vector<16xi32>
        %add3A_1812 = arith.addi %iota3A, %add3A_1811 : vector<16xi32>
        %gather3A_1813 = tpu.vector_load_idx %arg19[%broadcast_in_dim3A_1789, %add3A_1812] : memref<80x128xf32, #tpu.memory_space<vmem>>[vector<16xi32>, vector<16xi32>], vector<16xf32>,
        %mul3A_1814 = arith.mulf %gather3A_1813, %gather3A_1083 : vector<16xf32>
        %add3A_1815 = arith.addf %add3A_1809, %mul3A_1814 : vector<16xf32>
        %add3A_1816 = arith.constant 80 : i32
        %add3A_1817 = vector.broadcast %add3A_1816 : i32 to vector<16xi32>
        %add3A_1818 = arith.addi %iota3A, %add3A_1817 : vector<16xi32>
        %gather3A_1819 = tpu.vector_load_idx %arg19[%broadcast_in_dim3A_1789, %add3A_1818] : memref<80x128xf32, #tpu.memory_space<vmem>>[vector<16xi32>, vector<16xi32>], vector<16xf32>,
        %mul3A_1820 = arith.mulf %gather3A_1819, %gather3A_1087 : vector<16xf32>
        %add3A_1821 = arith.addf %add3A_1815, %mul3A_1820 : vector<16xf32>
        %add3A_1822 = arith.constant 96 : i32
        %add3A_1823 = vector.broadcast %add3A_1822 : i32 to vector<16xi32>
        %add3A_1824 = arith.addi %iota3A, %add3A_1823 : vector<16xi32>
        %gather3A_1825 = tpu.vector_load_idx %arg19[%broadcast_in_dim3A_1789, %add3A_1824] : memref<80x128xf32, #tpu.memory_space<vmem>>[vector<16xi32>, vector<16xi32>], vector<16xf32>,
        %mul3A_1826 = arith.mulf %gather3A_1825, %gather3A_1091 : vector<16xf32>
        %add3A_1827 = arith.addf %add3A_1821, %mul3A_1826 : vector<16xf32>
        %add3A_1828 = arith.constant 112 : i32
        %add3A_1829 = vector.broadcast %add3A_1828 : i32 to vector<16xi32>
        %add3A_1830 = arith.addi %iota3A, %add3A_1829 : vector<16xi32>
        %gather3A_1831 = tpu.vector_load_idx %arg19[%broadcast_in_dim3A_1789, %add3A_1830] : memref<80x128xf32, #tpu.memory_space<vmem>>[vector<16xi32>, vector<16xi32>], vector<16xf32>,
        %mul3A_1832 = arith.mulf %gather3A_1831, %gather3A_1095 : vector<16xf32>
        %add3A_1833 = arith.addf %add3A_1827, %mul3A_1832 : vector<16xf32>
        %swap3A_1834 = arith.constant 13 : i32
        %swap3A_1835 = arith.index_cast %swap3A_1834 : i32 to index
        %swap3A_1836 = arith.constant 0 : index
        %swap3A_1837 = tpu.vector_load %arg26[%swap3A_1835, %swap3A_1836] {strides = array<i32>} : memref<32x16xf32, #tpu.memory_space<vmem>>, vector<16xf32>,
        tpu.vector_store %arg26[%swap3A_1835, %swap3A_1836], %add3A_1833 {strides = array<i32>} : memref<32x16xf32, #tpu.memory_space<vmem>>, vector<16xf32>,
        %mul3A_1838 = arith.constant 20 : i32
        %mul3A_1839 = arith.muli %scan3A_1063, %mul3A_1838 : i32
        %add3A_1840 = arith.constant 14 : i32
        %add3A_1841 = arith.addi %mul3A_1839, %add3A_1840 : i32
        %broadcast_in_dim3A_1842 = vector.broadcast %add3A_1841 : i32 to vector<16xi32>
        %gather3A_1843 = tpu.vector_load_idx %arg19[%broadcast_in_dim3A_1842, %iota3A] : memref<80x128xf32, #tpu.memory_space<vmem>>[vector<16xi32>, vector<16xi32>], vector<16xf32>,
        %mul3A_1844 = arith.mulf %gather3A_1843, %gather3A : vector<16xf32>
        %add3A_1845 = arith.constant 16 : i32
        %add3A_1846 = vector.broadcast %add3A_1845 : i32 to vector<16xi32>
        %add3A_1847 = arith.addi %iota3A, %add3A_1846 : vector<16xi32>
        %gather3A_1848 = tpu.vector_load_idx %arg19[%broadcast_in_dim3A_1842, %add3A_1847] : memref<80x128xf32, #tpu.memory_space<vmem>>[vector<16xi32>, vector<16xi32>], vector<16xf32>,
        %mul3A_1849 = arith.mulf %gather3A_1848, %gather3A_1071 : vector<16xf32>
        %add3A_1850 = arith.addf %mul3A_1844, %mul3A_1849 : vector<16xf32>
        %add3A_1851 = arith.constant 32 : i32
        %add3A_1852 = vector.broadcast %add3A_1851 : i32 to vector<16xi32>
        %add3A_1853 = arith.addi %iota3A, %add3A_1852 : vector<16xi32>
        %gather3A_1854 = tpu.vector_load_idx %arg19[%broadcast_in_dim3A_1842, %add3A_1853] : memref<80x128xf32, #tpu.memory_space<vmem>>[vector<16xi32>, vector<16xi32>], vector<16xf32>,
        %mul3A_1855 = arith.mulf %gather3A_1854, %gather3A_1075 : vector<16xf32>
        %add3A_1856 = arith.addf %add3A_1850, %mul3A_1855 : vector<16xf32>
        %add3A_1857 = arith.constant 48 : i32
        %add3A_1858 = vector.broadcast %add3A_1857 : i32 to vector<16xi32>
        %add3A_1859 = arith.addi %iota3A, %add3A_1858 : vector<16xi32>
        %gather3A_1860 = tpu.vector_load_idx %arg19[%broadcast_in_dim3A_1842, %add3A_1859] : memref<80x128xf32, #tpu.memory_space<vmem>>[vector<16xi32>, vector<16xi32>], vector<16xf32>,
        %mul3A_1861 = arith.mulf %gather3A_1860, %gather3A_1079 : vector<16xf32>
        %add3A_1862 = arith.addf %add3A_1856, %mul3A_1861 : vector<16xf32>
        %add3A_1863 = arith.constant 64 : i32
        %add3A_1864 = vector.broadcast %add3A_1863 : i32 to vector<16xi32>
        %add3A_1865 = arith.addi %iota3A, %add3A_1864 : vector<16xi32>
        %gather3A_1866 = tpu.vector_load_idx %arg19[%broadcast_in_dim3A_1842, %add3A_1865] : memref<80x128xf32, #tpu.memory_space<vmem>>[vector<16xi32>, vector<16xi32>], vector<16xf32>,
        %mul3A_1867 = arith.mulf %gather3A_1866, %gather3A_1083 : vector<16xf32>
        %add3A_1868 = arith.addf %add3A_1862, %mul3A_1867 : vector<16xf32>
        %add3A_1869 = arith.constant 80 : i32
        %add3A_1870 = vector.broadcast %add3A_1869 : i32 to vector<16xi32>
        %add3A_1871 = arith.addi %iota3A, %add3A_1870 : vector<16xi32>
        %gather3A_1872 = tpu.vector_load_idx %arg19[%broadcast_in_dim3A_1842, %add3A_1871] : memref<80x128xf32, #tpu.memory_space<vmem>>[vector<16xi32>, vector<16xi32>], vector<16xf32>,
        %mul3A_1873 = arith.mulf %gather3A_1872, %gather3A_1087 : vector<16xf32>
        %add3A_1874 = arith.addf %add3A_1868, %mul3A_1873 : vector<16xf32>
        %add3A_1875 = arith.constant 96 : i32
        %add3A_1876 = vector.broadcast %add3A_1875 : i32 to vector<16xi32>
        %add3A_1877 = arith.addi %iota3A, %add3A_1876 : vector<16xi32>
        %gather3A_1878 = tpu.vector_load_idx %arg19[%broadcast_in_dim3A_1842, %add3A_1877] : memref<80x128xf32, #tpu.memory_space<vmem>>[vector<16xi32>, vector<16xi32>], vector<16xf32>,
        %mul3A_1879 = arith.mulf %gather3A_1878, %gather3A_1091 : vector<16xf32>
        %add3A_1880 = arith.addf %add3A_1874, %mul3A_1879 : vector<16xf32>
        %add3A_1881 = arith.constant 112 : i32
        %add3A_1882 = vector.broadcast %add3A_1881 : i32 to vector<16xi32>
        %add3A_1883 = arith.addi %iota3A, %add3A_1882 : vector<16xi32>
        %gather3A_1884 = tpu.vector_load_idx %arg19[%broadcast_in_dim3A_1842, %add3A_1883] : memref<80x128xf32, #tpu.memory_space<vmem>>[vector<16xi32>, vector<16xi32>], vector<16xf32>,
        %mul3A_1885 = arith.mulf %gather3A_1884, %gather3A_1095 : vector<16xf32>
        %add3A_1886 = arith.addf %add3A_1880, %mul3A_1885 : vector<16xf32>
        %swap3A_1887 = arith.constant 14 : i32
        %swap3A_1888 = arith.index_cast %swap3A_1887 : i32 to index
        %swap3A_1889 = arith.constant 0 : index
        %swap3A_1890 = tpu.vector_load %arg26[%swap3A_1888, %swap3A_1889] {strides = array<i32>} : memref<32x16xf32, #tpu.memory_space<vmem>>, vector<16xf32>,
        tpu.vector_store %arg26[%swap3A_1888, %swap3A_1889], %add3A_1886 {strides = array<i32>} : memref<32x16xf32, #tpu.memory_space<vmem>>, vector<16xf32>,
        %mul3A_1891 = arith.constant 20 : i32
        %mul3A_1892 = arith.muli %scan3A_1063, %mul3A_1891 : i32
        %add3A_1893 = arith.constant 15 : i32
        %add3A_1894 = arith.addi %mul3A_1892, %add3A_1893 : i32
        %broadcast_in_dim3A_1895 = vector.broadcast %add3A_1894 : i32 to vector<16xi32>
        %gather3A_1896 = tpu.vector_load_idx %arg19[%broadcast_in_dim3A_1895, %iota3A] : memref<80x128xf32, #tpu.memory_space<vmem>>[vector<16xi32>, vector<16xi32>], vector<16xf32>,
        %mul3A_1897 = arith.mulf %gather3A_1896, %gather3A : vector<16xf32>
        %add3A_1898 = arith.constant 16 : i32
        %add3A_1899 = vector.broadcast %add3A_1898 : i32 to vector<16xi32>
        %add3A_1900 = arith.addi %iota3A, %add3A_1899 : vector<16xi32>
        %gather3A_1901 = tpu.vector_load_idx %arg19[%broadcast_in_dim3A_1895, %add3A_1900] : memref<80x128xf32, #tpu.memory_space<vmem>>[vector<16xi32>, vector<16xi32>], vector<16xf32>,
        %mul3A_1902 = arith.mulf %gather3A_1901, %gather3A_1071 : vector<16xf32>
        %add3A_1903 = arith.addf %mul3A_1897, %mul3A_1902 : vector<16xf32>
        %add3A_1904 = arith.constant 32 : i32
        %add3A_1905 = vector.broadcast %add3A_1904 : i32 to vector<16xi32>
        %add3A_1906 = arith.addi %iota3A, %add3A_1905 : vector<16xi32>
        %gather3A_1907 = tpu.vector_load_idx %arg19[%broadcast_in_dim3A_1895, %add3A_1906] : memref<80x128xf32, #tpu.memory_space<vmem>>[vector<16xi32>, vector<16xi32>], vector<16xf32>,
        %mul3A_1908 = arith.mulf %gather3A_1907, %gather3A_1075 : vector<16xf32>
        %add3A_1909 = arith.addf %add3A_1903, %mul3A_1908 : vector<16xf32>
        %add3A_1910 = arith.constant 48 : i32
        %add3A_1911 = vector.broadcast %add3A_1910 : i32 to vector<16xi32>
        %add3A_1912 = arith.addi %iota3A, %add3A_1911 : vector<16xi32>
        %gather3A_1913 = tpu.vector_load_idx %arg19[%broadcast_in_dim3A_1895, %add3A_1912] : memref<80x128xf32, #tpu.memory_space<vmem>>[vector<16xi32>, vector<16xi32>], vector<16xf32>,
        %mul3A_1914 = arith.mulf %gather3A_1913, %gather3A_1079 : vector<16xf32>
        %add3A_1915 = arith.addf %add3A_1909, %mul3A_1914 : vector<16xf32>
        %add3A_1916 = arith.constant 64 : i32
        %add3A_1917 = vector.broadcast %add3A_1916 : i32 to vector<16xi32>
        %add3A_1918 = arith.addi %iota3A, %add3A_1917 : vector<16xi32>
        %gather3A_1919 = tpu.vector_load_idx %arg19[%broadcast_in_dim3A_1895, %add3A_1918] : memref<80x128xf32, #tpu.memory_space<vmem>>[vector<16xi32>, vector<16xi32>], vector<16xf32>,
        %mul3A_1920 = arith.mulf %gather3A_1919, %gather3A_1083 : vector<16xf32>
        %add3A_1921 = arith.addf %add3A_1915, %mul3A_1920 : vector<16xf32>
        %add3A_1922 = arith.constant 80 : i32
        %add3A_1923 = vector.broadcast %add3A_1922 : i32 to vector<16xi32>
        %add3A_1924 = arith.addi %iota3A, %add3A_1923 : vector<16xi32>
        %gather3A_1925 = tpu.vector_load_idx %arg19[%broadcast_in_dim3A_1895, %add3A_1924] : memref<80x128xf32, #tpu.memory_space<vmem>>[vector<16xi32>, vector<16xi32>], vector<16xf32>,
        %mul3A_1926 = arith.mulf %gather3A_1925, %gather3A_1087 : vector<16xf32>
        %add3A_1927 = arith.addf %add3A_1921, %mul3A_1926 : vector<16xf32>
        %add3A_1928 = arith.constant 96 : i32
        %add3A_1929 = vector.broadcast %add3A_1928 : i32 to vector<16xi32>
        %add3A_1930 = arith.addi %iota3A, %add3A_1929 : vector<16xi32>
        %gather3A_1931 = tpu.vector_load_idx %arg19[%broadcast_in_dim3A_1895, %add3A_1930] : memref<80x128xf32, #tpu.memory_space<vmem>>[vector<16xi32>, vector<16xi32>], vector<16xf32>,
        %mul3A_1932 = arith.mulf %gather3A_1931, %gather3A_1091 : vector<16xf32>
        %add3A_1933 = arith.addf %add3A_1927, %mul3A_1932 : vector<16xf32>
        %add3A_1934 = arith.constant 112 : i32
        %add3A_1935 = vector.broadcast %add3A_1934 : i32 to vector<16xi32>
        %add3A_1936 = arith.addi %iota3A, %add3A_1935 : vector<16xi32>
        %gather3A_1937 = tpu.vector_load_idx %arg19[%broadcast_in_dim3A_1895, %add3A_1936] : memref<80x128xf32, #tpu.memory_space<vmem>>[vector<16xi32>, vector<16xi32>], vector<16xf32>,
        %mul3A_1938 = arith.mulf %gather3A_1937, %gather3A_1095 : vector<16xf32>
        %add3A_1939 = arith.addf %add3A_1933, %mul3A_1938 : vector<16xf32>
        %swap3A_1940 = arith.constant 15 : i32
        %swap3A_1941 = arith.index_cast %swap3A_1940 : i32 to index
        %swap3A_1942 = arith.constant 0 : index
        %swap3A_1943 = tpu.vector_load %arg26[%swap3A_1941, %swap3A_1942] {strides = array<i32>} : memref<32x16xf32, #tpu.memory_space<vmem>>, vector<16xf32>,
        tpu.vector_store %arg26[%swap3A_1941, %swap3A_1942], %add3A_1939 {strides = array<i32>} : memref<32x16xf32, #tpu.memory_space<vmem>>, vector<16xf32>,
        %mul3A_1944 = arith.constant 20 : i32
        %mul3A_1945 = arith.muli %scan3A_1063, %mul3A_1944 : i32
        %add3A_1946 = arith.constant 16 : i32
        %add3A_1947 = arith.addi %mul3A_1945, %add3A_1946 : i32
        %broadcast_in_dim3A_1948 = vector.broadcast %add3A_1947 : i32 to vector<16xi32>
        %gather3A_1949 = tpu.vector_load_idx %arg19[%broadcast_in_dim3A_1948, %iota3A] : memref<80x128xf32, #tpu.memory_space<vmem>>[vector<16xi32>, vector<16xi32>], vector<16xf32>,
        %mul3A_1950 = arith.mulf %gather3A_1949, %gather3A : vector<16xf32>
        %add3A_1951 = arith.constant 16 : i32
        %add3A_1952 = vector.broadcast %add3A_1951 : i32 to vector<16xi32>
        %add3A_1953 = arith.addi %iota3A, %add3A_1952 : vector<16xi32>
        %gather3A_1954 = tpu.vector_load_idx %arg19[%broadcast_in_dim3A_1948, %add3A_1953] : memref<80x128xf32, #tpu.memory_space<vmem>>[vector<16xi32>, vector<16xi32>], vector<16xf32>,
        %mul3A_1955 = arith.mulf %gather3A_1954, %gather3A_1071 : vector<16xf32>
        %add3A_1956 = arith.addf %mul3A_1950, %mul3A_1955 : vector<16xf32>
        %add3A_1957 = arith.constant 32 : i32
        %add3A_1958 = vector.broadcast %add3A_1957 : i32 to vector<16xi32>
        %add3A_1959 = arith.addi %iota3A, %add3A_1958 : vector<16xi32>
        %gather3A_1960 = tpu.vector_load_idx %arg19[%broadcast_in_dim3A_1948, %add3A_1959] : memref<80x128xf32, #tpu.memory_space<vmem>>[vector<16xi32>, vector<16xi32>], vector<16xf32>,
        %mul3A_1961 = arith.mulf %gather3A_1960, %gather3A_1075 : vector<16xf32>
        %add3A_1962 = arith.addf %add3A_1956, %mul3A_1961 : vector<16xf32>
        %add3A_1963 = arith.constant 48 : i32
        %add3A_1964 = vector.broadcast %add3A_1963 : i32 to vector<16xi32>
        %add3A_1965 = arith.addi %iota3A, %add3A_1964 : vector<16xi32>
        %gather3A_1966 = tpu.vector_load_idx %arg19[%broadcast_in_dim3A_1948, %add3A_1965] : memref<80x128xf32, #tpu.memory_space<vmem>>[vector<16xi32>, vector<16xi32>], vector<16xf32>,
        %mul3A_1967 = arith.mulf %gather3A_1966, %gather3A_1079 : vector<16xf32>
        %add3A_1968 = arith.addf %add3A_1962, %mul3A_1967 : vector<16xf32>
        %add3A_1969 = arith.constant 64 : i32
        %add3A_1970 = vector.broadcast %add3A_1969 : i32 to vector<16xi32>
        %add3A_1971 = arith.addi %iota3A, %add3A_1970 : vector<16xi32>
        %gather3A_1972 = tpu.vector_load_idx %arg19[%broadcast_in_dim3A_1948, %add3A_1971] : memref<80x128xf32, #tpu.memory_space<vmem>>[vector<16xi32>, vector<16xi32>], vector<16xf32>,
        %mul3A_1973 = arith.mulf %gather3A_1972, %gather3A_1083 : vector<16xf32>
        %add3A_1974 = arith.addf %add3A_1968, %mul3A_1973 : vector<16xf32>
        %add3A_1975 = arith.constant 80 : i32
        %add3A_1976 = vector.broadcast %add3A_1975 : i32 to vector<16xi32>
        %add3A_1977 = arith.addi %iota3A, %add3A_1976 : vector<16xi32>
        %gather3A_1978 = tpu.vector_load_idx %arg19[%broadcast_in_dim3A_1948, %add3A_1977] : memref<80x128xf32, #tpu.memory_space<vmem>>[vector<16xi32>, vector<16xi32>], vector<16xf32>,
        %mul3A_1979 = arith.mulf %gather3A_1978, %gather3A_1087 : vector<16xf32>
        %add3A_1980 = arith.addf %add3A_1974, %mul3A_1979 : vector<16xf32>
        %add3A_1981 = arith.constant 96 : i32
        %add3A_1982 = vector.broadcast %add3A_1981 : i32 to vector<16xi32>
        %add3A_1983 = arith.addi %iota3A, %add3A_1982 : vector<16xi32>
        %gather3A_1984 = tpu.vector_load_idx %arg19[%broadcast_in_dim3A_1948, %add3A_1983] : memref<80x128xf32, #tpu.memory_space<vmem>>[vector<16xi32>, vector<16xi32>], vector<16xf32>,
        %mul3A_1985 = arith.mulf %gather3A_1984, %gather3A_1091 : vector<16xf32>
        %add3A_1986 = arith.addf %add3A_1980, %mul3A_1985 : vector<16xf32>
        %add3A_1987 = arith.constant 112 : i32
        %add3A_1988 = vector.broadcast %add3A_1987 : i32 to vector<16xi32>
        %add3A_1989 = arith.addi %iota3A, %add3A_1988 : vector<16xi32>
        %gather3A_1990 = tpu.vector_load_idx %arg19[%broadcast_in_dim3A_1948, %add3A_1989] : memref<80x128xf32, #tpu.memory_space<vmem>>[vector<16xi32>, vector<16xi32>], vector<16xf32>,
        %mul3A_1991 = arith.mulf %gather3A_1990, %gather3A_1095 : vector<16xf32>
        %add3A_1992 = arith.addf %add3A_1986, %mul3A_1991 : vector<16xf32>
        %swap3A_1993 = arith.constant 16 : i32
        %swap3A_1994 = arith.index_cast %swap3A_1993 : i32 to index
        %swap3A_1995 = arith.constant 0 : index
        %swap3A_1996 = tpu.vector_load %arg26[%swap3A_1994, %swap3A_1995] {strides = array<i32>} : memref<32x16xf32, #tpu.memory_space<vmem>>, vector<16xf32>,
        tpu.vector_store %arg26[%swap3A_1994, %swap3A_1995], %add3A_1992 {strides = array<i32>} : memref<32x16xf32, #tpu.memory_space<vmem>>, vector<16xf32>,
        %mul3A_1997 = arith.constant 20 : i32
        %mul3A_1998 = arith.muli %scan3A_1063, %mul3A_1997 : i32
        %add3A_1999 = arith.constant 17 : i32
        %add3A_2000 = arith.addi %mul3A_1998, %add3A_1999 : i32
        %broadcast_in_dim3A_2001 = vector.broadcast %add3A_2000 : i32 to vector<16xi32>
        %gather3A_2002 = tpu.vector_load_idx %arg19[%broadcast_in_dim3A_2001, %iota3A] : memref<80x128xf32, #tpu.memory_space<vmem>>[vector<16xi32>, vector<16xi32>], vector<16xf32>,
        %mul3A_2003 = arith.mulf %gather3A_2002, %gather3A : vector<16xf32>
        %add3A_2004 = arith.constant 16 : i32
        %add3A_2005 = vector.broadcast %add3A_2004 : i32 to vector<16xi32>
        %add3A_2006 = arith.addi %iota3A, %add3A_2005 : vector<16xi32>
        %gather3A_2007 = tpu.vector_load_idx %arg19[%broadcast_in_dim3A_2001, %add3A_2006] : memref<80x128xf32, #tpu.memory_space<vmem>>[vector<16xi32>, vector<16xi32>], vector<16xf32>,
        %mul3A_2008 = arith.mulf %gather3A_2007, %gather3A_1071 : vector<16xf32>
        %add3A_2009 = arith.addf %mul3A_2003, %mul3A_2008 : vector<16xf32>
        %add3A_2010 = arith.constant 32 : i32
        %add3A_2011 = vector.broadcast %add3A_2010 : i32 to vector<16xi32>
        %add3A_2012 = arith.addi %iota3A, %add3A_2011 : vector<16xi32>
        %gather3A_2013 = tpu.vector_load_idx %arg19[%broadcast_in_dim3A_2001, %add3A_2012] : memref<80x128xf32, #tpu.memory_space<vmem>>[vector<16xi32>, vector<16xi32>], vector<16xf32>,
        %mul3A_2014 = arith.mulf %gather3A_2013, %gather3A_1075 : vector<16xf32>
        %add3A_2015 = arith.addf %add3A_2009, %mul3A_2014 : vector<16xf32>
        %add3A_2016 = arith.constant 48 : i32
        %add3A_2017 = vector.broadcast %add3A_2016 : i32 to vector<16xi32>
        %add3A_2018 = arith.addi %iota3A, %add3A_2017 : vector<16xi32>
        %gather3A_2019 = tpu.vector_load_idx %arg19[%broadcast_in_dim3A_2001, %add3A_2018] : memref<80x128xf32, #tpu.memory_space<vmem>>[vector<16xi32>, vector<16xi32>], vector<16xf32>,
        %mul3A_2020 = arith.mulf %gather3A_2019, %gather3A_1079 : vector<16xf32>
        %add3A_2021 = arith.addf %add3A_2015, %mul3A_2020 : vector<16xf32>
        %add3A_2022 = arith.constant 64 : i32
        %add3A_2023 = vector.broadcast %add3A_2022 : i32 to vector<16xi32>
        %add3A_2024 = arith.addi %iota3A, %add3A_2023 : vector<16xi32>
        %gather3A_2025 = tpu.vector_load_idx %arg19[%broadcast_in_dim3A_2001, %add3A_2024] : memref<80x128xf32, #tpu.memory_space<vmem>>[vector<16xi32>, vector<16xi32>], vector<16xf32>,
        %mul3A_2026 = arith.mulf %gather3A_2025, %gather3A_1083 : vector<16xf32>
        %add3A_2027 = arith.addf %add3A_2021, %mul3A_2026 : vector<16xf32>
        %add3A_2028 = arith.constant 80 : i32
        %add3A_2029 = vector.broadcast %add3A_2028 : i32 to vector<16xi32>
        %add3A_2030 = arith.addi %iota3A, %add3A_2029 : vector<16xi32>
        %gather3A_2031 = tpu.vector_load_idx %arg19[%broadcast_in_dim3A_2001, %add3A_2030] : memref<80x128xf32, #tpu.memory_space<vmem>>[vector<16xi32>, vector<16xi32>], vector<16xf32>,
        %mul3A_2032 = arith.mulf %gather3A_2031, %gather3A_1087 : vector<16xf32>
        %add3A_2033 = arith.addf %add3A_2027, %mul3A_2032 : vector<16xf32>
        %add3A_2034 = arith.constant 96 : i32
        %add3A_2035 = vector.broadcast %add3A_2034 : i32 to vector<16xi32>
        %add3A_2036 = arith.addi %iota3A, %add3A_2035 : vector<16xi32>
        %gather3A_2037 = tpu.vector_load_idx %arg19[%broadcast_in_dim3A_2001, %add3A_2036] : memref<80x128xf32, #tpu.memory_space<vmem>>[vector<16xi32>, vector<16xi32>], vector<16xf32>,
        %mul3A_2038 = arith.mulf %gather3A_2037, %gather3A_1091 : vector<16xf32>
        %add3A_2039 = arith.addf %add3A_2033, %mul3A_2038 : vector<16xf32>
        %add3A_2040 = arith.constant 112 : i32
        %add3A_2041 = vector.broadcast %add3A_2040 : i32 to vector<16xi32>
        %add3A_2042 = arith.addi %iota3A, %add3A_2041 : vector<16xi32>
        %gather3A_2043 = tpu.vector_load_idx %arg19[%broadcast_in_dim3A_2001, %add3A_2042] : memref<80x128xf32, #tpu.memory_space<vmem>>[vector<16xi32>, vector<16xi32>], vector<16xf32>,
        %mul3A_2044 = arith.mulf %gather3A_2043, %gather3A_1095 : vector<16xf32>
        %add3A_2045 = arith.addf %add3A_2039, %mul3A_2044 : vector<16xf32>
        %swap3A_2046 = arith.constant 17 : i32
        %swap3A_2047 = arith.index_cast %swap3A_2046 : i32 to index
        %swap3A_2048 = arith.constant 0 : index
        %swap3A_2049 = tpu.vector_load %arg26[%swap3A_2047, %swap3A_2048] {strides = array<i32>} : memref<32x16xf32, #tpu.memory_space<vmem>>, vector<16xf32>,
        tpu.vector_store %arg26[%swap3A_2047, %swap3A_2048], %add3A_2045 {strides = array<i32>} : memref<32x16xf32, #tpu.memory_space<vmem>>, vector<16xf32>,
        %mul3A_2050 = arith.constant 20 : i32
        %mul3A_2051 = arith.muli %scan3A_1063, %mul3A_2050 : i32
        %add3A_2052 = arith.constant 18 : i32
        %add3A_2053 = arith.addi %mul3A_2051, %add3A_2052 : i32
        %broadcast_in_dim3A_2054 = vector.broadcast %add3A_2053 : i32 to vector<16xi32>
        %gather3A_2055 = tpu.vector_load_idx %arg19[%broadcast_in_dim3A_2054, %iota3A] : memref<80x128xf32, #tpu.memory_space<vmem>>[vector<16xi32>, vector<16xi32>], vector<16xf32>,
        %mul3A_2056 = arith.mulf %gather3A_2055, %gather3A : vector<16xf32>
        %add3A_2057 = arith.constant 16 : i32
        %add3A_2058 = vector.broadcast %add3A_2057 : i32 to vector<16xi32>
        %add3A_2059 = arith.addi %iota3A, %add3A_2058 : vector<16xi32>
        %gather3A_2060 = tpu.vector_load_idx %arg19[%broadcast_in_dim3A_2054, %add3A_2059] : memref<80x128xf32, #tpu.memory_space<vmem>>[vector<16xi32>, vector<16xi32>], vector<16xf32>,
        %mul3A_2061 = arith.mulf %gather3A_2060, %gather3A_1071 : vector<16xf32>
        %add3A_2062 = arith.addf %mul3A_2056, %mul3A_2061 : vector<16xf32>
        %add3A_2063 = arith.constant 32 : i32
        %add3A_2064 = vector.broadcast %add3A_2063 : i32 to vector<16xi32>
        %add3A_2065 = arith.addi %iota3A, %add3A_2064 : vector<16xi32>
        %gather3A_2066 = tpu.vector_load_idx %arg19[%broadcast_in_dim3A_2054, %add3A_2065] : memref<80x128xf32, #tpu.memory_space<vmem>>[vector<16xi32>, vector<16xi32>], vector<16xf32>,
        %mul3A_2067 = arith.mulf %gather3A_2066, %gather3A_1075 : vector<16xf32>
        %add3A_2068 = arith.addf %add3A_2062, %mul3A_2067 : vector<16xf32>
        %add3A_2069 = arith.constant 48 : i32
        %add3A_2070 = vector.broadcast %add3A_2069 : i32 to vector<16xi32>
        %add3A_2071 = arith.addi %iota3A, %add3A_2070 : vector<16xi32>
        %gather3A_2072 = tpu.vector_load_idx %arg19[%broadcast_in_dim3A_2054, %add3A_2071] : memref<80x128xf32, #tpu.memory_space<vmem>>[vector<16xi32>, vector<16xi32>], vector<16xf32>,
        %mul3A_2073 = arith.mulf %gather3A_2072, %gather3A_1079 : vector<16xf32>
        %add3A_2074 = arith.addf %add3A_2068, %mul3A_2073 : vector<16xf32>
        %add3A_2075 = arith.constant 64 : i32
        %add3A_2076 = vector.broadcast %add3A_2075 : i32 to vector<16xi32>
        %add3A_2077 = arith.addi %iota3A, %add3A_2076 : vector<16xi32>
        %gather3A_2078 = tpu.vector_load_idx %arg19[%broadcast_in_dim3A_2054, %add3A_2077] : memref<80x128xf32, #tpu.memory_space<vmem>>[vector<16xi32>, vector<16xi32>], vector<16xf32>,
        %mul3A_2079 = arith.mulf %gather3A_2078, %gather3A_1083 : vector<16xf32>
        %add3A_2080 = arith.addf %add3A_2074, %mul3A_2079 : vector<16xf32>
        %add3A_2081 = arith.constant 80 : i32
        %add3A_2082 = vector.broadcast %add3A_2081 : i32 to vector<16xi32>
        %add3A_2083 = arith.addi %iota3A, %add3A_2082 : vector<16xi32>
        %gather3A_2084 = tpu.vector_load_idx %arg19[%broadcast_in_dim3A_2054, %add3A_2083] : memref<80x128xf32, #tpu.memory_space<vmem>>[vector<16xi32>, vector<16xi32>], vector<16xf32>,
        %mul3A_2085 = arith.mulf %gather3A_2084, %gather3A_1087 : vector<16xf32>
        %add3A_2086 = arith.addf %add3A_2080, %mul3A_2085 : vector<16xf32>
        %add3A_2087 = arith.constant 96 : i32
        %add3A_2088 = vector.broadcast %add3A_2087 : i32 to vector<16xi32>
        %add3A_2089 = arith.addi %iota3A, %add3A_2088 : vector<16xi32>
        %gather3A_2090 = tpu.vector_load_idx %arg19[%broadcast_in_dim3A_2054, %add3A_2089] : memref<80x128xf32, #tpu.memory_space<vmem>>[vector<16xi32>, vector<16xi32>], vector<16xf32>,
        %mul3A_2091 = arith.mulf %gather3A_2090, %gather3A_1091 : vector<16xf32>
        %add3A_2092 = arith.addf %add3A_2086, %mul3A_2091 : vector<16xf32>
        %add3A_2093 = arith.constant 112 : i32
        %add3A_2094 = vector.broadcast %add3A_2093 : i32 to vector<16xi32>
        %add3A_2095 = arith.addi %iota3A, %add3A_2094 : vector<16xi32>
        %gather3A_2096 = tpu.vector_load_idx %arg19[%broadcast_in_dim3A_2054, %add3A_2095] : memref<80x128xf32, #tpu.memory_space<vmem>>[vector<16xi32>, vector<16xi32>], vector<16xf32>,
        %mul3A_2097 = arith.mulf %gather3A_2096, %gather3A_1095 : vector<16xf32>
        %add3A_2098 = arith.addf %add3A_2092, %mul3A_2097 : vector<16xf32>
        %swap3A_2099 = arith.constant 18 : i32
        %swap3A_2100 = arith.index_cast %swap3A_2099 : i32 to index
        %swap3A_2101 = arith.constant 0 : index
        %swap3A_2102 = tpu.vector_load %arg26[%swap3A_2100, %swap3A_2101] {strides = array<i32>} : memref<32x16xf32, #tpu.memory_space<vmem>>, vector<16xf32>,
        tpu.vector_store %arg26[%swap3A_2100, %swap3A_2101], %add3A_2098 {strides = array<i32>} : memref<32x16xf32, #tpu.memory_space<vmem>>, vector<16xf32>,
        %mul3A_2103 = arith.constant 20 : i32
        %mul3A_2104 = arith.muli %scan3A_1063, %mul3A_2103 : i32
        %add3A_2105 = arith.constant 19 : i32
        %add3A_2106 = arith.addi %mul3A_2104, %add3A_2105 : i32
        %broadcast_in_dim3A_2107 = vector.broadcast %add3A_2106 : i32 to vector<16xi32>
        %gather3A_2108 = tpu.vector_load_idx %arg19[%broadcast_in_dim3A_2107, %iota3A] : memref<80x128xf32, #tpu.memory_space<vmem>>[vector<16xi32>, vector<16xi32>], vector<16xf32>,
        %mul3A_2109 = arith.mulf %gather3A_2108, %gather3A : vector<16xf32>
        %add3A_2110 = arith.constant 16 : i32
        %add3A_2111 = vector.broadcast %add3A_2110 : i32 to vector<16xi32>
        %add3A_2112 = arith.addi %iota3A, %add3A_2111 : vector<16xi32>
        %gather3A_2113 = tpu.vector_load_idx %arg19[%broadcast_in_dim3A_2107, %add3A_2112] : memref<80x128xf32, #tpu.memory_space<vmem>>[vector<16xi32>, vector<16xi32>], vector<16xf32>,
        %mul3A_2114 = arith.mulf %gather3A_2113, %gather3A_1071 : vector<16xf32>
        %add3A_2115 = arith.addf %mul3A_2109, %mul3A_2114 : vector<16xf32>
        %add3A_2116 = arith.constant 32 : i32
        %add3A_2117 = vector.broadcast %add3A_2116 : i32 to vector<16xi32>
        %add3A_2118 = arith.addi %iota3A, %add3A_2117 : vector<16xi32>
        %gather3A_2119 = tpu.vector_load_idx %arg19[%broadcast_in_dim3A_2107, %add3A_2118] : memref<80x128xf32, #tpu.memory_space<vmem>>[vector<16xi32>, vector<16xi32>], vector<16xf32>,
        %mul3A_2120 = arith.mulf %gather3A_2119, %gather3A_1075 : vector<16xf32>
        %add3A_2121 = arith.addf %add3A_2115, %mul3A_2120 : vector<16xf32>
        %add3A_2122 = arith.constant 48 : i32
        %add3A_2123 = vector.broadcast %add3A_2122 : i32 to vector<16xi32>
        %add3A_2124 = arith.addi %iota3A, %add3A_2123 : vector<16xi32>
        %gather3A_2125 = tpu.vector_load_idx %arg19[%broadcast_in_dim3A_2107, %add3A_2124] : memref<80x128xf32, #tpu.memory_space<vmem>>[vector<16xi32>, vector<16xi32>], vector<16xf32>,
        %mul3A_2126 = arith.mulf %gather3A_2125, %gather3A_1079 : vector<16xf32>
        %add3A_2127 = arith.addf %add3A_2121, %mul3A_2126 : vector<16xf32>
        %add3A_2128 = arith.constant 64 : i32
        %add3A_2129 = vector.broadcast %add3A_2128 : i32 to vector<16xi32>
        %add3A_2130 = arith.addi %iota3A, %add3A_2129 : vector<16xi32>
        %gather3A_2131 = tpu.vector_load_idx %arg19[%broadcast_in_dim3A_2107, %add3A_2130] : memref<80x128xf32, #tpu.memory_space<vmem>>[vector<16xi32>, vector<16xi32>], vector<16xf32>,
        %mul3A_2132 = arith.mulf %gather3A_2131, %gather3A_1083 : vector<16xf32>
        %add3A_2133 = arith.addf %add3A_2127, %mul3A_2132 : vector<16xf32>
        %add3A_2134 = arith.constant 80 : i32
        %add3A_2135 = vector.broadcast %add3A_2134 : i32 to vector<16xi32>
        %add3A_2136 = arith.addi %iota3A, %add3A_2135 : vector<16xi32>
        %gather3A_2137 = tpu.vector_load_idx %arg19[%broadcast_in_dim3A_2107, %add3A_2136] : memref<80x128xf32, #tpu.memory_space<vmem>>[vector<16xi32>, vector<16xi32>], vector<16xf32>,
        %mul3A_2138 = arith.mulf %gather3A_2137, %gather3A_1087 : vector<16xf32>
        %add3A_2139 = arith.addf %add3A_2133, %mul3A_2138 : vector<16xf32>
        %add3A_2140 = arith.constant 96 : i32
        %add3A_2141 = vector.broadcast %add3A_2140 : i32 to vector<16xi32>
        %add3A_2142 = arith.addi %iota3A, %add3A_2141 : vector<16xi32>
        %gather3A_2143 = tpu.vector_load_idx %arg19[%broadcast_in_dim3A_2107, %add3A_2142] : memref<80x128xf32, #tpu.memory_space<vmem>>[vector<16xi32>, vector<16xi32>], vector<16xf32>,
        %mul3A_2144 = arith.mulf %gather3A_2143, %gather3A_1091 : vector<16xf32>
        %add3A_2145 = arith.addf %add3A_2139, %mul3A_2144 : vector<16xf32>
        %add3A_2146 = arith.constant 112 : i32
        %add3A_2147 = vector.broadcast %add3A_2146 : i32 to vector<16xi32>
        %add3A_2148 = arith.addi %iota3A, %add3A_2147 : vector<16xi32>
        %gather3A_2149 = tpu.vector_load_idx %arg19[%broadcast_in_dim3A_2107, %add3A_2148] : memref<80x128xf32, #tpu.memory_space<vmem>>[vector<16xi32>, vector<16xi32>], vector<16xf32>,
        %mul3A_2150 = arith.mulf %gather3A_2149, %gather3A_1095 : vector<16xf32>
        %add3A_2151 = arith.addf %add3A_2145, %mul3A_2150 : vector<16xf32>
        %swap3A_2152 = arith.constant 19 : i32
        %swap3A_2153 = arith.index_cast %swap3A_2152 : i32 to index
        %swap3A_2154 = arith.constant 0 : index
        %swap3A_2155 = tpu.vector_load %arg26[%swap3A_2153, %swap3A_2154] {strides = array<i32>} : memref<32x16xf32, #tpu.memory_space<vmem>>, vector<16xf32>,
        tpu.vector_store %arg26[%swap3A_2153, %swap3A_2154], %add3A_2151 {strides = array<i32>} : memref<32x16xf32, #tpu.memory_space<vmem>>, vector<16xf32>,
        %add3A_2156 = arith.constant 0 : i32
        %add3A_2157 = vector.broadcast %add3A_2156 : i32 to vector<16xi32>
        %add3A_2158 = arith.addi %iota3A, %add3A_2157 : vector<16xi32>
        %broadcast_in_dim3A_2159 = arith.constant 0 : i32
        %broadcast_in_dim3A_2160 = vector.broadcast %broadcast_in_dim3A_2159 : i32 to vector<16xi32>
        %gather3A_2161 = tpu.vector_load_idx %arg26[%add3A_2158, %broadcast_in_dim3A_2160] : memref<32x16xf32, #tpu.memory_space<vmem>>[vector<16xi32>, vector<16xi32>], vector<16xf32>,
        %broadcast_in_dim3A_2162 = arith.constant 1 : i32
        %broadcast_in_dim3A_2163 = vector.broadcast %broadcast_in_dim3A_2162 : i32 to vector<16xi32>
        %gather3A_2164 = tpu.vector_load_idx %arg26[%add3A_2158, %broadcast_in_dim3A_2163] : memref<32x16xf32, #tpu.memory_space<vmem>>[vector<16xi32>, vector<16xi32>], vector<16xf32>,
        %add3A_2165 = arith.addf %gather3A_2161, %gather3A_2164 : vector<16xf32>
        %broadcast_in_dim3A_2166 = arith.constant 2 : i32
        %broadcast_in_dim3A_2167 = vector.broadcast %broadcast_in_dim3A_2166 : i32 to vector<16xi32>
        %gather3A_2168 = tpu.vector_load_idx %arg26[%add3A_2158, %broadcast_in_dim3A_2167] : memref<32x16xf32, #tpu.memory_space<vmem>>[vector<16xi32>, vector<16xi32>], vector<16xf32>,
        %add3A_2169 = arith.addf %add3A_2165, %gather3A_2168 : vector<16xf32>
        %broadcast_in_dim3A_2170 = arith.constant 3 : i32
        %broadcast_in_dim3A_2171 = vector.broadcast %broadcast_in_dim3A_2170 : i32 to vector<16xi32>
        %gather3A_2172 = tpu.vector_load_idx %arg26[%add3A_2158, %broadcast_in_dim3A_2171] : memref<32x16xf32, #tpu.memory_space<vmem>>[vector<16xi32>, vector<16xi32>], vector<16xf32>,
        %add3A_2173 = arith.addf %add3A_2169, %gather3A_2172 : vector<16xf32>
        %broadcast_in_dim3A_2174 = arith.constant 4 : i32
        %broadcast_in_dim3A_2175 = vector.broadcast %broadcast_in_dim3A_2174 : i32 to vector<16xi32>
        %gather3A_2176 = tpu.vector_load_idx %arg26[%add3A_2158, %broadcast_in_dim3A_2175] : memref<32x16xf32, #tpu.memory_space<vmem>>[vector<16xi32>, vector<16xi32>], vector<16xf32>,
        %add3A_2177 = arith.addf %add3A_2173, %gather3A_2176 : vector<16xf32>
        %broadcast_in_dim3A_2178 = arith.constant 5 : i32
        %broadcast_in_dim3A_2179 = vector.broadcast %broadcast_in_dim3A_2178 : i32 to vector<16xi32>
        %gather3A_2180 = tpu.vector_load_idx %arg26[%add3A_2158, %broadcast_in_dim3A_2179] : memref<32x16xf32, #tpu.memory_space<vmem>>[vector<16xi32>, vector<16xi32>], vector<16xf32>,
        %add3A_2181 = arith.addf %add3A_2177, %gather3A_2180 : vector<16xf32>
        %broadcast_in_dim3A_2182 = arith.constant 6 : i32
        %broadcast_in_dim3A_2183 = vector.broadcast %broadcast_in_dim3A_2182 : i32 to vector<16xi32>
        %gather3A_2184 = tpu.vector_load_idx %arg26[%add3A_2158, %broadcast_in_dim3A_2183] : memref<32x16xf32, #tpu.memory_space<vmem>>[vector<16xi32>, vector<16xi32>], vector<16xf32>,
        %add3A_2185 = arith.addf %add3A_2181, %gather3A_2184 : vector<16xf32>
        %broadcast_in_dim3A_2186 = arith.constant 7 : i32
        %broadcast_in_dim3A_2187 = vector.broadcast %broadcast_in_dim3A_2186 : i32 to vector<16xi32>
        %gather3A_2188 = tpu.vector_load_idx %arg26[%add3A_2158, %broadcast_in_dim3A_2187] : memref<32x16xf32, #tpu.memory_space<vmem>>[vector<16xi32>, vector<16xi32>], vector<16xf32>,
        %add3A_2189 = arith.addf %add3A_2185, %gather3A_2188 : vector<16xf32>
        %broadcast_in_dim3A_2190 = arith.constant 8 : i32
        %broadcast_in_dim3A_2191 = vector.broadcast %broadcast_in_dim3A_2190 : i32 to vector<16xi32>
        %gather3A_2192 = tpu.vector_load_idx %arg26[%add3A_2158, %broadcast_in_dim3A_2191] : memref<32x16xf32, #tpu.memory_space<vmem>>[vector<16xi32>, vector<16xi32>], vector<16xf32>,
        %add3A_2193 = arith.addf %add3A_2189, %gather3A_2192 : vector<16xf32>
        %broadcast_in_dim3A_2194 = arith.constant 9 : i32
        %broadcast_in_dim3A_2195 = vector.broadcast %broadcast_in_dim3A_2194 : i32 to vector<16xi32>
        %gather3A_2196 = tpu.vector_load_idx %arg26[%add3A_2158, %broadcast_in_dim3A_2195] : memref<32x16xf32, #tpu.memory_space<vmem>>[vector<16xi32>, vector<16xi32>], vector<16xf32>,
        %add3A_2197 = arith.addf %add3A_2193, %gather3A_2196 : vector<16xf32>
        %broadcast_in_dim3A_2198 = arith.constant 10 : i32
        %broadcast_in_dim3A_2199 = vector.broadcast %broadcast_in_dim3A_2198 : i32 to vector<16xi32>
        %gather3A_2200 = tpu.vector_load_idx %arg26[%add3A_2158, %broadcast_in_dim3A_2199] : memref<32x16xf32, #tpu.memory_space<vmem>>[vector<16xi32>, vector<16xi32>], vector<16xf32>,
        %add3A_2201 = arith.addf %add3A_2197, %gather3A_2200 : vector<16xf32>
        %broadcast_in_dim3A_2202 = arith.constant 11 : i32
        %broadcast_in_dim3A_2203 = vector.broadcast %broadcast_in_dim3A_2202 : i32 to vector<16xi32>
        %gather3A_2204 = tpu.vector_load_idx %arg26[%add3A_2158, %broadcast_in_dim3A_2203] : memref<32x16xf32, #tpu.memory_space<vmem>>[vector<16xi32>, vector<16xi32>], vector<16xf32>,
        %add3A_2205 = arith.addf %add3A_2201, %gather3A_2204 : vector<16xf32>
        %broadcast_in_dim3A_2206 = arith.constant 12 : i32
        %broadcast_in_dim3A_2207 = vector.broadcast %broadcast_in_dim3A_2206 : i32 to vector<16xi32>
        %gather3A_2208 = tpu.vector_load_idx %arg26[%add3A_2158, %broadcast_in_dim3A_2207] : memref<32x16xf32, #tpu.memory_space<vmem>>[vector<16xi32>, vector<16xi32>], vector<16xf32>,
        %add3A_2209 = arith.addf %add3A_2205, %gather3A_2208 : vector<16xf32>
        %broadcast_in_dim3A_2210 = arith.constant 13 : i32
        %broadcast_in_dim3A_2211 = vector.broadcast %broadcast_in_dim3A_2210 : i32 to vector<16xi32>
        %gather3A_2212 = tpu.vector_load_idx %arg26[%add3A_2158, %broadcast_in_dim3A_2211] : memref<32x16xf32, #tpu.memory_space<vmem>>[vector<16xi32>, vector<16xi32>], vector<16xf32>,
        %add3A_2213 = arith.addf %add3A_2209, %gather3A_2212 : vector<16xf32>
        %broadcast_in_dim3A_2214 = arith.constant 14 : i32
        %broadcast_in_dim3A_2215 = vector.broadcast %broadcast_in_dim3A_2214 : i32 to vector<16xi32>
        %gather3A_2216 = tpu.vector_load_idx %arg26[%add3A_2158, %broadcast_in_dim3A_2215] : memref<32x16xf32, #tpu.memory_space<vmem>>[vector<16xi32>, vector<16xi32>], vector<16xf32>,
        %add3A_2217 = arith.addf %add3A_2213, %gather3A_2216 : vector<16xf32>
        %broadcast_in_dim3A_2218 = arith.constant 15 : i32
        %broadcast_in_dim3A_2219 = vector.broadcast %broadcast_in_dim3A_2218 : i32 to vector<16xi32>
        %gather3A_2220 = tpu.vector_load_idx %arg26[%add3A_2158, %broadcast_in_dim3A_2219] : memref<32x16xf32, #tpu.memory_space<vmem>>[vector<16xi32>, vector<16xi32>], vector<16xf32>,
        %add3A_2221 = arith.addf %add3A_2217, %gather3A_2220 : vector<16xf32>
        %add3A_2222 = arith.constant 0 : i32
        %add3A_2223 = vector.broadcast %add3A_2222 : i32 to vector<16xi32>
        %add3A_2224 = arith.addi %iota3A, %add3A_2223 : vector<16xi32>
        tpu.vector_store_idx %arg21[%broadcast_in_dim3A_1064, %add3A_2224], %add3A_2221 : memref<4x32xf32, #tpu.memory_space<vmem>>[vector<16xi32>, vector<16xi32>], vector<16xf32>,
        %add3A_2225 = arith.constant 16 : i32
        %add3A_2226 = vector.broadcast %add3A_2225 : i32 to vector<16xi32>
        %add3A_2227 = arith.addi %iota3A, %add3A_2226 : vector<16xi32>
        %broadcast_in_dim3A_2228 = arith.constant 0 : i32
        %broadcast_in_dim3A_2229 = vector.broadcast %broadcast_in_dim3A_2228 : i32 to vector<16xi32>
        %gather3A_2230 = tpu.vector_load_idx %arg26[%add3A_2227, %broadcast_in_dim3A_2229] : memref<32x16xf32, #tpu.memory_space<vmem>>[vector<16xi32>, vector<16xi32>], vector<16xf32>,
        %broadcast_in_dim3A_2231 = arith.constant 1 : i32
        %broadcast_in_dim3A_2232 = vector.broadcast %broadcast_in_dim3A_2231 : i32 to vector<16xi32>
        %gather3A_2233 = tpu.vector_load_idx %arg26[%add3A_2227, %broadcast_in_dim3A_2232] : memref<32x16xf32, #tpu.memory_space<vmem>>[vector<16xi32>, vector<16xi32>], vector<16xf32>,
        %add3A_2234 = arith.addf %gather3A_2230, %gather3A_2233 : vector<16xf32>
        %broadcast_in_dim3A_2235 = arith.constant 2 : i32
        %broadcast_in_dim3A_2236 = vector.broadcast %broadcast_in_dim3A_2235 : i32 to vector<16xi32>
        %gather3A_2237 = tpu.vector_load_idx %arg26[%add3A_2227, %broadcast_in_dim3A_2236] : memref<32x16xf32, #tpu.memory_space<vmem>>[vector<16xi32>, vector<16xi32>], vector<16xf32>,
        %add3A_2238 = arith.addf %add3A_2234, %gather3A_2237 : vector<16xf32>
        %broadcast_in_dim3A_2239 = arith.constant 3 : i32
        %broadcast_in_dim3A_2240 = vector.broadcast %broadcast_in_dim3A_2239 : i32 to vector<16xi32>
        %gather3A_2241 = tpu.vector_load_idx %arg26[%add3A_2227, %broadcast_in_dim3A_2240] : memref<32x16xf32, #tpu.memory_space<vmem>>[vector<16xi32>, vector<16xi32>], vector<16xf32>,
        %add3A_2242 = arith.addf %add3A_2238, %gather3A_2241 : vector<16xf32>
        %broadcast_in_dim3A_2243 = arith.constant 4 : i32
        %broadcast_in_dim3A_2244 = vector.broadcast %broadcast_in_dim3A_2243 : i32 to vector<16xi32>
        %gather3A_2245 = tpu.vector_load_idx %arg26[%add3A_2227, %broadcast_in_dim3A_2244] : memref<32x16xf32, #tpu.memory_space<vmem>>[vector<16xi32>, vector<16xi32>], vector<16xf32>,
        %add3A_2246 = arith.addf %add3A_2242, %gather3A_2245 : vector<16xf32>
        %broadcast_in_dim3A_2247 = arith.constant 5 : i32
        %broadcast_in_dim3A_2248 = vector.broadcast %broadcast_in_dim3A_2247 : i32 to vector<16xi32>
        %gather3A_2249 = tpu.vector_load_idx %arg26[%add3A_2227, %broadcast_in_dim3A_2248] : memref<32x16xf32, #tpu.memory_space<vmem>>[vector<16xi32>, vector<16xi32>], vector<16xf32>,
        %add3A_2250 = arith.addf %add3A_2246, %gather3A_2249 : vector<16xf32>
        %broadcast_in_dim3A_2251 = arith.constant 6 : i32
        %broadcast_in_dim3A_2252 = vector.broadcast %broadcast_in_dim3A_2251 : i32 to vector<16xi32>
        %gather3A_2253 = tpu.vector_load_idx %arg26[%add3A_2227, %broadcast_in_dim3A_2252] : memref<32x16xf32, #tpu.memory_space<vmem>>[vector<16xi32>, vector<16xi32>], vector<16xf32>,
        %add3A_2254 = arith.addf %add3A_2250, %gather3A_2253 : vector<16xf32>
        %broadcast_in_dim3A_2255 = arith.constant 7 : i32
        %broadcast_in_dim3A_2256 = vector.broadcast %broadcast_in_dim3A_2255 : i32 to vector<16xi32>
        %gather3A_2257 = tpu.vector_load_idx %arg26[%add3A_2227, %broadcast_in_dim3A_2256] : memref<32x16xf32, #tpu.memory_space<vmem>>[vector<16xi32>, vector<16xi32>], vector<16xf32>,
        %add3A_2258 = arith.addf %add3A_2254, %gather3A_2257 : vector<16xf32>
        %broadcast_in_dim3A_2259 = arith.constant 8 : i32
        %broadcast_in_dim3A_2260 = vector.broadcast %broadcast_in_dim3A_2259 : i32 to vector<16xi32>
        %gather3A_2261 = tpu.vector_load_idx %arg26[%add3A_2227, %broadcast_in_dim3A_2260] : memref<32x16xf32, #tpu.memory_space<vmem>>[vector<16xi32>, vector<16xi32>], vector<16xf32>,
        %add3A_2262 = arith.addf %add3A_2258, %gather3A_2261 : vector<16xf32>
        %broadcast_in_dim3A_2263 = arith.constant 9 : i32
        %broadcast_in_dim3A_2264 = vector.broadcast %broadcast_in_dim3A_2263 : i32 to vector<16xi32>
        %gather3A_2265 = tpu.vector_load_idx %arg26[%add3A_2227, %broadcast_in_dim3A_2264] : memref<32x16xf32, #tpu.memory_space<vmem>>[vector<16xi32>, vector<16xi32>], vector<16xf32>,
        %add3A_2266 = arith.addf %add3A_2262, %gather3A_2265 : vector<16xf32>
        %broadcast_in_dim3A_2267 = arith.constant 10 : i32
        %broadcast_in_dim3A_2268 = vector.broadcast %broadcast_in_dim3A_2267 : i32 to vector<16xi32>
        %gather3A_2269 = tpu.vector_load_idx %arg26[%add3A_2227, %broadcast_in_dim3A_2268] : memref<32x16xf32, #tpu.memory_space<vmem>>[vector<16xi32>, vector<16xi32>], vector<16xf32>,
        %add3A_2270 = arith.addf %add3A_2266, %gather3A_2269 : vector<16xf32>
        %broadcast_in_dim3A_2271 = arith.constant 11 : i32
        %broadcast_in_dim3A_2272 = vector.broadcast %broadcast_in_dim3A_2271 : i32 to vector<16xi32>
        %gather3A_2273 = tpu.vector_load_idx %arg26[%add3A_2227, %broadcast_in_dim3A_2272] : memref<32x16xf32, #tpu.memory_space<vmem>>[vector<16xi32>, vector<16xi32>], vector<16xf32>,
        %add3A_2274 = arith.addf %add3A_2270, %gather3A_2273 : vector<16xf32>
        %broadcast_in_dim3A_2275 = arith.constant 12 : i32
        %broadcast_in_dim3A_2276 = vector.broadcast %broadcast_in_dim3A_2275 : i32 to vector<16xi32>
        %gather3A_2277 = tpu.vector_load_idx %arg26[%add3A_2227, %broadcast_in_dim3A_2276] : memref<32x16xf32, #tpu.memory_space<vmem>>[vector<16xi32>, vector<16xi32>], vector<16xf32>,
        %add3A_2278 = arith.addf %add3A_2274, %gather3A_2277 : vector<16xf32>
        %broadcast_in_dim3A_2279 = arith.constant 13 : i32
        %broadcast_in_dim3A_2280 = vector.broadcast %broadcast_in_dim3A_2279 : i32 to vector<16xi32>
        %gather3A_2281 = tpu.vector_load_idx %arg26[%add3A_2227, %broadcast_in_dim3A_2280] : memref<32x16xf32, #tpu.memory_space<vmem>>[vector<16xi32>, vector<16xi32>], vector<16xf32>,
        %add3A_2282 = arith.addf %add3A_2278, %gather3A_2281 : vector<16xf32>
        %broadcast_in_dim3A_2283 = arith.constant 14 : i32
        %broadcast_in_dim3A_2284 = vector.broadcast %broadcast_in_dim3A_2283 : i32 to vector<16xi32>
        %gather3A_2285 = tpu.vector_load_idx %arg26[%add3A_2227, %broadcast_in_dim3A_2284] : memref<32x16xf32, #tpu.memory_space<vmem>>[vector<16xi32>, vector<16xi32>], vector<16xf32>,
        %add3A_2286 = arith.addf %add3A_2282, %gather3A_2285 : vector<16xf32>
        %broadcast_in_dim3A_2287 = arith.constant 15 : i32
        %broadcast_in_dim3A_2288 = vector.broadcast %broadcast_in_dim3A_2287 : i32 to vector<16xi32>
        %gather3A_2289 = tpu.vector_load_idx %arg26[%add3A_2227, %broadcast_in_dim3A_2288] : memref<32x16xf32, #tpu.memory_space<vmem>>[vector<16xi32>, vector<16xi32>], vector<16xf32>,
        %add3A_2290 = arith.addf %add3A_2286, %gather3A_2289 : vector<16xf32>
        %add3A_2291 = arith.constant 16 : i32
        %add3A_2292 = vector.broadcast %add3A_2291 : i32 to vector<16xi32>
        %add3A_2293 = arith.addi %iota3A, %add3A_2292 : vector<16xi32>
        tpu.vector_store_idx %arg21[%broadcast_in_dim3A_1064, %add3A_2293], %add3A_2290 : memref<4x32xf32, #tpu.memory_space<vmem>>[vector<16xi32>, vector<16xi32>], vector<16xf32>,
      }
      %scan3A_1059 = arith.constant 4 : i32
      %mul3A_1060 = arith.constant 4 : i32
      %mul3A_1061 = arith.muli %add3A_523, %mul3A_1060 : i32
      %add3A_1062 = arith.addi %mul3A_2, %mul3A_1061 : i32
      "tpu.region"() ({
        %run_scoped3A = tpu.sem_alloc : memref<!tpu.dma_semaphore, #tpu.memory_space<semaphore_mem>>
        %dma_start3A_1063 = arith.constant 0 : i32
        %dma_start3A_1064 = tpu.memref_slice %arg6[%add3A_1062, %dma_start3A_1063] : memref<16384x32xf32, #tpu.memory_space<hbm>> -> memref<4x32xf32, #tpu.memory_space<hbm>>
        %dma_start3A_1065 = arith.constant 0 : i32
        %dma_start3A_1066 = tpu.memref_slice %arg6[%add3A_1062, %dma_start3A_1065] : memref<16384x32xf32, #tpu.memory_space<hbm>> -> memref<4x32xf32, #tpu.memory_space<hbm>>
        tpu.enqueue_dma source(%arg21 : memref<4x32xf32, #tpu.memory_space<vmem>>) target(%dma_start3A_1066 : memref<4x32xf32, #tpu.memory_space<hbm>>) target_semaphore(%run_scoped3A : memref<!tpu.dma_semaphore, #tpu.memory_space<semaphore_mem>>)
        %dma_wait3A_1067 = arith.constant 0 : i32
        %dma_wait3A_1068 = tpu.memref_slice %arg6[%add3A_1062, %dma_wait3A_1067] : memref<16384x32xf32, #tpu.memory_space<hbm>> -> memref<4x32xf32, #tpu.memory_space<hbm>>
        %dma_wait3A_1069 = arith.constant 0 : i32
        %dma_wait3A_1070 = tpu.memref_slice %arg6[%add3A_1062, %dma_wait3A_1069] : memref<16384x32xf32, #tpu.memory_space<hbm>> -> memref<4x32xf32, #tpu.memory_space<hbm>>
        tpu.wait_dma2 semaphore(%run_scoped3A : memref<!tpu.dma_semaphore, #tpu.memory_space<semaphore_mem>>) src(%arg21 : memref<4x32xf32, #tpu.memory_space<vmem>>) dst(%dma_wait3A_1070 : memref<4x32xf32, #tpu.memory_space<hbm>>)
        tpu.yield
      }) : () -> ()
    }
    %scan3A_382 = arith.constant 64 : i32
    %mul3A_383 = arith.constant 0 : i32
    %mul3A_384 = arith.constant 4 : i32
    %mul3A_385 = arith.muli %mul3A_383, %mul3A_384 : i32
    %add3A_386 = arith.constant 0 : i32
    %add3A_387 = arith.addi %mul3A_385, %add3A_386 : i32
    %dma_wait3A_388 = arith.constant 0 : i32
    %dma_wait3A_389 = arith.constant 0 : i32
    %dma_wait3A_390 = tpu.memref_slice %arg9[%dma_wait3A_388, %dma_wait3A_389] : memref<200x128xf32, #tpu.memory_space<vmem>> -> memref<50x128xf32, #tpu.memory_space<vmem>>
    %dma_wait3A_391 = arith.constant 0 : i32
    %dma_wait3A_392 = tpu.memref_slice %arg7[%add3A_387, %dma_wait3A_391] : memref<8x50xi32, #tpu.memory_space<vmem>> -> memref<1x50xi32, #tpu.memory_space<vmem>>
    %dma_wait3A_393 = tpu.memref_squeeze %dma_wait3A_392 : memref<1x50xi32, #tpu.memory_space<vmem>> -> memref<50xi32, #tpu.memory_space<vmem>>
    %dma_wait3A_394 = arith.constant 0 : i32
    %dma_wait3A_395 = arith.constant 0 : i32
    %dma_wait3A_396 = tpu.memref_slice %arg4[%dma_wait3A_394, %dma_wait3A_395] : memref<100000x128xf32, #tpu.memory_space<hbm>> -> memref<100000x128xf32, #tpu.memory_space<hbm>>
    tpu.wait_indirect_dma semaphore(%arg13 : memref<!tpu.dma_semaphore, #tpu.memory_space<semaphore_mem>>) src(%dma_wait3A_396 : memref<100000x128xf32, #tpu.memory_space<hbm>>) dst(%dma_wait3A_390 : memref<50x128xf32, #tpu.memory_space<vmem>>)
    %mul3A_397 = arith.constant 0 : i32
    %mul3A_398 = arith.constant 4 : i32
    %mul3A_399 = arith.muli %mul3A_397, %mul3A_398 : i32
    %add3A_400 = arith.constant 0 : i32
    %add3A_401 = arith.addi %mul3A_399, %add3A_400 : i32
    %dma_wait3A_402 = arith.constant 0 : i32
    %dma_wait3A_403 = arith.constant 0 : i32
    %dma_wait3A_404 = tpu.memref_slice %arg10[%dma_wait3A_402, %dma_wait3A_403] : memref<80x128xf32, #tpu.memory_space<vmem>> -> memref<20x128xf32, #tpu.memory_space<vmem>>
    %dma_wait3A_405 = arith.constant 0 : i32
    %dma_wait3A_406 = tpu.memref_slice %arg8[%add3A_401, %dma_wait3A_405] : memref<8x20xi32, #tpu.memory_space<vmem>> -> memref<1x20xi32, #tpu.memory_space<vmem>>
    %dma_wait3A_407 = tpu.memref_squeeze %dma_wait3A_406 : memref<1x20xi32, #tpu.memory_space<vmem>> -> memref<20xi32, #tpu.memory_space<vmem>>
    %dma_wait3A_408 = arith.constant 0 : i32
    %dma_wait3A_409 = arith.constant 0 : i32
    %dma_wait3A_410 = tpu.memref_slice %arg5[%dma_wait3A_408, %dma_wait3A_409] : memref<100000x128xf32, #tpu.memory_space<hbm>> -> memref<100000x128xf32, #tpu.memory_space<hbm>>
    tpu.wait_indirect_dma semaphore(%arg14 : memref<!tpu.dma_semaphore, #tpu.memory_space<semaphore_mem>>) src(%dma_wait3A_410 : memref<100000x128xf32, #tpu.memory_space<hbm>>) dst(%dma_wait3A_404 : memref<20x128xf32, #tpu.memory_space<vmem>>)
    %mul3A_411 = arith.constant 0 : i32
    %mul3A_412 = arith.constant 4 : i32
    %mul3A_413 = arith.muli %mul3A_411, %mul3A_412 : i32
    %add3A_414 = arith.constant 1 : i32
    %add3A_415 = arith.addi %mul3A_413, %add3A_414 : i32
    %dma_wait3A_416 = arith.constant 50 : i32
    %dma_wait3A_417 = arith.constant 0 : i32
    %dma_wait3A_418 = tpu.memref_slice %arg9[%dma_wait3A_416, %dma_wait3A_417] : memref<200x128xf32, #tpu.memory_space<vmem>> -> memref<50x128xf32, #tpu.memory_space<vmem>>
    %dma_wait3A_419 = arith.constant 0 : i32
    %dma_wait3A_420 = tpu.memref_slice %arg7[%add3A_415, %dma_wait3A_419] : memref<8x50xi32, #tpu.memory_space<vmem>> -> memref<1x50xi32, #tpu.memory_space<vmem>>
    %dma_wait3A_421 = tpu.memref_squeeze %dma_wait3A_420 : memref<1x50xi32, #tpu.memory_space<vmem>> -> memref<50xi32, #tpu.memory_space<vmem>>
    %dma_wait3A_422 = arith.constant 0 : i32
    %dma_wait3A_423 = arith.constant 0 : i32
    %dma_wait3A_424 = tpu.memref_slice %arg4[%dma_wait3A_422, %dma_wait3A_423] : memref<100000x128xf32, #tpu.memory_space<hbm>> -> memref<100000x128xf32, #tpu.memory_space<hbm>>
    tpu.wait_indirect_dma semaphore(%arg13 : memref<!tpu.dma_semaphore, #tpu.memory_space<semaphore_mem>>) src(%dma_wait3A_424 : memref<100000x128xf32, #tpu.memory_space<hbm>>) dst(%dma_wait3A_418 : memref<50x128xf32, #tpu.memory_space<vmem>>)
    %mul3A_425 = arith.constant 0 : i32
    %mul3A_426 = arith.constant 4 : i32
    %mul3A_427 = arith.muli %mul3A_425, %mul3A_426 : i32
    %add3A_428 = arith.constant 1 : i32
    %add3A_429 = arith.addi %mul3A_427, %add3A_428 : i32
    %dma_wait3A_430 = arith.constant 20 : i32
    %dma_wait3A_431 = arith.constant 0 : i32
    %dma_wait3A_432 = tpu.memref_slice %arg10[%dma_wait3A_430, %dma_wait3A_431] : memref<80x128xf32, #tpu.memory_space<vmem>> -> memref<20x128xf32, #tpu.memory_space<vmem>>
    %dma_wait3A_433 = arith.constant 0 : i32
    %dma_wait3A_434 = tpu.memref_slice %arg8[%add3A_429, %dma_wait3A_433] : memref<8x20xi32, #tpu.memory_space<vmem>> -> memref<1x20xi32, #tpu.memory_space<vmem>>
    %dma_wait3A_435 = tpu.memref_squeeze %dma_wait3A_434 : memref<1x20xi32, #tpu.memory_space<vmem>> -> memref<20xi32, #tpu.memory_space<vmem>>
    %dma_wait3A_436 = arith.constant 0 : i32
    %dma_wait3A_437 = arith.constant 0 : i32
    %dma_wait3A_438 = tpu.memref_slice %arg5[%dma_wait3A_436, %dma_wait3A_437] : memref<100000x128xf32, #tpu.memory_space<hbm>> -> memref<100000x128xf32, #tpu.memory_space<hbm>>
    tpu.wait_indirect_dma semaphore(%arg14 : memref<!tpu.dma_semaphore, #tpu.memory_space<semaphore_mem>>) src(%dma_wait3A_438 : memref<100000x128xf32, #tpu.memory_space<hbm>>) dst(%dma_wait3A_432 : memref<20x128xf32, #tpu.memory_space<vmem>>)
    %mul3A_439 = arith.constant 0 : i32
    %mul3A_440 = arith.constant 4 : i32
    %mul3A_441 = arith.muli %mul3A_439, %mul3A_440 : i32
    %add3A_442 = arith.constant 2 : i32
    %add3A_443 = arith.addi %mul3A_441, %add3A_442 : i32
    %dma_wait3A_444 = arith.constant 100 : i32
    %dma_wait3A_445 = arith.constant 0 : i32
    %dma_wait3A_446 = tpu.memref_slice %arg9[%dma_wait3A_444, %dma_wait3A_445] : memref<200x128xf32, #tpu.memory_space<vmem>> -> memref<50x128xf32, #tpu.memory_space<vmem>>
    %dma_wait3A_447 = arith.constant 0 : i32
    %dma_wait3A_448 = tpu.memref_slice %arg7[%add3A_443, %dma_wait3A_447] : memref<8x50xi32, #tpu.memory_space<vmem>> -> memref<1x50xi32, #tpu.memory_space<vmem>>
    %dma_wait3A_449 = tpu.memref_squeeze %dma_wait3A_448 : memref<1x50xi32, #tpu.memory_space<vmem>> -> memref<50xi32, #tpu.memory_space<vmem>>
    %dma_wait3A_450 = arith.constant 0 : i32
    %dma_wait3A_451 = arith.constant 0 : i32
    %dma_wait3A_452 = tpu.memref_slice %arg4[%dma_wait3A_450, %dma_wait3A_451] : memref<100000x128xf32, #tpu.memory_space<hbm>> -> memref<100000x128xf32, #tpu.memory_space<hbm>>
    tpu.wait_indirect_dma semaphore(%arg13 : memref<!tpu.dma_semaphore, #tpu.memory_space<semaphore_mem>>) src(%dma_wait3A_452 : memref<100000x128xf32, #tpu.memory_space<hbm>>) dst(%dma_wait3A_446 : memref<50x128xf32, #tpu.memory_space<vmem>>)
    %mul3A_453 = arith.constant 0 : i32
    %mul3A_454 = arith.constant 4 : i32
    %mul3A_455 = arith.muli %mul3A_453, %mul3A_454 : i32
    %add3A_456 = arith.constant 2 : i32
    %add3A_457 = arith.addi %mul3A_455, %add3A_456 : i32
    %dma_wait3A_458 = arith.constant 40 : i32
    %dma_wait3A_459 = arith.constant 0 : i32
    %dma_wait3A_460 = tpu.memref_slice %arg10[%dma_wait3A_458, %dma_wait3A_459] : memref<80x128xf32, #tpu.memory_space<vmem>> -> memref<20x128xf32, #tpu.memory_space<vmem>>
    %dma_wait3A_461 = arith.constant 0 : i32
    %dma_wait3A_462 = tpu.memref_slice %arg8[%add3A_457, %dma_wait3A_461] : memref<8x20xi32, #tpu.memory_space<vmem>> -> memref<1x20xi32, #tpu.memory_space<vmem>>
    %dma_wait3A_463 = tpu.memref_squeeze %dma_wait3A_462 : memref<1x20xi32, #tpu.memory_space<vmem>> -> memref<20xi32, #tpu.memory_space<vmem>>
    %dma_wait3A_464 = arith.constant 0 : i32
    %dma_wait3A_465 = arith.constant 0 : i32
    %dma_wait3A_466 = tpu.memref_slice %arg5[%dma_wait3A_464, %dma_wait3A_465] : memref<100000x128xf32, #tpu.memory_space<hbm>> -> memref<100000x128xf32, #tpu.memory_space<hbm>>
    tpu.wait_indirect_dma semaphore(%arg14 : memref<!tpu.dma_semaphore, #tpu.memory_space<semaphore_mem>>) src(%dma_wait3A_466 : memref<100000x128xf32, #tpu.memory_space<hbm>>) dst(%dma_wait3A_460 : memref<20x128xf32, #tpu.memory_space<vmem>>)
    %mul3A_467 = arith.constant 0 : i32
    %mul3A_468 = arith.constant 4 : i32
    %mul3A_469 = arith.muli %mul3A_467, %mul3A_468 : i32
    %add3A_470 = arith.constant 3 : i32
    %add3A_471 = arith.addi %mul3A_469, %add3A_470 : i32
    %dma_wait3A_472 = arith.constant 150 : i32
    %dma_wait3A_473 = arith.constant 0 : i32
    %dma_wait3A_474 = tpu.memref_slice %arg9[%dma_wait3A_472, %dma_wait3A_473] : memref<200x128xf32, #tpu.memory_space<vmem>> -> memref<50x128xf32, #tpu.memory_space<vmem>>
    %dma_wait3A_475 = arith.constant 0 : i32
    %dma_wait3A_476 = tpu.memref_slice %arg7[%add3A_471, %dma_wait3A_475] : memref<8x50xi32, #tpu.memory_space<vmem>> -> memref<1x50xi32, #tpu.memory_space<vmem>>
    %dma_wait3A_477 = tpu.memref_squeeze %dma_wait3A_476 : memref<1x50xi32, #tpu.memory_space<vmem>> -> memref<50xi32, #tpu.memory_space<vmem>>
    %dma_wait3A_478 = arith.constant 0 : i32
    %dma_wait3A_479 = arith.constant 0 : i32
    %dma_wait3A_480 = tpu.memref_slice %arg4[%dma_wait3A_478, %dma_wait3A_479] : memref<100000x128xf32, #tpu.memory_space<hbm>> -> memref<100000x128xf32, #tpu.memory_space<hbm>>
    tpu.wait_indirect_dma semaphore(%arg13 : memref<!tpu.dma_semaphore, #tpu.memory_space<semaphore_mem>>) src(%dma_wait3A_480 : memref<100000x128xf32, #tpu.memory_space<hbm>>) dst(%dma_wait3A_474 : memref<50x128xf32, #tpu.memory_space<vmem>>)
    %mul3A_481 = arith.constant 0 : i32
    %mul3A_482 = arith.constant 4 : i32
    %mul3A_483 = arith.muli %mul3A_481, %mul3A_482 : i32
    %add3A_484 = arith.constant 3 : i32
    %add3A_485 = arith.addi %mul3A_483, %add3A_484 : i32
    %dma_wait3A_486 = arith.constant 60 : i32
    %dma_wait3A_487 = arith.constant 0 : i32
    %dma_wait3A_488 = tpu.memref_slice %arg10[%dma_wait3A_486, %dma_wait3A_487] : memref<80x128xf32, #tpu.memory_space<vmem>> -> memref<20x128xf32, #tpu.memory_space<vmem>>
    %dma_wait3A_489 = arith.constant 0 : i32
    %dma_wait3A_490 = tpu.memref_slice %arg8[%add3A_485, %dma_wait3A_489] : memref<8x20xi32, #tpu.memory_space<vmem>> -> memref<1x20xi32, #tpu.memory_space<vmem>>
    %dma_wait3A_491 = tpu.memref_squeeze %dma_wait3A_490 : memref<1x20xi32, #tpu.memory_space<vmem>> -> memref<20xi32, #tpu.memory_space<vmem>>
    %dma_wait3A_492 = arith.constant 0 : i32
    %dma_wait3A_493 = arith.constant 0 : i32
    %dma_wait3A_494 = tpu.memref_slice %arg5[%dma_wait3A_492, %dma_wait3A_493] : memref<100000x128xf32, #tpu.memory_space<hbm>> -> memref<100000x128xf32, #tpu.memory_space<hbm>>
    tpu.wait_indirect_dma semaphore(%arg14 : memref<!tpu.dma_semaphore, #tpu.memory_space<semaphore_mem>>) src(%dma_wait3A_494 : memref<100000x128xf32, #tpu.memory_space<hbm>>) dst(%dma_wait3A_488 : memref<20x128xf32, #tpu.memory_space<vmem>>)
    %mul3A_495 = arith.constant 0 : i32
    %mul3A_496 = arith.constant 4 : i32
    %mul3A_497 = arith.muli %mul3A_495, %mul3A_496 : i32
    %dma_wait3A_498 = arith.constant 0 : i32
    %dma_wait3A_499 = tpu.memref_slice %arg16[%mul3A_497, %dma_wait3A_498] : memref<8x50xi32, #tpu.memory_space<vmem>> -> memref<4x50xi32, #tpu.memory_space<vmem>>
    %dma_wait3A_500 = arith.constant 0 : i32
    %dma_wait3A_501 = tpu.memref_slice %arg2[%mul3A_2, %dma_wait3A_500] : memref<16384x50xi32, #tpu.memory_space<hbm>> -> memref<4x50xi32, #tpu.memory_space<hbm>>
    %dma_wait3A_502 = arith.constant 0 : i32
    %dma_wait3A_503 = tpu.memref_slice %arg16[%mul3A_497, %dma_wait3A_502] : memref<8x50xi32, #tpu.memory_space<vmem>> -> memref<4x50xi32, #tpu.memory_space<vmem>>
    %dma_wait3A_504 = arith.constant 0 : i32
    %dma_wait3A_505 = tpu.memref_slice %arg2[%mul3A_2, %dma_wait3A_504] : memref<16384x50xi32, #tpu.memory_space<hbm>> -> memref<4x50xi32, #tpu.memory_space<hbm>>
    tpu.wait_dma2 semaphore(%arg24 : memref<!tpu.dma_semaphore, #tpu.memory_space<semaphore_mem>>) src(%dma_wait3A_505 : memref<4x50xi32, #tpu.memory_space<hbm>>) dst(%dma_wait3A_503 : memref<4x50xi32, #tpu.memory_space<vmem>>)
    %mul3A_506 = arith.constant 0 : i32
    %mul3A_507 = arith.constant 4 : i32
    %mul3A_508 = arith.muli %mul3A_506, %mul3A_507 : i32
    %dma_wait3A_509 = arith.constant 0 : i32
    %dma_wait3A_510 = tpu.memref_slice %arg17[%mul3A_508, %dma_wait3A_509] : memref<8x20xi32, #tpu.memory_space<vmem>> -> memref<4x20xi32, #tpu.memory_space<vmem>>
    %dma_wait3A_511 = arith.constant 0 : i32
    %dma_wait3A_512 = tpu.memref_slice %arg3[%mul3A_2, %dma_wait3A_511] : memref<16384x20xi32, #tpu.memory_space<hbm>> -> memref<4x20xi32, #tpu.memory_space<hbm>>
    %dma_wait3A_513 = arith.constant 0 : i32
    %dma_wait3A_514 = tpu.memref_slice %arg17[%mul3A_508, %dma_wait3A_513] : memref<8x20xi32, #tpu.memory_space<vmem>> -> memref<4x20xi32, #tpu.memory_space<vmem>>
    %dma_wait3A_515 = arith.constant 0 : i32
    %dma_wait3A_516 = tpu.memref_slice %arg3[%mul3A_2, %dma_wait3A_515] : memref<16384x20xi32, #tpu.memory_space<hbm>> -> memref<4x20xi32, #tpu.memory_space<hbm>>
    tpu.wait_dma2 semaphore(%arg24 : memref<!tpu.dma_semaphore, #tpu.memory_space<semaphore_mem>>) src(%dma_wait3A_516 : memref<4x20xi32, #tpu.memory_space<hbm>>) dst(%dma_wait3A_514 : memref<4x20xi32, #tpu.memory_space<vmem>>)
    return
  }
}

</mosaic_0001>

<sc_bundles>
// kernel: kernel.3.cloned.1.call-start
scs
__scs_entry_jumppad:
0x0: {  	(pc) =	sbr.rel $0x88, $3  }
0x1: {  	(tag) =	ssettag $0x0;
	lr =	simm.s32 $0x1  }
0x2: {  	[smem:$0x3F9D] =	sst lr;
	_ =	strace $0xD0000000  }
0x3: {  	_ = 	snop  }
0x4: {  	_ = 	snop  }
0x5: {  	_ = 	snop  }
0x6: {  	_ = 	snop  }
0x7: {  	_ = 	snop  }
__scs_overlays_trampoline_lowered:
0x8: {  	[smem:$0x3FAC] =	sst s0  }
0x9: {  	[smem:$0x3FAD] =	sst s1  }
0xa: {  	[smem:$0x3FAE] =	sst s2  }
0xb: {  	[smem:$0x3FAF] =	sst s3  }
0xc: {  	[smem:$0x3FB0] =	sst s4  }
0xd: {  	[smem:$0x3FB1] =	sst s5  }
0xe: {  	[smem:$0x3FB2] =	sst s6  }
0xf: {  	[smem:$0x3FB3] =	sst s7  }
0x10: {  	[smem:$0x3FB4] =	sst s8  }
0x11: {  	[smem:$0x3FB5] =	sst s9;
	s0 =	simm.s32 @!p0 $0x0  }
0x12: {  	s1 =	sld [smem:$0x3F9B];
	s0 =	simm.s32 @p0 $0x1  }
0x13: {  	[smem:$0x3FB6] =	sst s0;
	s0 =	simm.s32 @!p1 $0x0  }
0x14: {  	s2 =	sld [smem:$0x3F9A];
	s0 =	simm.s32 @p1 $0x1  }
0x15: {  	[smem:$0x3FB7] =	sst s0;
	s0 =	simm.s32 @!p2 $0x0  }
0x16: {  	s3 =	sld [smem:$0x3FDB];
	s0 =	simm.s32 @p2 $0x1  }
0x17: {  	s4 =	simm.s32 $0x1BF5;
	[smem:$0x3FB9] =	sst s0  }
0x18: {  	s0 =	sld [smem:$0x3F9C];
	_ =	swait.ge [sflag:s4], $0x0  }
0x19: {  	s7 =	sld [smem:$0x3F9D]  }
0x1a: {  	s8 =	sadd.s32 $0xFFFFE003, lr  }
0x1b: {  	s9 =	sadd.s32 $0xFFFFFEF7, lr;
	s5 =	simm.s32 $0xFFFFFFFF;
	p2 =	slt.u32 s8, $0xFFFFF086  }
0x1c: {  	p1 =	slt.u32 s9, $0xF7A;
	s5 =	simm.s32 @!p2 $0x0  }
0x1d: {  	s5 =	simm.s32 @p1 $0x1;
	p0 =	seq.s32 s7, s2  }
0x1e: {  	s7 =	smul.u32 @!p0 $0xF7A, s2;
	p2 =	seq.s32 @!p0 s5, $0x0  }
0x1f: {  	s9 =	smul.u32 $0xF7A, s1;
	s8 =	simm.s32 @!p0 $0x1BF5;
	p2 =	por !p2, p0  }
0x20: {  	[sflag:s8] =	ssyncset.s32 @!p0 $0xFFFFF086;
	s6 =	sadd.s32 @!p0 s3, s7;
	s7 =	simm.s32 @!p0 $0x108  }
0x21: {  	s3 =	sadd.s32 s3, s9;
	s6 =	sadd.s32 @!p0 $0x88, s6;
	s7 =	simm.s32 @p2 $0x1082  }
0x22: {  	[simem:s7], [sflag:s8] =	dma.local @!p0 [hbm:s6], $0xF7A  }
0x23: {  	s9 =	sor.u32 $0xD0000000, s2;
	s6 =	simm.s32 $0x108;
	_ =	swait.ge @!p0 [sflag:s8], $0x0  }
0x24: {  	s3 =	sadd.s32 $0x88, s3;
	s6 =	simm.s32 @!p1 $0x1082;
	[sflag:s4] =	ssyncset.s32 $0xFFFFF086  }
0x25: {  	[simem:s6], [sflag:s4] =	dma.local [hbm:s3], $0xF7A  }
0x26: {  	[smem:$0x3F9D] =	sst s1;
	(tag) =	ssettag s2;
	_ =	strace s9  }
0x27: {  	s1 =	sld [smem:$0x3FAD]  }
0x28: {  	s2 =	sld [smem:$0x3FAE]  }
0x29: {  	s4 =	sld [smem:$0x3FB0]  }
0x2a: {  	p0 =	seq.s32 s5, $0x0;
	s5 =	sld [smem:$0x3FB1]  }
0x2b: {  	s6 =	sld [smem:$0x3FB2]  }
0x2c: {  	s7 =	sld [smem:$0x3FB3]  }
0x2d: {  	s3 =	simm.s32 $0x108;
	s8 =	sld [smem:$0x3FB4]  }
0x2e: {  	s3 =	simm.s32 @!p0 $0x1082;
	s9 =	sld [smem:$0x3FB5]  }
0x2f: {  	lr =	sadd.s32 s0, s3;
	s0 =	sld [smem:$0x3FAC]  }
0x30: {  	s3 =	sld [smem:$0x3FAF]  }
0x31: {  	[smem:$0x3FB8] =	sst s10  }
0x32: {  	s10 =	sld [smem:$0x3FB6];
	_ =	sdelay $0x3  }
0x33: {  	p0 =	seq.s32 s10, $0x1;
	s10 =	sld [smem:$0x3FB8];
	_ =	sdelay $0x3  }
0x34: {  	[smem:$0x3FB8] =	sst s10  }
0x35: {  	s10 =	sld [smem:$0x3FB7];
	_ =	sdelay $0x3  }
0x36: {  	p1 =	seq.s32 s10, $0x1;
	s10 =	sld [smem:$0x3FB8];
	_ =	sdelay $0x3  }
0x37: {  	[smem:$0x3FB8] =	sst s10  }
0x38: {  	s10 =	sld [smem:$0x3FB9]  }
0x39: {  	_ = 	snop;
	(pc) =	sbr.ind lr, $3  }
0x3a: {  	_ = 	snop  }
0x3b: {  	_ = 	snop  }
0x3c: {  	p2 =	seq.s32 s10, $0x1;
	s10 =	sld [smem:$0x3FB8]  }
0x3d: {  	_ =	shalt  }
0x3e: {  	_ =	shalt  }
0x3f: {  	_ =	shalt  }
0x40: {  	_ =	shalt  }
0x41: {  	_ =	shalt  }
0x42: {  	_ =	shalt  }
0x43: {  	_ =	shalt  }
0x44: {  	_ =	shalt  }
0x45: {  	_ =	shalt  }
0x46: {  	_ =	shalt  }
0x47: {  	_ =	shalt  }
0x48: {  	_ =	shalt  }
0x49: {  	_ =	shalt  }
0x4a: {  	_ =	shalt  }
0x4b: {  	_ =	shalt  }
0x4c: {  	_ =	shalt  }
0x4d: {  	_ =	shalt  }
0x4e: {  	_ =	shalt  }
0x4f: {  	_ =	shalt  }
0x50: {  	_ =	shalt  }
0x51: {  	_ =	shalt  }
0x52: {  	_ =	shalt  }
0x53: {  	_ =	shalt  }
0x54: {  	_ =	shalt  }
0x55: {  	_ =	shalt  }
0x56: {  	_ =	shalt  }
0x57: {  	_ =	shalt  }
0x58: {  	_ =	shalt  }
0x59: {  	_ =	shalt  }
0x5a: {  	_ =	shalt  }
0x5b: {  	_ =	shalt  }
0x5c: {  	_ =	shalt  }
0x5d: {  	_ =	shalt  }
0x5e: {  	_ =	shalt  }
0x5f: {  	_ =	shalt  }
0x60: {  	_ =	shalt  }
0x61: {  	_ =	shalt  }
0x62: {  	_ =	shalt  }
0x63: {  	_ =	shalt  }
0x64: {  	_ =	shalt  }
0x65: {  	_ =	shalt  }
0x66: {  	_ =	shalt  }
0x67: {  	_ =	shalt  }
0x68: {  	_ =	shalt  }
0x69: {  	_ =	shalt  }
0x6a: {  	_ =	shalt  }
0x6b: {  	_ =	shalt  }
0x6c: {  	_ =	shalt  }
0x6d: {  	_ =	shalt  }
0x6e: {  	_ =	shalt  }
0x6f: {  	_ =	shalt  }
0x70: {  	_ =	shalt  }
0x71: {  	_ =	shalt  }
0x72: {  	_ =	shalt  }
0x73: {  	_ =	shalt  }
0x74: {  	_ =	shalt  }
0x75: {  	_ =	shalt  }
0x76: {  	_ =	shalt  }
0x77: {  	_ =	shalt  }
0x78: {  	_ =	shalt  }
0x79: {  	_ =	shalt  }
0x7a: {  	_ =	shalt  }
0x7b: {  	_ =	shalt  }
0x7c: {  	_ =	shalt  }
0x7d: {  	_ =	shalt  }
0x7e: {  	_ =	shalt  }
0x7f: {  	_ =	shalt  }
0x80: {  	_ =	shalt  }
0x81: {  	_ =	shalt  }
0x82: {  	_ =	shalt  }
0x83: {  	_ =	shalt  }
0x84: {  	_ =	shalt  }
0x85: {  	_ =	shalt  }
0x86: {  	_ =	shalt  }
0x87: {  	_ =	shalt  }
.Lfunc_end0:
.L_simem_size_0:
called_computation_lowered:
.L_overlay_start_0:
0x88: {  	s2 =	sld [smem:$0x3FD9]  }
0x89: {  	s3 =	sld [smem:$0x3FFE];
	_ =	sdelay $0x1  }
0x8a: {  	s1 =	srdreg.scid  }
0x8b: {  	s0 =	sand.u32 $0x1, s1  }
0x8c: {  	s17 =	sshll.u32 s0, $0xA;
	s2 =	sadd.s32 s3, s2  }
0x8d: {  	s2 =	sadd.s32 s2, s17  }
0x8e: {  	[smem:$0x3FC4] =	sst s2  }
0x8f: {  	_ = 	snop  }
0x90: {  	s2 =	sld [smem:$0x3FC7]  }
0x91: {  	s18 =	sld [smem:$0x3FC6];
	(tm) =	ssettm $0x1  }
0x92: {  	s4 =	sld [smem:$0x3FFB];
	_ =	sdelay $0x3  }
0x93: {  	_ =	strace s4  }
0x94: {  	s4 =	sld [smem:$0x3FFC];
	_ =	sdelay $0x3  }
0x95: {  	_ =	strace s4  }
0x96: {  	s4 =	sld [smem:$0x3FFD];
	_ =	sdelay $0x3  }
0x97: {  	_ =	strace s4  }
0x98: {  	_ =	strace $0x8FFFFFFF  }
0x99: {  	s19 =	sld [smem:$0x3FDB];
	_ =	sdelay $0x1  }
0x9a: {  	s5 =	simm.s32 $_scs_section_size  }
0x9b: {  	s6 =	simm.s32 $_size__tile_overlayer_lowered;
	s7 =	simm.s32 $_tile_overlayer_lowered  }
0x9c: {  	s22 =	simm.s32 $0x1BFF;
	s21 =	sshll.u32 s7, $0x1;
	s4 =	sadd.s32 s5, s19  }
0x9d: {  	s8 =	simm.s32 $0x0;
	s20 =	sshll.u32 s6, $0x1;
	s6 =	sadd.s32 s21, s4  }
0x9e: {  	[timem:s8], [sflag:s22] =	dma.local [hbm:s6], s20  }
0x9f: {  	_ =	swait.ge [sflag:s22], s20  }
0xa0: {  	s5 =	ssub.s32 $0x0, s20;
	[sflag:s22] =	ssyncset.done $0x0  }
0xa1: {  	[sflag:s22] =	ssyncadd.s32 s5;
	_ =	sdelay $0x1  }
0xa2: {  	s23 =	simm.s32 $0x1B8B  }
0xa3: {  	_ =	swait.ge [sflag:s23], $0x1  }
0xa4: {  	[sflag:s23] =	ssyncset.done $0x0  }
0xa5: {  	s25 =	simm.s32 $0x1B8E;
	s24 =	sld [smem:$0x3FFE];
	[sflag:s23] =	ssyncadd.s32 $0xFFFFFFFF  }
0xa6: {  	s26 =	simm.s32 $execute0_lowered;
	[smem:$0x3FD2] =	sst s25  }
0xa7: {  	s6 =	sshll.u32 s26, $0x1;
	_ =	strace $0x80000046;
	[dreg:$0x1] =	wrdreg $0xFFFFFFFF  }
0xa8: {  	s28 =	simm.s32 $_size_execute0_lowered;
	s4 =	sadd.s32 s4, s6;
	[dreg:$0x0] =	wrdreg $0x0  }
0xa9: {  	s6 =	sshll.u32 s28, $0x1;
	[dreg:$0x2] =	wrdreg s4  }
0xaa: {  	[dreg:$0x3] =	wrdreg s6  }
0xab: {  	[dreg:$0x4] =	wrdreg $0xC0  }
0xac: {  	_ =	task [dreg:s8], $0x5FFFF  }
0xad: {  	[dreg:$0x1] =	wrdreg $0xFFFFFFFF  }
0xae: {  	[dreg:$0x0] =	wrdreg $0x60  }
0xaf: {  	[dreg:$0x2] =	wrdreg s24  }
0xb0: {  	[dreg:$0x3] =	wrdreg s2  }
0xb1: {  	[dreg:$0x4] =	wrdreg s18  }
0xb2: {  	[dreg:$0x5] =	wrdreg $0x9  }
0xb3: {  	_ =	task.clear_ibuf [dreg:s8], $0x6FFFF;
	_ =	strace $0x90000046  }
0xb4: {  	s29 =	simm.s32 $0x9;
	_ =	strace $0x80000048  }
0xb5: {  	_ =	swait.ge [sflag:s29], $0x1  }
0xb6: {  	[sflag:s29] =	ssyncadd.s32 $0xFFFFFFFF  }
0xb7: {  	_ =	strace $0x90000048  }
0xb8: {  	_ =	sfence  }
0xb9: {  	s30 =	sld [smem:$0x0];
	_ =	sdelay $0x2  }
0xba: {  	s31 =	sshll.u32 s1, $0xD;
	s1 =	sshrl.u32 s1, $0x2  }
0xbb: {  	s3 =	sand.u32 $0x4000, s31;
	s1 =	sadd.s32 s1, s30  }
0xbc: {  	s0 =	sor.u32 s3, s0;
	s1 =	sshll.u32 s1, $0x11  }
0xbd: {  	s0 =	sor.u32 s1, s0  }
0xbe: {  	s0 =	sadd.s32 $0x8F2B, s0  }
0xbf: {  	[sflag:s0] =	ssyncadd.remote.s32 $0x1  }
0xc0: {  	_ =	sfence.sel $0xFFFF  }
0xc1: {  	[dreg:$0x0] =	wrdreg $0xFFFFFFFF;
	(pc) =	sbr.abs _section_cstart, $3  }
0xc2: {  	[dreg:$0x1] =	wrdreg $0xFFFFFFFF  }
0xc3: {  	_ =	task.clear_ibuf [dreg:s8], $0x2FFFF;
	_ =	strace $0x9FFFFFFF  }
0xc4: {  	(tm) =	ssettm $0x7FFFFFFF  }
0xc5: {  	_ =	shalt  }
tec
execute0_lowered:
.L_overlay_start_1:
0x0: {  	(tag) =	ssettag $0x1  }
0x1: {  	s2 =	rddreg [dreg:$0x0];
	v1 =	vlaneseq.u32  }
0x2: {  	s0 =	rddreg [dreg:$0x1];
	s3 =	simm.s32 $0x0;
	v29 =	vmul.u32 $0x80, v1  }
0x3: {  	v0 =	vimm.s32 $0xFEDCBA98;
	[smem:$0x7FF] =	sst s3  }
0x4: {  	v2 =	vimm.s32 $0x76543210;
	s1 =	rddreg [dreg:$0x2];
	v5 =	vimm.f32 $1.000000000e+00;
	_ =	strace $0x80000047;
	v30 =	vor.u32 $0x1, v29;
	[tilespmem:$0x1FEE0] =	vst v29  }
0x5: {  	v6 =	vimm.s32 $0xBA98FEDC;
	v7 =	vimm.s32 $0x32107654;
	v31 =	vor.u32 $0x2, v29;
	[tilespmem:$0x1FEF0] =	vst v30  }
0x6: {  	v8 =	vimm.s32 $0xDCFE98BA;
	v9 =	vimm.s32 $0x54761032;
	v32 =	vor.u32 $0x3, v29;
	[tilespmem:$0x1FF00] =	vst v31  }
0x7: {  	v10 =	vimm.s32 $0xEFCDAB89;
	v11 =	vimm.s32 $0x67452301;
	v33 =	vor.u32 $0x4, v29;
	[tilespmem:$0x1FF10] =	vst v32  }
0x8: {  	vm0 =	vcmask $0x3700;
	v0 =	vunpack.c.l.s4.s8 v0;
	v34 =	vor.u32 $0x5, v29;
	[tilespmem:$0x1FF20] =	vst v33  }
0x9: {  	v4 =	vunpack.c.l.s4.s8 v2;
	v2 =	vor.u32 $0x10, v1;
	v35 =	vor.u32 $0x6, v29;
	[tilespmem:$0x1FF30] =	vst v34  }
0xa: {  	v3 =	vor.u32 $0x20, v1;
	v41 =	vadd.s32 $0x22, v1;
	v36 =	vor.u32 $0x7, v29;
	[tilespmem:$0x1FF40] =	vst v35  }
0xb: {  	v6 =	vunpack.c.l.s4.s8 v6;
	v7 =	vunpack.c.l.s4.s8 v7;
	v37 =	vor.u32 $0x8, v29;
	[tilespmem:$0x1FF50] =	vst v36  }
0xc: {  	v8 =	vunpack.c.l.s4.s8 v8;
	v9 =	vunpack.c.l.s4.s8 v9;
	v38 =	vor.u32 $0x9, v29;
	[tilespmem:$0x1FF60] =	vst v37  }
0xd: {  	s18 =	srdreg.scid;
	s5 =	stileid.u32;
	s14 =	simm.s32 $0x7;
	v10 =	vunpack.c.l.s4.s8 v10;
	v11 =	vunpack.c.l.s4.s8 v11;
	v39 =	vor.u32 $0xA, v29;
	[tilespmem:$0x1FF70] =	vst v38  }
0xe: {  	s17 =	simm.s32 $0xA000;
	s9 =	simm.s32 $0x1;
	s10 =	simm.s32 $0x2;
	v12 =	vor.u32 $0xA0, v1;
	v0 =	vunpack.c.0.s8.s32 v0;
	v40 =	vor.u32 $0xB, v29;
	[tilespmem:$0x1FF80] =	vst v39  }
0xf: {  	s11 =	simm.s32 $0x9400;
	s15 =	simm.s32 $0x13080;
	s8 =	simm.s32 $0x9600;
	v13 =	vor.u32 $0x30, v1;
	v4 =	vunpack.c.0.s8.s32 v4;
	v63 =	vor.u32 $0xC, v29;
	[tilespmem:$0x1FF90] =	vst v40  }
0x10: {  	s29 =	simm.s32 $0x5;
	s31 =	simm.s32 $0x12C00;
	s13 =	sadd.s32 $0x600, s2;
	v6 =	vunpack.c.0.s8.s32 v6;
	v27 =	vor.u32 $0xD, v29;
	[tilespmem:$0x1FFA0] =	vst v63;
	v0 =	vand.u32 $0xF, v0  }
0x11: {  	s3 =	sand.u32 $0x1, s18;
	s5 =	sshll.u32 s5, $0xA;
	s16 =	sadd.s32 $0x40600, s2;
	v7 =	vunpack.c.0.s8.s32 v7;
	v28 =	vor.u32 $0xE, v29;
	[tilespmem:$0x1FFB0] =	vst v27;
	v0 =	vcombine.low v0, v4  }
0x12: {  	s7 =	sadd.s32 $0x80600, s2;
	v14 =	vor.u32 $0xB0, v1;
	v15 =	vor.u32 $0x40, v1;
	v16 =	vor.u32 $0xC0, v1;
	s4 =	ssub.s32 $0x2, s3;
	s3 =	sshll.u32 s3, $0x9;
	[tilespmem:$0x1FFC0] =	vst v28  }
0x13: {  	v17 =	vor.u32 $0x50, v1;
	[dreg:$0x4] =	wrdreg s7;
	s6 =	sshrl.u32 s4, $0x1;
	s3 =	sor.u32 s3, s5;
	v26 =	vor.u32 $0xF, v29;
	[tilespmem:$0x1FE60] =	vst v0;
	v0 =	vcombine.low v7, v6  }
0x14: {  	v19 =	vor.u32 $0xD0, v1;
	v8 =	vunpack.c.0.s8.s32 v8;
	v9 =	vunpack.c.0.s8.s32 v9;
	s5 =	simm.s32 $0x12E00;
	s20 =	sshll.u32 s3, $0x4;
	s3 =	sshrl.u32 s3, $0x3;
	[tilespmem:$0x1FFD0] =	vst v26  }
0x15: {  	v20 =	vor.u32 $0x60, v1;
	v10 =	vunpack.c.0.s8.s32 v10;
	s19 =	ssub.s32 s4, s6;
	s21 =	sadd.s32 s13, s20;
	[dreg:$0xa] =	wrdreg s3;
	[tilespmem:$0x1FE70] =	vst v0;
	v0 =	vsel vm0, $0x0, v5  }
0x16: {  	v11 =	vunpack.c.0.s8.s32 v11;
	v42 =	vor.u32 $0x80C, v29;
	s6 =	simm.s32 $0x0;
	s22 =	sadd.s32 s16, s20;
	[dreg:$0x5] =	wrdreg s21;
	[tilespmem:$0x1FE80] =	vst v0;
	v0 =	vcombine.low v9, v8  }
0x17: {  	v21 =	vor.u32 $0xE0, v1;
	v22 =	vor.u32 $0x70, v1;
	v23 =	vor.u32 $0xF0, v1;
	[tilespmem:$0x1FFE0] =	vst v42;
	s23 =	sor.u32 $0x40, s20;
	s26 =	sor.u32 $0x80, s20;
	[dreg:$0x6] =	wrdreg s22  }
0x18: {  	v44 =	vor.u32 $0x801, v29;
	v43 =	vor.u32 $0x80D, v29;
	s28 =	sor.u32 $0xC0, s20;
	s2 =	smax.u32 s19, $0x1;
	[dreg:$0x9] =	wrdreg s26;
	[tilespmem:$0x1FE90] =	vst v0;
	v0 =	vcombine.low v11, v10  }
0x19: {  	v45 =	vor.u32 $0x802, v29;
	v46 =	vor.u32 $0x803, v29;
	v47 =	vor.u32 $0x804, v29;
	[tilespmem:$0x1FFF0] =	vst v43;
	s3 =	simm.s32 $0x9800;
	s19 =	simm.s32 $0x10400;
	[dreg:$0xb] =	wrdreg s28  }
0x1a: {  	v48 =	vor.u32 $0x805, v29;
	v49 =	vor.u32 $0x806, v29;
	s24 =	sadd.s32 s13, s23;
	s25 =	sadd.s32 s16, s23;
	[dreg:$0xc] =	wrdreg s2;
	[tilespmem:$0x1FEA0] =	vst v0;
	v0 =	vor.u32 $0x800, v29  }
0x1b: {  	v50 =	vor.u32 $0x807, v29;
	v51 =	vor.u32 $0x808, v29;
	s30 =	sadd.s32 s7, s23;
	s21 =	simm.s32 $0x32;
	[dreg:$0x7] =	wrdreg s24;
	[tilespmem:$0x1FEB0] =	vst v0;
	v0 =	vor.u32 $0x80E, v29  }
0x1c: {  	v52 =	vor.u32 $0x809, v29;
	v53 =	vor.u32 $0x80A, v29;
	s22 =	simm.s32 $0x800;
	s23 =	simm.s32 $0x14;
	[dreg:$0x8] =	wrdreg s25;
	[tilespmem:$0x1FEC0] =	vst v0;
	v0 =	vor.u32 $0x80F, v29  }
0x1d: {  	v54 =	vor.u32 $0x80B, v29;
	s26 =	simm.s32 $0x4;
	[dreg:$0xd] =	wrdreg s30;
	s24 =	simm.s32 $0x6C00;
	v10 =	vor.u32 $0x80, v1;
	v11 =	vor.u32 $0x90, v1;
	[tilespmem:$0x1FED0] =	vst v0  }
.LBB2_1:
0x1e: {  	[dreg:$0xe] =	wrdreg s6;
	s2 =	simm.s32 $0x0;
	s4 =	simm.s32 $0x13000  }
0x1f: {  	[tilespmem:s4], [sflag:$0x7] =	stream.linear.gather [hbm4b:s0+s2], $0x80, $0x38;
	[tilespmem:$0x14080] =	vst v63  }
0x20: {  	_ =	swait.ge [sflag:s14], $0x80  }
0x21: {  	[sflag:s14] =	ssyncset.done $0x0  }
0x22: {  	v0 =	vimm.f32 $0.0e+00;
	[sflag:s14] =	ssyncadd.s32 $0xFFFFFF80  }
0x23: {  	[tilespmem:$0x13080] =	vst v0  }
0x24: {  	[tilespmem:$0x13100] =	vst v0  }
0x25: {  	[tilespmem:$0x13180] =	vst v0  }
0x26: {  	[tilespmem:$0x13200] =	vst v0  }
0x27: {  	[tilespmem:$0x13280] =	vst v0  }
0x28: {  	[tilespmem:$0x13300] =	vst v0  }
0x29: {  	[tilespmem:$0x13380] =	vst v0  }
0x2a: {  	[tilespmem:$0x13400] =	vst v0  }
0x2b: {  	[tilespmem:$0x13480] =	vst v0  }
0x2c: {  	[tilespmem:$0x13500] =	vst v0  }
0x2d: {  	[tilespmem:$0x13580] =	vst v0  }
0x2e: {  	[tilespmem:$0x13600] =	vst v0  }
0x2f: {  	[tilespmem:$0x13680] =	vst v0  }
0x30: {  	[tilespmem:$0x13700] =	vst v0  }
0x31: {  	[tilespmem:$0x13780] =	vst v0  }
0x32: {  	[tilespmem:$0x13800] =	vst v0  }
0x33: {  	[tilespmem:$0x13880] =	vst v0  }
0x34: {  	[tilespmem:$0x13900] =	vst v0  }
0x35: {  	[tilespmem:$0x13980] =	vst v0  }
0x36: {  	[tilespmem:$0x13A00] =	vst v0  }
0x37: {  	[tilespmem:$0x13A80] =	vst v0  }
0x38: {  	[tilespmem:$0x13B00] =	vst v0  }
0x39: {  	[tilespmem:$0x13B80] =	vst v0  }
0x3a: {  	[tilespmem:$0x13C00] =	vst v0  }
0x3b: {  	[tilespmem:$0x13C80] =	vst v0  }
0x3c: {  	[tilespmem:$0x13D00] =	vst v0  }
0x3d: {  	[tilespmem:$0x13D80] =	vst v0  }
0x3e: {  	[tilespmem:$0x13E00] =	vst v0  }
0x3f: {  	[tilespmem:$0x13E80] =	vst v0  }
0x40: {  	[tilespmem:$0x13F00] =	vst v0  }
0x41: {  	[tilespmem:$0x13F80] =	vst v0  }
0x42: {  	s30 =	rddreg [dreg:$0x5];
	[tilespmem:$0x14000] =	vst v0  }
0x43: {  	[tilespmem:s2], [sflag:$0x3] =	stream.linear.gather [hbm4b:s30+s2], $0x200, $0x38;
	[tilespmem:$0x14080] =	vst v63  }
0x44: {  	s7 =	simm.s32 $0x400;
	s12 =	simm.s32 $0x3;
	s6 =	rddreg [dreg:$0x6]  }
0x45: {  	[tilespmem:s7], [sflag:$0x3] =	stream.linear.gather [hbm4b:s6+s2], $0x200, $0x38;
	[tilespmem:$0x14080] =	vst v63  }
0x46: {  	_ =	swait.ge [sflag:s12], $0x200  }
0x47: {  	[sflag:s12] =	ssyncset.done $0x0  }
0x48: {  	[sflag:s12] =	ssyncadd.s32 $0xFFFFFE00  }
0x49: {  	_ =	swait.ge [sflag:s12], $0x200  }
0x4a: {  	[sflag:s12] =	ssyncset.done $0x0  }
0x4b: {  	[sflag:s12] =	ssyncadd.s32 $0xFFFFFE00  }
0x4c: {  	[tilespmem:s22], [sflag:$0x1] =	stream.indirect.gather [hbm4b:s0+s21], $0x80, s2, s21, $0xb8;
	[tilespmem:$0x14080] =	vst v63  }
0x4d: {  	_ = 	snop  }
0x4e: {  	[tilespmem:s24], [sflag:$0x2] =	stream.indirect.gather [hbm4b:s1+s23], $0x80, s7, s23, $0xb8;
	[tilespmem:$0x14080] =	vst v63  }
0x4f: {  	s18 =	simm.s32 $0x2100;
	s14 =	simm.s32 $0x80  }
0x50: {  	[tilespmem:s18], [sflag:$0x1] =	stream.indirect.gather [hbm4b:s0+s21], $0x80, s14, s21, $0xb8;
	[tilespmem:$0x14080] =	vst v63  }
0x51: {  	s20 =	simm.s32 $0x480;
	s25 =	simm.s32 $0x7600  }
0x52: {  	[tilespmem:s25], [sflag:$0x2] =	stream.indirect.gather [hbm4b:s1+s23], $0x80, s20, s23, $0xb8;
	[tilespmem:$0x14080] =	vst v63  }
0x53: {  	s28 =	simm.s32 $0x100;
	s30 =	simm.s32 $0x3A00  }
0x54: {  	[tilespmem:s30], [sflag:$0x1] =	stream.indirect.gather [hbm4b:s0+s21], $0x80, s28, s21, $0xb8;
	[tilespmem:$0x14080] =	vst v63  }
0x55: {  	s6 =	simm.s32 $0x500;
	s7 =	simm.s32 $0x8000  }
0x56: {  	[tilespmem:s7], [sflag:$0x2] =	stream.indirect.gather [hbm4b:s1+s23], $0x80, s6, s23, $0xb8;
	[tilespmem:$0x14080] =	vst v63  }
0x57: {  	s12 =	simm.s32 $0x180;
	s14 =	simm.s32 $0x5300  }
0x58: {  	[tilespmem:s14], [sflag:$0x1] =	stream.indirect.gather [hbm4b:s0+s21], $0x80, s12, s21, $0xb8;
	[tilespmem:$0x14080] =	vst v63  }
0x59: {  	s18 =	simm.s32 $0x580;
	s20 =	simm.s32 $0x8A00  }
0x5a: {  	[tilespmem:s20], [sflag:$0x2] =	stream.indirect.gather [hbm4b:s1+s23], $0x80, s18, s23, $0xb8;
	[tilespmem:$0x14080] =	vst v63  }
0x5b: {  	s25 =	rddreg [dreg:$0x7]  }
0x5c: {  	[tilespmem:s3], [sflag:$0x6] =	stream.linear.gather [hbm4b:s25+s2], $0x200, $0x38;
	[tilespmem:$0x14080] =	vst v63  }
0x5d: {  	s28 =	rddreg [dreg:$0x8];
	s30 =	simm.s32 $0x9C00;
	s25 =	simm.s32 $0x0  }
0x5e: {  	[tilespmem:s30], [sflag:$0x6] =	stream.linear.gather [hbm4b:s28+s2], $0x200, $0x38;
	[tilespmem:$0x14080] =	vst v63  }
.LBB2_2:
0x5f: {  	s4 =	simm.s32 $0x6  }
0x60: {  	_ =	swait.ge [sflag:s4], $0x200  }
0x61: {  	[sflag:s4] =	ssyncset.done $0x0  }
0x62: {  	[sflag:s4] =	ssyncadd.s32 $0xFFFFFE00  }
0x63: {  	s6 =	sand.u32 $0x1, s25;
	_ =	swait.ge [sflag:s4], $0x200  }
0x64: {  	s2 =	sshll.u32 s6, $0x9;
	[sflag:s4] =	ssyncset.done $0x0  }
0x65: {  	s14 =	sor.u32 $0x9800, s2;
	[sflag:s4] =	ssyncadd.s32 $0xFFFFFE00  }
0x66: {  	[tilespmem:s17], [sflag:$0x4] =	stream.indirect.gather [hbm4b:s0+s21], $0x80, s14, s21, $0xb8;
	[tilespmem:$0x14080] =	vst v63  }
0x67: {  	s18 =	sor.u32 $0x9C00, s2  }
0x68: {  	[tilespmem:s19], [sflag:$0x5] =	stream.indirect.gather [hbm4b:s1+s23], $0x80, s18, s23, $0xb8;
	[tilespmem:$0x14080] =	vst v63  }
0x69: {  	s7 =	simm.s32 $0xB900;
	s20 =	sor.u32 $0x9880, s2  }
0x6a: {  	[tilespmem:s7], [sflag:$0x4] =	stream.indirect.gather [hbm4b:s0+s21], $0x80, s20, s21, $0xb8;
	[tilespmem:$0x14080] =	vst v63  }
0x6b: {  	s12 =	sor.u32 $0x9C80, s2;
	s14 =	simm.s32 $0x10E00  }
0x6c: {  	[tilespmem:s14], [sflag:$0x5] =	stream.indirect.gather [hbm4b:s1+s23], $0x80, s12, s23, $0xb8;
	[tilespmem:$0x14080] =	vst v63  }
0x6d: {  	s18 =	sor.u32 $0x9900, s2;
	s20 =	simm.s32 $0xD200  }
0x6e: {  	[tilespmem:s20], [sflag:$0x4] =	stream.indirect.gather [hbm4b:s0+s21], $0x80, s18, s21, $0xb8;
	[tilespmem:$0x14080] =	vst v63  }
0x6f: {  	s7 =	sor.u32 $0x9D00, s2;
	s12 =	simm.s32 $0x11800  }
0x70: {  	[tilespmem:s12], [sflag:$0x5] =	stream.indirect.gather [hbm4b:s1+s23], $0x80, s7, s23, $0xb8;
	[tilespmem:$0x14080] =	vst v63  }
0x71: {  	s14 =	sor.u32 $0x9980, s2;
	s18 =	simm.s32 $0xEB00  }
0x72: {  	[tilespmem:s18], [sflag:$0x4] =	stream.indirect.gather [hbm4b:s0+s21], $0x80, s14, s21, $0xb8;
	[tilespmem:$0x14080] =	vst v63  }
0x73: {  	s20 =	sor.u32 $0x9D80, s2;
	s7 =	sshll.u32 s25, $0x1;
	s12 =	simm.s32 $0x12200  }
0x74: {  	[tilespmem:s12], [sflag:$0x5] =	stream.indirect.gather [hbm4b:s1+s23], $0x80, s20, s23, $0xb8;
	[tilespmem:$0x14080] =	vst v63  }
0x75: {  	s12 =	smin.u32 s7, $0x7D  }
0x76: {  	s14 =	rddreg [dreg:$0x9];
	s4 =	sshll.u32 s12, $0x6  }
0x77: {  	s12 =	sadd.s32 s4, s14  }
0x78: {  	s4 =	sand.u32 $0x40, s4;
	s12 =	sand.u32 $0x7FF80, s12  }
0x79: {  	s14 =	sor.u32 s4, s12  }
0x7a: {  	s12 =	sxor.u32 $0x200, s2;
	s4 =	simm.s32 $0x0;
	s18 =	sadd.s32 s13, s14  }
0x7b: {  	[tilespmem:s12], [sflag:$0x3] =	stream.linear.gather [hbm4b:s18+s4], $0x200, $0x38;
	[tilespmem:$0x14080] =	vst v63  }
0x7c: {  	s20 =	smov.u32 s13;
	s13 =	sor.u32 $0x400, s12;
	s14 =	sadd.s32 s16, s14  }
0x7d: {  	[tilespmem:s13], [sflag:$0x3] =	stream.linear.gather [hbm4b:s14+s4], $0x200, $0x38;
	[tilespmem:$0x14080] =	vst v63  }
0x7e: {  	_ =	swait.ge [sflag:s9], $0x1900  }
0x7f: {  	[sflag:s9] =	ssyncset.done $0x0  }
0x80: {  	[sflag:s9] =	ssyncadd.s32 $0xFFFFE700  }
0x81: {  	_ =	swait.ge [sflag:s10], $0xA00  }
0x82: {  	[sflag:s10] =	ssyncset.done $0x0  }
0x83: {  	[sflag:s10] =	ssyncadd.s32 $0xFFFFF600  }
0x84: {  	_ =	swait.ge [sflag:s9], $0x1900  }
0x85: {  	[sflag:s9] =	ssyncset.done $0x0  }
0x86: {  	[sflag:s9] =	ssyncadd.s32 $0xFFFFE700  }
0x87: {  	_ =	swait.ge [sflag:s10], $0xA00  }
0x88: {  	[sflag:s10] =	ssyncset.done $0x0  }
0x89: {  	[sflag:s10] =	ssyncadd.s32 $0xFFFFF600  }
0x8a: {  	_ =	swait.ge [sflag:s9], $0x1900  }
0x8b: {  	[sflag:s9] =	ssyncset.done $0x0  }
0x8c: {  	[sflag:s9] =	ssyncadd.s32 $0xFFFFE700  }
0x8d: {  	_ =	swait.ge [sflag:s10], $0xA00  }
0x8e: {  	[sflag:s10] =	ssyncset.done $0x0  }
0x8f: {  	[sflag:s10] =	ssyncadd.s32 $0xFFFFF600  }
0x90: {  	_ =	swait.ge [sflag:s9], $0x1900  }
0x91: {  	[sflag:s9] =	ssyncset.done $0x0  }
0x92: {  	[sflag:s9] =	ssyncadd.s32 $0xFFFFE700  }
0x93: {  	_ =	swait.ge [sflag:s10], $0xA00  }
0x94: {  	s28 =	smov.u32 s16;
	s30 =	sshll.u32 s6, $0x2;
	[sflag:s10] =	ssyncset.done $0x0  }
0x95: {  	s16 =	simm.s32 $0x0;
	s14 =	simm.s32 $0x0;
	[sflag:s10] =	ssyncadd.s32 $0xFFFFF600  }
.LBB2_3:
0x96: {  	s6 =	sor.u32 s30, s16  }
0x97: {  	s6 =	sshll.u32 s6, $0x7  }
0x98: {  	v0 =	vor.u32 s6, v1  }
0x99: {  	v4 =	vor.u32 s6, v2;
	_ =	sdelay $0x1  }
0x9a: {  	v5 =	vor.u32 s6, v3;
	_ =	sdelay $0x1  }
0x9b: {  	v0 =	vld.idx.msk [tilespmem:v0+s4+$0x0], $0xffff  }
0x9c: {  	v6 =	vor.u32 s6, v41;
	v4 =	vld.idx.msk [tilespmem:v4+s4+$0x0], $0xffff;
	_ =	sdelay $0x1  }
0x9d: {  	v5 =	vld.idx.msk [tilespmem:v5+s4+$0x0], $0xffff  }
0x9e: {  	s18 =	sadd.s32 $0x0, s14  }
0x9f: {  	v8 =	vimm.f32 $0.0e+00;
	v7 =	vmov s18  }
0xa0: {  	vm0 =	veq.s32 v0, $0x0;
	v0 =	vld.idx.msk [tilespmem:v6+s4+$0x0], $0xffff;
	v6 =	vshll.u32 v7, $0x7;
	vm1 =	veq.s32 v4, $0x0  }
0xa1: {  	v4 =	vbroadcast v6, $0x0;
	v6 =	vsel vm0, $0x3F800000, v8;
	v7 =	vsel vm1, $0x3F800000, v8  }
0xa2: {  	vm14 =	veq.s32 v5, $0x0;
	v6 =	vadd.f32 v7, v6  }
0xa3: {  	v7 =	vsel vm14, $0x3F800000, v8  }
0xa4: {  	v6 =	vadd.f32 v7, v6;
	v7 =	vld [tilespmem:$0x1FE80]  }
0xa5: {  	vm15 =	veq.s32 v0, $0x0;
	v0 =	vor.u32 v12, v4;
	_ =	sdelay $0x1  }
0xa6: {  	v25 =	vld [tilespmem:$0x1FE60]  }
0xa7: {  	v5 =	vor.u32 v10, v4  }
0xa8: {  	v9 =	vor.u32 v11, v4;
	v7 =	vnsel vm15, $0x0, v7  }
0xa9: {  	v6 =	vadd.f32 v7, v6;
	v7 =	vor.u32 v16, v4;
	v30 =	vld.idx.msk [tilespmem:v0+s22+$0x0], $0xffff  }
0xaa: {  	v24 =	vor.u32 v19, v4;
	v0 =	vld [tilespmem:$0x1FE70]  }
0xab: {  	v31 =	vld [tilespmem:$0x1FE90];
	v26 =	vor.u32 v1, v4;
	v25 =	vperm.xlane v6, v25  }
0xac: {  	v18 =	vor.u32 v14, v4;
	v5 =	vld.idx.msk [tilespmem:v5+s22+$0x0], $0xffff  }
0xad: {  	v28 =	vld.idx.msk [tilespmem:v9+s22+$0x0], $0xffff;
	v9 =	vor.u32 v2, v4;
	v6 =	vadd.f32 v6, v25  }
0xae: {  	v25 =	vor.u32 v3, v4;
	v55 =	vld.idx.msk [tilespmem:v7+s22+$0x0], $0xffff  }
0xaf: {  	v27 =	vor.u32 v13, v4;
	v7 =	vperm.xlane v6, v0;
	v0 =	vld.idx.msk [tilespmem:v24+s22+$0x0], $0xffff  }
0xb0: {  	v24 =	vld.idx.msk [tilespmem:v26+s22+$0x0], $0xffff;
	v26 =	vor.u32 v17, v4  }
0xb1: {  	s18 =	sadd.s32 $0x2, s14;
	v18 =	vld.idx.msk [tilespmem:v18+s22+$0x0], $0xffff  }
0xb2: {  	v29 =	vor.u32 v15, v4;
	v9 =	vld.idx.msk [tilespmem:v9+s22+$0x0], $0xffff;
	v6 =	vadd.f32 v6, v7;
	v7 =	vmov s18  }
0xb3: {  	v56 =	vor.u32 v20, v4;
	v7 =	vshll.u32 v7, $0x7;
	v25 =	vld.idx.msk [tilespmem:v25+s22+$0x0], $0xffff  }
0xb4: {  	v57 =	vor.u32 v22, v4;
	v58 =	vbroadcast v7, $0x0;
	v7 =	vld.idx.msk [tilespmem:v27+s22+$0x0], $0xffff  }
0xb5: {  	v59 =	vperm.xlane v6, v31;
	v27 =	vor.u32 v21, v4;
	v31 =	vld.idx.msk [tilespmem:v26+s22+$0x0], $0xffff  }
0xb6: {  	v4 =	vor.u32 v23, v4;
	v26 =	vld [tilespmem:$0x1FEA0]  }
0xb7: {  	v62 =	vld.idx.msk [tilespmem:v29+s22+$0x0], $0xffff;
	v59 =	vadd.f32 v6, v59;
	v6 =	vor.u32 v10, v58  }
0xb8: {  	v32 =	vld.idx.msk [tilespmem:v56+s22+$0x0], $0xffff;
	v60 =	vor.u32 v11, v58  }
0xb9: {  	v33 =	vld.idx.msk [tilespmem:v57+s22+$0x0], $0xffff;
	v24 =	vadd.f32 v24, v8;
	v61 =	vor.u32 v12, v58  }
0xba: {  	v29 =	vadd.f32 v9, v8;
	v34 =	vor.u32 v14, v58;
	v25 =	vadd.f32 v25, v8;
	v57 =	vld.idx.msk [tilespmem:v27+s22+$0x0], $0xffff  }
0xbb: {  	v9 =	vadd.f32 v5, v24;
	v56 =	vld.idx.msk [tilespmem:v4+s22+$0x0], $0xffff;
	v63 =	vperm.xlane v59, v26;
	v26 =	vor.u32 v16, v58  }
0xbc: {  	v35 =	vadd.f32 v7, v8;
	v27 =	vor.u32 v19, v58;
	v5 =	vadd.f32 v30, v25;
	v7 =	vld.idx.msk [tilespmem:v6+s22+$0x0], $0xffff  }
0xbd: {  	v25 =	vadd.f32 v62, v8;
	v6 =	vadd.f32 v28, v29;
	v29 =	vor.u32 v1, v58;
	v4 =	vld.idx.msk [tilespmem:v60+s22+$0x0], $0xffff  }
0xbe: {  	v24 =	vadd.f32 v31, v8;
	v60 =	vadd.f32 v18, v35;
	v28 =	vor.u32 v2, v58;
	v61 =	vld.idx.msk [tilespmem:v61+s22+$0x0], $0xffff  }
0xbf: {  	s6 =	simm.s32 $0x4;
	v30 =	vor.u32 v3, v58;
	v62 =	vld.idx.msk [tilespmem:v34+s22+$0x0], $0xffff;
	v18 =	vadd.f32 v32, v8;
	v8 =	vadd.f32 v33, v8  }
.LBB2_4:
0xc0: {  	p0 =	sne.s32 s6, $0x30;
	v31 =	vor.u32 v13, v58;
	v25 =	vadd.f32 v55, v25;
	v55 =	vld.idx.msk [tilespmem:v26+s22+$0x0], $0xffff;
	v24 =	vadd.f32 v0, v24  }
0xc1: {  	v26 =	vor.u32 v15, v58;
	v0 =	vld.idx.msk [tilespmem:v27+s22+$0x0], $0xffff;
	v18 =	vadd.f32 v57, v18;
	v8 =	vadd.f32 v56, v8  }
0xc2: {  	s18 =	sadd.s32 s6, s14;
	v27 =	vld.idx.msk [tilespmem:v29+s22+$0x0], $0xffff;
	v29 =	vor.u32 v17, v58  }
0xc3: {  	v33 =	vor.u32 v20, v58;
	v32 =	vmov s18;
	v28 =	vld.idx.msk [tilespmem:v28+s22+$0x0], $0xffff  }
0xc4: {  	v34 =	vor.u32 v22, v58;
	v32 =	vshll.u32 v32, $0x7;
	v30 =	vld.idx.msk [tilespmem:v30+s22+$0x0], $0xffff  }
0xc5: {  	v35 =	vor.u32 v21, v58;
	v32 =	vbroadcast v32, $0x0;
	v31 =	vld.idx.msk [tilespmem:v31+s22+$0x0], $0xffff  }
0xc6: {  	v56 =	vor.u32 v23, v58;
	v36 =	vld.idx.msk [tilespmem:v26+s22+$0x0], $0xffff  }
0xc7: {  	v37 =	vor.u32 v10, v32;
	v58 =	vmov v32;
	v38 =	vld.idx.msk [tilespmem:v29+s22+$0x0], $0xffff  }
0xc8: {  	v32 =	vor.u32 v11, v58;
	v33 =	vld.idx.msk [tilespmem:v33+s22+$0x0], $0xffff  }
0xc9: {  	v39 =	vor.u32 v12, v58;
	v34 =	vld.idx.msk [tilespmem:v34+s22+$0x0], $0xffff  }
0xca: {  	v40 =	vor.u32 v14, v58;
	v9 =	vadd.f32 v27, v9;
	v6 =	vadd.f32 v28, v6;
	v57 =	vld.idx.msk [tilespmem:v35+s22+$0x0], $0xffff  }
.Ltmp0:
0xcb: {  	v26 =	vor.u32 v16, v58;
	v5 =	vadd.f32 v30, v5;
	v28 =	vadd.f32 v31, v60;
	v56 =	vld.idx.msk [tilespmem:v56+s22+$0x0], $0xffff;
	(pc) =	sbr.rel @p0 .LBB2_4-.Ltmp0, $4  }
0xcc: {  	v27 =	vor.u32 v19, v58;
	v9 =	vadd.f32 v7, v9;
	v6 =	vadd.f32 v4, v6;
	v7 =	vld.idx.msk [tilespmem:v37+s22+$0x0], $0xffff  }
0xcd: {  	v29 =	vor.u32 v1, v58;
	v5 =	vadd.f32 v61, v5;
	v60 =	vadd.f32 v62, v28;
	v4 =	vld.idx.msk [tilespmem:v32+s22+$0x0], $0xffff  }
0xce: {  	v25 =	vadd.f32 v36, v25;
	v28 =	vor.u32 v2, v58;
	v24 =	vadd.f32 v38, v24;
	v61 =	vld.idx.msk [tilespmem:v39+s22+$0x0], $0xffff  }
0xcf: {  	s6 =	sadd.s32 $0x2, s6;
	v30 =	vor.u32 v3, v58;
	v18 =	vadd.f32 v33, v18;
	v8 =	vadd.f32 v34, v8;
	v62 =	vld.idx.msk [tilespmem:v40+s22+$0x0], $0xffff  }
0xd0: {  	_ =	sdelay $0x3  }
0xd1: {  	v29 =	vld.idx.msk [tilespmem:v29+s22+$0x0], $0xffff;
	_ =	sdelay $0x1  }
0xd2: {  	v31 =	vor.u32 v13, v58;
	v33 =	vld [tilespmem:$0x13000]  }
0xd3: {  	v26 =	vld.idx.msk [tilespmem:v26+s22+$0x0], $0xffff;
	v32 =	vor.u32 v15, v58  }
0xd4: {  	v27 =	vld.idx.msk [tilespmem:v27+s22+$0x0], $0xffff;
	v40 =	vor.u32 v22, v58  }
0xd5: {  	v28 =	vld.idx.msk [tilespmem:v28+s22+$0x0], $0xffff;
	v36 =	vadd.f32 v59, v63;
	v38 =	vor.u32 v23, v58;
	v9 =	vadd.f32 v29, v9  }
0xd6: {  	v34 =	vor.u32 v17, v58;
	v30 =	vld.idx.msk [tilespmem:v30+s22+$0x0], $0xffff  }
0xd7: {  	v35 =	vor.u32 v20, v58;
	s6 =	sshll.u32 s16, $0x7;
	v31 =	vld.idx.msk [tilespmem:v31+s22+$0x0], $0xffff;
	v7 =	vadd.f32 v7, v9;
	v9 =	vmul.f32 v33, v36  }
0xd8: {  	v37 =	vor.u32 v21, v58;
	v63 =	vor.u32 s6, v1;
	v32 =	vld.idx.msk [tilespmem:v32+s22+$0x0], $0xffff  }
0xd9: {  	v29 =	vld.idx.msk [tilespmem:v40+s22+$0x0], $0xffff;
	v7 =	vsub.f32 v7, v9  }
0xda: {  	v40 =	vld.idx.msk [tilespmem:v38+s22+$0x0], $0xffff  }
0xdb: {  	v33 =	vld.idx.msk [tilespmem:v34+s22+$0x0], $0xffff;
	v7 =	vmul.f32 $1.999999960e-02, v7  }
0xdc: {  	v9 =	vld.idx.msk [tilespmem:v35+s22+$0x0], $0xffff  }
0xdd: {  	v35 =	vld.idx.msk [tilespmem:v37+s22+$0x0], $0xffff;
	[tilespmem:v63+s11+$0x0] =	vst.idx.msk $0xffff, v7  }
0xde: {  	v7 =	vld [tilespmem:$0x13010];
	_ =	sdelay $0x2  }
0xdf: {  	v6 =	vadd.f32 v28, v6;
	_ =	sdelay $0x1  }
0xe0: {  	v4 =	vadd.f32 v4, v6;
	v58 =	vmul.f32 v7, v36  }
0xe1: {  	v59 =	vor.u32 s6, v2  }
0xe2: {  	v4 =	vsub.f32 v4, v58;
	_ =	sdelay $0x1  }
0xe3: {  	v4 =	vmul.f32 $1.999999960e-02, v4;
	_ =	sdelay $0x1  }
0xe4: {  	[tilespmem:v59+s11+$0x0] =	vst.idx.msk $0xffff, v4  }
0xe5: {  	v4 =	vld [tilespmem:$0x13020];
	_ =	sdelay $0x2  }
0xe6: {  	v5 =	vadd.f32 v30, v5;
	_ =	sdelay $0x1  }
0xe7: {  	v5 =	vadd.f32 v61, v5;
	v4 =	vmul.f32 v4, v36  }
0xe8: {  	v61 =	vor.u32 s6, v3  }
0xe9: {  	v4 =	vsub.f32 v5, v4;
	_ =	sdelay $0x1  }
0xea: {  	v4 =	vmul.f32 $1.999999960e-02, v4;
	_ =	sdelay $0x1  }
0xeb: {  	[tilespmem:v61+s11+$0x0] =	vst.idx.msk $0xffff, v4  }
0xec: {  	v4 =	vld [tilespmem:$0x13030];
	_ =	sdelay $0x2  }
0xed: {  	v5 =	vadd.f32 v31, v60;
	_ =	sdelay $0x1  }
0xee: {  	v5 =	vadd.f32 v62, v5;
	v4 =	vmul.f32 v4, v36  }
0xef: {  	v62 =	vor.u32 s6, v13  }
0xf0: {  	v4 =	vsub.f32 v5, v4;
	_ =	sdelay $0x1  }
0xf1: {  	v4 =	vmul.f32 $1.999999960e-02, v4;
	_ =	sdelay $0x1  }
0xf2: {  	[tilespmem:v62+s11+$0x0] =	vst.idx.msk $0xffff, v4  }
0xf3: {  	v4 =	vld [tilespmem:$0x13040]  }
0xf4: {  	v5 =	vadd.f32 v55, v25;
	_ =	sdelay $0x1  }
0xf5: {  	v5 =	vadd.f32 v32, v5;
	_ =	sdelay $0x1  }
0xf6: {  	v5 =	vadd.f32 v26, v5;
	v4 =	vmul.f32 v4, v36  }
0xf7: {  	v63 =	vor.u32 s6, v15  }
0xf8: {  	v4 =	vsub.f32 v5, v4;
	_ =	sdelay $0x1  }
0xf9: {  	v4 =	vmul.f32 $1.999999960e-02, v4;
	_ =	sdelay $0x1  }
0xfa: {  	[tilespmem:v63+s11+$0x0] =	vst.idx.msk $0xffff, v4  }
0xfb: {  	v4 =	vld [tilespmem:$0x13050]  }
0xfc: {  	v0 =	vadd.f32 v0, v24;
	_ =	sdelay $0x1  }
0xfd: {  	v0 =	vadd.f32 v33, v0;
	_ =	sdelay $0x1  }
0xfe: {  	v0 =	vadd.f32 v27, v0;
	v4 =	vmul.f32 v4, v36  }
0xff: {  	v5 =	vor.u32 s6, v17  }
0x100: {  	v0 =	vsub.f32 v0, v4;
	_ =	sdelay $0x1  }
0x101: {  	v0 =	vmul.f32 $1.999999960e-02, v0;
	_ =	sdelay $0x1  }
0x102: {  	[tilespmem:v5+s11+$0x0] =	vst.idx.msk $0xffff, v0  }
0x103: {  	v0 =	vld [tilespmem:$0x13060]  }
0x104: {  	v4 =	vadd.f32 v57, v18;
	_ =	sdelay $0x1  }
0x105: {  	v4 =	vadd.f32 v9, v4;
	_ =	sdelay $0x1  }
0x106: {  	v4 =	vadd.f32 v35, v4;
	v0 =	vmul.f32 v0, v36  }
0x107: {  	v5 =	vor.u32 s6, v20  }
0x108: {  	v0 =	vsub.f32 v4, v0;
	_ =	sdelay $0x1  }
0x109: {  	v0 =	vmul.f32 $1.999999960e-02, v0;
	_ =	sdelay $0x1  }
0x10a: {  	[tilespmem:v5+s11+$0x0] =	vst.idx.msk $0xffff, v0  }
0x10b: {  	v0 =	vld [tilespmem:$0x13070]  }
0x10c: {  	v4 =	vadd.f32 v56, v8;
	_ =	sdelay $0x1  }
0x10d: {  	v4 =	vadd.f32 v29, v4;
	_ =	sdelay $0x1  }
0x10e: {  	s16 =	sadd.s32 $0x1, s16;
	v4 =	vadd.f32 v40, v4;
	v0 =	vmul.f32 v0, v36  }
0x10f: {  	p0 =	sne.s32 s16, $0x4;
	v5 =	vor.u32 s6, v22  }
.Ltmp1:
0x110: {  	v0 =	vsub.f32 v4, v0;
	(pc) =	sbr.rel @p0 .LBB2_3-.Ltmp1, $3  }
0x111: {  	_ = 	snop  }
0x112: {  	v0 =	vmul.f32 $1.999999960e-02, v0;
	_ =	sdelay $0x1  }
0x113: {  	s14 =	sadd.s32 $0x32, s14;
	[tilespmem:v5+s11+$0x0] =	vst.idx.msk $0xffff, v0  }
0x114: {  	v30 =	vld [tilespmem:$0x1FF30]  }
0x115: {  	v31 =	vld [tilespmem:$0x1FF40]  }
0x116: {  	v32 =	vld [tilespmem:$0x1FF50]  }
0x117: {  	v33 =	vld [tilespmem:$0x1FF60]  }
0x118: {  	v34 =	vld [tilespmem:$0x1FF70]  }
0x119: {  	v35 =	vld [tilespmem:$0x1FF80]  }
0x11a: {  	v36 =	vld [tilespmem:$0x1FF90]  }
0x11b: {  	v37 =	vld [tilespmem:$0x1FFA0]  }
0x11c: {  	v38 =	vld [tilespmem:$0x1FFB0]  }
0x11d: {  	v39 =	vld [tilespmem:$0x1FFC0]  }
0x11e: {  	v40 =	vld [tilespmem:$0x1FFD0]  }
0x11f: {  	v26 =	vmov v43;
	v43 =	vld [tilespmem:$0x1FEB0]  }
0x120: {  	v27 =	vld [tilespmem:$0x1FEC0]  }
0x121: {  	v28 =	vld [tilespmem:$0x1FED0]  }
0x122: {  	s14 =	simm.s32 $0x0;
	s16 =	simm.s32 $0x13;
	v29 =	vld [tilespmem:$0x1FEE0]  }
.LBB2_7:
0x123: {  	s6 =	sshll.u32 s14, $0x7  }
0x124: {  	s4 =	sshll.u32 s16, $0x7;
	v56 =	vor.u32 s6, v1  }
0x125: {  	v55 =	vor.u32 s6, v2;
	s18 =	sadd.s32 $0xFFFFF680, s4  }
0x126: {  	v0 =	vor.u32 s18, v1  }
0x127: {  	v4 =	vor.u32 s18, v2  }
0x128: {  	v5 =	vor.u32 s6, v3  }
0x129: {  	v6 =	vor.u32 s18, v3;
	v57 =	vld.idx.msk [tilespmem:v56+s11+$0x0], $0xffff  }
0x12a: {  	v7 =	vor.u32 s6, v13;
	v58 =	vld.idx.msk [tilespmem:v55+s11+$0x0], $0xffff  }
0x12b: {  	v8 =	vor.u32 s18, v13;
	v0 =	vld.idx.msk [tilespmem:v0+s24+$0x0], $0xffff  }
0x12c: {  	v9 =	vor.u32 s6, v15;
	v4 =	vld.idx.msk [tilespmem:v4+s24+$0x0], $0xffff  }
0x12d: {  	v59 =	vld.idx.msk [tilespmem:v5+s11+$0x0], $0xffff;
	v5 =	vor.u32 s18, v15  }
0x12e: {  	v18 =	vor.u32 s6, v17;
	v6 =	vld.idx.msk [tilespmem:v6+s24+$0x0], $0xffff  }
0x12f: {  	v60 =	vld.idx.msk [tilespmem:v7+s11+$0x0], $0xffff;
	v7 =	vor.u32 s18, v17  }
0x130: {  	v24 =	vor.u32 s6, v20;
	v8 =	vld.idx.msk [tilespmem:v8+s24+$0x0], $0xffff  }
0x131: {  	v61 =	vld.idx.msk [tilespmem:v9+s11+$0x0], $0xffff;
	v9 =	vor.u32 s18, v20;
	v0 =	vmul.f32 v0, v57;
	v4 =	vmul.f32 v4, v58  }
0x132: {  	v25 =	vor.u32 s6, v22;
	v5 =	vld.idx.msk [tilespmem:v5+s24+$0x0], $0xffff  }
0x133: {  	v62 =	vld.idx.msk [tilespmem:v18+s11+$0x0], $0xffff;
	v0 =	vadd.f32 v4, v0;
	v4 =	vmul.f32 v6, v59;
	v6 =	vor.u32 s18, v22  }
0x134: {  	v7 =	vld.idx.msk [tilespmem:v7+s24+$0x0], $0xffff  }
0x135: {  	v63 =	vld.idx.msk [tilespmem:v24+s11+$0x0], $0xffff;
	v8 =	vmul.f32 v8, v60;
	v4 =	vadd.f32 v4, v0  }
0x136: {  	v9 =	vld.idx.msk [tilespmem:v9+s24+$0x0], $0xffff  }
0x137: {  	v0 =	vld.idx.msk [tilespmem:v25+s11+$0x0], $0xffff;
	v5 =	vmul.f32 v5, v61;
	v4 =	vadd.f32 v8, v4  }
0x138: {  	v6 =	vld.idx.msk [tilespmem:v6+s24+$0x0], $0xffff  }
0x139: {  	v4 =	vadd.f32 v5, v4;
	v5 =	vmul.f32 v7, v62;
	_ =	sdelay $0x1  }
0x13a: {  	v4 =	vadd.f32 v5, v4;
	v5 =	vmul.f32 v9, v63  }
0x13b: {  	s18 =	sadd.s32 $0xFFFFF700, s4  }
0x13c: {  	v4 =	vadd.f32 v5, v4;
	v5 =	vmul.f32 v6, v0;
	v6 =	vor.u32 s18, v1  }
0x13d: {  	v7 =	vor.u32 s18, v2  }
0x13e: {  	v4 =	vadd.f32 v5, v4  }
0x13f: {  	v5 =	vor.u32 s18, v3  }
0x140: {  	[tilespmem:$0x13080] =	vst v4  }
0x141: {  	v4 =	vld.idx.msk [tilespmem:v6+s24+$0x0], $0xffff;
	v6 =	vor.u32 s18, v13  }
0x142: {  	v7 =	vld.idx.msk [tilespmem:v7+s24+$0x0], $0xffff  }
0x143: {  	v8 =	vor.u32 s18, v15  }
0x144: {  	v5 =	vld.idx.msk [tilespmem:v5+s24+$0x0], $0xffff  }
0x145: {  	v9 =	vor.u32 s18, v17  }
0x146: {  	v6 =	vld.idx.msk [tilespmem:v6+s24+$0x0], $0xffff  }
0x147: {  	v18 =	vor.u32 s18, v20;
	v4 =	vmul.f32 v4, v57;
	v7 =	vmul.f32 v7, v58  }
0x148: {  	v8 =	vld.idx.msk [tilespmem:v8+s24+$0x0], $0xffff  }
0x149: {  	v4 =	vadd.f32 v7, v4;
	v5 =	vmul.f32 v5, v59;
	v7 =	vor.u32 s18, v22  }
0x14a: {  	v9 =	vld.idx.msk [tilespmem:v9+s24+$0x0], $0xffff  }
0x14b: {  	v4 =	vadd.f32 v5, v4;
	v5 =	vmul.f32 v6, v60  }
0x14c: {  	v6 =	vld.idx.msk [tilespmem:v18+s24+$0x0], $0xffff  }
0x14d: {  	v4 =	vadd.f32 v5, v4;
	v5 =	vmul.f32 v8, v61  }
0x14e: {  	v7 =	vld.idx.msk [tilespmem:v7+s24+$0x0], $0xffff  }
0x14f: {  	v4 =	vadd.f32 v5, v4;
	v5 =	vmul.f32 v9, v62;
	_ =	sdelay $0x1  }
0x150: {  	v4 =	vadd.f32 v5, v4;
	v5 =	vmul.f32 v6, v63  }
0x151: {  	s18 =	sadd.s32 $0xFFFFF780, s4  }
0x152: {  	v6 =	vor.u32 s18, v1;
	v4 =	vadd.f32 v5, v4;
	v5 =	vmul.f32 v7, v0  }
0x153: {  	v7 =	vor.u32 s18, v2  }
0x154: {  	v4 =	vadd.f32 v5, v4  }
0x155: {  	v5 =	vor.u32 s18, v3  }
0x156: {  	[tilespmem:$0x13100] =	vst v4  }
0x157: {  	v4 =	vld.idx.msk [tilespmem:v6+s24+$0x0], $0xffff;
	v6 =	vor.u32 s18, v13  }
0x158: {  	v7 =	vld.idx.msk [tilespmem:v7+s24+$0x0], $0xffff  }
0x159: {  	v8 =	vor.u32 s18, v15  }
0x15a: {  	v5 =	vld.idx.msk [tilespmem:v5+s24+$0x0], $0xffff  }
0x15b: {  	v9 =	vor.u32 s18, v17  }
0x15c: {  	v6 =	vld.idx.msk [tilespmem:v6+s24+$0x0], $0xffff  }
0x15d: {  	v18 =	vor.u32 s18, v20;
	v4 =	vmul.f32 v4, v57;
	v7 =	vmul.f32 v7, v58  }
0x15e: {  	v8 =	vld.idx.msk [tilespmem:v8+s24+$0x0], $0xffff  }
0x15f: {  	v4 =	vadd.f32 v7, v4;
	v5 =	vmul.f32 v5, v59;
	v7 =	vor.u32 s18, v22  }
0x160: {  	v9 =	vld.idx.msk [tilespmem:v9+s24+$0x0], $0xffff  }
0x161: {  	v4 =	vadd.f32 v5, v4;
	v5 =	vmul.f32 v6, v60  }
0x162: {  	v6 =	vld.idx.msk [tilespmem:v18+s24+$0x0], $0xffff  }
0x163: {  	v4 =	vadd.f32 v5, v4;
	v5 =	vmul.f32 v8, v61  }
0x164: {  	v7 =	vld.idx.msk [tilespmem:v7+s24+$0x0], $0xffff  }
0x165: {  	v4 =	vadd.f32 v5, v4;
	v5 =	vmul.f32 v9, v62;
	_ =	sdelay $0x1  }
0x166: {  	v4 =	vadd.f32 v5, v4;
	v5 =	vmul.f32 v6, v63  }
0x167: {  	s18 =	sadd.s32 $0xFFFFF800, s4  }
0x168: {  	v6 =	vor.u32 s18, v1;
	v4 =	vadd.f32 v5, v4;
	v5 =	vmul.f32 v7, v0  }
0x169: {  	v7 =	vor.u32 s18, v2  }
0x16a: {  	v4 =	vadd.f32 v5, v4  }
0x16b: {  	v5 =	vor.u32 s18, v3  }
0x16c: {  	[tilespmem:$0x13180] =	vst v4  }
0x16d: {  	v4 =	vld.idx.msk [tilespmem:v6+s24+$0x0], $0xffff;
	v6 =	vor.u32 s18, v13  }
0x16e: {  	v7 =	vld.idx.msk [tilespmem:v7+s24+$0x0], $0xffff  }
0x16f: {  	v8 =	vor.u32 s18, v15  }
0x170: {  	v5 =	vld.idx.msk [tilespmem:v5+s24+$0x0], $0xffff  }
0x171: {  	v9 =	vor.u32 s18, v17  }
0x172: {  	v6 =	vld.idx.msk [tilespmem:v6+s24+$0x0], $0xffff  }
0x173: {  	v18 =	vor.u32 s18, v20;
	v4 =	vmul.f32 v4, v57;
	v7 =	vmul.f32 v7, v58  }
0x174: {  	v8 =	vld.idx.msk [tilespmem:v8+s24+$0x0], $0xffff  }
0x175: {  	v4 =	vadd.f32 v7, v4;
	v5 =	vmul.f32 v5, v59;
	v7 =	vor.u32 s18, v22  }
0x176: {  	v9 =	vld.idx.msk [tilespmem:v9+s24+$0x0], $0xffff  }
0x177: {  	v4 =	vadd.f32 v5, v4;
	v5 =	vmul.f32 v6, v60  }
0x178: {  	v6 =	vld.idx.msk [tilespmem:v18+s24+$0x0], $0xffff  }
0x179: {  	v4 =	vadd.f32 v5, v4;
	v5 =	vmul.f32 v8, v61  }
0x17a: {  	v7 =	vld.idx.msk [tilespmem:v7+s24+$0x0], $0xffff  }
0x17b: {  	v4 =	vadd.f32 v5, v4;
	v5 =	vmul.f32 v9, v62;
	_ =	sdelay $0x1  }
0x17c: {  	v4 =	vadd.f32 v5, v4;
	v5 =	vmul.f32 v6, v63  }
0x17d: {  	s18 =	sadd.s32 $0xFFFFF880, s4  }
0x17e: {  	v6 =	vor.u32 s18, v1;
	v4 =	vadd.f32 v5, v4;
	v5 =	vmul.f32 v7, v0  }
0x17f: {  	v7 =	vor.u32 s18, v2  }
0x180: {  	v4 =	vadd.f32 v5, v4  }
0x181: {  	v5 =	vor.u32 s18, v3  }
0x182: {  	[tilespmem:$0x13200] =	vst v4  }
0x183: {  	v4 =	vld.idx.msk [tilespmem:v6+s24+$0x0], $0xffff;
	v6 =	vor.u32 s18, v13  }
0x184: {  	v7 =	vld.idx.msk [tilespmem:v7+s24+$0x0], $0xffff  }
0x185: {  	v8 =	vor.u32 s18, v15  }
0x186: {  	v5 =	vld.idx.msk [tilespmem:v5+s24+$0x0], $0xffff  }
0x187: {  	v9 =	vor.u32 s18, v17  }
0x188: {  	v6 =	vld.idx.msk [tilespmem:v6+s24+$0x0], $0xffff  }
0x189: {  	v18 =	vor.u32 s18, v20;
	v4 =	vmul.f32 v4, v57;
	v7 =	vmul.f32 v7, v58  }
0x18a: {  	v8 =	vld.idx.msk [tilespmem:v8+s24+$0x0], $0xffff  }
0x18b: {  	v4 =	vadd.f32 v7, v4;
	v5 =	vmul.f32 v5, v59;
	v7 =	vor.u32 s18, v22  }
0x18c: {  	v9 =	vld.idx.msk [tilespmem:v9+s24+$0x0], $0xffff  }
0x18d: {  	v4 =	vadd.f32 v5, v4;
	v5 =	vmul.f32 v6, v60  }
0x18e: {  	v6 =	vld.idx.msk [tilespmem:v18+s24+$0x0], $0xffff  }
0x18f: {  	v4 =	vadd.f32 v5, v4;
	v5 =	vmul.f32 v8, v61  }
0x190: {  	v7 =	vld.idx.msk [tilespmem:v7+s24+$0x0], $0xffff  }
0x191: {  	v4 =	vadd.f32 v5, v4;
	v5 =	vmul.f32 v9, v62;
	_ =	sdelay $0x1  }
0x192: {  	v4 =	vadd.f32 v5, v4;
	v5 =	vmul.f32 v6, v63  }
0x193: {  	s18 =	sadd.s32 $0xFFFFF900, s4  }
0x194: {  	v6 =	vor.u32 s18, v1;
	v4 =	vadd.f32 v5, v4;
	v5 =	vmul.f32 v7, v0  }
0x195: {  	v7 =	vor.u32 s18, v2  }
0x196: {  	v4 =	vadd.f32 v5, v4  }
0x197: {  	v5 =	vor.u32 s18, v3  }
0x198: {  	[tilespmem:$0x13280] =	vst v4  }
0x199: {  	v4 =	vld.idx.msk [tilespmem:v6+s24+$0x0], $0xffff;
	v6 =	vor.u32 s18, v13  }
0x19a: {  	v7 =	vld.idx.msk [tilespmem:v7+s24+$0x0], $0xffff  }
0x19b: {  	v8 =	vor.u32 s18, v15  }
0x19c: {  	v5 =	vld.idx.msk [tilespmem:v5+s24+$0x0], $0xffff  }
0x19d: {  	v9 =	vor.u32 s18, v17  }
0x19e: {  	v6 =	vld.idx.msk [tilespmem:v6+s24+$0x0], $0xffff  }
0x19f: {  	v18 =	vor.u32 s18, v20;
	v4 =	vmul.f32 v4, v57;
	v7 =	vmul.f32 v7, v58  }
0x1a0: {  	v8 =	vld.idx.msk [tilespmem:v8+s24+$0x0], $0xffff  }
0x1a1: {  	v4 =	vadd.f32 v7, v4;
	v5 =	vmul.f32 v5, v59;
	v7 =	vor.u32 s18, v22  }
0x1a2: {  	v9 =	vld.idx.msk [tilespmem:v9+s24+$0x0], $0xffff  }
0x1a3: {  	v4 =	vadd.f32 v5, v4;
	v5 =	vmul.f32 v6, v60  }
0x1a4: {  	v6 =	vld.idx.msk [tilespmem:v18+s24+$0x0], $0xffff  }
0x1a5: {  	v4 =	vadd.f32 v5, v4;
	v5 =	vmul.f32 v8, v61  }
0x1a6: {  	v7 =	vld.idx.msk [tilespmem:v7+s24+$0x0], $0xffff  }
0x1a7: {  	v4 =	vadd.f32 v5, v4;
	v5 =	vmul.f32 v9, v62;
	_ =	sdelay $0x1  }
0x1a8: {  	v4 =	vadd.f32 v5, v4;
	v5 =	vmul.f32 v6, v63  }
0x1a9: {  	s18 =	sadd.s32 $0xFFFFF980, s4  }
0x1aa: {  	v6 =	vor.u32 s18, v1;
	v4 =	vadd.f32 v5, v4;
	v5 =	vmul.f32 v7, v0  }
0x1ab: {  	v7 =	vor.u32 s18, v2  }
0x1ac: {  	v4 =	vadd.f32 v5, v4  }
0x1ad: {  	v5 =	vor.u32 s18, v3  }
0x1ae: {  	[tilespmem:$0x13300] =	vst v4  }
0x1af: {  	v4 =	vld.idx.msk [tilespmem:v6+s24+$0x0], $0xffff;
	v6 =	vor.u32 s18, v13  }
0x1b0: {  	v7 =	vld.idx.msk [tilespmem:v7+s24+$0x0], $0xffff  }
0x1b1: {  	v8 =	vor.u32 s18, v15  }
0x1b2: {  	v5 =	vld.idx.msk [tilespmem:v5+s24+$0x0], $0xffff  }
0x1b3: {  	v9 =	vor.u32 s18, v17  }
0x1b4: {  	v6 =	vld.idx.msk [tilespmem:v6+s24+$0x0], $0xffff  }
0x1b5: {  	v18 =	vor.u32 s18, v20;
	v4 =	vmul.f32 v4, v57;
	v7 =	vmul.f32 v7, v58  }
0x1b6: {  	v8 =	vld.idx.msk [tilespmem:v8+s24+$0x0], $0xffff  }
0x1b7: {  	v4 =	vadd.f32 v7, v4;
	v5 =	vmul.f32 v5, v59;
	v7 =	vor.u32 s18, v22  }
0x1b8: {  	v9 =	vld.idx.msk [tilespmem:v9+s24+$0x0], $0xffff  }
0x1b9: {  	v4 =	vadd.f32 v5, v4;
	v5 =	vmul.f32 v6, v60  }
0x1ba: {  	v6 =	vld.idx.msk [tilespmem:v18+s24+$0x0], $0xffff  }
0x1bb: {  	v4 =	vadd.f32 v5, v4;
	v5 =	vmul.f32 v8, v61  }
0x1bc: {  	v7 =	vld.idx.msk [tilespmem:v7+s24+$0x0], $0xffff  }
0x1bd: {  	v4 =	vadd.f32 v5, v4;
	v5 =	vmul.f32 v9, v62;
	_ =	sdelay $0x1  }
0x1be: {  	v4 =	vadd.f32 v5, v4;
	v5 =	vmul.f32 v6, v63  }
0x1bf: {  	s18 =	sadd.s32 $0xFFFFFA00, s4  }
0x1c0: {  	v6 =	vor.u32 s18, v1;
	v4 =	vadd.f32 v5, v4;
	v5 =	vmul.f32 v7, v0  }
0x1c1: {  	v7 =	vor.u32 s18, v2  }
0x1c2: {  	v4 =	vadd.f32 v5, v4  }
0x1c3: {  	v5 =	vor.u32 s18, v3  }
0x1c4: {  	[tilespmem:$0x13380] =	vst v4  }
0x1c5: {  	v4 =	vld.idx.msk [tilespmem:v6+s24+$0x0], $0xffff;
	v6 =	vor.u32 s18, v13  }
0x1c6: {  	v7 =	vld.idx.msk [tilespmem:v7+s24+$0x0], $0xffff  }
0x1c7: {  	v8 =	vor.u32 s18, v15  }
0x1c8: {  	v5 =	vld.idx.msk [tilespmem:v5+s24+$0x0], $0xffff  }
0x1c9: {  	v9 =	vor.u32 s18, v17  }
0x1ca: {  	v6 =	vld.idx.msk [tilespmem:v6+s24+$0x0], $0xffff  }
0x1cb: {  	v18 =	vor.u32 s18, v20;
	v4 =	vmul.f32 v4, v57;
	v7 =	vmul.f32 v7, v58  }
0x1cc: {  	v8 =	vld.idx.msk [tilespmem:v8+s24+$0x0], $0xffff  }
0x1cd: {  	v4 =	vadd.f32 v7, v4;
	v5 =	vmul.f32 v5, v59;
	v7 =	vor.u32 s18, v22  }
0x1ce: {  	v9 =	vld.idx.msk [tilespmem:v9+s24+$0x0], $0xffff  }
0x1cf: {  	v4 =	vadd.f32 v5, v4;
	v5 =	vmul.f32 v6, v60  }
0x1d0: {  	v6 =	vld.idx.msk [tilespmem:v18+s24+$0x0], $0xffff  }
0x1d1: {  	v4 =	vadd.f32 v5, v4;
	v5 =	vmul.f32 v8, v61  }
0x1d2: {  	v7 =	vld.idx.msk [tilespmem:v7+s24+$0x0], $0xffff  }
0x1d3: {  	v4 =	vadd.f32 v5, v4;
	v5 =	vmul.f32 v9, v62;
	_ =	sdelay $0x1  }
0x1d4: {  	v4 =	vadd.f32 v5, v4;
	v5 =	vmul.f32 v6, v63  }
0x1d5: {  	s18 =	sadd.s32 $0xFFFFFA80, s4  }
0x1d6: {  	v6 =	vor.u32 s18, v1;
	v4 =	vadd.f32 v5, v4;
	v5 =	vmul.f32 v7, v0  }
0x1d7: {  	v7 =	vor.u32 s18, v2  }
0x1d8: {  	v4 =	vadd.f32 v5, v4  }
0x1d9: {  	v5 =	vor.u32 s18, v3  }
0x1da: {  	[tilespmem:$0x13400] =	vst v4  }
0x1db: {  	v4 =	vld.idx.msk [tilespmem:v6+s24+$0x0], $0xffff;
	v6 =	vor.u32 s18, v13  }
0x1dc: {  	v7 =	vld.idx.msk [tilespmem:v7+s24+$0x0], $0xffff  }
0x1dd: {  	v8 =	vor.u32 s18, v15  }
0x1de: {  	v5 =	vld.idx.msk [tilespmem:v5+s24+$0x0], $0xffff  }
0x1df: {  	v9 =	vor.u32 s18, v17  }
0x1e0: {  	v6 =	vld.idx.msk [tilespmem:v6+s24+$0x0], $0xffff  }
0x1e1: {  	v18 =	vor.u32 s18, v20;
	v4 =	vmul.f32 v4, v57;
	v7 =	vmul.f32 v7, v58  }
0x1e2: {  	v8 =	vld.idx.msk [tilespmem:v8+s24+$0x0], $0xffff  }
0x1e3: {  	v4 =	vadd.f32 v7, v4;
	v5 =	vmul.f32 v5, v59;
	v7 =	vor.u32 s18, v22  }
0x1e4: {  	v9 =	vld.idx.msk [tilespmem:v9+s24+$0x0], $0xffff  }
0x1e5: {  	v4 =	vadd.f32 v5, v4;
	v5 =	vmul.f32 v6, v60  }
0x1e6: {  	v6 =	vld.idx.msk [tilespmem:v18+s24+$0x0], $0xffff  }
0x1e7: {  	v4 =	vadd.f32 v5, v4;
	v5 =	vmul.f32 v8, v61  }
0x1e8: {  	v7 =	vld.idx.msk [tilespmem:v7+s24+$0x0], $0xffff  }
0x1e9: {  	v4 =	vadd.f32 v5, v4;
	v5 =	vmul.f32 v9, v62;
	_ =	sdelay $0x1  }
0x1ea: {  	v4 =	vadd.f32 v5, v4;
	v5 =	vmul.f32 v6, v63  }
0x1eb: {  	s18 =	sadd.s32 $0xFFFFFB00, s4  }
0x1ec: {  	v6 =	vor.u32 s18, v1;
	v4 =	vadd.f32 v5, v4;
	v5 =	vmul.f32 v7, v0  }
0x1ed: {  	v7 =	vor.u32 s18, v2  }
0x1ee: {  	v4 =	vadd.f32 v5, v4  }
0x1ef: {  	v5 =	vor.u32 s18, v3  }
0x1f0: {  	[tilespmem:$0x13480] =	vst v4  }
0x1f1: {  	v4 =	vld.idx.msk [tilespmem:v6+s24+$0x0], $0xffff;
	v6 =	vor.u32 s18, v13  }
0x1f2: {  	v7 =	vld.idx.msk [tilespmem:v7+s24+$0x0], $0xffff  }
0x1f3: {  	v8 =	vor.u32 s18, v15  }
0x1f4: {  	v5 =	vld.idx.msk [tilespmem:v5+s24+$0x0], $0xffff  }
0x1f5: {  	v9 =	vor.u32 s18, v17  }
0x1f6: {  	v6 =	vld.idx.msk [tilespmem:v6+s24+$0x0], $0xffff  }
0x1f7: {  	v18 =	vor.u32 s18, v20;
	v4 =	vmul.f32 v4, v57;
	v7 =	vmul.f32 v7, v58  }
0x1f8: {  	v8 =	vld.idx.msk [tilespmem:v8+s24+$0x0], $0xffff  }
0x1f9: {  	v4 =	vadd.f32 v7, v4;
	v5 =	vmul.f32 v5, v59;
	v7 =	vor.u32 s18, v22  }
0x1fa: {  	v9 =	vld.idx.msk [tilespmem:v9+s24+$0x0], $0xffff  }
0x1fb: {  	v4 =	vadd.f32 v5, v4;
	v5 =	vmul.f32 v6, v60  }
0x1fc: {  	v6 =	vld.idx.msk [tilespmem:v18+s24+$0x0], $0xffff  }
0x1fd: {  	v4 =	vadd.f32 v5, v4;
	v5 =	vmul.f32 v8, v61  }
0x1fe: {  	v7 =	vld.idx.msk [tilespmem:v7+s24+$0x0], $0xffff  }
0x1ff: {  	v4 =	vadd.f32 v5, v4;
	v5 =	vmul.f32 v9, v62;
	_ =	sdelay $0x1  }
0x200: {  	v4 =	vadd.f32 v5, v4;
	v5 =	vmul.f32 v6, v63  }
0x201: {  	s18 =	sadd.s32 $0xFFFFFB80, s4  }
0x202: {  	v6 =	vor.u32 s18, v1;
	v4 =	vadd.f32 v5, v4;
	v5 =	vmul.f32 v7, v0  }
0x203: {  	v7 =	vor.u32 s18, v2  }
0x204: {  	v4 =	vadd.f32 v5, v4  }
0x205: {  	v5 =	vor.u32 s18, v3  }
0x206: {  	[tilespmem:$0x13500] =	vst v4  }
0x207: {  	v4 =	vld.idx.msk [tilespmem:v6+s24+$0x0], $0xffff;
	v6 =	vor.u32 s18, v13  }
0x208: {  	v7 =	vld.idx.msk [tilespmem:v7+s24+$0x0], $0xffff  }
0x209: {  	v8 =	vor.u32 s18, v15  }
0x20a: {  	v5 =	vld.idx.msk [tilespmem:v5+s24+$0x0], $0xffff  }
0x20b: {  	v9 =	vor.u32 s18, v17  }
0x20c: {  	v6 =	vld.idx.msk [tilespmem:v6+s24+$0x0], $0xffff  }
0x20d: {  	v18 =	vor.u32 s18, v20;
	v4 =	vmul.f32 v4, v57;
	v7 =	vmul.f32 v7, v58  }
0x20e: {  	v8 =	vld.idx.msk [tilespmem:v8+s24+$0x0], $0xffff  }
0x20f: {  	v4 =	vadd.f32 v7, v4;
	v5 =	vmul.f32 v5, v59;
	v7 =	vor.u32 s18, v22  }
0x210: {  	v9 =	vld.idx.msk [tilespmem:v9+s24+$0x0], $0xffff  }
0x211: {  	v4 =	vadd.f32 v5, v4;
	v5 =	vmul.f32 v6, v60  }
0x212: {  	v6 =	vld.idx.msk [tilespmem:v18+s24+$0x0], $0xffff  }
0x213: {  	v4 =	vadd.f32 v5, v4;
	v5 =	vmul.f32 v8, v61  }
0x214: {  	v7 =	vld.idx.msk [tilespmem:v7+s24+$0x0], $0xffff  }
0x215: {  	v4 =	vadd.f32 v5, v4;
	v5 =	vmul.f32 v9, v62;
	_ =	sdelay $0x1  }
0x216: {  	v4 =	vadd.f32 v5, v4;
	v5 =	vmul.f32 v6, v63  }
0x217: {  	s18 =	sadd.s32 $0xFFFFFC00, s4  }
0x218: {  	v6 =	vor.u32 s18, v1;
	v4 =	vadd.f32 v5, v4;
	v5 =	vmul.f32 v7, v0  }
0x219: {  	v7 =	vor.u32 s18, v2  }
0x21a: {  	v4 =	vadd.f32 v5, v4  }
0x21b: {  	v5 =	vor.u32 s18, v3  }
0x21c: {  	[tilespmem:$0x13580] =	vst v4  }
0x21d: {  	v4 =	vld.idx.msk [tilespmem:v6+s24+$0x0], $0xffff;
	v6 =	vor.u32 s18, v13  }
0x21e: {  	v7 =	vld.idx.msk [tilespmem:v7+s24+$0x0], $0xffff  }
0x21f: {  	v8 =	vor.u32 s18, v15  }
0x220: {  	v5 =	vld.idx.msk [tilespmem:v5+s24+$0x0], $0xffff  }
0x221: {  	v9 =	vor.u32 s18, v17  }
0x222: {  	v6 =	vld.idx.msk [tilespmem:v6+s24+$0x0], $0xffff  }
0x223: {  	v18 =	vor.u32 s18, v20;
	v4 =	vmul.f32 v4, v57;
	v7 =	vmul.f32 v7, v58  }
0x224: {  	v8 =	vld.idx.msk [tilespmem:v8+s24+$0x0], $0xffff  }
0x225: {  	v4 =	vadd.f32 v7, v4;
	v5 =	vmul.f32 v5, v59;
	v7 =	vor.u32 s18, v22  }
0x226: {  	v9 =	vld.idx.msk [tilespmem:v9+s24+$0x0], $0xffff  }
0x227: {  	v4 =	vadd.f32 v5, v4;
	v5 =	vmul.f32 v6, v60  }
0x228: {  	v6 =	vld.idx.msk [tilespmem:v18+s24+$0x0], $0xffff  }
0x229: {  	v4 =	vadd.f32 v5, v4;
	v5 =	vmul.f32 v8, v61  }
0x22a: {  	v7 =	vld.idx.msk [tilespmem:v7+s24+$0x0], $0xffff  }
0x22b: {  	v4 =	vadd.f32 v5, v4;
	v5 =	vmul.f32 v9, v62;
	_ =	sdelay $0x1  }
0x22c: {  	v4 =	vadd.f32 v5, v4;
	v5 =	vmul.f32 v6, v63  }
0x22d: {  	s18 =	sadd.s32 $0xFFFFFC80, s4  }
0x22e: {  	v6 =	vor.u32 s18, v1;
	v4 =	vadd.f32 v5, v4;
	v5 =	vmul.f32 v7, v0  }
0x22f: {  	v7 =	vor.u32 s18, v2  }
0x230: {  	v4 =	vadd.f32 v5, v4  }
0x231: {  	v5 =	vor.u32 s18, v3  }
0x232: {  	[tilespmem:$0x13600] =	vst v4  }
0x233: {  	v4 =	vld.idx.msk [tilespmem:v6+s24+$0x0], $0xffff;
	v6 =	vor.u32 s18, v13  }
0x234: {  	v7 =	vld.idx.msk [tilespmem:v7+s24+$0x0], $0xffff  }
0x235: {  	v8 =	vor.u32 s18, v15  }
0x236: {  	v5 =	vld.idx.msk [tilespmem:v5+s24+$0x0], $0xffff  }
0x237: {  	v9 =	vor.u32 s18, v17  }
0x238: {  	v6 =	vld.idx.msk [tilespmem:v6+s24+$0x0], $0xffff  }
0x239: {  	v18 =	vor.u32 s18, v20;
	v4 =	vmul.f32 v4, v57;
	v7 =	vmul.f32 v7, v58  }
0x23a: {  	v8 =	vld.idx.msk [tilespmem:v8+s24+$0x0], $0xffff  }
0x23b: {  	v4 =	vadd.f32 v7, v4;
	v5 =	vmul.f32 v5, v59;
	v7 =	vor.u32 s18, v22  }
0x23c: {  	v9 =	vld.idx.msk [tilespmem:v9+s24+$0x0], $0xffff  }
0x23d: {  	v4 =	vadd.f32 v5, v4;
	v5 =	vmul.f32 v6, v60  }
0x23e: {  	v6 =	vld.idx.msk [tilespmem:v18+s24+$0x0], $0xffff  }
0x23f: {  	v4 =	vadd.f32 v5, v4;
	v5 =	vmul.f32 v8, v61  }
0x240: {  	v7 =	vld.idx.msk [tilespmem:v7+s24+$0x0], $0xffff  }
0x241: {  	v4 =	vadd.f32 v5, v4;
	v5 =	vmul.f32 v9, v62;
	_ =	sdelay $0x1  }
0x242: {  	v4 =	vadd.f32 v5, v4;
	v5 =	vmul.f32 v6, v63  }
0x243: {  	s18 =	sadd.s32 $0xFFFFFD00, s4  }
0x244: {  	v6 =	vor.u32 s18, v1;
	v4 =	vadd.f32 v5, v4;
	v5 =	vmul.f32 v7, v0  }
0x245: {  	v7 =	vor.u32 s18, v2  }
0x246: {  	v4 =	vadd.f32 v5, v4  }
0x247: {  	v5 =	vor.u32 s18, v3  }
0x248: {  	[tilespmem:$0x13680] =	vst v4  }
0x249: {  	v4 =	vld.idx.msk [tilespmem:v6+s24+$0x0], $0xffff;
	v6 =	vor.u32 s18, v13  }
0x24a: {  	v7 =	vld.idx.msk [tilespmem:v7+s24+$0x0], $0xffff  }
0x24b: {  	v8 =	vor.u32 s18, v15  }
0x24c: {  	v5 =	vld.idx.msk [tilespmem:v5+s24+$0x0], $0xffff  }
0x24d: {  	v9 =	vor.u32 s18, v17  }
0x24e: {  	v6 =	vld.idx.msk [tilespmem:v6+s24+$0x0], $0xffff  }
0x24f: {  	v18 =	vor.u32 s18, v20;
	v4 =	vmul.f32 v4, v57;
	v7 =	vmul.f32 v7, v58  }
0x250: {  	v8 =	vld.idx.msk [tilespmem:v8+s24+$0x0], $0xffff  }
0x251: {  	v4 =	vadd.f32 v7, v4;
	v5 =	vmul.f32 v5, v59;
	v7 =	vor.u32 s18, v22  }
0x252: {  	v9 =	vld.idx.msk [tilespmem:v9+s24+$0x0], $0xffff  }
0x253: {  	v4 =	vadd.f32 v5, v4;
	v5 =	vmul.f32 v6, v60  }
0x254: {  	v6 =	vld.idx.msk [tilespmem:v18+s24+$0x0], $0xffff  }
0x255: {  	v4 =	vadd.f32 v5, v4;
	v5 =	vmul.f32 v8, v61  }
0x256: {  	v7 =	vld.idx.msk [tilespmem:v7+s24+$0x0], $0xffff  }
0x257: {  	v4 =	vadd.f32 v5, v4;
	v5 =	vmul.f32 v9, v62;
	_ =	sdelay $0x1  }
0x258: {  	v4 =	vadd.f32 v5, v4;
	v5 =	vmul.f32 v6, v63  }
0x259: {  	s18 =	sadd.s32 $0xFFFFFD80, s4  }
0x25a: {  	v6 =	vor.u32 s18, v1;
	v4 =	vadd.f32 v5, v4;
	v5 =	vmul.f32 v7, v0  }
0x25b: {  	v7 =	vor.u32 s18, v2  }
0x25c: {  	v4 =	vadd.f32 v5, v4  }
0x25d: {  	v5 =	vor.u32 s18, v3  }
0x25e: {  	[tilespmem:$0x13700] =	vst v4  }
0x25f: {  	v4 =	vld.idx.msk [tilespmem:v6+s24+$0x0], $0xffff;
	v6 =	vor.u32 s18, v13  }
0x260: {  	v7 =	vld.idx.msk [tilespmem:v7+s24+$0x0], $0xffff  }
0x261: {  	v8 =	vor.u32 s18, v15  }
0x262: {  	v5 =	vld.idx.msk [tilespmem:v5+s24+$0x0], $0xffff  }
0x263: {  	v9 =	vor.u32 s18, v17  }
0x264: {  	v6 =	vld.idx.msk [tilespmem:v6+s24+$0x0], $0xffff  }
0x265: {  	v18 =	vor.u32 s18, v20;
	v4 =	vmul.f32 v4, v57;
	v7 =	vmul.f32 v7, v58  }
0x266: {  	v8 =	vld.idx.msk [tilespmem:v8+s24+$0x0], $0xffff  }
0x267: {  	v4 =	vadd.f32 v7, v4;
	v5 =	vmul.f32 v5, v59;
	v7 =	vor.u32 s18, v22  }
0x268: {  	v9 =	vld.idx.msk [tilespmem:v9+s24+$0x0], $0xffff  }
0x269: {  	v4 =	vadd.f32 v5, v4;
	v5 =	vmul.f32 v6, v60  }
0x26a: {  	v6 =	vld.idx.msk [tilespmem:v18+s24+$0x0], $0xffff  }
0x26b: {  	v4 =	vadd.f32 v5, v4;
	v5 =	vmul.f32 v8, v61  }
0x26c: {  	v7 =	vld.idx.msk [tilespmem:v7+s24+$0x0], $0xffff  }
0x26d: {  	v4 =	vadd.f32 v5, v4;
	v5 =	vmul.f32 v9, v62;
	_ =	sdelay $0x1  }
0x26e: {  	v4 =	vadd.f32 v5, v4;
	v5 =	vmul.f32 v6, v63  }
0x26f: {  	s18 =	sadd.s32 $0xFFFFFE00, s4  }
0x270: {  	v6 =	vor.u32 s18, v1;
	v4 =	vadd.f32 v5, v4;
	v5 =	vmul.f32 v7, v0  }
0x271: {  	v7 =	vor.u32 s18, v2  }
0x272: {  	v4 =	vadd.f32 v5, v4  }
0x273: {  	v5 =	vor.u32 s18, v3  }
0x274: {  	[tilespmem:$0x13780] =	vst v4  }
0x275: {  	v4 =	vld.idx.msk [tilespmem:v6+s24+$0x0], $0xffff;
	v6 =	vor.u32 s18, v13  }
0x276: {  	v7 =	vld.idx.msk [tilespmem:v7+s24+$0x0], $0xffff  }
0x277: {  	v8 =	vor.u32 s18, v15  }
0x278: {  	v5 =	vld.idx.msk [tilespmem:v5+s24+$0x0], $0xffff  }
0x279: {  	v9 =	vor.u32 s18, v17  }
0x27a: {  	v6 =	vld.idx.msk [tilespmem:v6+s24+$0x0], $0xffff  }
0x27b: {  	v18 =	vor.u32 s18, v20;
	v4 =	vmul.f32 v4, v57;
	v7 =	vmul.f32 v7, v58  }
0x27c: {  	v8 =	vld.idx.msk [tilespmem:v8+s24+$0x0], $0xffff  }
0x27d: {  	v4 =	vadd.f32 v7, v4;
	v5 =	vmul.f32 v5, v59;
	v7 =	vor.u32 s18, v22  }
0x27e: {  	v9 =	vld.idx.msk [tilespmem:v9+s24+$0x0], $0xffff  }
0x27f: {  	v4 =	vadd.f32 v5, v4;
	v5 =	vmul.f32 v6, v60  }
0x280: {  	v6 =	vld.idx.msk [tilespmem:v18+s24+$0x0], $0xffff  }
0x281: {  	v4 =	vadd.f32 v5, v4;
	v5 =	vmul.f32 v8, v61  }
0x282: {  	v7 =	vld.idx.msk [tilespmem:v7+s24+$0x0], $0xffff  }
0x283: {  	v4 =	vadd.f32 v5, v4;
	v5 =	vmul.f32 v9, v62;
	_ =	sdelay $0x1  }
0x284: {  	v4 =	vadd.f32 v5, v4;
	v5 =	vmul.f32 v6, v63  }
0x285: {  	s18 =	sadd.s32 $0xFFFFFE80, s4  }
0x286: {  	v6 =	vor.u32 s18, v1;
	v4 =	vadd.f32 v5, v4;
	v5 =	vmul.f32 v7, v0  }
0x287: {  	v7 =	vor.u32 s18, v2  }
0x288: {  	v4 =	vadd.f32 v5, v4  }
0x289: {  	v5 =	vor.u32 s18, v3  }
0x28a: {  	[tilespmem:$0x13800] =	vst v4  }
0x28b: {  	v4 =	vld.idx.msk [tilespmem:v6+s24+$0x0], $0xffff;
	v6 =	vor.u32 s18, v13  }
0x28c: {  	v7 =	vld.idx.msk [tilespmem:v7+s24+$0x0], $0xffff  }
0x28d: {  	v8 =	vor.u32 s18, v15  }
0x28e: {  	v5 =	vld.idx.msk [tilespmem:v5+s24+$0x0], $0xffff  }
0x28f: {  	v9 =	vor.u32 s18, v17  }
0x290: {  	v6 =	vld.idx.msk [tilespmem:v6+s24+$0x0], $0xffff  }
0x291: {  	v18 =	vor.u32 s18, v20;
	v4 =	vmul.f32 v4, v57;
	v7 =	vmul.f32 v7, v58  }
0x292: {  	v8 =	vld.idx.msk [tilespmem:v8+s24+$0x0], $0xffff  }
0x293: {  	v4 =	vadd.f32 v7, v4;
	v5 =	vmul.f32 v5, v59;
	v7 =	vor.u32 s18, v22  }
0x294: {  	v9 =	vld.idx.msk [tilespmem:v9+s24+$0x0], $0xffff  }
0x295: {  	v4 =	vadd.f32 v5, v4;
	v5 =	vmul.f32 v6, v60  }
0x296: {  	v6 =	vld.idx.msk [tilespmem:v18+s24+$0x0], $0xffff  }
0x297: {  	v4 =	vadd.f32 v5, v4;
	v5 =	vmul.f32 v8, v61  }
0x298: {  	v7 =	vld.idx.msk [tilespmem:v7+s24+$0x0], $0xffff  }
0x299: {  	v4 =	vadd.f32 v5, v4;
	v5 =	vmul.f32 v9, v62;
	_ =	sdelay $0x1  }
0x29a: {  	v4 =	vadd.f32 v5, v4;
	v5 =	vmul.f32 v6, v63  }
0x29b: {  	s18 =	sadd.s32 $0xFFFFFF00, s4  }
0x29c: {  	v6 =	vor.u32 s18, v1;
	v4 =	vadd.f32 v5, v4;
	v5 =	vmul.f32 v7, v0  }
0x29d: {  	v7 =	vor.u32 s18, v2  }
0x29e: {  	v4 =	vadd.f32 v5, v4  }
0x29f: {  	v5 =	vor.u32 s18, v3  }
0x2a0: {  	[tilespmem:$0x13880] =	vst v4  }
0x2a1: {  	v4 =	vld.idx.msk [tilespmem:v6+s24+$0x0], $0xffff;
	v6 =	vor.u32 s18, v13  }
0x2a2: {  	v7 =	vld.idx.msk [tilespmem:v7+s24+$0x0], $0xffff  }
0x2a3: {  	v8 =	vor.u32 s18, v15  }
0x2a4: {  	v5 =	vld.idx.msk [tilespmem:v5+s24+$0x0], $0xffff  }
0x2a5: {  	v9 =	vor.u32 s18, v17  }
0x2a6: {  	v6 =	vld.idx.msk [tilespmem:v6+s24+$0x0], $0xffff  }
0x2a7: {  	v18 =	vor.u32 s18, v20;
	v4 =	vmul.f32 v4, v57;
	v7 =	vmul.f32 v7, v58  }
0x2a8: {  	v8 =	vld.idx.msk [tilespmem:v8+s24+$0x0], $0xffff  }
0x2a9: {  	v4 =	vadd.f32 v7, v4;
	v5 =	vmul.f32 v5, v59;
	v7 =	vor.u32 s18, v22  }
0x2aa: {  	v9 =	vld.idx.msk [tilespmem:v9+s24+$0x0], $0xffff  }
0x2ab: {  	v4 =	vadd.f32 v5, v4;
	v5 =	vmul.f32 v6, v60  }
0x2ac: {  	v6 =	vld.idx.msk [tilespmem:v18+s24+$0x0], $0xffff  }
0x2ad: {  	v4 =	vadd.f32 v5, v4;
	v5 =	vmul.f32 v8, v61  }
0x2ae: {  	v7 =	vld.idx.msk [tilespmem:v7+s24+$0x0], $0xffff  }
0x2af: {  	v4 =	vadd.f32 v5, v4;
	v5 =	vmul.f32 v9, v62;
	_ =	sdelay $0x1  }
0x2b0: {  	v4 =	vadd.f32 v5, v4;
	v5 =	vmul.f32 v6, v63  }
0x2b1: {  	s18 =	sadd.s32 $0xFFFFFF80, s4  }
0x2b2: {  	v6 =	vor.u32 s18, v1;
	v4 =	vadd.f32 v5, v4;
	v5 =	vmul.f32 v7, v0  }
0x2b3: {  	v7 =	vor.u32 s18, v2  }
0x2b4: {  	v4 =	vadd.f32 v5, v4  }
0x2b5: {  	v5 =	vor.u32 s18, v3  }
0x2b6: {  	[tilespmem:$0x13900] =	vst v4  }
0x2b7: {  	v4 =	vld.idx.msk [tilespmem:v6+s24+$0x0], $0xffff;
	v6 =	vor.u32 s18, v13  }
0x2b8: {  	v7 =	vld.idx.msk [tilespmem:v7+s24+$0x0], $0xffff  }
0x2b9: {  	v8 =	vor.u32 s18, v15  }
0x2ba: {  	v5 =	vld.idx.msk [tilespmem:v5+s24+$0x0], $0xffff  }
0x2bb: {  	v9 =	vor.u32 s18, v17  }
0x2bc: {  	v6 =	vld.idx.msk [tilespmem:v6+s24+$0x0], $0xffff  }
0x2bd: {  	v18 =	vor.u32 s18, v20;
	v4 =	vmul.f32 v4, v57;
	v7 =	vmul.f32 v7, v58  }
0x2be: {  	v8 =	vld.idx.msk [tilespmem:v8+s24+$0x0], $0xffff  }
0x2bf: {  	v4 =	vadd.f32 v7, v4;
	v5 =	vmul.f32 v5, v59;
	v7 =	vor.u32 s18, v22  }
0x2c0: {  	v9 =	vld.idx.msk [tilespmem:v9+s24+$0x0], $0xffff  }
0x2c1: {  	v4 =	vadd.f32 v5, v4;
	v5 =	vmul.f32 v6, v60  }
0x2c2: {  	v6 =	vld.idx.msk [tilespmem:v18+s24+$0x0], $0xffff  }
0x2c3: {  	v4 =	vadd.f32 v5, v4;
	v5 =	vmul.f32 v8, v61  }
0x2c4: {  	v7 =	vld.idx.msk [tilespmem:v7+s24+$0x0], $0xffff  }
0x2c5: {  	v4 =	vadd.f32 v5, v4;
	v5 =	vmul.f32 v9, v62;
	_ =	sdelay $0x1  }
0x2c6: {  	v4 =	vadd.f32 v5, v4;
	v5 =	vmul.f32 v6, v63;
	_ =	sdelay $0x1  }
0x2c7: {  	v6 =	vor.u32 s4, v1;
	v4 =	vadd.f32 v5, v4;
	v5 =	vmul.f32 v7, v0  }
0x2c8: {  	v7 =	vor.u32 s4, v2  }
0x2c9: {  	v4 =	vadd.f32 v5, v4  }
0x2ca: {  	v5 =	vor.u32 s4, v3  }
0x2cb: {  	[tilespmem:$0x13980] =	vst v4  }
0x2cc: {  	v4 =	vld.idx.msk [tilespmem:v6+s24+$0x0], $0xffff;
	v6 =	vor.u32 s4, v13  }
0x2cd: {  	v7 =	vld.idx.msk [tilespmem:v7+s24+$0x0], $0xffff  }
0x2ce: {  	v8 =	vor.u32 s4, v15  }
0x2cf: {  	v5 =	vld.idx.msk [tilespmem:v5+s24+$0x0], $0xffff  }
0x2d0: {  	v9 =	vor.u32 s4, v17  }
0x2d1: {  	v6 =	vld.idx.msk [tilespmem:v6+s24+$0x0], $0xffff  }
0x2d2: {  	v18 =	vor.u32 s4, v20;
	v4 =	vmul.f32 v4, v57;
	v7 =	vmul.f32 v7, v58  }
0x2d3: {  	v8 =	vld.idx.msk [tilespmem:v8+s24+$0x0], $0xffff  }
0x2d4: {  	v4 =	vadd.f32 v7, v4;
	v5 =	vmul.f32 v5, v59;
	v59 =	vor.u32 s4, v22  }
0x2d5: {  	v9 =	vld.idx.msk [tilespmem:v9+s24+$0x0], $0xffff  }
0x2d6: {  	v4 =	vadd.f32 v5, v4;
	v5 =	vmul.f32 v6, v60  }
0x2d7: {  	v60 =	vld.idx.msk [tilespmem:v18+s24+$0x0], $0xffff  }
0x2d8: {  	v4 =	vadd.f32 v5, v4;
	v5 =	vmul.f32 v8, v61  }
0x2d9: {  	v7 =	vld.idx.msk [tilespmem:v59+s24+$0x0], $0xffff  }
0x2da: {  	v4 =	vadd.f32 v5, v4;
	v5 =	vmul.f32 v9, v62;
	_ =	sdelay $0x1  }
0x2db: {  	v4 =	vadd.f32 v5, v4;
	v5 =	vmul.f32 v60, v63;
	_ =	sdelay $0x1  }
0x2dc: {  	v0 =	vmul.f32 v7, v0;
	v4 =	vadd.f32 v5, v4;
	_ =	sdelay $0x1  }
0x2dd: {  	v0 =	vadd.f32 v0, v4;
	v4 =	vld [tilespmem:$0x1FEF0];
	_ =	sdelay $0x5  }
0x2de: {  	[tilespmem:$0x13A00] =	vst v0  }
0x2df: {  	v0 =	vld.idx.msk [tilespmem:v29+s15+$0x0], $0xffff  }
0x2e0: {  	v4 =	vld.idx.msk [tilespmem:v4+s15+$0x0], $0xffff  }
0x2e1: {  	v5 =	vld [tilespmem:$0x1FF00];
	_ =	sdelay $0x1  }
0x2e2: {  	v61 =	vld [tilespmem:$0x1FF10];
	_ =	sdelay $0x1  }
0x2e3: {  	v0 =	vadd.f32 v4, v0;
	v4 =	vld [tilespmem:$0x1FF20];
	_ =	sdelay $0x3  }
0x2e4: {  	v5 =	vld.idx.msk [tilespmem:v5+s15+$0x0], $0xffff;
	_ =	sdelay $0x1  }
0x2e5: {  	v6 =	vld.idx.msk [tilespmem:v61+s15+$0x0], $0xffff;
	_ =	sdelay $0x1  }
0x2e6: {  	v4 =	vld.idx.msk [tilespmem:v4+s15+$0x0], $0xffff  }
0x2e7: {  	v0 =	vadd.f32 v5, v0  }
0x2e8: {  	v5 =	vld.idx.msk [tilespmem:v30+s15+$0x0], $0xffff  }
0x2e9: {  	v0 =	vadd.f32 v6, v0  }
0x2ea: {  	v62 =	vld.idx.msk [tilespmem:v31+s15+$0x0], $0xffff  }
0x2eb: {  	v0 =	vadd.f32 v4, v0  }
0x2ec: {  	v4 =	vld.idx.msk [tilespmem:v32+s15+$0x0], $0xffff  }
0x2ed: {  	v0 =	vadd.f32 v5, v0  }
0x2ee: {  	v5 =	vld.idx.msk [tilespmem:v33+s15+$0x0], $0xffff  }
0x2ef: {  	v0 =	vadd.f32 v62, v0  }
0x2f0: {  	v63 =	vld.idx.msk [tilespmem:v34+s15+$0x0], $0xffff  }
0x2f1: {  	v0 =	vadd.f32 v4, v0  }
0x2f2: {  	v4 =	vld.idx.msk [tilespmem:v35+s15+$0x0], $0xffff  }
0x2f3: {  	v0 =	vadd.f32 v5, v0  }
0x2f4: {  	v5 =	vld.idx.msk [tilespmem:v36+s15+$0x0], $0xffff  }
0x2f5: {  	v0 =	vadd.f32 v63, v0  }
0x2f6: {  	v57 =	vld.idx.msk [tilespmem:v37+s15+$0x0], $0xffff  }
0x2f7: {  	v0 =	vadd.f32 v4, v0  }
0x2f8: {  	v4 =	vld.idx.msk [tilespmem:v38+s15+$0x0], $0xffff  }
0x2f9: {  	v0 =	vadd.f32 v5, v0  }
0x2fa: {  	v5 =	vld.idx.msk [tilespmem:v39+s15+$0x0], $0xffff  }
0x2fb: {  	v0 =	vadd.f32 v57, v0  }
0x2fc: {  	v58 =	vld.idx.msk [tilespmem:v40+s15+$0x0], $0xffff  }
0x2fd: {  	v0 =	vadd.f32 v4, v0;
	_ =	sdelay $0x1  }
0x2fe: {  	v0 =	vadd.f32 v5, v0;
	_ =	sdelay $0x1  }
0x2ff: {  	v0 =	vadd.f32 v58, v0;
	_ =	sdelay $0x1  }
0x300: {  	[tilespmem:v56+s8+$0x0] =	vst.idx.msk $0xffff, v0  }
0x301: {  	v0 =	vld.idx.msk [tilespmem:v43+s15+$0x0], $0xffff  }
0x302: {  	v4 =	vld.idx.msk [tilespmem:v44+s15+$0x0], $0xffff;
	_ =	sdelay $0x1  }
0x303: {  	v5 =	vld.idx.msk [tilespmem:v45+s15+$0x0], $0xffff;
	_ =	sdelay $0x1  }
0x304: {  	v59 =	vld.idx.msk [tilespmem:v46+s15+$0x0], $0xffff  }
0x305: {  	v0 =	vadd.f32 v4, v0  }
0x306: {  	v4 =	vld.idx.msk [tilespmem:v47+s15+$0x0], $0xffff  }
0x307: {  	v0 =	vadd.f32 v5, v0  }
0x308: {  	v5 =	vld.idx.msk [tilespmem:v48+s15+$0x0], $0xffff  }
0x309: {  	v0 =	vadd.f32 v59, v0  }
0x30a: {  	v60 =	vld.idx.msk [tilespmem:v49+s15+$0x0], $0xffff  }
0x30b: {  	v0 =	vadd.f32 v4, v0  }
0x30c: {  	v4 =	vld.idx.msk [tilespmem:v50+s15+$0x0], $0xffff  }
0x30d: {  	v0 =	vadd.f32 v5, v0  }
0x30e: {  	v5 =	vld.idx.msk [tilespmem:v51+s15+$0x0], $0xffff  }
0x30f: {  	v0 =	vadd.f32 v60, v0  }
0x310: {  	v61 =	vld.idx.msk [tilespmem:v52+s15+$0x0], $0xffff  }
0x311: {  	v0 =	vadd.f32 v4, v0  }
0x312: {  	v4 =	vld.idx.msk [tilespmem:v53+s15+$0x0], $0xffff  }
0x313: {  	v0 =	vadd.f32 v5, v0  }
0x314: {  	v5 =	vld.idx.msk [tilespmem:v54+s15+$0x0], $0xffff  }
0x315: {  	v0 =	vadd.f32 v61, v0  }
0x316: {  	v62 =	vld.idx.msk [tilespmem:v42+s15+$0x0], $0xffff  }
0x317: {  	v0 =	vadd.f32 v4, v0  }
0x318: {  	v4 =	vld.idx.msk [tilespmem:v26+s15+$0x0], $0xffff  }
0x319: {  	v0 =	vadd.f32 v5, v0  }
0x31a: {  	v5 =	vld.idx.msk [tilespmem:v27+s15+$0x0], $0xffff  }
0x31b: {  	v0 =	vadd.f32 v62, v0  }
0x31c: {  	v63 =	vld.idx.msk [tilespmem:v28+s15+$0x0], $0xffff  }
0x31d: {  	v0 =	vadd.f32 v4, v0  }
0x31e: {  	p0 =	sne.s32 s16, $0x4F  }
.Ltmp2:
0x31f: {  	v0 =	vadd.f32 v5, v0;
	(pc) =	sbr.rel @p0 .LBB2_7-.Ltmp2, $3  }
0x320: {  	_ = 	snop  }
0x321: {  	v0 =	vadd.f32 v63, v0;
	_ =	sdelay $0x1  }
0x322: {  	s14 =	sadd.s32 $0x1, s14;
	s16 =	sadd.s32 $0x14, s16;
	[tilespmem:v55+s8+$0x0] =	vst.idx.msk $0xffff, v0  }
0x323: {  	s4 =	rddreg [dreg:$0xa]  }
0x324: {  	s4 =	sadd.s32 s4, s25  }
0x325: {  	s6 =	rddreg [dreg:$0x4];
	s4 =	sshll.u32 s4, $0x7  }
0x326: {  	s14 =	simm.s32 $0x7;
	s6 =	sadd.s32 s6, s4;
	s4 =	simm.s32 $0x0  }
0x327: {  	[hbm4b:s6+s4] =	stream.linear.scatter [tilespmem:s8], [sflag:$0x7], $0x200, $0x38;
	[tilespmem:$0x14080] =	vst v63  }
0x328: {  	_ =	swait.ge [sflag:s14], $0x200  }
0x329: {  	[sflag:s14] =	ssyncset.done $0x0  }
0x32a: {  	s18 =	simm.s32 $0x3;
	[sflag:s14] =	ssyncadd.s32 $0xFFFFFE00  }
0x32b: {  	_ =	swait.ge [sflag:s18], $0x200  }
0x32c: {  	[sflag:s18] =	ssyncset.done $0x0  }
0x32d: {  	[sflag:s18] =	ssyncadd.s32 $0xFFFFFE00  }
0x32e: {  	_ =	swait.ge [sflag:s18], $0x200  }
0x32f: {  	[sflag:s18] =	ssyncset.done $0x0  }
0x330: {  	[sflag:s18] =	ssyncadd.s32 $0xFFFFFE00  }
0x331: {  	[tilespmem:s22], [sflag:$0x1] =	stream.indirect.gather [hbm4b:s0+s21], $0x80, s12, s21, $0xb8;
	[tilespmem:$0x14080] =	vst v63  }
0x332: {  	_ = 	snop  }
0x333: {  	[tilespmem:s24], [sflag:$0x2] =	stream.indirect.gather [hbm4b:s1+s23], $0x80, s13, s23, $0xb8;
	[tilespmem:$0x14080] =	vst v63  }
0x334: {  	s16 =	ssub.s32 $0x280, s2;
	s18 =	simm.s32 $0x2100  }
0x335: {  	[tilespmem:s18], [sflag:$0x1] =	stream.indirect.gather [hbm4b:s0+s21], $0x80, s16, s21, $0xb8;
	[tilespmem:$0x14080] =	vst v63  }
0x336: {  	s16 =	ssub.s32 $0x680, s2;
	s18 =	simm.s32 $0x7600  }
0x337: {  	[tilespmem:s18], [sflag:$0x2] =	stream.indirect.gather [hbm4b:s1+s23], $0x80, s16, s23, $0xb8;
	[tilespmem:$0x14080] =	vst v63  }
0x338: {  	s16 =	ssub.s32 $0x300, s2;
	s18 =	simm.s32 $0x3A00  }
0x339: {  	[tilespmem:s18], [sflag:$0x1] =	stream.indirect.gather [hbm4b:s0+s21], $0x80, s16, s21, $0xb8;
	[tilespmem:$0x14080] =	vst v63  }
0x33a: {  	s16 =	ssub.s32 $0x700, s2;
	s18 =	simm.s32 $0x8000  }
0x33b: {  	[tilespmem:s18], [sflag:$0x2] =	stream.indirect.gather [hbm4b:s1+s23], $0x80, s16, s23, $0xb8;
	[tilespmem:$0x14080] =	vst v63  }
0x33c: {  	s13 =	sxor.u32 $0x380, s2;
	s16 =	simm.s32 $0x5300  }
0x33d: {  	[tilespmem:s16], [sflag:$0x1] =	stream.indirect.gather [hbm4b:s0+s21], $0x80, s13, s21, $0xb8;
	[tilespmem:$0x14080] =	vst v63  }
0x33e: {  	s7 =	smin.u32 s7, $0x7C;
	s2 =	sor.u32 $0x400, s13;
	s18 =	simm.s32 $0x8A00  }
0x33f: {  	[tilespmem:s18], [sflag:$0x2] =	stream.indirect.gather [hbm4b:s1+s23], $0x80, s2, s23, $0xb8;
	[tilespmem:$0x14080] =	vst v63  }
0x340: {  	s13 =	rddreg [dreg:$0xb];
	s2 =	sshll.u32 s7, $0x6  }
0x341: {  	s2 =	sadd.s32 s2, s13  }
0x342: {  	s16 =	sor.u32 $0x9800, s12;
	s18 =	sadd.s32 s20, s2  }
0x343: {  	[tilespmem:s16], [sflag:$0x6] =	stream.linear.gather [hbm4b:s18+s4], $0x200, $0x38;
	[tilespmem:$0x14080] =	vst v63  }
0x344: {  	s13 =	smov.u32 s20;
	s20 =	sor.u32 $0x9C00, s12;
	s2 =	sadd.s32 s28, s2  }
0x345: {  	[tilespmem:s20], [sflag:$0x6] =	stream.linear.gather [hbm4b:s2+s4], $0x200, $0x38;
	[tilespmem:$0x14080] =	vst v63  }
0x346: {  	_ =	swait.ge [sflag:s26], $0x1900  }
0x347: {  	[sflag:s26] =	ssyncset.done $0x0  }
0x348: {  	[sflag:s26] =	ssyncadd.s32 $0xFFFFE700  }
0x349: {  	_ =	swait.ge [sflag:s29], $0xA00  }
0x34a: {  	[sflag:s29] =	ssyncset.done $0x0  }
0x34b: {  	[sflag:s29] =	ssyncadd.s32 $0xFFFFF600  }
0x34c: {  	_ =	swait.ge [sflag:s26], $0x1900  }
0x34d: {  	[sflag:s26] =	ssyncset.done $0x0  }
0x34e: {  	[sflag:s26] =	ssyncadd.s32 $0xFFFFE700  }
0x34f: {  	_ =	swait.ge [sflag:s29], $0xA00  }
0x350: {  	[sflag:s29] =	ssyncset.done $0x0  }
0x351: {  	[sflag:s29] =	ssyncadd.s32 $0xFFFFF600  }
0x352: {  	_ =	swait.ge [sflag:s26], $0x1900  }
0x353: {  	[sflag:s26] =	ssyncset.done $0x0  }
0x354: {  	[sflag:s26] =	ssyncadd.s32 $0xFFFFE700  }
0x355: {  	_ =	swait.ge [sflag:s29], $0xA00  }
0x356: {  	[sflag:s29] =	ssyncset.done $0x0  }
0x357: {  	[sflag:s29] =	ssyncadd.s32 $0xFFFFF600  }
0x358: {  	_ =	swait.ge [sflag:s26], $0x1900  }
0x359: {  	[sflag:s26] =	ssyncset.done $0x0  }
0x35a: {  	[sflag:s26] =	ssyncadd.s32 $0xFFFFE700  }
0x35b: {  	_ =	swait.ge [sflag:s29], $0xA00  }
0x35c: {  	[sflag:s29] =	ssyncset.done $0x0  }
0x35d: {  	s16 =	smov.u32 s28;
	s2 =	simm.s32 $0x0;
	[sflag:s29] =	ssyncadd.s32 $0xFFFFF600  }
.LBB2_9:
0x35e: {  	s6 =	sor.u32 s30, s2  }
0x35f: {  	s6 =	sshll.u32 s6, $0x7  }
0x360: {  	v0 =	vor.u32 s6, v1  }
0x361: {  	v4 =	vor.u32 s6, v2;
	_ =	sdelay $0x1  }
0x362: {  	v5 =	vor.u32 s6, v3;
	_ =	sdelay $0x1  }
0x363: {  	v0 =	vld.idx.msk [tilespmem:v0+s3+$0x0], $0xffff  }
0x364: {  	v6 =	vor.u32 s6, v41;
	v4 =	vld.idx.msk [tilespmem:v4+s3+$0x0], $0xffff;
	_ =	sdelay $0x1  }
0x365: {  	v5 =	vld.idx.msk [tilespmem:v5+s3+$0x0], $0xffff  }
0x366: {  	s20 =	sadd.s32 $0x0, s4  }
0x367: {  	v8 =	vimm.f32 $0.0e+00;
	v7 =	vmov s20  }
0x368: {  	vm0 =	veq.s32 v0, $0x0;
	v0 =	vld.idx.msk [tilespmem:v6+s3+$0x0], $0xffff;
	v6 =	vshll.u32 v7, $0x7;
	vm1 =	veq.s32 v4, $0x0  }
0x369: {  	v4 =	vbroadcast v6, $0x0;
	v6 =	vsel vm0, $0x3F800000, v8;
	v7 =	vsel vm1, $0x3F800000, v8  }
0x36a: {  	vm14 =	veq.s32 v5, $0x0;
	v6 =	vadd.f32 v7, v6  }
0x36b: {  	v7 =	vsel vm14, $0x3F800000, v8  }
0x36c: {  	v6 =	vadd.f32 v7, v6;
	v7 =	vld [tilespmem:$0x1FE80]  }
0x36d: {  	vm15 =	veq.s32 v0, $0x0;
	v0 =	vor.u32 v12, v4;
	_ =	sdelay $0x1  }
0x36e: {  	v25 =	vld [tilespmem:$0x1FE60]  }
0x36f: {  	v5 =	vor.u32 v10, v4  }
0x370: {  	v9 =	vor.u32 v11, v4;
	v7 =	vnsel vm15, $0x0, v7  }
0x371: {  	v6 =	vadd.f32 v7, v6;
	v7 =	vor.u32 v16, v4;
	v30 =	vld.idx.msk [tilespmem:v0+s17+$0x0], $0xffff  }
0x372: {  	v24 =	vor.u32 v19, v4;
	v0 =	vld [tilespmem:$0x1FE70]  }
0x373: {  	v33 =	vld [tilespmem:$0x1FE90];
	v26 =	vor.u32 v1, v4;
	v25 =	vperm.xlane v6, v25  }
0x374: {  	v18 =	vor.u32 v14, v4;
	v5 =	vld.idx.msk [tilespmem:v5+s17+$0x0], $0xffff  }
0x375: {  	v28 =	vld.idx.msk [tilespmem:v9+s17+$0x0], $0xffff;
	v9 =	vor.u32 v2, v4;
	v6 =	vadd.f32 v6, v25  }
0x376: {  	v25 =	vor.u32 v3, v4;
	v55 =	vld.idx.msk [tilespmem:v7+s17+$0x0], $0xffff  }
0x377: {  	v27 =	vor.u32 v13, v4;
	v7 =	vperm.xlane v6, v0;
	v0 =	vld.idx.msk [tilespmem:v24+s17+$0x0], $0xffff  }
0x378: {  	v24 =	vld.idx.msk [tilespmem:v26+s17+$0x0], $0xffff;
	v26 =	vor.u32 v17, v4  }
0x379: {  	s28 =	sadd.s32 $0x2, s4;
	v18 =	vld.idx.msk [tilespmem:v18+s17+$0x0], $0xffff  }
0x37a: {  	v29 =	vor.u32 v15, v4;
	v9 =	vld.idx.msk [tilespmem:v9+s17+$0x0], $0xffff;
	v6 =	vadd.f32 v6, v7;
	v7 =	vmov s28  }
0x37b: {  	v31 =	vor.u32 v20, v4;
	v7 =	vshll.u32 v7, $0x7;
	v25 =	vld.idx.msk [tilespmem:v25+s17+$0x0], $0xffff  }
0x37c: {  	v32 =	vor.u32 v22, v4;
	v58 =	vbroadcast v7, $0x0;
	v7 =	vld.idx.msk [tilespmem:v27+s17+$0x0], $0xffff  }
0x37d: {  	v33 =	vperm.xlane v6, v33;
	v27 =	vor.u32 v21, v4;
	v43 =	vld.idx.msk [tilespmem:v26+s17+$0x0], $0xffff  }
0x37e: {  	v4 =	vor.u32 v23, v4;
	v26 =	vld [tilespmem:$0x1FEA0]  }
0x37f: {  	v34 =	vld.idx.msk [tilespmem:v29+s17+$0x0], $0xffff;
	v59 =	vadd.f32 v6, v33;
	v6 =	vor.u32 v10, v58  }
0x380: {  	v31 =	vld.idx.msk [tilespmem:v31+s17+$0x0], $0xffff;
	v35 =	vor.u32 v11, v58  }
0x381: {  	v42 =	vmov v41;
	v32 =	vld.idx.msk [tilespmem:v32+s17+$0x0], $0xffff;
	v24 =	vadd.f32 v24, v8;
	v36 =	vor.u32 v12, v58  }
0x382: {  	v29 =	vadd.f32 v9, v8;
	v37 =	vor.u32 v14, v58;
	v25 =	vadd.f32 v25, v8;
	v57 =	vld.idx.msk [tilespmem:v27+s17+$0x0], $0xffff  }
0x383: {  	v9 =	vadd.f32 v5, v24;
	v56 =	vld.idx.msk [tilespmem:v4+s17+$0x0], $0xffff;
	v63 =	vperm.xlane v59, v26;
	v26 =	vor.u32 v16, v58  }
0x384: {  	v38 =	vadd.f32 v7, v8;
	v27 =	vor.u32 v19, v58;
	v5 =	vadd.f32 v30, v25;
	v7 =	vld.idx.msk [tilespmem:v6+s17+$0x0], $0xffff  }
0x385: {  	v25 =	vadd.f32 v34, v8;
	v6 =	vadd.f32 v28, v29;
	v29 =	vor.u32 v1, v58;
	v4 =	vld.idx.msk [tilespmem:v35+s17+$0x0], $0xffff  }
0x386: {  	v24 =	vadd.f32 v43, v8;
	v60 =	vadd.f32 v18, v38;
	v28 =	vor.u32 v2, v58;
	v61 =	vld.idx.msk [tilespmem:v36+s17+$0x0], $0xffff  }
0x387: {  	s6 =	simm.s32 $0x4;
	v30 =	vor.u32 v3, v58;
	v62 =	vld.idx.msk [tilespmem:v37+s17+$0x0], $0xffff;
	v18 =	vadd.f32 v31, v8;
	v8 =	vadd.f32 v32, v8  }
.LBB2_10:
0x388: {  	p0 =	sne.s32 s6, $0x30;
	v31 =	vor.u32 v13, v58;
	v25 =	vadd.f32 v55, v25;
	v55 =	vld.idx.msk [tilespmem:v26+s17+$0x0], $0xffff;
	v24 =	vadd.f32 v0, v24  }
0x389: {  	v26 =	vor.u32 v15, v58;
	v0 =	vld.idx.msk [tilespmem:v27+s17+$0x0], $0xffff;
	v18 =	vadd.f32 v57, v18;
	v8 =	vadd.f32 v56, v8  }
0x38a: {  	s7 =	sadd.s32 s6, s4;
	v27 =	vld.idx.msk [tilespmem:v29+s17+$0x0], $0xffff;
	v29 =	vor.u32 v17, v58  }
0x38b: {  	v33 =	vor.u32 v20, v58;
	v32 =	vmov s7;
	v28 =	vld.idx.msk [tilespmem:v28+s17+$0x0], $0xffff  }
0x38c: {  	v34 =	vor.u32 v22, v58;
	v32 =	vshll.u32 v32, $0x7;
	v30 =	vld.idx.msk [tilespmem:v30+s17+$0x0], $0xffff  }
0x38d: {  	v35 =	vor.u32 v21, v58;
	v32 =	vbroadcast v32, $0x0;
	v31 =	vld.idx.msk [tilespmem:v31+s17+$0x0], $0xffff  }
0x38e: {  	v37 =	vor.u32 v23, v58;
	v36 =	vld.idx.msk [tilespmem:v26+s17+$0x0], $0xffff  }
0x38f: {  	v38 =	vor.u32 v10, v32;
	v58 =	vmov v32;
	v39 =	vld.idx.msk [tilespmem:v29+s17+$0x0], $0xffff  }
0x390: {  	v32 =	vor.u32 v11, v58;
	v33 =	vld.idx.msk [tilespmem:v33+s17+$0x0], $0xffff  }
0x391: {  	v40 =	vor.u32 v12, v58;
	v34 =	vld.idx.msk [tilespmem:v34+s17+$0x0], $0xffff  }
0x392: {  	v41 =	vor.u32 v14, v58;
	v9 =	vadd.f32 v27, v9;
	v6 =	vadd.f32 v28, v6;
	v57 =	vld.idx.msk [tilespmem:v35+s17+$0x0], $0xffff  }
.Ltmp3:
0x393: {  	v26 =	vor.u32 v16, v58;
	v5 =	vadd.f32 v30, v5;
	v28 =	vadd.f32 v31, v60;
	v56 =	vld.idx.msk [tilespmem:v37+s17+$0x0], $0xffff;
	(pc) =	sbr.rel @p0 .LBB2_10-.Ltmp3, $4  }
0x394: {  	v27 =	vor.u32 v19, v58;
	v9 =	vadd.f32 v7, v9;
	v6 =	vadd.f32 v4, v6;
	v7 =	vld.idx.msk [tilespmem:v38+s17+$0x0], $0xffff  }
0x395: {  	v29 =	vor.u32 v1, v58;
	v5 =	vadd.f32 v61, v5;
	v60 =	vadd.f32 v62, v28;
	v4 =	vld.idx.msk [tilespmem:v32+s17+$0x0], $0xffff  }
0x396: {  	v25 =	vadd.f32 v36, v25;
	v28 =	vor.u32 v2, v58;
	v24 =	vadd.f32 v39, v24;
	v61 =	vld.idx.msk [tilespmem:v40+s17+$0x0], $0xffff  }
0x397: {  	s6 =	sadd.s32 $0x2, s6;
	v30 =	vor.u32 v3, v58;
	v18 =	vadd.f32 v33, v18;
	v8 =	vadd.f32 v34, v8;
	v62 =	vld.idx.msk [tilespmem:v41+s17+$0x0], $0xffff  }
0x398: {  	_ =	sdelay $0x3  }
0x399: {  	v29 =	vld.idx.msk [tilespmem:v29+s17+$0x0], $0xffff;
	_ =	sdelay $0x1  }
0x39a: {  	v31 =	vor.u32 v13, v58;
	v33 =	vld [tilespmem:$0x13000]  }
0x39b: {  	v26 =	vld.idx.msk [tilespmem:v26+s17+$0x0], $0xffff;
	v32 =	vor.u32 v15, v58  }
0x39c: {  	v27 =	vld.idx.msk [tilespmem:v27+s17+$0x0], $0xffff;
	v43 =	vor.u32 v22, v58  }
0x39d: {  	v28 =	vld.idx.msk [tilespmem:v28+s17+$0x0], $0xffff;
	v36 =	vadd.f32 v59, v63;
	v37 =	vor.u32 v21, v58;
	v9 =	vadd.f32 v29, v9  }
0x39e: {  	v30 =	vld.idx.msk [tilespmem:v30+s17+$0x0], $0xffff;
	v38 =	vor.u32 v23, v58  }
0x39f: {  	v34 =	vor.u32 v17, v58;
	s6 =	sshll.u32 s2, $0x7;
	v31 =	vld.idx.msk [tilespmem:v31+s17+$0x0], $0xffff;
	v7 =	vadd.f32 v7, v9;
	v9 =	vmul.f32 v33, v36  }
0x3a0: {  	v35 =	vor.u32 v20, v58;
	v40 =	vor.u32 s6, v1;
	v32 =	vld.idx.msk [tilespmem:v32+s17+$0x0], $0xffff  }
0x3a1: {  	v29 =	vld.idx.msk [tilespmem:v43+s17+$0x0], $0xffff;
	v7 =	vsub.f32 v7, v9  }
0x3a2: {  	v41 =	vld.idx.msk [tilespmem:v37+s17+$0x0], $0xffff  }
0x3a3: {  	v43 =	vld.idx.msk [tilespmem:v38+s17+$0x0], $0xffff;
	v7 =	vmul.f32 $1.999999960e-02, v7  }
0x3a4: {  	v33 =	vld.idx.msk [tilespmem:v34+s17+$0x0], $0xffff  }
0x3a5: {  	v9 =	vld.idx.msk [tilespmem:v35+s17+$0x0], $0xffff;
	[tilespmem:v40+s31+$0x0] =	vst.idx.msk $0xffff, v7  }
0x3a6: {  	v7 =	vld [tilespmem:$0x13010];
	_ =	sdelay $0x2  }
0x3a7: {  	v6 =	vadd.f32 v28, v6;
	_ =	sdelay $0x1  }
0x3a8: {  	v4 =	vadd.f32 v4, v6;
	v58 =	vmul.f32 v7, v36  }
0x3a9: {  	v59 =	vor.u32 s6, v2  }
0x3aa: {  	v4 =	vsub.f32 v4, v58;
	_ =	sdelay $0x1  }
0x3ab: {  	v4 =	vmul.f32 $1.999999960e-02, v4;
	_ =	sdelay $0x1  }
0x3ac: {  	[tilespmem:v59+s31+$0x0] =	vst.idx.msk $0xffff, v4  }
0x3ad: {  	v4 =	vld [tilespmem:$0x13020];
	_ =	sdelay $0x2  }
0x3ae: {  	v5 =	vadd.f32 v30, v5;
	_ =	sdelay $0x1  }
0x3af: {  	v5 =	vadd.f32 v61, v5;
	v4 =	vmul.f32 v4, v36  }
0x3b0: {  	v61 =	vor.u32 s6, v3  }
0x3b1: {  	v4 =	vsub.f32 v5, v4;
	_ =	sdelay $0x1  }
0x3b2: {  	v4 =	vmul.f32 $1.999999960e-02, v4;
	_ =	sdelay $0x1  }
0x3b3: {  	[tilespmem:v61+s31+$0x0] =	vst.idx.msk $0xffff, v4  }
0x3b4: {  	v4 =	vld [tilespmem:$0x13030];
	_ =	sdelay $0x2  }
0x3b5: {  	v5 =	vadd.f32 v31, v60;
	_ =	sdelay $0x1  }
0x3b6: {  	v5 =	vadd.f32 v62, v5;
	v4 =	vmul.f32 v4, v36  }
0x3b7: {  	v62 =	vor.u32 s6, v13  }
0x3b8: {  	v4 =	vsub.f32 v5, v4;
	_ =	sdelay $0x1  }
0x3b9: {  	v4 =	vmul.f32 $1.999999960e-02, v4;
	_ =	sdelay $0x1  }
0x3ba: {  	[tilespmem:v62+s31+$0x0] =	vst.idx.msk $0xffff, v4  }
0x3bb: {  	v4 =	vld [tilespmem:$0x13040]  }
0x3bc: {  	v5 =	vadd.f32 v55, v25;
	_ =	sdelay $0x1  }
0x3bd: {  	v5 =	vadd.f32 v32, v5;
	_ =	sdelay $0x1  }
0x3be: {  	v5 =	vadd.f32 v26, v5;
	v4 =	vmul.f32 v4, v36  }
0x3bf: {  	v63 =	vor.u32 s6, v15  }
0x3c0: {  	v4 =	vsub.f32 v5, v4;
	_ =	sdelay $0x1  }
0x3c1: {  	v4 =	vmul.f32 $1.999999960e-02, v4;
	_ =	sdelay $0x1  }
0x3c2: {  	[tilespmem:v63+s31+$0x0] =	vst.idx.msk $0xffff, v4  }
0x3c3: {  	v4 =	vld [tilespmem:$0x13050]  }
0x3c4: {  	v0 =	vadd.f32 v0, v24;
	_ =	sdelay $0x1  }
0x3c5: {  	v0 =	vadd.f32 v33, v0;
	_ =	sdelay $0x1  }
0x3c6: {  	v0 =	vadd.f32 v27, v0;
	v4 =	vmul.f32 v4, v36  }
0x3c7: {  	v5 =	vor.u32 s6, v17  }
0x3c8: {  	v0 =	vsub.f32 v0, v4;
	_ =	sdelay $0x1  }
0x3c9: {  	v0 =	vmul.f32 $1.999999960e-02, v0;
	_ =	sdelay $0x1  }
0x3ca: {  	[tilespmem:v5+s31+$0x0] =	vst.idx.msk $0xffff, v0  }
0x3cb: {  	v0 =	vld [tilespmem:$0x13060]  }
0x3cc: {  	v4 =	vadd.f32 v57, v18;
	_ =	sdelay $0x1  }
0x3cd: {  	v4 =	vadd.f32 v9, v4;
	_ =	sdelay $0x1  }
0x3ce: {  	v4 =	vadd.f32 v41, v4;
	v0 =	vmul.f32 v0, v36  }
0x3cf: {  	v5 =	vor.u32 s6, v20  }
0x3d0: {  	v0 =	vsub.f32 v4, v0;
	_ =	sdelay $0x1  }
0x3d1: {  	v0 =	vmul.f32 $1.999999960e-02, v0;
	_ =	sdelay $0x1  }
0x3d2: {  	[tilespmem:v5+s31+$0x0] =	vst.idx.msk $0xffff, v0  }
0x3d3: {  	v0 =	vld [tilespmem:$0x13070]  }
0x3d4: {  	v4 =	vadd.f32 v56, v8;
	_ =	sdelay $0x1  }
0x3d5: {  	v4 =	vadd.f32 v29, v4;
	_ =	sdelay $0x1  }
0x3d6: {  	s2 =	sadd.s32 $0x1, s2;
	v4 =	vadd.f32 v43, v4;
	v0 =	vmul.f32 v0, v36  }
0x3d7: {  	p0 =	sne.s32 s2, $0x4;
	v5 =	vor.u32 s6, v22  }
.Ltmp4:
0x3d8: {  	v0 =	vsub.f32 v4, v0;
	(pc) =	sbr.rel @p0 .LBB2_9-.Ltmp4, $3  }
0x3d9: {  	_ = 	snop  }
0x3da: {  	v0 =	vmul.f32 $1.999999960e-02, v0;
	_ =	sdelay $0x1  }
0x3db: {  	s4 =	sadd.s32 $0x32, s4;
	v41 =	vmov v42;
	[tilespmem:v5+s31+$0x0] =	vst.idx.msk $0xffff, v0  }
0x3dc: {  	v29 =	vld [tilespmem:$0x1FEE0]  }
0x3dd: {  	v30 =	vld [tilespmem:$0x1FEF0]  }
0x3de: {  	v31 =	vld [tilespmem:$0x1FF00]  }
0x3df: {  	v32 =	vld [tilespmem:$0x1FF10]  }
0x3e0: {  	v33 =	vld [tilespmem:$0x1FF20]  }
0x3e1: {  	v34 =	vld [tilespmem:$0x1FF30]  }
0x3e2: {  	v35 =	vld [tilespmem:$0x1FF40]  }
0x3e3: {  	v36 =	vld [tilespmem:$0x1FF50]  }
0x3e4: {  	v37 =	vld [tilespmem:$0x1FF60]  }
0x3e5: {  	v38 =	vld [tilespmem:$0x1FF70]  }
0x3e6: {  	v39 =	vld [tilespmem:$0x1FF80]  }
0x3e7: {  	v40 =	vld [tilespmem:$0x1FF90]  }
0x3e8: {  	v7 =	vld [tilespmem:$0x1FFA0]  }
0x3e9: {  	v27 =	vld [tilespmem:$0x1FFB0]  }
0x3ea: {  	v28 =	vld [tilespmem:$0x1FFC0]  }
0x3eb: {  	v26 =	vld [tilespmem:$0x1FFD0]  }
0x3ec: {  	s2 =	simm.s32 $0x0;
	s7 =	simm.s32 $0x13;
	v42 =	vld [tilespmem:$0x1FFE0]  }
.LBB2_13:
0x3ed: {  	s6 =	sshll.u32 s2, $0x7  }
0x3ee: {  	s4 =	sshll.u32 s7, $0x7;
	v56 =	vor.u32 s6, v1  }
0x3ef: {  	v55 =	vor.u32 s6, v2;
	s12 =	sadd.s32 $0xFFFFF680, s4  }
0x3f0: {  	v0 =	vor.u32 s12, v1  }
0x3f1: {  	v4 =	vor.u32 s12, v2  }
0x3f2: {  	v5 =	vor.u32 s6, v3  }
0x3f3: {  	v6 =	vor.u32 s12, v3;
	v57 =	vld.idx.msk [tilespmem:v56+s31+$0x0], $0xffff  }
0x3f4: {  	v43 =	vmov v7;
	v7 =	vor.u32 s6, v13;
	v58 =	vld.idx.msk [tilespmem:v55+s31+$0x0], $0xffff  }
0x3f5: {  	v8 =	vor.u32 s12, v13;
	v0 =	vld.idx.msk [tilespmem:v0+s19+$0x0], $0xffff  }
0x3f6: {  	v9 =	vor.u32 s6, v15;
	v4 =	vld.idx.msk [tilespmem:v4+s19+$0x0], $0xffff  }
0x3f7: {  	v59 =	vld.idx.msk [tilespmem:v5+s31+$0x0], $0xffff;
	v5 =	vor.u32 s12, v15  }
0x3f8: {  	v18 =	vor.u32 s6, v17;
	v6 =	vld.idx.msk [tilespmem:v6+s19+$0x0], $0xffff  }
0x3f9: {  	v60 =	vld.idx.msk [tilespmem:v7+s31+$0x0], $0xffff;
	v7 =	vor.u32 s12, v17  }
0x3fa: {  	v24 =	vor.u32 s6, v20;
	v8 =	vld.idx.msk [tilespmem:v8+s19+$0x0], $0xffff  }
0x3fb: {  	v61 =	vld.idx.msk [tilespmem:v9+s31+$0x0], $0xffff;
	v9 =	vor.u32 s12, v20;
	v0 =	vmul.f32 v0, v57;
	v4 =	vmul.f32 v4, v58  }
0x3fc: {  	v25 =	vor.u32 s6, v22;
	v5 =	vld.idx.msk [tilespmem:v5+s19+$0x0], $0xffff  }
0x3fd: {  	v62 =	vld.idx.msk [tilespmem:v18+s31+$0x0], $0xffff;
	v0 =	vadd.f32 v4, v0;
	v4 =	vmul.f32 v6, v59;
	v6 =	vor.u32 s12, v22  }
0x3fe: {  	v7 =	vld.idx.msk [tilespmem:v7+s19+$0x0], $0xffff  }
0x3ff: {  	v63 =	vld.idx.msk [tilespmem:v24+s31+$0x0], $0xffff;
	v8 =	vmul.f32 v8, v60;
	v4 =	vadd.f32 v4, v0  }
0x400: {  	v9 =	vld.idx.msk [tilespmem:v9+s19+$0x0], $0xffff  }
0x401: {  	v0 =	vld.idx.msk [tilespmem:v25+s31+$0x0], $0xffff;
	v5 =	vmul.f32 v5, v61;
	v4 =	vadd.f32 v8, v4  }
0x402: {  	v6 =	vld.idx.msk [tilespmem:v6+s19+$0x0], $0xffff  }
0x403: {  	v4 =	vadd.f32 v5, v4;
	v5 =	vmul.f32 v7, v62;
	_ =	sdelay $0x1  }
0x404: {  	v4 =	vadd.f32 v5, v4;
	v5 =	vmul.f32 v9, v63  }
0x405: {  	s20 =	sadd.s32 $0xFFFFF700, s4  }
0x406: {  	v4 =	vadd.f32 v5, v4;
	v5 =	vmul.f32 v6, v0;
	v6 =	vor.u32 s20, v1  }
0x407: {  	v7 =	vor.u32 s20, v2  }
0x408: {  	v4 =	vadd.f32 v5, v4  }
0x409: {  	v5 =	vor.u32 s20, v3  }
0x40a: {  	[tilespmem:$0x13080] =	vst v4  }
0x40b: {  	v4 =	vld.idx.msk [tilespmem:v6+s19+$0x0], $0xffff;
	v6 =	vor.u32 s20, v13  }
0x40c: {  	v7 =	vld.idx.msk [tilespmem:v7+s19+$0x0], $0xffff  }
0x40d: {  	v8 =	vor.u32 s20, v15  }
0x40e: {  	v5 =	vld.idx.msk [tilespmem:v5+s19+$0x0], $0xffff  }
0x40f: {  	v9 =	vor.u32 s20, v17  }
0x410: {  	v6 =	vld.idx.msk [tilespmem:v6+s19+$0x0], $0xffff  }
0x411: {  	v18 =	vor.u32 s20, v20;
	v4 =	vmul.f32 v4, v57;
	v7 =	vmul.f32 v7, v58  }
0x412: {  	v8 =	vld.idx.msk [tilespmem:v8+s19+$0x0], $0xffff  }
0x413: {  	v4 =	vadd.f32 v7, v4;
	v5 =	vmul.f32 v5, v59;
	v7 =	vor.u32 s20, v22  }
0x414: {  	v9 =	vld.idx.msk [tilespmem:v9+s19+$0x0], $0xffff  }
0x415: {  	v4 =	vadd.f32 v5, v4;
	v5 =	vmul.f32 v6, v60  }
0x416: {  	v6 =	vld.idx.msk [tilespmem:v18+s19+$0x0], $0xffff  }
0x417: {  	v4 =	vadd.f32 v5, v4;
	v5 =	vmul.f32 v8, v61  }
0x418: {  	v7 =	vld.idx.msk [tilespmem:v7+s19+$0x0], $0xffff  }
0x419: {  	v4 =	vadd.f32 v5, v4;
	v5 =	vmul.f32 v9, v62;
	_ =	sdelay $0x1  }
0x41a: {  	v4 =	vadd.f32 v5, v4;
	v5 =	vmul.f32 v6, v63  }
0x41b: {  	s28 =	sadd.s32 $0xFFFFF780, s4  }
0x41c: {  	v6 =	vor.u32 s28, v1;
	v4 =	vadd.f32 v5, v4;
	v5 =	vmul.f32 v7, v0  }
0x41d: {  	v7 =	vor.u32 s28, v2  }
0x41e: {  	v4 =	vadd.f32 v5, v4  }
0x41f: {  	v5 =	vor.u32 s28, v3  }
0x420: {  	[tilespmem:$0x13100] =	vst v4  }
0x421: {  	v4 =	vld.idx.msk [tilespmem:v6+s19+$0x0], $0xffff;
	v6 =	vor.u32 s28, v13  }
0x422: {  	v7 =	vld.idx.msk [tilespmem:v7+s19+$0x0], $0xffff  }
0x423: {  	v8 =	vor.u32 s28, v15  }
0x424: {  	v5 =	vld.idx.msk [tilespmem:v5+s19+$0x0], $0xffff  }
0x425: {  	v9 =	vor.u32 s28, v17  }
0x426: {  	v6 =	vld.idx.msk [tilespmem:v6+s19+$0x0], $0xffff  }
0x427: {  	v18 =	vor.u32 s28, v20;
	v4 =	vmul.f32 v4, v57;
	v7 =	vmul.f32 v7, v58  }
0x428: {  	v8 =	vld.idx.msk [tilespmem:v8+s19+$0x0], $0xffff  }
0x429: {  	v4 =	vadd.f32 v7, v4;
	v5 =	vmul.f32 v5, v59;
	v7 =	vor.u32 s28, v22  }
0x42a: {  	v9 =	vld.idx.msk [tilespmem:v9+s19+$0x0], $0xffff  }
0x42b: {  	v4 =	vadd.f32 v5, v4;
	v5 =	vmul.f32 v6, v60  }
0x42c: {  	v6 =	vld.idx.msk [tilespmem:v18+s19+$0x0], $0xffff  }
0x42d: {  	v4 =	vadd.f32 v5, v4;
	v5 =	vmul.f32 v8, v61  }
0x42e: {  	v7 =	vld.idx.msk [tilespmem:v7+s19+$0x0], $0xffff  }
0x42f: {  	v4 =	vadd.f32 v5, v4;
	v5 =	vmul.f32 v9, v62;
	_ =	sdelay $0x1  }
0x430: {  	v4 =	vadd.f32 v5, v4;
	v5 =	vmul.f32 v6, v63  }
0x431: {  	s30 =	sadd.s32 $0xFFFFF800, s4  }
0x432: {  	v6 =	vor.u32 s30, v1;
	v4 =	vadd.f32 v5, v4;
	v5 =	vmul.f32 v7, v0  }
0x433: {  	v7 =	vor.u32 s30, v2  }
0x434: {  	v4 =	vadd.f32 v5, v4  }
0x435: {  	v5 =	vor.u32 s30, v3  }
0x436: {  	[tilespmem:$0x13180] =	vst v4  }
0x437: {  	v4 =	vld.idx.msk [tilespmem:v6+s19+$0x0], $0xffff;
	v6 =	vor.u32 s30, v13  }
0x438: {  	v7 =	vld.idx.msk [tilespmem:v7+s19+$0x0], $0xffff  }
0x439: {  	v8 =	vor.u32 s30, v15  }
0x43a: {  	v5 =	vld.idx.msk [tilespmem:v5+s19+$0x0], $0xffff  }
0x43b: {  	v9 =	vor.u32 s30, v17  }
0x43c: {  	v6 =	vld.idx.msk [tilespmem:v6+s19+$0x0], $0xffff  }
0x43d: {  	v18 =	vor.u32 s30, v20;
	v4 =	vmul.f32 v4, v57;
	v7 =	vmul.f32 v7, v58  }
0x43e: {  	v8 =	vld.idx.msk [tilespmem:v8+s19+$0x0], $0xffff  }
0x43f: {  	v4 =	vadd.f32 v7, v4;
	v5 =	vmul.f32 v5, v59;
	v7 =	vor.u32 s30, v22  }
0x440: {  	v9 =	vld.idx.msk [tilespmem:v9+s19+$0x0], $0xffff  }
0x441: {  	v4 =	vadd.f32 v5, v4;
	v5 =	vmul.f32 v6, v60  }
0x442: {  	v6 =	vld.idx.msk [tilespmem:v18+s19+$0x0], $0xffff  }
0x443: {  	v4 =	vadd.f32 v5, v4;
	v5 =	vmul.f32 v8, v61  }
0x444: {  	v7 =	vld.idx.msk [tilespmem:v7+s19+$0x0], $0xffff  }
0x445: {  	v4 =	vadd.f32 v5, v4;
	v5 =	vmul.f32 v9, v62;
	_ =	sdelay $0x1  }
0x446: {  	v4 =	vadd.f32 v5, v4;
	v5 =	vmul.f32 v6, v63  }
0x447: {  	s12 =	sadd.s32 $0xFFFFF880, s4  }
0x448: {  	v6 =	vor.u32 s12, v1;
	v4 =	vadd.f32 v5, v4;
	v5 =	vmul.f32 v7, v0  }
0x449: {  	v7 =	vor.u32 s12, v2  }
0x44a: {  	v4 =	vadd.f32 v5, v4  }
0x44b: {  	v5 =	vor.u32 s12, v3  }
0x44c: {  	[tilespmem:$0x13200] =	vst v4  }
0x44d: {  	v4 =	vld.idx.msk [tilespmem:v6+s19+$0x0], $0xffff;
	v6 =	vor.u32 s12, v13  }
0x44e: {  	v7 =	vld.idx.msk [tilespmem:v7+s19+$0x0], $0xffff  }
0x44f: {  	v8 =	vor.u32 s12, v15  }
0x450: {  	v5 =	vld.idx.msk [tilespmem:v5+s19+$0x0], $0xffff  }
0x451: {  	v9 =	vor.u32 s12, v17  }
0x452: {  	v6 =	vld.idx.msk [tilespmem:v6+s19+$0x0], $0xffff  }
0x453: {  	v18 =	vor.u32 s12, v20;
	v4 =	vmul.f32 v4, v57;
	v7 =	vmul.f32 v7, v58  }
0x454: {  	v8 =	vld.idx.msk [tilespmem:v8+s19+$0x0], $0xffff  }
0x455: {  	v4 =	vadd.f32 v7, v4;
	v5 =	vmul.f32 v5, v59;
	v7 =	vor.u32 s12, v22  }
0x456: {  	v9 =	vld.idx.msk [tilespmem:v9+s19+$0x0], $0xffff  }
0x457: {  	v4 =	vadd.f32 v5, v4;
	v5 =	vmul.f32 v6, v60  }
0x458: {  	v6 =	vld.idx.msk [tilespmem:v18+s19+$0x0], $0xffff  }
0x459: {  	v4 =	vadd.f32 v5, v4;
	v5 =	vmul.f32 v8, v61  }
0x45a: {  	v7 =	vld.idx.msk [tilespmem:v7+s19+$0x0], $0xffff  }
0x45b: {  	v4 =	vadd.f32 v5, v4;
	v5 =	vmul.f32 v9, v62;
	_ =	sdelay $0x1  }
0x45c: {  	v4 =	vadd.f32 v5, v4;
	v5 =	vmul.f32 v6, v63  }
0x45d: {  	s18 =	sadd.s32 $0xFFFFF900, s4  }
0x45e: {  	v6 =	vor.u32 s18, v1;
	v4 =	vadd.f32 v5, v4;
	v5 =	vmul.f32 v7, v0  }
0x45f: {  	v7 =	vor.u32 s18, v2  }
0x460: {  	v4 =	vadd.f32 v5, v4  }
0x461: {  	v5 =	vor.u32 s18, v3  }
0x462: {  	[tilespmem:$0x13280] =	vst v4  }
0x463: {  	v4 =	vld.idx.msk [tilespmem:v6+s19+$0x0], $0xffff;
	v6 =	vor.u32 s18, v13  }
0x464: {  	v7 =	vld.idx.msk [tilespmem:v7+s19+$0x0], $0xffff  }
0x465: {  	v8 =	vor.u32 s18, v15  }
0x466: {  	v5 =	vld.idx.msk [tilespmem:v5+s19+$0x0], $0xffff  }
0x467: {  	v9 =	vor.u32 s18, v17  }
0x468: {  	v6 =	vld.idx.msk [tilespmem:v6+s19+$0x0], $0xffff  }
0x469: {  	v18 =	vor.u32 s18, v20;
	v4 =	vmul.f32 v4, v57;
	v7 =	vmul.f32 v7, v58  }
0x46a: {  	v8 =	vld.idx.msk [tilespmem:v8+s19+$0x0], $0xffff  }
0x46b: {  	v4 =	vadd.f32 v7, v4;
	v5 =	vmul.f32 v5, v59;
	v7 =	vor.u32 s18, v22  }
0x46c: {  	v9 =	vld.idx.msk [tilespmem:v9+s19+$0x0], $0xffff  }
0x46d: {  	v4 =	vadd.f32 v5, v4;
	v5 =	vmul.f32 v6, v60  }
0x46e: {  	v6 =	vld.idx.msk [tilespmem:v18+s19+$0x0], $0xffff  }
0x46f: {  	v4 =	vadd.f32 v5, v4;
	v5 =	vmul.f32 v8, v61  }
0x470: {  	v7 =	vld.idx.msk [tilespmem:v7+s19+$0x0], $0xffff  }
0x471: {  	v4 =	vadd.f32 v5, v4;
	v5 =	vmul.f32 v9, v62;
	_ =	sdelay $0x1  }
0x472: {  	v4 =	vadd.f32 v5, v4;
	v5 =	vmul.f32 v6, v63  }
0x473: {  	s20 =	sadd.s32 $0xFFFFF980, s4  }
0x474: {  	v6 =	vor.u32 s20, v1;
	v4 =	vadd.f32 v5, v4;
	v5 =	vmul.f32 v7, v0  }
0x475: {  	v7 =	vor.u32 s20, v2  }
0x476: {  	v4 =	vadd.f32 v5, v4  }
0x477: {  	v5 =	vor.u32 s20, v3  }
0x478: {  	[tilespmem:$0x13300] =	vst v4  }
0x479: {  	v4 =	vld.idx.msk [tilespmem:v6+s19+$0x0], $0xffff;
	v6 =	vor.u32 s20, v13  }
0x47a: {  	v7 =	vld.idx.msk [tilespmem:v7+s19+$0x0], $0xffff  }
0x47b: {  	v8 =	vor.u32 s20, v15  }
0x47c: {  	v5 =	vld.idx.msk [tilespmem:v5+s19+$0x0], $0xffff  }
0x47d: {  	v9 =	vor.u32 s20, v17  }
0x47e: {  	v6 =	vld.idx.msk [tilespmem:v6+s19+$0x0], $0xffff  }
0x47f: {  	v18 =	vor.u32 s20, v20;
	v4 =	vmul.f32 v4, v57;
	v7 =	vmul.f32 v7, v58  }
0x480: {  	v8 =	vld.idx.msk [tilespmem:v8+s19+$0x0], $0xffff  }
0x481: {  	v4 =	vadd.f32 v7, v4;
	v5 =	vmul.f32 v5, v59;
	v7 =	vor.u32 s20, v22  }
0x482: {  	v9 =	vld.idx.msk [tilespmem:v9+s19+$0x0], $0xffff  }
0x483: {  	v4 =	vadd.f32 v5, v4;
	v5 =	vmul.f32 v6, v60  }
0x484: {  	v6 =	vld.idx.msk [tilespmem:v18+s19+$0x0], $0xffff  }
0x485: {  	v4 =	vadd.f32 v5, v4;
	v5 =	vmul.f32 v8, v61  }
0x486: {  	v7 =	vld.idx.msk [tilespmem:v7+s19+$0x0], $0xffff  }
0x487: {  	v4 =	vadd.f32 v5, v4;
	v5 =	vmul.f32 v9, v62;
	_ =	sdelay $0x1  }
0x488: {  	v4 =	vadd.f32 v5, v4;
	v5 =	vmul.f32 v6, v63  }
0x489: {  	s28 =	sadd.s32 $0xFFFFFA00, s4  }
0x48a: {  	v6 =	vor.u32 s28, v1;
	v4 =	vadd.f32 v5, v4;
	v5 =	vmul.f32 v7, v0  }
0x48b: {  	v7 =	vor.u32 s28, v2  }
0x48c: {  	v4 =	vadd.f32 v5, v4  }
0x48d: {  	v5 =	vor.u32 s28, v3  }
0x48e: {  	[tilespmem:$0x13380] =	vst v4  }
0x48f: {  	v4 =	vld.idx.msk [tilespmem:v6+s19+$0x0], $0xffff;
	v6 =	vor.u32 s28, v13  }
0x490: {  	v7 =	vld.idx.msk [tilespmem:v7+s19+$0x0], $0xffff  }
0x491: {  	v8 =	vor.u32 s28, v15  }
0x492: {  	v5 =	vld.idx.msk [tilespmem:v5+s19+$0x0], $0xffff  }
0x493: {  	v9 =	vor.u32 s28, v17  }
0x494: {  	v6 =	vld.idx.msk [tilespmem:v6+s19+$0x0], $0xffff  }
0x495: {  	v18 =	vor.u32 s28, v20;
	v4 =	vmul.f32 v4, v57;
	v7 =	vmul.f32 v7, v58  }
0x496: {  	v8 =	vld.idx.msk [tilespmem:v8+s19+$0x0], $0xffff  }
0x497: {  	v4 =	vadd.f32 v7, v4;
	v5 =	vmul.f32 v5, v59;
	v7 =	vor.u32 s28, v22  }
0x498: {  	v9 =	vld.idx.msk [tilespmem:v9+s19+$0x0], $0xffff  }
0x499: {  	v4 =	vadd.f32 v5, v4;
	v5 =	vmul.f32 v6, v60  }
0x49a: {  	v6 =	vld.idx.msk [tilespmem:v18+s19+$0x0], $0xffff  }
0x49b: {  	v4 =	vadd.f32 v5, v4;
	v5 =	vmul.f32 v8, v61  }
0x49c: {  	v7 =	vld.idx.msk [tilespmem:v7+s19+$0x0], $0xffff  }
0x49d: {  	v4 =	vadd.f32 v5, v4;
	v5 =	vmul.f32 v9, v62;
	_ =	sdelay $0x1  }
0x49e: {  	v4 =	vadd.f32 v5, v4;
	v5 =	vmul.f32 v6, v63  }
0x49f: {  	s30 =	sadd.s32 $0xFFFFFA80, s4  }
0x4a0: {  	v6 =	vor.u32 s30, v1;
	v4 =	vadd.f32 v5, v4;
	v5 =	vmul.f32 v7, v0  }
0x4a1: {  	v7 =	vor.u32 s30, v2  }
0x4a2: {  	v4 =	vadd.f32 v5, v4  }
0x4a3: {  	v5 =	vor.u32 s30, v3  }
0x4a4: {  	[tilespmem:$0x13400] =	vst v4  }
0x4a5: {  	v4 =	vld.idx.msk [tilespmem:v6+s19+$0x0], $0xffff;
	v6 =	vor.u32 s30, v13  }
0x4a6: {  	v7 =	vld.idx.msk [tilespmem:v7+s19+$0x0], $0xffff  }
0x4a7: {  	v8 =	vor.u32 s30, v15  }
0x4a8: {  	v5 =	vld.idx.msk [tilespmem:v5+s19+$0x0], $0xffff  }
0x4a9: {  	v9 =	vor.u32 s30, v17  }
0x4aa: {  	v6 =	vld.idx.msk [tilespmem:v6+s19+$0x0], $0xffff  }
0x4ab: {  	v18 =	vor.u32 s30, v20;
	v4 =	vmul.f32 v4, v57;
	v7 =	vmul.f32 v7, v58  }
0x4ac: {  	v8 =	vld.idx.msk [tilespmem:v8+s19+$0x0], $0xffff  }
0x4ad: {  	v4 =	vadd.f32 v7, v4;
	v5 =	vmul.f32 v5, v59;
	v7 =	vor.u32 s30, v22  }
0x4ae: {  	v9 =	vld.idx.msk [tilespmem:v9+s19+$0x0], $0xffff  }
0x4af: {  	v4 =	vadd.f32 v5, v4;
	v5 =	vmul.f32 v6, v60  }
0x4b0: {  	v6 =	vld.idx.msk [tilespmem:v18+s19+$0x0], $0xffff  }
0x4b1: {  	v4 =	vadd.f32 v5, v4;
	v5 =	vmul.f32 v8, v61  }
0x4b2: {  	v7 =	vld.idx.msk [tilespmem:v7+s19+$0x0], $0xffff  }
0x4b3: {  	v4 =	vadd.f32 v5, v4;
	v5 =	vmul.f32 v9, v62;
	_ =	sdelay $0x1  }
0x4b4: {  	v4 =	vadd.f32 v5, v4;
	v5 =	vmul.f32 v6, v63  }
0x4b5: {  	s12 =	sadd.s32 $0xFFFFFB00, s4  }
0x4b6: {  	v6 =	vor.u32 s12, v1;
	v4 =	vadd.f32 v5, v4;
	v5 =	vmul.f32 v7, v0  }
0x4b7: {  	v7 =	vor.u32 s12, v2  }
0x4b8: {  	v4 =	vadd.f32 v5, v4  }
0x4b9: {  	v5 =	vor.u32 s12, v3  }
0x4ba: {  	[tilespmem:$0x13480] =	vst v4  }
0x4bb: {  	v4 =	vld.idx.msk [tilespmem:v6+s19+$0x0], $0xffff;
	v6 =	vor.u32 s12, v13  }
0x4bc: {  	v7 =	vld.idx.msk [tilespmem:v7+s19+$0x0], $0xffff  }
0x4bd: {  	v8 =	vor.u32 s12, v15  }
0x4be: {  	v5 =	vld.idx.msk [tilespmem:v5+s19+$0x0], $0xffff  }
0x4bf: {  	v9 =	vor.u32 s12, v17  }
0x4c0: {  	v6 =	vld.idx.msk [tilespmem:v6+s19+$0x0], $0xffff  }
0x4c1: {  	v18 =	vor.u32 s12, v20;
	v4 =	vmul.f32 v4, v57;
	v7 =	vmul.f32 v7, v58  }
0x4c2: {  	v8 =	vld.idx.msk [tilespmem:v8+s19+$0x0], $0xffff  }
0x4c3: {  	v4 =	vadd.f32 v7, v4;
	v5 =	vmul.f32 v5, v59;
	v7 =	vor.u32 s12, v22  }
0x4c4: {  	v9 =	vld.idx.msk [tilespmem:v9+s19+$0x0], $0xffff  }
0x4c5: {  	v4 =	vadd.f32 v5, v4;
	v5 =	vmul.f32 v6, v60  }
0x4c6: {  	v6 =	vld.idx.msk [tilespmem:v18+s19+$0x0], $0xffff  }
0x4c7: {  	v4 =	vadd.f32 v5, v4;
	v5 =	vmul.f32 v8, v61  }
0x4c8: {  	v7 =	vld.idx.msk [tilespmem:v7+s19+$0x0], $0xffff  }
0x4c9: {  	v4 =	vadd.f32 v5, v4;
	v5 =	vmul.f32 v9, v62;
	_ =	sdelay $0x1  }
0x4ca: {  	v4 =	vadd.f32 v5, v4;
	v5 =	vmul.f32 v6, v63  }
0x4cb: {  	s18 =	sadd.s32 $0xFFFFFB80, s4  }
0x4cc: {  	v6 =	vor.u32 s18, v1;
	v4 =	vadd.f32 v5, v4;
	v5 =	vmul.f32 v7, v0  }
0x4cd: {  	v7 =	vor.u32 s18, v2  }
0x4ce: {  	v4 =	vadd.f32 v5, v4  }
0x4cf: {  	v5 =	vor.u32 s18, v3  }
0x4d0: {  	[tilespmem:$0x13500] =	vst v4  }
0x4d1: {  	v4 =	vld.idx.msk [tilespmem:v6+s19+$0x0], $0xffff;
	v6 =	vor.u32 s18, v13  }
0x4d2: {  	v7 =	vld.idx.msk [tilespmem:v7+s19+$0x0], $0xffff  }
0x4d3: {  	v8 =	vor.u32 s18, v15  }
0x4d4: {  	v5 =	vld.idx.msk [tilespmem:v5+s19+$0x0], $0xffff  }
0x4d5: {  	v9 =	vor.u32 s18, v17  }
0x4d6: {  	v6 =	vld.idx.msk [tilespmem:v6+s19+$0x0], $0xffff  }
0x4d7: {  	v18 =	vor.u32 s18, v20;
	v4 =	vmul.f32 v4, v57;
	v7 =	vmul.f32 v7, v58  }
0x4d8: {  	v8 =	vld.idx.msk [tilespmem:v8+s19+$0x0], $0xffff  }
0x4d9: {  	v4 =	vadd.f32 v7, v4;
	v5 =	vmul.f32 v5, v59;
	v7 =	vor.u32 s18, v22  }
0x4da: {  	v9 =	vld.idx.msk [tilespmem:v9+s19+$0x0], $0xffff  }
0x4db: {  	v4 =	vadd.f32 v5, v4;
	v5 =	vmul.f32 v6, v60  }
0x4dc: {  	v6 =	vld.idx.msk [tilespmem:v18+s19+$0x0], $0xffff  }
0x4dd: {  	v4 =	vadd.f32 v5, v4;
	v5 =	vmul.f32 v8, v61  }
0x4de: {  	v7 =	vld.idx.msk [tilespmem:v7+s19+$0x0], $0xffff  }
0x4df: {  	v4 =	vadd.f32 v5, v4;
	v5 =	vmul.f32 v9, v62;
	_ =	sdelay $0x1  }
0x4e0: {  	v4 =	vadd.f32 v5, v4;
	v5 =	vmul.f32 v6, v63  }
0x4e1: {  	s20 =	sadd.s32 $0xFFFFFC00, s4  }
0x4e2: {  	v6 =	vor.u32 s20, v1;
	v4 =	vadd.f32 v5, v4;
	v5 =	vmul.f32 v7, v0  }
0x4e3: {  	v7 =	vor.u32 s20, v2  }
0x4e4: {  	v4 =	vadd.f32 v5, v4  }
0x4e5: {  	v5 =	vor.u32 s20, v3  }
0x4e6: {  	[tilespmem:$0x13580] =	vst v4  }
0x4e7: {  	v4 =	vld.idx.msk [tilespmem:v6+s19+$0x0], $0xffff;
	v6 =	vor.u32 s20, v13  }
0x4e8: {  	v7 =	vld.idx.msk [tilespmem:v7+s19+$0x0], $0xffff  }
0x4e9: {  	v8 =	vor.u32 s20, v15  }
0x4ea: {  	v5 =	vld.idx.msk [tilespmem:v5+s19+$0x0], $0xffff  }
0x4eb: {  	v9 =	vor.u32 s20, v17  }
0x4ec: {  	v6 =	vld.idx.msk [tilespmem:v6+s19+$0x0], $0xffff  }
0x4ed: {  	v18 =	vor.u32 s20, v20;
	v4 =	vmul.f32 v4, v57;
	v7 =	vmul.f32 v7, v58  }
0x4ee: {  	v8 =	vld.idx.msk [tilespmem:v8+s19+$0x0], $0xffff  }
0x4ef: {  	v4 =	vadd.f32 v7, v4;
	v5 =	vmul.f32 v5, v59;
	v7 =	vor.u32 s20, v22  }
0x4f0: {  	v9 =	vld.idx.msk [tilespmem:v9+s19+$0x0], $0xffff  }
0x4f1: {  	v4 =	vadd.f32 v5, v4;
	v5 =	vmul.f32 v6, v60  }
0x4f2: {  	v6 =	vld.idx.msk [tilespmem:v18+s19+$0x0], $0xffff  }
0x4f3: {  	v4 =	vadd.f32 v5, v4;
	v5 =	vmul.f32 v8, v61  }
0x4f4: {  	v7 =	vld.idx.msk [tilespmem:v7+s19+$0x0], $0xffff  }
0x4f5: {  	v4 =	vadd.f32 v5, v4;
	v5 =	vmul.f32 v9, v62;
	_ =	sdelay $0x1  }
0x4f6: {  	v4 =	vadd.f32 v5, v4;
	v5 =	vmul.f32 v6, v63  }
0x4f7: {  	s28 =	sadd.s32 $0xFFFFFC80, s4  }
0x4f8: {  	v6 =	vor.u32 s28, v1;
	v4 =	vadd.f32 v5, v4;
	v5 =	vmul.f32 v7, v0  }
0x4f9: {  	v7 =	vor.u32 s28, v2  }
0x4fa: {  	v4 =	vadd.f32 v5, v4  }
0x4fb: {  	v5 =	vor.u32 s28, v3  }
0x4fc: {  	[tilespmem:$0x13600] =	vst v4  }
0x4fd: {  	v4 =	vld.idx.msk [tilespmem:v6+s19+$0x0], $0xffff;
	v6 =	vor.u32 s28, v13  }
0x4fe: {  	v7 =	vld.idx.msk [tilespmem:v7+s19+$0x0], $0xffff  }
0x4ff: {  	v8 =	vor.u32 s28, v15  }
0x500: {  	v5 =	vld.idx.msk [tilespmem:v5+s19+$0x0], $0xffff  }
0x501: {  	v9 =	vor.u32 s28, v17  }
0x502: {  	v6 =	vld.idx.msk [tilespmem:v6+s19+$0x0], $0xffff  }
0x503: {  	v18 =	vor.u32 s28, v20;
	v4 =	vmul.f32 v4, v57;
	v7 =	vmul.f32 v7, v58  }
0x504: {  	v8 =	vld.idx.msk [tilespmem:v8+s19+$0x0], $0xffff  }
0x505: {  	v4 =	vadd.f32 v7, v4;
	v5 =	vmul.f32 v5, v59;
	v7 =	vor.u32 s28, v22  }
0x506: {  	v9 =	vld.idx.msk [tilespmem:v9+s19+$0x0], $0xffff  }
0x507: {  	v4 =	vadd.f32 v5, v4;
	v5 =	vmul.f32 v6, v60  }
0x508: {  	v6 =	vld.idx.msk [tilespmem:v18+s19+$0x0], $0xffff  }
0x509: {  	v4 =	vadd.f32 v5, v4;
	v5 =	vmul.f32 v8, v61  }
0x50a: {  	v7 =	vld.idx.msk [tilespmem:v7+s19+$0x0], $0xffff  }
0x50b: {  	v4 =	vadd.f32 v5, v4;
	v5 =	vmul.f32 v9, v62;
	_ =	sdelay $0x1  }
0x50c: {  	v4 =	vadd.f32 v5, v4;
	v5 =	vmul.f32 v6, v63  }
0x50d: {  	s30 =	sadd.s32 $0xFFFFFD00, s4  }
0x50e: {  	v6 =	vor.u32 s30, v1;
	v4 =	vadd.f32 v5, v4;
	v5 =	vmul.f32 v7, v0  }
0x50f: {  	v7 =	vor.u32 s30, v2  }
0x510: {  	v4 =	vadd.f32 v5, v4  }
0x511: {  	v5 =	vor.u32 s30, v3  }
0x512: {  	[tilespmem:$0x13680] =	vst v4  }
0x513: {  	v4 =	vld.idx.msk [tilespmem:v6+s19+$0x0], $0xffff;
	v6 =	vor.u32 s30, v13  }
0x514: {  	v7 =	vld.idx.msk [tilespmem:v7+s19+$0x0], $0xffff  }
0x515: {  	v8 =	vor.u32 s30, v15  }
0x516: {  	v5 =	vld.idx.msk [tilespmem:v5+s19+$0x0], $0xffff  }
0x517: {  	v9 =	vor.u32 s30, v17  }
0x518: {  	v6 =	vld.idx.msk [tilespmem:v6+s19+$0x0], $0xffff  }
0x519: {  	v18 =	vor.u32 s30, v20;
	v4 =	vmul.f32 v4, v57;
	v7 =	vmul.f32 v7, v58  }
0x51a: {  	v8 =	vld.idx.msk [tilespmem:v8+s19+$0x0], $0xffff  }
0x51b: {  	v4 =	vadd.f32 v7, v4;
	v5 =	vmul.f32 v5, v59;
	v7 =	vor.u32 s30, v22  }
0x51c: {  	v9 =	vld.idx.msk [tilespmem:v9+s19+$0x0], $0xffff  }
0x51d: {  	v4 =	vadd.f32 v5, v4;
	v5 =	vmul.f32 v6, v60  }
0x51e: {  	v6 =	vld.idx.msk [tilespmem:v18+s19+$0x0], $0xffff  }
0x51f: {  	v4 =	vadd.f32 v5, v4;
	v5 =	vmul.f32 v8, v61  }
0x520: {  	v7 =	vld.idx.msk [tilespmem:v7+s19+$0x0], $0xffff  }
0x521: {  	v4 =	vadd.f32 v5, v4;
	v5 =	vmul.f32 v9, v62;
	_ =	sdelay $0x1  }
0x522: {  	v4 =	vadd.f32 v5, v4;
	v5 =	vmul.f32 v6, v63  }
0x523: {  	s12 =	sadd.s32 $0xFFFFFD80, s4  }
0x524: {  	v6 =	vor.u32 s12, v1;
	v4 =	vadd.f32 v5, v4;
	v5 =	vmul.f32 v7, v0  }
0x525: {  	v7 =	vor.u32 s12, v2  }
0x526: {  	v4 =	vadd.f32 v5, v4  }
0x527: {  	v5 =	vor.u32 s12, v3  }
0x528: {  	[tilespmem:$0x13700] =	vst v4  }
0x529: {  	v4 =	vld.idx.msk [tilespmem:v6+s19+$0x0], $0xffff;
	v6 =	vor.u32 s12, v13  }
0x52a: {  	v7 =	vld.idx.msk [tilespmem:v7+s19+$0x0], $0xffff  }
0x52b: {  	v8 =	vor.u32 s12, v15  }
0x52c: {  	v5 =	vld.idx.msk [tilespmem:v5+s19+$0x0], $0xffff  }
0x52d: {  	v9 =	vor.u32 s12, v17  }
0x52e: {  	v6 =	vld.idx.msk [tilespmem:v6+s19+$0x0], $0xffff  }
0x52f: {  	v18 =	vor.u32 s12, v20;
	v4 =	vmul.f32 v4, v57;
	v7 =	vmul.f32 v7, v58  }
0x530: {  	v8 =	vld.idx.msk [tilespmem:v8+s19+$0x0], $0xffff  }
0x531: {  	v4 =	vadd.f32 v7, v4;
	v5 =	vmul.f32 v5, v59;
	v7 =	vor.u32 s12, v22  }
0x532: {  	v9 =	vld.idx.msk [tilespmem:v9+s19+$0x0], $0xffff  }
0x533: {  	v4 =	vadd.f32 v5, v4;
	v5 =	vmul.f32 v6, v60  }
0x534: {  	v6 =	vld.idx.msk [tilespmem:v18+s19+$0x0], $0xffff  }
0x535: {  	v4 =	vadd.f32 v5, v4;
	v5 =	vmul.f32 v8, v61  }
0x536: {  	v7 =	vld.idx.msk [tilespmem:v7+s19+$0x0], $0xffff  }
0x537: {  	v4 =	vadd.f32 v5, v4;
	v5 =	vmul.f32 v9, v62;
	_ =	sdelay $0x1  }
0x538: {  	v4 =	vadd.f32 v5, v4;
	v5 =	vmul.f32 v6, v63  }
0x539: {  	s18 =	sadd.s32 $0xFFFFFE00, s4  }
0x53a: {  	v6 =	vor.u32 s18, v1;
	v4 =	vadd.f32 v5, v4;
	v5 =	vmul.f32 v7, v0  }
0x53b: {  	v7 =	vor.u32 s18, v2  }
0x53c: {  	v4 =	vadd.f32 v5, v4  }
0x53d: {  	v5 =	vor.u32 s18, v3  }
0x53e: {  	[tilespmem:$0x13780] =	vst v4  }
0x53f: {  	v4 =	vld.idx.msk [tilespmem:v6+s19+$0x0], $0xffff;
	v6 =	vor.u32 s18, v13  }
0x540: {  	v7 =	vld.idx.msk [tilespmem:v7+s19+$0x0], $0xffff  }
0x541: {  	v8 =	vor.u32 s18, v15  }
0x542: {  	v5 =	vld.idx.msk [tilespmem:v5+s19+$0x0], $0xffff  }
0x543: {  	v9 =	vor.u32 s18, v17  }
0x544: {  	v6 =	vld.idx.msk [tilespmem:v6+s19+$0x0], $0xffff  }
0x545: {  	v18 =	vor.u32 s18, v20;
	v4 =	vmul.f32 v4, v57;
	v7 =	vmul.f32 v7, v58  }
0x546: {  	v8 =	vld.idx.msk [tilespmem:v8+s19+$0x0], $0xffff  }
0x547: {  	v4 =	vadd.f32 v7, v4;
	v5 =	vmul.f32 v5, v59;
	v7 =	vor.u32 s18, v22  }
0x548: {  	v9 =	vld.idx.msk [tilespmem:v9+s19+$0x0], $0xffff  }
0x549: {  	v4 =	vadd.f32 v5, v4;
	v5 =	vmul.f32 v6, v60  }
0x54a: {  	v6 =	vld.idx.msk [tilespmem:v18+s19+$0x0], $0xffff  }
0x54b: {  	v4 =	vadd.f32 v5, v4;
	v5 =	vmul.f32 v8, v61  }
0x54c: {  	v7 =	vld.idx.msk [tilespmem:v7+s19+$0x0], $0xffff  }
0x54d: {  	v4 =	vadd.f32 v5, v4;
	v5 =	vmul.f32 v9, v62;
	_ =	sdelay $0x1  }
0x54e: {  	v4 =	vadd.f32 v5, v4;
	v5 =	vmul.f32 v6, v63  }
0x54f: {  	s20 =	sadd.s32 $0xFFFFFE80, s4  }
0x550: {  	v6 =	vor.u32 s20, v1;
	v4 =	vadd.f32 v5, v4;
	v5 =	vmul.f32 v7, v0  }
0x551: {  	v7 =	vor.u32 s20, v2  }
0x552: {  	v4 =	vadd.f32 v5, v4  }
0x553: {  	v5 =	vor.u32 s20, v3  }
0x554: {  	[tilespmem:$0x13800] =	vst v4  }
0x555: {  	v4 =	vld.idx.msk [tilespmem:v6+s19+$0x0], $0xffff;
	v6 =	vor.u32 s20, v13  }
0x556: {  	v7 =	vld.idx.msk [tilespmem:v7+s19+$0x0], $0xffff  }
0x557: {  	v8 =	vor.u32 s20, v15  }
0x558: {  	v5 =	vld.idx.msk [tilespmem:v5+s19+$0x0], $0xffff  }
0x559: {  	v9 =	vor.u32 s20, v17  }
0x55a: {  	v6 =	vld.idx.msk [tilespmem:v6+s19+$0x0], $0xffff  }
0x55b: {  	v18 =	vor.u32 s20, v20;
	v4 =	vmul.f32 v4, v57;
	v7 =	vmul.f32 v7, v58  }
0x55c: {  	v8 =	vld.idx.msk [tilespmem:v8+s19+$0x0], $0xffff  }
0x55d: {  	v4 =	vadd.f32 v7, v4;
	v5 =	vmul.f32 v5, v59;
	v7 =	vor.u32 s20, v22  }
0x55e: {  	v9 =	vld.idx.msk [tilespmem:v9+s19+$0x0], $0xffff  }
0x55f: {  	v4 =	vadd.f32 v5, v4;
	v5 =	vmul.f32 v6, v60  }
0x560: {  	v6 =	vld.idx.msk [tilespmem:v18+s19+$0x0], $0xffff  }
0x561: {  	v4 =	vadd.f32 v5, v4;
	v5 =	vmul.f32 v8, v61  }
0x562: {  	v7 =	vld.idx.msk [tilespmem:v7+s19+$0x0], $0xffff  }
0x563: {  	v4 =	vadd.f32 v5, v4;
	v5 =	vmul.f32 v9, v62;
	_ =	sdelay $0x1  }
0x564: {  	v4 =	vadd.f32 v5, v4;
	v5 =	vmul.f32 v6, v63  }
0x565: {  	s28 =	sadd.s32 $0xFFFFFF00, s4  }
0x566: {  	v6 =	vor.u32 s28, v1;
	v4 =	vadd.f32 v5, v4;
	v5 =	vmul.f32 v7, v0  }
0x567: {  	v7 =	vor.u32 s28, v2  }
0x568: {  	v4 =	vadd.f32 v5, v4  }
0x569: {  	v5 =	vor.u32 s28, v3  }
0x56a: {  	[tilespmem:$0x13880] =	vst v4  }
0x56b: {  	v4 =	vld.idx.msk [tilespmem:v6+s19+$0x0], $0xffff;
	v6 =	vor.u32 s28, v13  }
0x56c: {  	v7 =	vld.idx.msk [tilespmem:v7+s19+$0x0], $0xffff  }
0x56d: {  	v8 =	vor.u32 s28, v15  }
0x56e: {  	v5 =	vld.idx.msk [tilespmem:v5+s19+$0x0], $0xffff  }
0x56f: {  	v9 =	vor.u32 s28, v17  }
0x570: {  	v6 =	vld.idx.msk [tilespmem:v6+s19+$0x0], $0xffff  }
0x571: {  	v18 =	vor.u32 s28, v20;
	v4 =	vmul.f32 v4, v57;
	v7 =	vmul.f32 v7, v58  }
0x572: {  	v8 =	vld.idx.msk [tilespmem:v8+s19+$0x0], $0xffff  }
0x573: {  	v4 =	vadd.f32 v7, v4;
	v5 =	vmul.f32 v5, v59;
	v7 =	vor.u32 s28, v22  }
0x574: {  	v9 =	vld.idx.msk [tilespmem:v9+s19+$0x0], $0xffff  }
0x575: {  	v4 =	vadd.f32 v5, v4;
	v5 =	vmul.f32 v6, v60  }
0x576: {  	v6 =	vld.idx.msk [tilespmem:v18+s19+$0x0], $0xffff  }
0x577: {  	v4 =	vadd.f32 v5, v4;
	v5 =	vmul.f32 v8, v61  }
0x578: {  	v7 =	vld.idx.msk [tilespmem:v7+s19+$0x0], $0xffff  }
0x579: {  	v4 =	vadd.f32 v5, v4;
	v5 =	vmul.f32 v9, v62;
	_ =	sdelay $0x1  }
0x57a: {  	v4 =	vadd.f32 v5, v4;
	v5 =	vmul.f32 v6, v63  }
0x57b: {  	s30 =	sadd.s32 $0xFFFFFF80, s4  }
0x57c: {  	v6 =	vor.u32 s30, v1;
	v4 =	vadd.f32 v5, v4;
	v5 =	vmul.f32 v7, v0  }
0x57d: {  	v7 =	vor.u32 s30, v2  }
0x57e: {  	v4 =	vadd.f32 v5, v4  }
0x57f: {  	v5 =	vor.u32 s30, v3  }
0x580: {  	[tilespmem:$0x13900] =	vst v4  }
0x581: {  	v4 =	vld.idx.msk [tilespmem:v6+s19+$0x0], $0xffff;
	v6 =	vor.u32 s30, v13  }
0x582: {  	v7 =	vld.idx.msk [tilespmem:v7+s19+$0x0], $0xffff  }
0x583: {  	v8 =	vor.u32 s30, v15  }
0x584: {  	v5 =	vld.idx.msk [tilespmem:v5+s19+$0x0], $0xffff  }
0x585: {  	v9 =	vor.u32 s30, v17  }
0x586: {  	v6 =	vld.idx.msk [tilespmem:v6+s19+$0x0], $0xffff  }
0x587: {  	v18 =	vor.u32 s30, v20;
	v4 =	vmul.f32 v4, v57;
	v7 =	vmul.f32 v7, v58  }
0x588: {  	v8 =	vld.idx.msk [tilespmem:v8+s19+$0x0], $0xffff  }
0x589: {  	v4 =	vadd.f32 v7, v4;
	v5 =	vmul.f32 v5, v59;
	v7 =	vor.u32 s30, v22  }
0x58a: {  	v9 =	vld.idx.msk [tilespmem:v9+s19+$0x0], $0xffff  }
0x58b: {  	v4 =	vadd.f32 v5, v4;
	v5 =	vmul.f32 v6, v60  }
0x58c: {  	v6 =	vld.idx.msk [tilespmem:v18+s19+$0x0], $0xffff  }
0x58d: {  	v4 =	vadd.f32 v5, v4;
	v5 =	vmul.f32 v8, v61  }
0x58e: {  	v7 =	vld.idx.msk [tilespmem:v7+s19+$0x0], $0xffff  }
0x58f: {  	v4 =	vadd.f32 v5, v4;
	v5 =	vmul.f32 v9, v62;
	_ =	sdelay $0x1  }
0x590: {  	v4 =	vadd.f32 v5, v4;
	v5 =	vmul.f32 v6, v63;
	_ =	sdelay $0x1  }
0x591: {  	v6 =	vor.u32 s4, v1;
	v4 =	vadd.f32 v5, v4;
	v5 =	vmul.f32 v7, v0  }
0x592: {  	v7 =	vor.u32 s4, v2  }
0x593: {  	v4 =	vadd.f32 v5, v4  }
0x594: {  	v5 =	vor.u32 s4, v3  }
0x595: {  	[tilespmem:$0x13980] =	vst v4  }
0x596: {  	v4 =	vld.idx.msk [tilespmem:v6+s19+$0x0], $0xffff;
	v6 =	vor.u32 s4, v13  }
0x597: {  	v7 =	vld.idx.msk [tilespmem:v7+s19+$0x0], $0xffff  }
0x598: {  	v8 =	vor.u32 s4, v15  }
0x599: {  	v5 =	vld.idx.msk [tilespmem:v5+s19+$0x0], $0xffff  }
0x59a: {  	v9 =	vor.u32 s4, v17  }
0x59b: {  	v6 =	vld.idx.msk [tilespmem:v6+s19+$0x0], $0xffff  }
0x59c: {  	v18 =	vor.u32 s4, v20;
	v4 =	vmul.f32 v4, v57;
	v7 =	vmul.f32 v7, v58  }
0x59d: {  	v8 =	vld.idx.msk [tilespmem:v8+s19+$0x0], $0xffff  }
0x59e: {  	v4 =	vadd.f32 v7, v4;
	v5 =	vmul.f32 v5, v59;
	v7 =	vor.u32 s4, v22  }
0x59f: {  	v9 =	vld.idx.msk [tilespmem:v9+s19+$0x0], $0xffff  }
0x5a0: {  	v4 =	vadd.f32 v5, v4;
	v5 =	vmul.f32 v6, v60  }
0x5a1: {  	v6 =	vld.idx.msk [tilespmem:v18+s19+$0x0], $0xffff  }
0x5a2: {  	v4 =	vadd.f32 v5, v4;
	v5 =	vmul.f32 v8, v61  }
0x5a3: {  	v7 =	vld.idx.msk [tilespmem:v7+s19+$0x0], $0xffff  }
0x5a4: {  	v4 =	vadd.f32 v5, v4;
	v5 =	vmul.f32 v9, v62;
	_ =	sdelay $0x1  }
0x5a5: {  	v4 =	vadd.f32 v5, v4;
	v5 =	vmul.f32 v6, v63;
	_ =	sdelay $0x1  }
0x5a6: {  	v0 =	vmul.f32 v7, v0;
	v4 =	vadd.f32 v5, v4;
	_ =	sdelay $0x1  }
0x5a7: {  	v0 =	vadd.f32 v0, v4;
	_ =	sdelay $0x1  }
0x5a8: {  	[tilespmem:$0x13A00] =	vst v0  }
0x5a9: {  	v0 =	vld.idx.msk [tilespmem:v29+s15+$0x0], $0xffff  }
0x5aa: {  	v4 =	vld.idx.msk [tilespmem:v30+s15+$0x0], $0xffff;
	_ =	sdelay $0x1  }
0x5ab: {  	v5 =	vld.idx.msk [tilespmem:v31+s15+$0x0], $0xffff;
	_ =	sdelay $0x1  }
0x5ac: {  	v6 =	vld.idx.msk [tilespmem:v32+s15+$0x0], $0xffff  }
0x5ad: {  	v0 =	vadd.f32 v4, v0  }
0x5ae: {  	v4 =	vld.idx.msk [tilespmem:v33+s15+$0x0], $0xffff  }
0x5af: {  	v0 =	vadd.f32 v5, v0  }
0x5b0: {  	v5 =	vld.idx.msk [tilespmem:v34+s15+$0x0], $0xffff  }
0x5b1: {  	v0 =	vadd.f32 v6, v0  }
0x5b2: {  	v6 =	vld.idx.msk [tilespmem:v35+s15+$0x0], $0xffff  }
0x5b3: {  	v0 =	vadd.f32 v4, v0  }
0x5b4: {  	v4 =	vld.idx.msk [tilespmem:v36+s15+$0x0], $0xffff  }
0x5b5: {  	v0 =	vadd.f32 v5, v0  }
0x5b6: {  	v5 =	vld.idx.msk [tilespmem:v37+s15+$0x0], $0xffff  }
0x5b7: {  	v0 =	vadd.f32 v6, v0  }
0x5b8: {  	v6 =	vld.idx.msk [tilespmem:v38+s15+$0x0], $0xffff  }
0x5b9: {  	v0 =	vadd.f32 v4, v0  }
0x5ba: {  	v4 =	vld.idx.msk [tilespmem:v39+s15+$0x0], $0xffff  }
0x5bb: {  	v0 =	vadd.f32 v5, v0  }
0x5bc: {  	v5 =	vld.idx.msk [tilespmem:v40+s15+$0x0], $0xffff  }
0x5bd: {  	v0 =	vadd.f32 v6, v0  }
0x5be: {  	v6 =	vld.idx.msk [tilespmem:v43+s15+$0x0], $0xffff  }
0x5bf: {  	v0 =	vadd.f32 v4, v0  }
0x5c0: {  	v4 =	vld.idx.msk [tilespmem:v27+s15+$0x0], $0xffff  }
0x5c1: {  	v0 =	vadd.f32 v5, v0  }
0x5c2: {  	v5 =	vld.idx.msk [tilespmem:v28+s15+$0x0], $0xffff  }
0x5c3: {  	v0 =	vadd.f32 v6, v0  }
0x5c4: {  	v6 =	vld.idx.msk [tilespmem:v26+s15+$0x0], $0xffff  }
0x5c5: {  	v0 =	vadd.f32 v4, v0;
	_ =	sdelay $0x1  }
0x5c6: {  	v0 =	vadd.f32 v5, v0;
	_ =	sdelay $0x1  }
0x5c7: {  	v0 =	vadd.f32 v6, v0;
	_ =	sdelay $0x1  }
0x5c8: {  	[tilespmem:v56+s5+$0x0] =	vst.idx.msk $0xffff, v0;
	v0 =	vld [tilespmem:$0x1FEB0];
	_ =	sdelay $0x6  }
0x5c9: {  	v4 =	vld.idx.msk [tilespmem:v44+s15+$0x0], $0xffff  }
0x5ca: {  	v0 =	vld.idx.msk [tilespmem:v0+s15+$0x0], $0xffff;
	_ =	sdelay $0x1  }
0x5cb: {  	v5 =	vld.idx.msk [tilespmem:v45+s15+$0x0], $0xffff;
	_ =	sdelay $0x1  }
0x5cc: {  	v6 =	vld.idx.msk [tilespmem:v46+s15+$0x0], $0xffff  }
0x5cd: {  	v0 =	vadd.f32 v4, v0  }
0x5ce: {  	v4 =	vld.idx.msk [tilespmem:v47+s15+$0x0], $0xffff  }
0x5cf: {  	v0 =	vadd.f32 v5, v0  }
0x5d0: {  	v5 =	vld.idx.msk [tilespmem:v48+s15+$0x0], $0xffff  }
0x5d1: {  	v0 =	vadd.f32 v6, v0  }
0x5d2: {  	v6 =	vld.idx.msk [tilespmem:v49+s15+$0x0], $0xffff  }
0x5d3: {  	v0 =	vadd.f32 v4, v0  }
0x5d4: {  	v4 =	vld.idx.msk [tilespmem:v50+s15+$0x0], $0xffff  }
0x5d5: {  	v0 =	vadd.f32 v5, v0  }
0x5d6: {  	v5 =	vld.idx.msk [tilespmem:v51+s15+$0x0], $0xffff  }
0x5d7: {  	v0 =	vadd.f32 v6, v0  }
0x5d8: {  	v6 =	vld.idx.msk [tilespmem:v52+s15+$0x0], $0xffff  }
0x5d9: {  	v0 =	vadd.f32 v4, v0  }
0x5da: {  	v4 =	vld.idx.msk [tilespmem:v53+s15+$0x0], $0xffff  }
0x5db: {  	v0 =	vadd.f32 v5, v0  }
0x5dc: {  	v5 =	vld.idx.msk [tilespmem:v54+s15+$0x0], $0xffff  }
0x5dd: {  	v0 =	vadd.f32 v6, v0  }
0x5de: {  	v6 =	vld.idx.msk [tilespmem:v42+s15+$0x0], $0xffff  }
0x5df: {  	v0 =	vadd.f32 v4, v0;
	v4 =	vld [tilespmem:$0x1FFF0];
	_ =	sdelay $0x1  }
0x5e0: {  	v0 =	vadd.f32 v5, v0;
	v5 =	vld [tilespmem:$0x1FEC0];
	_ =	sdelay $0x1  }
0x5e1: {  	v0 =	vadd.f32 v6, v0;
	v6 =	vld [tilespmem:$0x1FED0];
	_ =	sdelay $0x3  }
0x5e2: {  	v4 =	vld.idx.msk [tilespmem:v4+s15+$0x0], $0xffff;
	_ =	sdelay $0x1  }
0x5e3: {  	v5 =	vld.idx.msk [tilespmem:v5+s15+$0x0], $0xffff;
	_ =	sdelay $0x1  }
0x5e4: {  	v6 =	vld.idx.msk [tilespmem:v6+s15+$0x0], $0xffff  }
0x5e5: {  	v0 =	vadd.f32 v4, v0  }
0x5e6: {  	p0 =	sne.s32 s7, $0x4F  }
.Ltmp5:
0x5e7: {  	v0 =	vadd.f32 v5, v0;
	(pc) =	sbr.rel @p0 .LBB2_13-.Ltmp5, $3  }
0x5e8: {  	_ = 	snop  }
0x5e9: {  	v0 =	vadd.f32 v6, v0;
	_ =	sdelay $0x1  }
0x5ea: {  	s2 =	sadd.s32 $0x1, s2;
	s7 =	sadd.s32 $0x14, s7;
	v7 =	vmov v43;
	[tilespmem:v55+s5+$0x0] =	vst.idx.msk $0xffff, v0  }
0x5eb: {  	s2 =	sshll.u32 s25, $0x7;
	s25 =	sadd.s32 $0x1, s25  }
0x5ec: {  	s4 =	rddreg [dreg:$0xd];
	p0 =	sne.s32 s25, $0x40  }
.Ltmp6:
0x5ed: {  	s30 =	simm.s32 $0x0;
	s2 =	sadd.s32 s4, s2;
	(pc) =	sbr.rel @p0 .LBB2_2-.Ltmp6, $4  }
0x5ee: {  	[hbm4b:s2+s30] =	stream.linear.scatter [tilespmem:s5], [sflag:$0x7], $0x200, $0x38;
	[tilespmem:$0x14080] =	vst v63  }
0x5ef: {  	_ =	swait.ge [sflag:s14], $0x200  }
0x5f0: {  	[sflag:s14] =	ssyncset.done $0x0  }
0x5f1: {  	v43 =	vld [tilespmem:$0x1FFF0];
	[sflag:s14] =	ssyncadd.s32 $0xFFFFFE00  }
0x5f2: {  	_ =	swait.ge [sflag:s9], $0x1900  }
0x5f3: {  	[sflag:s9] =	ssyncset.done $0x0  }
0x5f4: {  	[sflag:s9] =	ssyncadd.s32 $0xFFFFE700  }
0x5f5: {  	_ =	swait.ge [sflag:s10], $0xA00  }
0x5f6: {  	[sflag:s10] =	ssyncset.done $0x0  }
0x5f7: {  	[sflag:s10] =	ssyncadd.s32 $0xFFFFF600  }
0x5f8: {  	_ =	swait.ge [sflag:s9], $0x1900  }
0x5f9: {  	[sflag:s9] =	ssyncset.done $0x0  }
0x5fa: {  	[sflag:s9] =	ssyncadd.s32 $0xFFFFE700  }
0x5fb: {  	_ =	swait.ge [sflag:s10], $0xA00  }
0x5fc: {  	[sflag:s10] =	ssyncset.done $0x0  }
0x5fd: {  	[sflag:s10] =	ssyncadd.s32 $0xFFFFF600  }
0x5fe: {  	_ =	swait.ge [sflag:s9], $0x1900  }
0x5ff: {  	[sflag:s9] =	ssyncset.done $0x0  }
0x600: {  	[sflag:s9] =	ssyncadd.s32 $0xFFFFE700  }
0x601: {  	_ =	swait.ge [sflag:s10], $0xA00  }
0x602: {  	[sflag:s10] =	ssyncset.done $0x0  }
0x603: {  	[sflag:s10] =	ssyncadd.s32 $0xFFFFF600  }
0x604: {  	_ =	swait.ge [sflag:s9], $0x1900  }
0x605: {  	[sflag:s9] =	ssyncset.done $0x0  }
0x606: {  	[sflag:s9] =	ssyncadd.s32 $0xFFFFE700  }
0x607: {  	_ =	swait.ge [sflag:s10], $0xA00  }
0x608: {  	[sflag:s10] =	ssyncset.done $0x0  }
0x609: {  	s4 =	simm.s32 $0x6;
	[sflag:s10] =	ssyncadd.s32 $0xFFFFF600  }
0x60a: {  	_ =	swait.ge [sflag:s4], $0x200  }
0x60b: {  	[sflag:s4] =	ssyncset.done $0x0  }
0x60c: {  	[sflag:s4] =	ssyncadd.s32 $0xFFFFFE00  }
0x60d: {  	_ =	swait.ge [sflag:s4], $0x200  }
0x60e: {  	s6 =	rddreg [dreg:$0xe]  }
0x60f: {  	s2 =	rddreg [dreg:$0xc];
	s6 =	sadd.s32 $0x1, s6  }
0x610: {  	p0 =	sne.s32 s6, s2  }
.Ltmp7:
0x611: {  	_ = 	snop;
	(pc) =	sbr.rel @p0 .LBB2_1-.Ltmp7, $3  }
0x612: {  	_ =	sdelay $0x1  }
0x613: {  	[sflag:s4] =	ssyncset.done $0x0  }
0x614: {  	[sflag:s4] =	ssyncadd.s32 $0xFFFFFE00  }
0x615: {  	_ =	sfence.sel $0x180000  }
0x616: {  	[bflag:$0x0] =	sbarrier.arrive $0xFFFF  }
0x617: {  	_ =	strace $0x90000047  }
0x618: {  	s0 =	stileid.u32;
	[bflag:$0x2] =	sbarrier.arrive $0xFFFF  }
0x619: {  	p0 =	sne.s32 s0, $0x0;
	s0 =	rddreg [dreg:$0x3]  }
0x61a: {  	s0 =	sadd.s32 @!p0 $0x100000, s0  }
0x61b: {  	[sflag:s0] =	ssyncadd.tile.s32 @!p0 $0x1;
	_ =	shalt  }
.Lfunc_end2:
_tile_overlayer_lowered:
.L_overlay_start_2:
0x61c: {  	(tag) =	ssettag $0x2  }
0x61d: {  	s0 =	rddreg [dreg:$0x0];
	s2 =	stileid.u32  }
0x61e: {  	s1 =	rddreg [dreg:$0x1];
	p0 =	sne.s32 s2, $0x0  }
0x61f: {  	s3 =	rddreg [dreg:$0x2];
	[bflag:$0x3] =	sbarrier.arrive $0xFFFF;
	s2 =	simm.s32 @!p0 $0x1C07  }
0x620: {  	[timem:s3], [sflag:s2] =	dma.local @!p0 [hbm:s0], s1  }
0x621: {  	s0 =	simm.s32 @!p0 $0x7  }
0x622: {  	_ =	swait.ge @!p0 [sflag:s0], s1  }
0x623: {  	s1 =	ssub.s32 @!p0 $0x0, s1;
	[sflag:s0] =	ssyncset.done @!p0 $0x0  }
0x624: {  	[sflag:s0] =	ssyncadd.s32 @!p0 s1  }
0x625: {  	[bflag:$0x3] =	sbarrier.arrive $0xFFFF  }
0x626: {  	_ =	shalt  }

</sc_bundles>
